<compile_context>
chip_gen: v7x
topology: tpu7x:2x2x1
jax: 0.10.2.dev20260603
libtpu: 0.0.44.dev20260713+nightly
codegen_flags: <defaults>
</compile_context>

<pallas_src>
import functools

import jax
import jax.numpy as jnp
from jax import lax
from jax.experimental import pallas as pl
from jax.experimental.pallas import tpu as pltpu
from jax.experimental.pallas import tpu_sc as plsc

VOCAB = 1000
DIM = 128
B = 16384
NEG = 50
VP = 1024
CB = VP // DIM
VH = 504
G = NEG + 1
NC, NS = 2, 16
NW = NC * NS
SPW = B // NW
CPG = SPW // 128
NCHUNK = G * CPG
MID = 104
SFLAT = CB * VH * DIM
CWSTR = VH * DIM - DIM
SSLICE = SFLAT // NS
HI16 = -65536


def _matmul_body(e_ref, w_ref, s_ref):
    e = e_ref[...]
    ee = e[:VH, :]
    eo = e[VH:, :]
    a = lax.dot_general(ee, w_ref[...], (((1,), (1,)), ((), ())),
                        preferred_element_type=jnp.float32)
    b = lax.dot_general(eo, w_ref[...], (((1,), (1,)), ((), ())),
                        preferred_element_type=jnp.float32)
    a16 = lax.bitcast_convert_type(a.astype(jnp.bfloat16), jnp.uint16)
    b16 = lax.bitcast_convert_type(b.astype(jnp.bfloat16), jnp.uint16)
    word = a16.astype(jnp.uint32) | (b16.astype(jnp.uint32) << 16)
    s_ref[...] = word.astype(jnp.int32).reshape(VH * DIM)


def _scores(emb_pad, w_pad):
    return pl.pallas_call(
        _matmul_body,
        grid=(CB,),
        in_specs=[
            pl.BlockSpec((2 * VH, DIM), lambda cb: (0, 0)),
            pl.BlockSpec((DIM, DIM), lambda cb: (cb, 0)),
        ],
        out_specs=pl.BlockSpec((VH * DIM,), lambda cb: (cb,)),
        out_shape=jax.ShapeDtypeStruct((SFLAT,), jnp.int32),
    )(emb_pad, w_pad)


def _sc_gather_body(s_hbm, x_hbm, t_hbm, neg_hbm, out_hbm, xs_v, shv_v,
                    negv_v, idx_v, wv_v, s_shared, sem_a, sem_b, sem_s, sem_w):
    cid = lax.axis_index("c")
    sid = lax.axis_index("s")
    wid = sid * NC + cid
    base = wid * SPW

    stage = pltpu.make_async_copy(
        s_hbm.at[pl.ds(sid * SSLICE, SSLICE)],
        s_shared.at[pl.ds(sid * SSLICE, SSLICE)],
        sem_s,
    )
    stage.start()

    pltpu.sync_copy(x_hbm.at[pl.ds(base, SPW)], xs_v)
    for i in range(SPW // 16):
        xv = xs_v[pl.ds(i * 16, 16)]
        hi = jnp.where(xv >= VH, 1, 0)
        shv_v[pl.ds(i * 16, 16)] = hi << 4
        xs_v[pl.ds(i * 16, 16)] = (xv - hi * VH) * 128

    pltpu.sync_copy(t_hbm.at[pl.ds(base, SPW)], negv_v.at[pl.ds(0, SPW)])
    for i in range(SPW // 16):
        c = negv_v[pl.ds(i * 16, 16)]
        idx_v[pl.ds(i * 16, 16)] = (
            xs_v[pl.ds(i * 16, 16)] + c + (c >> 7) * CWSTR
        )

    pltpu.sync_copy(neg_hbm.at[pl.ds(base * NEG, SPW * NEG)], negv_v)
    iota_neg = lax.iota(jnp.int32, 16) * NEG

    def build(cc):
        j = cc // CPG - 1
        k = cc % CPG
        for u in range(8):
            s0 = k * 128 + u * 16
            gidx = iota_neg + (s0 * NEG + j)
            c = plsc.load_gather(negv_v, [gidx])
            idx_v[pl.ds(cc * 128 + u * 16, 16)] = (
                xs_v[pl.ds(s0, 16)] + c + (c >> 7) * CWSTR
            )

    def unpack(cc):
        k = cc % CPG
        for u in range(8):
            q = cc * 128 + u * 16
            w = wv_v[pl.ds(q, 16)]
            sh = shv_v[pl.ds(k * 128 + u * 16, 16)]
            wv_v[pl.ds(q, 16)] = (w >> sh) << 16

    plsc.parallel_loop(CPG, MID)(build)
    stage.wait()
    plsc.subcore_barrier()
    ga = pltpu.make_async_copy(
        s_shared.at[idx_v.at[pl.ds(0, MID * 128)]],
        wv_v.at[pl.ds(0, MID * 128)], sem_a)
    ga.start()
    plsc.parallel_loop(MID, NCHUNK)(build)
    gb = pltpu.make_async_copy(
        s_shared.at[idx_v.at[pl.ds(MID * 128, (NCHUNK - MID) * 128)]],
        wv_v.at[pl.ds(MID * 128, (NCHUNK - MID) * 128)], sem_b)
    gb.start()
    ga.wait()
    plsc.parallel_loop(0, MID)(unpack)

    po = pl.multiple_of(wid * SPW, SPW)
    w1 = pltpu.make_async_copy(wv_v.at[pl.ds(0, SPW)],
                               out_hbm.at[pl.ds(po, SPW)], sem_w)
    w1.start()
    n1 = pl.multiple_of(B + wid * (SPW * NEG), SPW)
    w2 = pltpu.make_async_copy(
        wv_v.at[pl.ds(SPW, (MID - CPG) * 128)],
        out_hbm.at[pl.ds(n1, (MID - CPG) * 128)], sem_w)
    w2.start()
    gb.wait()
    plsc.parallel_loop(MID, NCHUNK)(unpack)
    n2 = pl.multiple_of(B + wid * (SPW * NEG) + (MID - CPG) * 128, SPW)
    w3 = pltpu.make_async_copy(
        wv_v.at[pl.ds(MID * 128, (NCHUNK - MID) * 128)],
        out_hbm.at[pl.ds(n2, (NCHUNK - MID) * 128)], sem_w)
    w3.start()
    w1.wait()
    w2.wait()
    w3.wait()


@functools.cache
def _sc_gather():
    return pl.kernel(
        _sc_gather_body,
        out_type=jax.ShapeDtypeStruct((B * G,), jnp.int32),
        mesh=plsc.VectorSubcoreMesh(core_axis_name="c", subcore_axis_name="s"),
        compiler_params=pltpu.CompilerParams(needs_layout_passes=False),
        scratch_types=[
            pltpu.VMEM((SPW,), jnp.int32),
            pltpu.VMEM((SPW,), jnp.int32),
            pltpu.VMEM((SPW * NEG,), jnp.int32),
            pltpu.VMEM((NCHUNK * 128,), jnp.int32),
            pltpu.VMEM((NCHUNK * 128,), jnp.int32),
            pltpu.VMEM_SHARED((SFLAT,), jnp.int32),
            pltpu.SemaphoreType.DMA,
            pltpu.SemaphoreType.DMA,
            pltpu.SemaphoreType.DMA,
            pltpu.SemaphoreType.DMA,
        ],
    )


def _loss_body(v_ref, o_ref):
    bits = v_ref[...].reshape(B * G // 128, 128)
    v = lax.bitcast_convert_type(bits, jnp.float32)
    r = lax.broadcasted_iota(jnp.int32, v.shape, 0)
    is_pos = r < B // 128
    z = jnp.where(is_pos, -v, v)
    sp = jnp.maximum(z, 0.0) + jnp.log1p(jnp.exp(-jnp.abs(z)))
    o_ref[0, 0] = jnp.sum(sp) * (1.0 / B)


def _loss(vals):
    out = pl.pallas_call(
        _loss_body,
        out_shape=jax.ShapeDtypeStruct((1, 1), jnp.float32),
        out_specs=pl.BlockSpec(memory_space=pltpu.SMEM),
    )(vals)
    return out[0, 0]


def kernel(x, targets, negatives, embeddings, out_weight):
    x = x.astype(jnp.int32)
    targets = targets.astype(jnp.int32)
    negatives = negatives.astype(jnp.int32)
    w_pad = jnp.zeros((VP, DIM), jnp.float32).at[:VOCAB].set(out_weight)
    emb_pad = jnp.zeros((2 * VH, DIM), jnp.float32).at[:VOCAB].set(embeddings)

    s = _scores(emb_pad, w_pad)
    vals = _sc_gather()(s, x, targets, negatives.reshape(B * NEG))
    return _loss(vals)

# --- scband reference (transcript-rebuilt; emitter-appended) ---
"""Pipeline reference for scband-skip-gram-14714557956216 (READ-ONLY COPY).

The authoritative reference and input builder live on the scoring server;
editing this copy changes nothing except your own understanding.
"""

import jax, jax.numpy as jnp
import numpy as np

VOCAB = 1000
DIM = 128
B = 16384
NEG = 50

def setup_inputs(seed: int = 0) -> dict:
    key = jax.random.key(seed)
    k1, k2, k3, k4, k5 = jax.random.split(key, 5)
    x = jax.random.randint(k1, (B,), 0, VOCAB, dtype=jnp.int64 if jax.config.jax_enable_x64 else jnp.int32)
    targets = jax.random.randint(k2, (B,), 0, VOCAB, dtype=jnp.int64 if jax.config.jax_enable_x64 else jnp.int32)
    negatives = jax.random.randint(k3, (B, NEG), 0, VOCAB, dtype=jnp.int64 if jax.config.jax_enable_x64 else jnp.int32)
    embeddings = jax.random.normal(k4, (VOCAB, DIM), dtype=jnp.float32) * 0.05
    out_weight = jax.random.normal(k5, (VOCAB, DIM), dtype=jnp.float32) * 0.05
    return {"x": x, "targets": targets, "negatives": negatives, "embeddings": embeddings, "out_weight": out_weight}

def reference(x, targets, negatives, embeddings, out_weight):
    # emb = self.embeddings(x)
    emb = jnp.take(embeddings, x, axis=0)                                  # [B, D]
    # pos_loss = log(sigmoid(sum(emb * W[targets], dim=1)))
    w_pos = jnp.take(out_weight, targets, axis=0)                          # [B, D]
    pos_loss = jnp.log(jax.nn.sigmoid(jnp.sum(emb * w_pos, axis=1)))       # [B]
    # neg_loss = log(sigmoid(-sum(emb[:,None,:] * W[negatives], dim=2)))
    w_neg = jnp.take(out_weight, negatives, axis=0)                        # [B, NEG, D]
    neg_loss = jnp.log(jax.nn.sigmoid(-jnp.sum(emb[:, None, :] * w_neg, axis=2)))  # [B, NEG]
    return -jnp.mean(pos_loss + jnp.sum(neg_loss, axis=1))

if __name__ == "__main__":
    import jax
    _d = setup_inputs()
    print(jax.jit(kernel)(*tuple(_d.values())))

</pallas_src>

<mosaic_0001>
#map = affine_map<(d0, d1) -> (0)>
module attributes {stable_mosaic.version = 14 : i64} {
  func.func @_sc_gather_body(%arg0: i32, %arg1: i32, %arg2: memref<516096xi32, #tpu.memory_space<hbm>>, %arg3: memref<16384xi32, #tpu.memory_space<hbm>>, %arg4: memref<16384xi32, #tpu.memory_space<hbm>>, %arg5: memref<819200xi32, #tpu.memory_space<hbm>>, %arg6: memref<835584xi32, #tpu.memory_space<hbm>>, %arg7: memref<512xi32, #tpu.memory_space<vmem>>, %arg8: memref<512xi32, #tpu.memory_space<vmem>>, %arg9: memref<25600xi32, #tpu.memory_space<vmem>>, %arg10: memref<26112xi32, #tpu.memory_space<vmem>>, %arg11: memref<26112xi32, #tpu.memory_space<vmem>>, %arg12: memref<516096xi32, #tpu.memory_space<vmem_shared>>, %arg13: memref<!tpu.dma_semaphore, #tpu.memory_space<semaphore_mem>>, %arg14: memref<!tpu.dma_semaphore, #tpu.memory_space<semaphore_mem>>, %arg15: memref<!tpu.dma_semaphore, #tpu.memory_space<semaphore_mem>>, %arg16: memref<!tpu.dma_semaphore, #tpu.memory_space<semaphore_mem>>) attributes {dimension_semantics = [#tpu.dimension_semantics<core_parallel>, #tpu.dimension_semantics<subcore_parallel>], iteration_bounds = array<i64: 2, 16>, scalar_prefetch = 0 : i64, scratch_operands = 10 : i64, tpu.core_type = #tpu.core_type<sc_vector_subcore>, window_params = [{transform_indices = #map}, {transform_indices = #map}, {transform_indices = #map}, {transform_indices = #map}, {transform_indices = #map}]} {
    %mul3A = arith.constant 2 : i32
    %mul3A_0 = arith.muli %arg1, %mul3A : i32
    %add3A = arith.addi %mul3A_0, %arg0 : i32
    %mul3A_1 = arith.constant 512 : i32
    %mul3A_2 = arith.muli %add3A, %mul3A_1 : i32
    %mul3A_3 = arith.constant 32256 : i32
    %mul3A_4 = arith.muli %arg1, %mul3A_3 : i32
    %mul3A_5 = arith.constant 32256 : i32
    %mul3A_6 = arith.muli %arg1, %mul3A_5 : i32
    %dma_start3A = tpu.memref_slice %arg12[%mul3A_6] : memref<516096xi32, #tpu.memory_space<vmem_shared>> -> memref<32256xi32, #tpu.memory_space<vmem_shared>>
    %dma_start3A_7 = tpu.memref_slice %arg2[%mul3A_4] : memref<516096xi32, #tpu.memory_space<hbm>> -> memref<32256xi32, #tpu.memory_space<hbm>>
    tpu.enqueue_dma source(%dma_start3A_7 : memref<32256xi32, #tpu.memory_space<hbm>>) target(%dma_start3A : memref<32256xi32, #tpu.memory_space<vmem_shared>>) target_semaphore(%arg15 : memref<!tpu.dma_semaphore, #tpu.memory_space<semaphore_mem>>)
    "tpu.region"() ({
      %run_scoped3A = tpu.sem_alloc : memref<!tpu.dma_semaphore, #tpu.memory_space<semaphore_mem>>
      %dma_start3A_1306 = tpu.memref_slice %arg3[%mul3A_2] : memref<16384xi32, #tpu.memory_space<hbm>> -> memref<512xi32, #tpu.memory_space<hbm>>
      %dma_start3A_1307 = tpu.memref_slice %arg3[%mul3A_2] : memref<16384xi32, #tpu.memory_space<hbm>> -> memref<512xi32, #tpu.memory_space<hbm>>
      tpu.enqueue_dma source(%dma_start3A_1307 : memref<512xi32, #tpu.memory_space<hbm>>) target(%arg7 : memref<512xi32, #tpu.memory_space<vmem>>) target_semaphore(%run_scoped3A : memref<!tpu.dma_semaphore, #tpu.memory_space<semaphore_mem>>)
      %dma_wait3A_1308 = tpu.memref_slice %arg3[%mul3A_2] : memref<16384xi32, #tpu.memory_space<hbm>> -> memref<512xi32, #tpu.memory_space<hbm>>
      %dma_wait3A_1309 = tpu.memref_slice %arg3[%mul3A_2] : memref<16384xi32, #tpu.memory_space<hbm>> -> memref<512xi32, #tpu.memory_space<hbm>>
      tpu.wait_dma2 semaphore(%run_scoped3A : memref<!tpu.dma_semaphore, #tpu.memory_space<semaphore_mem>>) src(%dma_wait3A_1309 : memref<512xi32, #tpu.memory_space<hbm>>) dst(%arg7 : memref<512xi32, #tpu.memory_space<vmem>>)
      tpu.yield
    }) : () -> ()
    %get3A = arith.constant 0 : index
    %get3A_8 = tpu.vector_load %arg7[%get3A] {strides = array<i32>} : memref<512xi32, #tpu.memory_space<vmem>>, vector<16xi32>,
    %ge3A = arith.constant 504 : i32
    %ge3A_9 = vector.broadcast %ge3A : i32 to vector<16xi32>
    %ge3A_10 = arith.cmpi sge, %get3A_8, %ge3A_9 : vector<16xi32>
    %jit3A = arith.constant 1 : i32
    %jit3A_11 = arith.constant 0 : i32
    %broadcast_in_dim3A = vector.broadcast %jit3A : i32 to vector<16xi32>
    %broadcast_in_dim3A_12 = vector.broadcast %jit3A_11 : i32 to vector<16xi32>
    %select_n3A = arith.select %ge3A_10, %broadcast_in_dim3A, %broadcast_in_dim3A_12 : vector<16xi1>, vector<16xi32>
    %shift_left3A = arith.constant 4 : i32
    %shift_left3A_13 = vector.broadcast %shift_left3A : i32 to vector<16xi32>
    %shift_left3A_14 = arith.shli %select_n3A, %shift_left3A_13 : vector<16xi32>
    %swap3A = arith.constant 0 : index
    %swap3A_15 = tpu.vector_load %arg8[%swap3A] {strides = array<i32>} : memref<512xi32, #tpu.memory_space<vmem>>, vector<16xi32>,
    tpu.vector_store %arg8[%swap3A], %shift_left3A_14 {strides = array<i32>} : memref<512xi32, #tpu.memory_space<vmem>>, vector<16xi32>,
    %mul3A_16 = arith.constant 504 : i32
    %mul3A_17 = vector.broadcast %mul3A_16 : i32 to vector<16xi32>
    %mul3A_18 = arith.muli %select_n3A, %mul3A_17 : vector<16xi32>
    %sub3A = arith.subi %get3A_8, %mul3A_18 : vector<16xi32>
    %mul3A_19 = arith.constant 128 : i32
    %mul3A_20 = vector.broadcast %mul3A_19 : i32 to vector<16xi32>
    %mul3A_21 = arith.muli %sub3A, %mul3A_20 : vector<16xi32>
    %swap3A_22 = arith.constant 0 : index
    %swap3A_23 = tpu.vector_load %arg7[%swap3A_22] {strides = array<i32>} : memref<512xi32, #tpu.memory_space<vmem>>, vector<16xi32>,
    tpu.vector_store %arg7[%swap3A_22], %mul3A_21 {strides = array<i32>} : memref<512xi32, #tpu.memory_space<vmem>>, vector<16xi32>,
    %get3A_24 = arith.constant 16 : index
    %get3A_25 = tpu.vector_load %arg7[%get3A_24] {strides = array<i32>} : memref<512xi32, #tpu.memory_space<vmem>>, vector<16xi32>,
    %ge3A_26 = arith.constant 504 : i32
    %ge3A_27 = vector.broadcast %ge3A_26 : i32 to vector<16xi32>
    %ge3A_28 = arith.cmpi sge, %get3A_25, %ge3A_27 : vector<16xi32>
    %jit3A_29 = arith.constant 1 : i32
    %jit3A_30 = arith.constant 0 : i32
    %broadcast_in_dim3A_31 = vector.broadcast %jit3A_29 : i32 to vector<16xi32>
    %broadcast_in_dim3A_32 = vector.broadcast %jit3A_30 : i32 to vector<16xi32>
    %select_n3A_33 = arith.select %ge3A_28, %broadcast_in_dim3A_31, %broadcast_in_dim3A_32 : vector<16xi1>, vector<16xi32>
    %shift_left3A_34 = arith.constant 4 : i32
    %shift_left3A_35 = vector.broadcast %shift_left3A_34 : i32 to vector<16xi32>
    %shift_left3A_36 = arith.shli %select_n3A_33, %shift_left3A_35 : vector<16xi32>
    %swap3A_37 = arith.constant 16 : index
    %swap3A_38 = tpu.vector_load %arg8[%swap3A_37] {strides = array<i32>} : memref<512xi32, #tpu.memory_space<vmem>>, vector<16xi32>,
    tpu.vector_store %arg8[%swap3A_37], %shift_left3A_36 {strides = array<i32>} : memref<512xi32, #tpu.memory_space<vmem>>, vector<16xi32>,
    %mul3A_39 = arith.constant 504 : i32
    %mul3A_40 = vector.broadcast %mul3A_39 : i32 to vector<16xi32>
    %mul3A_41 = arith.muli %select_n3A_33, %mul3A_40 : vector<16xi32>
    %sub3A_42 = arith.subi %get3A_25, %mul3A_41 : vector<16xi32>
    %mul3A_43 = arith.constant 128 : i32
    %mul3A_44 = vector.broadcast %mul3A_43 : i32 to vector<16xi32>
    %mul3A_45 = arith.muli %sub3A_42, %mul3A_44 : vector<16xi32>
    %swap3A_46 = arith.constant 16 : index
    %swap3A_47 = tpu.vector_load %arg7[%swap3A_46] {strides = array<i32>} : memref<512xi32, #tpu.memory_space<vmem>>, vector<16xi32>,
    tpu.vector_store %arg7[%swap3A_46], %mul3A_45 {strides = array<i32>} : memref<512xi32, #tpu.memory_space<vmem>>, vector<16xi32>,
    %get3A_48 = arith.constant 32 : index
    %get3A_49 = tpu.vector_load %arg7[%get3A_48] {strides = array<i32>} : memref<512xi32, #tpu.memory_space<vmem>>, vector<16xi32>,
    %ge3A_50 = arith.constant 504 : i32
    %ge3A_51 = vector.broadcast %ge3A_50 : i32 to vector<16xi32>
    %ge3A_52 = arith.cmpi sge, %get3A_49, %ge3A_51 : vector<16xi32>
    %jit3A_53 = arith.constant 1 : i32
    %jit3A_54 = arith.constant 0 : i32
    %broadcast_in_dim3A_55 = vector.broadcast %jit3A_53 : i32 to vector<16xi32>
    %broadcast_in_dim3A_56 = vector.broadcast %jit3A_54 : i32 to vector<16xi32>
    %select_n3A_57 = arith.select %ge3A_52, %broadcast_in_dim3A_55, %broadcast_in_dim3A_56 : vector<16xi1>, vector<16xi32>
    %shift_left3A_58 = arith.constant 4 : i32
    %shift_left3A_59 = vector.broadcast %shift_left3A_58 : i32 to vector<16xi32>
    %shift_left3A_60 = arith.shli %select_n3A_57, %shift_left3A_59 : vector<16xi32>
    %swap3A_61 = arith.constant 32 : index
    %swap3A_62 = tpu.vector_load %arg8[%swap3A_61] {strides = array<i32>} : memref<512xi32, #tpu.memory_space<vmem>>, vector<16xi32>,
    tpu.vector_store %arg8[%swap3A_61], %shift_left3A_60 {strides = array<i32>} : memref<512xi32, #tpu.memory_space<vmem>>, vector<16xi32>,
    %mul3A_63 = arith.constant 504 : i32
    %mul3A_64 = vector.broadcast %mul3A_63 : i32 to vector<16xi32>
    %mul3A_65 = arith.muli %select_n3A_57, %mul3A_64 : vector<16xi32>
    %sub3A_66 = arith.subi %get3A_49, %mul3A_65 : vector<16xi32>
    %mul3A_67 = arith.constant 128 : i32
    %mul3A_68 = vector.broadcast %mul3A_67 : i32 to vector<16xi32>
    %mul3A_69 = arith.muli %sub3A_66, %mul3A_68 : vector<16xi32>
    %swap3A_70 = arith.constant 32 : index
    %swap3A_71 = tpu.vector_load %arg7[%swap3A_70] {strides = array<i32>} : memref<512xi32, #tpu.memory_space<vmem>>, vector<16xi32>,
    tpu.vector_store %arg7[%swap3A_70], %mul3A_69 {strides = array<i32>} : memref<512xi32, #tpu.memory_space<vmem>>, vector<16xi32>,
    %get3A_72 = arith.constant 48 : index
    %get3A_73 = tpu.vector_load %arg7[%get3A_72] {strides = array<i32>} : memref<512xi32, #tpu.memory_space<vmem>>, vector<16xi32>,
    %ge3A_74 = arith.constant 504 : i32
    %ge3A_75 = vector.broadcast %ge3A_74 : i32 to vector<16xi32>
    %ge3A_76 = arith.cmpi sge, %get3A_73, %ge3A_75 : vector<16xi32>
    %jit3A_77 = arith.constant 1 : i32
    %jit3A_78 = arith.constant 0 : i32
    %broadcast_in_dim3A_79 = vector.broadcast %jit3A_77 : i32 to vector<16xi32>
    %broadcast_in_dim3A_80 = vector.broadcast %jit3A_78 : i32 to vector<16xi32>
    %select_n3A_81 = arith.select %ge3A_76, %broadcast_in_dim3A_79, %broadcast_in_dim3A_80 : vector<16xi1>, vector<16xi32>
    %shift_left3A_82 = arith.constant 4 : i32
    %shift_left3A_83 = vector.broadcast %shift_left3A_82 : i32 to vector<16xi32>
    %shift_left3A_84 = arith.shli %select_n3A_81, %shift_left3A_83 : vector<16xi32>
    %swap3A_85 = arith.constant 48 : index
    %swap3A_86 = tpu.vector_load %arg8[%swap3A_85] {strides = array<i32>} : memref<512xi32, #tpu.memory_space<vmem>>, vector<16xi32>,
    tpu.vector_store %arg8[%swap3A_85], %shift_left3A_84 {strides = array<i32>} : memref<512xi32, #tpu.memory_space<vmem>>, vector<16xi32>,
    %mul3A_87 = arith.constant 504 : i32
    %mul3A_88 = vector.broadcast %mul3A_87 : i32 to vector<16xi32>
    %mul3A_89 = arith.muli %select_n3A_81, %mul3A_88 : vector<16xi32>
    %sub3A_90 = arith.subi %get3A_73, %mul3A_89 : vector<16xi32>
    %mul3A_91 = arith.constant 128 : i32
    %mul3A_92 = vector.broadcast %mul3A_91 : i32 to vector<16xi32>
    %mul3A_93 = arith.muli %sub3A_90, %mul3A_92 : vector<16xi32>
    %swap3A_94 = arith.constant 48 : index
    %swap3A_95 = tpu.vector_load %arg7[%swap3A_94] {strides = array<i32>} : memref<512xi32, #tpu.memory_space<vmem>>, vector<16xi32>,
    tpu.vector_store %arg7[%swap3A_94], %mul3A_93 {strides = array<i32>} : memref<512xi32, #tpu.memory_space<vmem>>, vector<16xi32>,
    %get3A_96 = arith.constant 64 : index
    %get3A_97 = tpu.vector_load %arg7[%get3A_96] {strides = array<i32>} : memref<512xi32, #tpu.memory_space<vmem>>, vector<16xi32>,
    %ge3A_98 = arith.constant 504 : i32
    %ge3A_99 = vector.broadcast %ge3A_98 : i32 to vector<16xi32>
    %ge3A_100 = arith.cmpi sge, %get3A_97, %ge3A_99 : vector<16xi32>
    %jit3A_101 = arith.constant 1 : i32
    %jit3A_102 = arith.constant 0 : i32
    %broadcast_in_dim3A_103 = vector.broadcast %jit3A_101 : i32 to vector<16xi32>
    %broadcast_in_dim3A_104 = vector.broadcast %jit3A_102 : i32 to vector<16xi32>
    %select_n3A_105 = arith.select %ge3A_100, %broadcast_in_dim3A_103, %broadcast_in_dim3A_104 : vector<16xi1>, vector<16xi32>
    %shift_left3A_106 = arith.constant 4 : i32
    %shift_left3A_107 = vector.broadcast %shift_left3A_106 : i32 to vector<16xi32>
    %shift_left3A_108 = arith.shli %select_n3A_105, %shift_left3A_107 : vector<16xi32>
    %swap3A_109 = arith.constant 64 : index
    %swap3A_110 = tpu.vector_load %arg8[%swap3A_109] {strides = array<i32>} : memref<512xi32, #tpu.memory_space<vmem>>, vector<16xi32>,
    tpu.vector_store %arg8[%swap3A_109], %shift_left3A_108 {strides = array<i32>} : memref<512xi32, #tpu.memory_space<vmem>>, vector<16xi32>,
    %mul3A_111 = arith.constant 504 : i32
    %mul3A_112 = vector.broadcast %mul3A_111 : i32 to vector<16xi32>
    %mul3A_113 = arith.muli %select_n3A_105, %mul3A_112 : vector<16xi32>
    %sub3A_114 = arith.subi %get3A_97, %mul3A_113 : vector<16xi32>
    %mul3A_115 = arith.constant 128 : i32
    %mul3A_116 = vector.broadcast %mul3A_115 : i32 to vector<16xi32>
    %mul3A_117 = arith.muli %sub3A_114, %mul3A_116 : vector<16xi32>
    %swap3A_118 = arith.constant 64 : index
    %swap3A_119 = tpu.vector_load %arg7[%swap3A_118] {strides = array<i32>} : memref<512xi32, #tpu.memory_space<vmem>>, vector<16xi32>,
    tpu.vector_store %arg7[%swap3A_118], %mul3A_117 {strides = array<i32>} : memref<512xi32, #tpu.memory_space<vmem>>, vector<16xi32>,
    %get3A_120 = arith.constant 80 : index
    %get3A_121 = tpu.vector_load %arg7[%get3A_120] {strides = array<i32>} : memref<512xi32, #tpu.memory_space<vmem>>, vector<16xi32>,
    %ge3A_122 = arith.constant 504 : i32
    %ge3A_123 = vector.broadcast %ge3A_122 : i32 to vector<16xi32>
    %ge3A_124 = arith.cmpi sge, %get3A_121, %ge3A_123 : vector<16xi32>
    %jit3A_125 = arith.constant 1 : i32
    %jit3A_126 = arith.constant 0 : i32
    %broadcast_in_dim3A_127 = vector.broadcast %jit3A_125 : i32 to vector<16xi32>
    %broadcast_in_dim3A_128 = vector.broadcast %jit3A_126 : i32 to vector<16xi32>
    %select_n3A_129 = arith.select %ge3A_124, %broadcast_in_dim3A_127, %broadcast_in_dim3A_128 : vector<16xi1>, vector<16xi32>
    %shift_left3A_130 = arith.constant 4 : i32
    %shift_left3A_131 = vector.broadcast %shift_left3A_130 : i32 to vector<16xi32>
    %shift_left3A_132 = arith.shli %select_n3A_129, %shift_left3A_131 : vector<16xi32>
    %swap3A_133 = arith.constant 80 : index
    %swap3A_134 = tpu.vector_load %arg8[%swap3A_133] {strides = array<i32>} : memref<512xi32, #tpu.memory_space<vmem>>, vector<16xi32>,
    tpu.vector_store %arg8[%swap3A_133], %shift_left3A_132 {strides = array<i32>} : memref<512xi32, #tpu.memory_space<vmem>>, vector<16xi32>,
    %mul3A_135 = arith.constant 504 : i32
    %mul3A_136 = vector.broadcast %mul3A_135 : i32 to vector<16xi32>
    %mul3A_137 = arith.muli %select_n3A_129, %mul3A_136 : vector<16xi32>
    %sub3A_138 = arith.subi %get3A_121, %mul3A_137 : vector<16xi32>
    %mul3A_139 = arith.constant 128 : i32
    %mul3A_140 = vector.broadcast %mul3A_139 : i32 to vector<16xi32>
    %mul3A_141 = arith.muli %sub3A_138, %mul3A_140 : vector<16xi32>
    %swap3A_142 = arith.constant 80 : index
    %swap3A_143 = tpu.vector_load %arg7[%swap3A_142] {strides = array<i32>} : memref<512xi32, #tpu.memory_space<vmem>>, vector<16xi32>,
    tpu.vector_store %arg7[%swap3A_142], %mul3A_141 {strides = array<i32>} : memref<512xi32, #tpu.memory_space<vmem>>, vector<16xi32>,
    %get3A_144 = arith.constant 96 : index
    %get3A_145 = tpu.vector_load %arg7[%get3A_144] {strides = array<i32>} : memref<512xi32, #tpu.memory_space<vmem>>, vector<16xi32>,
    %ge3A_146 = arith.constant 504 : i32
    %ge3A_147 = vector.broadcast %ge3A_146 : i32 to vector<16xi32>
    %ge3A_148 = arith.cmpi sge, %get3A_145, %ge3A_147 : vector<16xi32>
    %jit3A_149 = arith.constant 1 : i32
    %jit3A_150 = arith.constant 0 : i32
    %broadcast_in_dim3A_151 = vector.broadcast %jit3A_149 : i32 to vector<16xi32>
    %broadcast_in_dim3A_152 = vector.broadcast %jit3A_150 : i32 to vector<16xi32>
    %select_n3A_153 = arith.select %ge3A_148, %broadcast_in_dim3A_151, %broadcast_in_dim3A_152 : vector<16xi1>, vector<16xi32>
    %shift_left3A_154 = arith.constant 4 : i32
    %shift_left3A_155 = vector.broadcast %shift_left3A_154 : i32 to vector<16xi32>
    %shift_left3A_156 = arith.shli %select_n3A_153, %shift_left3A_155 : vector<16xi32>
    %swap3A_157 = arith.constant 96 : index
    %swap3A_158 = tpu.vector_load %arg8[%swap3A_157] {strides = array<i32>} : memref<512xi32, #tpu.memory_space<vmem>>, vector<16xi32>,
    tpu.vector_store %arg8[%swap3A_157], %shift_left3A_156 {strides = array<i32>} : memref<512xi32, #tpu.memory_space<vmem>>, vector<16xi32>,
    %mul3A_159 = arith.constant 504 : i32
    %mul3A_160 = vector.broadcast %mul3A_159 : i32 to vector<16xi32>
    %mul3A_161 = arith.muli %select_n3A_153, %mul3A_160 : vector<16xi32>
    %sub3A_162 = arith.subi %get3A_145, %mul3A_161 : vector<16xi32>
    %mul3A_163 = arith.constant 128 : i32
    %mul3A_164 = vector.broadcast %mul3A_163 : i32 to vector<16xi32>
    %mul3A_165 = arith.muli %sub3A_162, %mul3A_164 : vector<16xi32>
    %swap3A_166 = arith.constant 96 : index
    %swap3A_167 = tpu.vector_load %arg7[%swap3A_166] {strides = array<i32>} : memref<512xi32, #tpu.memory_space<vmem>>, vector<16xi32>,
    tpu.vector_store %arg7[%swap3A_166], %mul3A_165 {strides = array<i32>} : memref<512xi32, #tpu.memory_space<vmem>>, vector<16xi32>,
    %get3A_168 = arith.constant 112 : index
    %get3A_169 = tpu.vector_load %arg7[%get3A_168] {strides = array<i32>} : memref<512xi32, #tpu.memory_space<vmem>>, vector<16xi32>,
    %ge3A_170 = arith.constant 504 : i32
    %ge3A_171 = vector.broadcast %ge3A_170 : i32 to vector<16xi32>
    %ge3A_172 = arith.cmpi sge, %get3A_169, %ge3A_171 : vector<16xi32>
    %jit3A_173 = arith.constant 1 : i32
    %jit3A_174 = arith.constant 0 : i32
    %broadcast_in_dim3A_175 = vector.broadcast %jit3A_173 : i32 to vector<16xi32>
    %broadcast_in_dim3A_176 = vector.broadcast %jit3A_174 : i32 to vector<16xi32>
    %select_n3A_177 = arith.select %ge3A_172, %broadcast_in_dim3A_175, %broadcast_in_dim3A_176 : vector<16xi1>, vector<16xi32>
    %shift_left3A_178 = arith.constant 4 : i32
    %shift_left3A_179 = vector.broadcast %shift_left3A_178 : i32 to vector<16xi32>
    %shift_left3A_180 = arith.shli %select_n3A_177, %shift_left3A_179 : vector<16xi32>
    %swap3A_181 = arith.constant 112 : index
    %swap3A_182 = tpu.vector_load %arg8[%swap3A_181] {strides = array<i32>} : memref<512xi32, #tpu.memory_space<vmem>>, vector<16xi32>,
    tpu.vector_store %arg8[%swap3A_181], %shift_left3A_180 {strides = array<i32>} : memref<512xi32, #tpu.memory_space<vmem>>, vector<16xi32>,
    %mul3A_183 = arith.constant 504 : i32
    %mul3A_184 = vector.broadcast %mul3A_183 : i32 to vector<16xi32>
    %mul3A_185 = arith.muli %select_n3A_177, %mul3A_184 : vector<16xi32>
    %sub3A_186 = arith.subi %get3A_169, %mul3A_185 : vector<16xi32>
    %mul3A_187 = arith.constant 128 : i32
    %mul3A_188 = vector.broadcast %mul3A_187 : i32 to vector<16xi32>
    %mul3A_189 = arith.muli %sub3A_186, %mul3A_188 : vector<16xi32>
    %swap3A_190 = arith.constant 112 : index
    %swap3A_191 = tpu.vector_load %arg7[%swap3A_190] {strides = array<i32>} : memref<512xi32, #tpu.memory_space<vmem>>, vector<16xi32>,
    tpu.vector_store %arg7[%swap3A_190], %mul3A_189 {strides = array<i32>} : memref<512xi32, #tpu.memory_space<vmem>>, vector<16xi32>,
    %get3A_192 = arith.constant 128 : index
    %get3A_193 = tpu.vector_load %arg7[%get3A_192] {strides = array<i32>} : memref<512xi32, #tpu.memory_space<vmem>>, vector<16xi32>,
    %ge3A_194 = arith.constant 504 : i32
    %ge3A_195 = vector.broadcast %ge3A_194 : i32 to vector<16xi32>
    %ge3A_196 = arith.cmpi sge, %get3A_193, %ge3A_195 : vector<16xi32>
    %jit3A_197 = arith.constant 1 : i32
    %jit3A_198 = arith.constant 0 : i32
    %broadcast_in_dim3A_199 = vector.broadcast %jit3A_197 : i32 to vector<16xi32>
    %broadcast_in_dim3A_200 = vector.broadcast %jit3A_198 : i32 to vector<16xi32>
    %select_n3A_201 = arith.select %ge3A_196, %broadcast_in_dim3A_199, %broadcast_in_dim3A_200 : vector<16xi1>, vector<16xi32>
    %shift_left3A_202 = arith.constant 4 : i32
    %shift_left3A_203 = vector.broadcast %shift_left3A_202 : i32 to vector<16xi32>
    %shift_left3A_204 = arith.shli %select_n3A_201, %shift_left3A_203 : vector<16xi32>
    %swap3A_205 = arith.constant 128 : index
    %swap3A_206 = tpu.vector_load %arg8[%swap3A_205] {strides = array<i32>} : memref<512xi32, #tpu.memory_space<vmem>>, vector<16xi32>,
    tpu.vector_store %arg8[%swap3A_205], %shift_left3A_204 {strides = array<i32>} : memref<512xi32, #tpu.memory_space<vmem>>, vector<16xi32>,
    %mul3A_207 = arith.constant 504 : i32
    %mul3A_208 = vector.broadcast %mul3A_207 : i32 to vector<16xi32>
    %mul3A_209 = arith.muli %select_n3A_201, %mul3A_208 : vector<16xi32>
    %sub3A_210 = arith.subi %get3A_193, %mul3A_209 : vector<16xi32>
    %mul3A_211 = arith.constant 128 : i32
    %mul3A_212 = vector.broadcast %mul3A_211 : i32 to vector<16xi32>
    %mul3A_213 = arith.muli %sub3A_210, %mul3A_212 : vector<16xi32>
    %swap3A_214 = arith.constant 128 : index
    %swap3A_215 = tpu.vector_load %arg7[%swap3A_214] {strides = array<i32>} : memref<512xi32, #tpu.memory_space<vmem>>, vector<16xi32>,
    tpu.vector_store %arg7[%swap3A_214], %mul3A_213 {strides = array<i32>} : memref<512xi32, #tpu.memory_space<vmem>>, vector<16xi32>,
    %get3A_216 = arith.constant 144 : index
    %get3A_217 = tpu.vector_load %arg7[%get3A_216] {strides = array<i32>} : memref<512xi32, #tpu.memory_space<vmem>>, vector<16xi32>,
    %ge3A_218 = arith.constant 504 : i32
    %ge3A_219 = vector.broadcast %ge3A_218 : i32 to vector<16xi32>
    %ge3A_220 = arith.cmpi sge, %get3A_217, %ge3A_219 : vector<16xi32>
    %jit3A_221 = arith.constant 1 : i32
    %jit3A_222 = arith.constant 0 : i32
    %broadcast_in_dim3A_223 = vector.broadcast %jit3A_221 : i32 to vector<16xi32>
    %broadcast_in_dim3A_224 = vector.broadcast %jit3A_222 : i32 to vector<16xi32>
    %select_n3A_225 = arith.select %ge3A_220, %broadcast_in_dim3A_223, %broadcast_in_dim3A_224 : vector<16xi1>, vector<16xi32>
    %shift_left3A_226 = arith.constant 4 : i32
    %shift_left3A_227 = vector.broadcast %shift_left3A_226 : i32 to vector<16xi32>
    %shift_left3A_228 = arith.shli %select_n3A_225, %shift_left3A_227 : vector<16xi32>
    %swap3A_229 = arith.constant 144 : index
    %swap3A_230 = tpu.vector_load %arg8[%swap3A_229] {strides = array<i32>} : memref<512xi32, #tpu.memory_space<vmem>>, vector<16xi32>,
    tpu.vector_store %arg8[%swap3A_229], %shift_left3A_228 {strides = array<i32>} : memref<512xi32, #tpu.memory_space<vmem>>, vector<16xi32>,
    %mul3A_231 = arith.constant 504 : i32
    %mul3A_232 = vector.broadcast %mul3A_231 : i32 to vector<16xi32>
    %mul3A_233 = arith.muli %select_n3A_225, %mul3A_232 : vector<16xi32>
    %sub3A_234 = arith.subi %get3A_217, %mul3A_233 : vector<16xi32>
    %mul3A_235 = arith.constant 128 : i32
    %mul3A_236 = vector.broadcast %mul3A_235 : i32 to vector<16xi32>
    %mul3A_237 = arith.muli %sub3A_234, %mul3A_236 : vector<16xi32>
    %swap3A_238 = arith.constant 144 : index
    %swap3A_239 = tpu.vector_load %arg7[%swap3A_238] {strides = array<i32>} : memref<512xi32, #tpu.memory_space<vmem>>, vector<16xi32>,
    tpu.vector_store %arg7[%swap3A_238], %mul3A_237 {strides = array<i32>} : memref<512xi32, #tpu.memory_space<vmem>>, vector<16xi32>,
    %get3A_240 = arith.constant 160 : index
    %get3A_241 = tpu.vector_load %arg7[%get3A_240] {strides = array<i32>} : memref<512xi32, #tpu.memory_space<vmem>>, vector<16xi32>,
    %ge3A_242 = arith.constant 504 : i32
    %ge3A_243 = vector.broadcast %ge3A_242 : i32 to vector<16xi32>
    %ge3A_244 = arith.cmpi sge, %get3A_241, %ge3A_243 : vector<16xi32>
    %jit3A_245 = arith.constant 1 : i32
    %jit3A_246 = arith.constant 0 : i32
    %broadcast_in_dim3A_247 = vector.broadcast %jit3A_245 : i32 to vector<16xi32>
    %broadcast_in_dim3A_248 = vector.broadcast %jit3A_246 : i32 to vector<16xi32>
    %select_n3A_249 = arith.select %ge3A_244, %broadcast_in_dim3A_247, %broadcast_in_dim3A_248 : vector<16xi1>, vector<16xi32>
    %shift_left3A_250 = arith.constant 4 : i32
    %shift_left3A_251 = vector.broadcast %shift_left3A_250 : i32 to vector<16xi32>
    %shift_left3A_252 = arith.shli %select_n3A_249, %shift_left3A_251 : vector<16xi32>
    %swap3A_253 = arith.constant 160 : index
    %swap3A_254 = tpu.vector_load %arg8[%swap3A_253] {strides = array<i32>} : memref<512xi32, #tpu.memory_space<vmem>>, vector<16xi32>,
    tpu.vector_store %arg8[%swap3A_253], %shift_left3A_252 {strides = array<i32>} : memref<512xi32, #tpu.memory_space<vmem>>, vector<16xi32>,
    %mul3A_255 = arith.constant 504 : i32
    %mul3A_256 = vector.broadcast %mul3A_255 : i32 to vector<16xi32>
    %mul3A_257 = arith.muli %select_n3A_249, %mul3A_256 : vector<16xi32>
    %sub3A_258 = arith.subi %get3A_241, %mul3A_257 : vector<16xi32>
    %mul3A_259 = arith.constant 128 : i32
    %mul3A_260 = vector.broadcast %mul3A_259 : i32 to vector<16xi32>
    %mul3A_261 = arith.muli %sub3A_258, %mul3A_260 : vector<16xi32>
    %swap3A_262 = arith.constant 160 : index
    %swap3A_263 = tpu.vector_load %arg7[%swap3A_262] {strides = array<i32>} : memref<512xi32, #tpu.memory_space<vmem>>, vector<16xi32>,
    tpu.vector_store %arg7[%swap3A_262], %mul3A_261 {strides = array<i32>} : memref<512xi32, #tpu.memory_space<vmem>>, vector<16xi32>,
    %get3A_264 = arith.constant 176 : index
    %get3A_265 = tpu.vector_load %arg7[%get3A_264] {strides = array<i32>} : memref<512xi32, #tpu.memory_space<vmem>>, vector<16xi32>,
    %ge3A_266 = arith.constant 504 : i32
    %ge3A_267 = vector.broadcast %ge3A_266 : i32 to vector<16xi32>
    %ge3A_268 = arith.cmpi sge, %get3A_265, %ge3A_267 : vector<16xi32>
    %jit3A_269 = arith.constant 1 : i32
    %jit3A_270 = arith.constant 0 : i32
    %broadcast_in_dim3A_271 = vector.broadcast %jit3A_269 : i32 to vector<16xi32>
    %broadcast_in_dim3A_272 = vector.broadcast %jit3A_270 : i32 to vector<16xi32>
    %select_n3A_273 = arith.select %ge3A_268, %broadcast_in_dim3A_271, %broadcast_in_dim3A_272 : vector<16xi1>, vector<16xi32>
    %shift_left3A_274 = arith.constant 4 : i32
    %shift_left3A_275 = vector.broadcast %shift_left3A_274 : i32 to vector<16xi32>
    %shift_left3A_276 = arith.shli %select_n3A_273, %shift_left3A_275 : vector<16xi32>
    %swap3A_277 = arith.constant 176 : index
    %swap3A_278 = tpu.vector_load %arg8[%swap3A_277] {strides = array<i32>} : memref<512xi32, #tpu.memory_space<vmem>>, vector<16xi32>,
    tpu.vector_store %arg8[%swap3A_277], %shift_left3A_276 {strides = array<i32>} : memref<512xi32, #tpu.memory_space<vmem>>, vector<16xi32>,
    %mul3A_279 = arith.constant 504 : i32
    %mul3A_280 = vector.broadcast %mul3A_279 : i32 to vector<16xi32>
    %mul3A_281 = arith.muli %select_n3A_273, %mul3A_280 : vector<16xi32>
    %sub3A_282 = arith.subi %get3A_265, %mul3A_281 : vector<16xi32>
    %mul3A_283 = arith.constant 128 : i32
    %mul3A_284 = vector.broadcast %mul3A_283 : i32 to vector<16xi32>
    %mul3A_285 = arith.muli %sub3A_282, %mul3A_284 : vector<16xi32>
    %swap3A_286 = arith.constant 176 : index
    %swap3A_287 = tpu.vector_load %arg7[%swap3A_286] {strides = array<i32>} : memref<512xi32, #tpu.memory_space<vmem>>, vector<16xi32>,
    tpu.vector_store %arg7[%swap3A_286], %mul3A_285 {strides = array<i32>} : memref<512xi32, #tpu.memory_space<vmem>>, vector<16xi32>,
    %get3A_288 = arith.constant 192 : index
    %get3A_289 = tpu.vector_load %arg7[%get3A_288] {strides = array<i32>} : memref<512xi32, #tpu.memory_space<vmem>>, vector<16xi32>,
    %ge3A_290 = arith.constant 504 : i32
    %ge3A_291 = vector.broadcast %ge3A_290 : i32 to vector<16xi32>
    %ge3A_292 = arith.cmpi sge, %get3A_289, %ge3A_291 : vector<16xi32>
    %jit3A_293 = arith.constant 1 : i32
    %jit3A_294 = arith.constant 0 : i32
    %broadcast_in_dim3A_295 = vector.broadcast %jit3A_293 : i32 to vector<16xi32>
    %broadcast_in_dim3A_296 = vector.broadcast %jit3A_294 : i32 to vector<16xi32>
    %select_n3A_297 = arith.select %ge3A_292, %broadcast_in_dim3A_295, %broadcast_in_dim3A_296 : vector<16xi1>, vector<16xi32>
    %shift_left3A_298 = arith.constant 4 : i32
    %shift_left3A_299 = vector.broadcast %shift_left3A_298 : i32 to vector<16xi32>
    %shift_left3A_300 = arith.shli %select_n3A_297, %shift_left3A_299 : vector<16xi32>
    %swap3A_301 = arith.constant 192 : index
    %swap3A_302 = tpu.vector_load %arg8[%swap3A_301] {strides = array<i32>} : memref<512xi32, #tpu.memory_space<vmem>>, vector<16xi32>,
    tpu.vector_store %arg8[%swap3A_301], %shift_left3A_300 {strides = array<i32>} : memref<512xi32, #tpu.memory_space<vmem>>, vector<16xi32>,
    %mul3A_303 = arith.constant 504 : i32
    %mul3A_304 = vector.broadcast %mul3A_303 : i32 to vector<16xi32>
    %mul3A_305 = arith.muli %select_n3A_297, %mul3A_304 : vector<16xi32>
    %sub3A_306 = arith.subi %get3A_289, %mul3A_305 : vector<16xi32>
    %mul3A_307 = arith.constant 128 : i32
    %mul3A_308 = vector.broadcast %mul3A_307 : i32 to vector<16xi32>
    %mul3A_309 = arith.muli %sub3A_306, %mul3A_308 : vector<16xi32>
    %swap3A_310 = arith.constant 192 : index
    %swap3A_311 = tpu.vector_load %arg7[%swap3A_310] {strides = array<i32>} : memref<512xi32, #tpu.memory_space<vmem>>, vector<16xi32>,
    tpu.vector_store %arg7[%swap3A_310], %mul3A_309 {strides = array<i32>} : memref<512xi32, #tpu.memory_space<vmem>>, vector<16xi32>,
    %get3A_312 = arith.constant 208 : index
    %get3A_313 = tpu.vector_load %arg7[%get3A_312] {strides = array<i32>} : memref<512xi32, #tpu.memory_space<vmem>>, vector<16xi32>,
    %ge3A_314 = arith.constant 504 : i32
    %ge3A_315 = vector.broadcast %ge3A_314 : i32 to vector<16xi32>
    %ge3A_316 = arith.cmpi sge, %get3A_313, %ge3A_315 : vector<16xi32>
    %jit3A_317 = arith.constant 1 : i32
    %jit3A_318 = arith.constant 0 : i32
    %broadcast_in_dim3A_319 = vector.broadcast %jit3A_317 : i32 to vector<16xi32>
    %broadcast_in_dim3A_320 = vector.broadcast %jit3A_318 : i32 to vector<16xi32>
    %select_n3A_321 = arith.select %ge3A_316, %broadcast_in_dim3A_319, %broadcast_in_dim3A_320 : vector<16xi1>, vector<16xi32>
    %shift_left3A_322 = arith.constant 4 : i32
    %shift_left3A_323 = vector.broadcast %shift_left3A_322 : i32 to vector<16xi32>
    %shift_left3A_324 = arith.shli %select_n3A_321, %shift_left3A_323 : vector<16xi32>
    %swap3A_325 = arith.constant 208 : index
    %swap3A_326 = tpu.vector_load %arg8[%swap3A_325] {strides = array<i32>} : memref<512xi32, #tpu.memory_space<vmem>>, vector<16xi32>,
    tpu.vector_store %arg8[%swap3A_325], %shift_left3A_324 {strides = array<i32>} : memref<512xi32, #tpu.memory_space<vmem>>, vector<16xi32>,
    %mul3A_327 = arith.constant 504 : i32
    %mul3A_328 = vector.broadcast %mul3A_327 : i32 to vector<16xi32>
    %mul3A_329 = arith.muli %select_n3A_321, %mul3A_328 : vector<16xi32>
    %sub3A_330 = arith.subi %get3A_313, %mul3A_329 : vector<16xi32>
    %mul3A_331 = arith.constant 128 : i32
    %mul3A_332 = vector.broadcast %mul3A_331 : i32 to vector<16xi32>
    %mul3A_333 = arith.muli %sub3A_330, %mul3A_332 : vector<16xi32>
    %swap3A_334 = arith.constant 208 : index
    %swap3A_335 = tpu.vector_load %arg7[%swap3A_334] {strides = array<i32>} : memref<512xi32, #tpu.memory_space<vmem>>, vector<16xi32>,
    tpu.vector_store %arg7[%swap3A_334], %mul3A_333 {strides = array<i32>} : memref<512xi32, #tpu.memory_space<vmem>>, vector<16xi32>,
    %get3A_336 = arith.constant 224 : index
    %get3A_337 = tpu.vector_load %arg7[%get3A_336] {strides = array<i32>} : memref<512xi32, #tpu.memory_space<vmem>>, vector<16xi32>,
    %ge3A_338 = arith.constant 504 : i32
    %ge3A_339 = vector.broadcast %ge3A_338 : i32 to vector<16xi32>
    %ge3A_340 = arith.cmpi sge, %get3A_337, %ge3A_339 : vector<16xi32>
    %jit3A_341 = arith.constant 1 : i32
    %jit3A_342 = arith.constant 0 : i32
    %broadcast_in_dim3A_343 = vector.broadcast %jit3A_341 : i32 to vector<16xi32>
    %broadcast_in_dim3A_344 = vector.broadcast %jit3A_342 : i32 to vector<16xi32>
    %select_n3A_345 = arith.select %ge3A_340, %broadcast_in_dim3A_343, %broadcast_in_dim3A_344 : vector<16xi1>, vector<16xi32>
    %shift_left3A_346 = arith.constant 4 : i32
    %shift_left3A_347 = vector.broadcast %shift_left3A_346 : i32 to vector<16xi32>
    %shift_left3A_348 = arith.shli %select_n3A_345, %shift_left3A_347 : vector<16xi32>
    %swap3A_349 = arith.constant 224 : index
    %swap3A_350 = tpu.vector_load %arg8[%swap3A_349] {strides = array<i32>} : memref<512xi32, #tpu.memory_space<vmem>>, vector<16xi32>,
    tpu.vector_store %arg8[%swap3A_349], %shift_left3A_348 {strides = array<i32>} : memref<512xi32, #tpu.memory_space<vmem>>, vector<16xi32>,
    %mul3A_351 = arith.constant 504 : i32
    %mul3A_352 = vector.broadcast %mul3A_351 : i32 to vector<16xi32>
    %mul3A_353 = arith.muli %select_n3A_345, %mul3A_352 : vector<16xi32>
    %sub3A_354 = arith.subi %get3A_337, %mul3A_353 : vector<16xi32>
    %mul3A_355 = arith.constant 128 : i32
    %mul3A_356 = vector.broadcast %mul3A_355 : i32 to vector<16xi32>
    %mul3A_357 = arith.muli %sub3A_354, %mul3A_356 : vector<16xi32>
    %swap3A_358 = arith.constant 224 : index
    %swap3A_359 = tpu.vector_load %arg7[%swap3A_358] {strides = array<i32>} : memref<512xi32, #tpu.memory_space<vmem>>, vector<16xi32>,
    tpu.vector_store %arg7[%swap3A_358], %mul3A_357 {strides = array<i32>} : memref<512xi32, #tpu.memory_space<vmem>>, vector<16xi32>,
    %get3A_360 = arith.constant 240 : index
    %get3A_361 = tpu.vector_load %arg7[%get3A_360] {strides = array<i32>} : memref<512xi32, #tpu.memory_space<vmem>>, vector<16xi32>,
    %ge3A_362 = arith.constant 504 : i32
    %ge3A_363 = vector.broadcast %ge3A_362 : i32 to vector<16xi32>
    %ge3A_364 = arith.cmpi sge, %get3A_361, %ge3A_363 : vector<16xi32>
    %jit3A_365 = arith.constant 1 : i32
    %jit3A_366 = arith.constant 0 : i32
    %broadcast_in_dim3A_367 = vector.broadcast %jit3A_365 : i32 to vector<16xi32>
    %broadcast_in_dim3A_368 = vector.broadcast %jit3A_366 : i32 to vector<16xi32>
    %select_n3A_369 = arith.select %ge3A_364, %broadcast_in_dim3A_367, %broadcast_in_dim3A_368 : vector<16xi1>, vector<16xi32>
    %shift_left3A_370 = arith.constant 4 : i32
    %shift_left3A_371 = vector.broadcast %shift_left3A_370 : i32 to vector<16xi32>
    %shift_left3A_372 = arith.shli %select_n3A_369, %shift_left3A_371 : vector<16xi32>
    %swap3A_373 = arith.constant 240 : index
    %swap3A_374 = tpu.vector_load %arg8[%swap3A_373] {strides = array<i32>} : memref<512xi32, #tpu.memory_space<vmem>>, vector<16xi32>,
    tpu.vector_store %arg8[%swap3A_373], %shift_left3A_372 {strides = array<i32>} : memref<512xi32, #tpu.memory_space<vmem>>, vector<16xi32>,
    %mul3A_375 = arith.constant 504 : i32
    %mul3A_376 = vector.broadcast %mul3A_375 : i32 to vector<16xi32>
    %mul3A_377 = arith.muli %select_n3A_369, %mul3A_376 : vector<16xi32>
    %sub3A_378 = arith.subi %get3A_361, %mul3A_377 : vector<16xi32>
    %mul3A_379 = arith.constant 128 : i32
    %mul3A_380 = vector.broadcast %mul3A_379 : i32 to vector<16xi32>
    %mul3A_381 = arith.muli %sub3A_378, %mul3A_380 : vector<16xi32>
    %swap3A_382 = arith.constant 240 : index
    %swap3A_383 = tpu.vector_load %arg7[%swap3A_382] {strides = array<i32>} : memref<512xi32, #tpu.memory_space<vmem>>, vector<16xi32>,
    tpu.vector_store %arg7[%swap3A_382], %mul3A_381 {strides = array<i32>} : memref<512xi32, #tpu.memory_space<vmem>>, vector<16xi32>,
    %get3A_384 = arith.constant 256 : index
    %get3A_385 = tpu.vector_load %arg7[%get3A_384] {strides = array<i32>} : memref<512xi32, #tpu.memory_space<vmem>>, vector<16xi32>,
    %ge3A_386 = arith.constant 504 : i32
    %ge3A_387 = vector.broadcast %ge3A_386 : i32 to vector<16xi32>
    %ge3A_388 = arith.cmpi sge, %get3A_385, %ge3A_387 : vector<16xi32>
    %jit3A_389 = arith.constant 1 : i32
    %jit3A_390 = arith.constant 0 : i32
    %broadcast_in_dim3A_391 = vector.broadcast %jit3A_389 : i32 to vector<16xi32>
    %broadcast_in_dim3A_392 = vector.broadcast %jit3A_390 : i32 to vector<16xi32>
    %select_n3A_393 = arith.select %ge3A_388, %broadcast_in_dim3A_391, %broadcast_in_dim3A_392 : vector<16xi1>, vector<16xi32>
    %shift_left3A_394 = arith.constant 4 : i32
    %shift_left3A_395 = vector.broadcast %shift_left3A_394 : i32 to vector<16xi32>
    %shift_left3A_396 = arith.shli %select_n3A_393, %shift_left3A_395 : vector<16xi32>
    %swap3A_397 = arith.constant 256 : index
    %swap3A_398 = tpu.vector_load %arg8[%swap3A_397] {strides = array<i32>} : memref<512xi32, #tpu.memory_space<vmem>>, vector<16xi32>,
    tpu.vector_store %arg8[%swap3A_397], %shift_left3A_396 {strides = array<i32>} : memref<512xi32, #tpu.memory_space<vmem>>, vector<16xi32>,
    %mul3A_399 = arith.constant 504 : i32
    %mul3A_400 = vector.broadcast %mul3A_399 : i32 to vector<16xi32>
    %mul3A_401 = arith.muli %select_n3A_393, %mul3A_400 : vector<16xi32>
    %sub3A_402 = arith.subi %get3A_385, %mul3A_401 : vector<16xi32>
    %mul3A_403 = arith.constant 128 : i32
    %mul3A_404 = vector.broadcast %mul3A_403 : i32 to vector<16xi32>
    %mul3A_405 = arith.muli %sub3A_402, %mul3A_404 : vector<16xi32>
    %swap3A_406 = arith.constant 256 : index
    %swap3A_407 = tpu.vector_load %arg7[%swap3A_406] {strides = array<i32>} : memref<512xi32, #tpu.memory_space<vmem>>, vector<16xi32>,
    tpu.vector_store %arg7[%swap3A_406], %mul3A_405 {strides = array<i32>} : memref<512xi32, #tpu.memory_space<vmem>>, vector<16xi32>,
    %get3A_408 = arith.constant 272 : index
    %get3A_409 = tpu.vector_load %arg7[%get3A_408] {strides = array<i32>} : memref<512xi32, #tpu.memory_space<vmem>>, vector<16xi32>,
    %ge3A_410 = arith.constant 504 : i32
    %ge3A_411 = vector.broadcast %ge3A_410 : i32 to vector<16xi32>
    %ge3A_412 = arith.cmpi sge, %get3A_409, %ge3A_411 : vector<16xi32>
    %jit3A_413 = arith.constant 1 : i32
    %jit3A_414 = arith.constant 0 : i32
    %broadcast_in_dim3A_415 = vector.broadcast %jit3A_413 : i32 to vector<16xi32>
    %broadcast_in_dim3A_416 = vector.broadcast %jit3A_414 : i32 to vector<16xi32>
    %select_n3A_417 = arith.select %ge3A_412, %broadcast_in_dim3A_415, %broadcast_in_dim3A_416 : vector<16xi1>, vector<16xi32>
    %shift_left3A_418 = arith.constant 4 : i32
    %shift_left3A_419 = vector.broadcast %shift_left3A_418 : i32 to vector<16xi32>
    %shift_left3A_420 = arith.shli %select_n3A_417, %shift_left3A_419 : vector<16xi32>
    %swap3A_421 = arith.constant 272 : index
    %swap3A_422 = tpu.vector_load %arg8[%swap3A_421] {strides = array<i32>} : memref<512xi32, #tpu.memory_space<vmem>>, vector<16xi32>,
    tpu.vector_store %arg8[%swap3A_421], %shift_left3A_420 {strides = array<i32>} : memref<512xi32, #tpu.memory_space<vmem>>, vector<16xi32>,
    %mul3A_423 = arith.constant 504 : i32
    %mul3A_424 = vector.broadcast %mul3A_423 : i32 to vector<16xi32>
    %mul3A_425 = arith.muli %select_n3A_417, %mul3A_424 : vector<16xi32>
    %sub3A_426 = arith.subi %get3A_409, %mul3A_425 : vector<16xi32>
    %mul3A_427 = arith.constant 128 : i32
    %mul3A_428 = vector.broadcast %mul3A_427 : i32 to vector<16xi32>
    %mul3A_429 = arith.muli %sub3A_426, %mul3A_428 : vector<16xi32>
    %swap3A_430 = arith.constant 272 : index
    %swap3A_431 = tpu.vector_load %arg7[%swap3A_430] {strides = array<i32>} : memref<512xi32, #tpu.memory_space<vmem>>, vector<16xi32>,
    tpu.vector_store %arg7[%swap3A_430], %mul3A_429 {strides = array<i32>} : memref<512xi32, #tpu.memory_space<vmem>>, vector<16xi32>,
    %get3A_432 = arith.constant 288 : index
    %get3A_433 = tpu.vector_load %arg7[%get3A_432] {strides = array<i32>} : memref<512xi32, #tpu.memory_space<vmem>>, vector<16xi32>,
    %ge3A_434 = arith.constant 504 : i32
    %ge3A_435 = vector.broadcast %ge3A_434 : i32 to vector<16xi32>
    %ge3A_436 = arith.cmpi sge, %get3A_433, %ge3A_435 : vector<16xi32>
    %jit3A_437 = arith.constant 1 : i32
    %jit3A_438 = arith.constant 0 : i32
    %broadcast_in_dim3A_439 = vector.broadcast %jit3A_437 : i32 to vector<16xi32>
    %broadcast_in_dim3A_440 = vector.broadcast %jit3A_438 : i32 to vector<16xi32>
    %select_n3A_441 = arith.select %ge3A_436, %broadcast_in_dim3A_439, %broadcast_in_dim3A_440 : vector<16xi1>, vector<16xi32>
    %shift_left3A_442 = arith.constant 4 : i32
    %shift_left3A_443 = vector.broadcast %shift_left3A_442 : i32 to vector<16xi32>
    %shift_left3A_444 = arith.shli %select_n3A_441, %shift_left3A_443 : vector<16xi32>
    %swap3A_445 = arith.constant 288 : index
    %swap3A_446 = tpu.vector_load %arg8[%swap3A_445] {strides = array<i32>} : memref<512xi32, #tpu.memory_space<vmem>>, vector<16xi32>,
    tpu.vector_store %arg8[%swap3A_445], %shift_left3A_444 {strides = array<i32>} : memref<512xi32, #tpu.memory_space<vmem>>, vector<16xi32>,
    %mul3A_447 = arith.constant 504 : i32
    %mul3A_448 = vector.broadcast %mul3A_447 : i32 to vector<16xi32>
    %mul3A_449 = arith.muli %select_n3A_441, %mul3A_448 : vector<16xi32>
    %sub3A_450 = arith.subi %get3A_433, %mul3A_449 : vector<16xi32>
    %mul3A_451 = arith.constant 128 : i32
    %mul3A_452 = vector.broadcast %mul3A_451 : i32 to vector<16xi32>
    %mul3A_453 = arith.muli %sub3A_450, %mul3A_452 : vector<16xi32>
    %swap3A_454 = arith.constant 288 : index
    %swap3A_455 = tpu.vector_load %arg7[%swap3A_454] {strides = array<i32>} : memref<512xi32, #tpu.memory_space<vmem>>, vector<16xi32>,
    tpu.vector_store %arg7[%swap3A_454], %mul3A_453 {strides = array<i32>} : memref<512xi32, #tpu.memory_space<vmem>>, vector<16xi32>,
    %get3A_456 = arith.constant 304 : index
    %get3A_457 = tpu.vector_load %arg7[%get3A_456] {strides = array<i32>} : memref<512xi32, #tpu.memory_space<vmem>>, vector<16xi32>,
    %ge3A_458 = arith.constant 504 : i32
    %ge3A_459 = vector.broadcast %ge3A_458 : i32 to vector<16xi32>
    %ge3A_460 = arith.cmpi sge, %get3A_457, %ge3A_459 : vector<16xi32>
    %jit3A_461 = arith.constant 1 : i32
    %jit3A_462 = arith.constant 0 : i32
    %broadcast_in_dim3A_463 = vector.broadcast %jit3A_461 : i32 to vector<16xi32>
    %broadcast_in_dim3A_464 = vector.broadcast %jit3A_462 : i32 to vector<16xi32>
    %select_n3A_465 = arith.select %ge3A_460, %broadcast_in_dim3A_463, %broadcast_in_dim3A_464 : vector<16xi1>, vector<16xi32>
    %shift_left3A_466 = arith.constant 4 : i32
    %shift_left3A_467 = vector.broadcast %shift_left3A_466 : i32 to vector<16xi32>
    %shift_left3A_468 = arith.shli %select_n3A_465, %shift_left3A_467 : vector<16xi32>
    %swap3A_469 = arith.constant 304 : index
    %swap3A_470 = tpu.vector_load %arg8[%swap3A_469] {strides = array<i32>} : memref<512xi32, #tpu.memory_space<vmem>>, vector<16xi32>,
    tpu.vector_store %arg8[%swap3A_469], %shift_left3A_468 {strides = array<i32>} : memref<512xi32, #tpu.memory_space<vmem>>, vector<16xi32>,
    %mul3A_471 = arith.constant 504 : i32
    %mul3A_472 = vector.broadcast %mul3A_471 : i32 to vector<16xi32>
    %mul3A_473 = arith.muli %select_n3A_465, %mul3A_472 : vector<16xi32>
    %sub3A_474 = arith.subi %get3A_457, %mul3A_473 : vector<16xi32>
    %mul3A_475 = arith.constant 128 : i32
    %mul3A_476 = vector.broadcast %mul3A_475 : i32 to vector<16xi32>
    %mul3A_477 = arith.muli %sub3A_474, %mul3A_476 : vector<16xi32>
    %swap3A_478 = arith.constant 304 : index
    %swap3A_479 = tpu.vector_load %arg7[%swap3A_478] {strides = array<i32>} : memref<512xi32, #tpu.memory_space<vmem>>, vector<16xi32>,
    tpu.vector_store %arg7[%swap3A_478], %mul3A_477 {strides = array<i32>} : memref<512xi32, #tpu.memory_space<vmem>>, vector<16xi32>,
    %get3A_480 = arith.constant 320 : index
    %get3A_481 = tpu.vector_load %arg7[%get3A_480] {strides = array<i32>} : memref<512xi32, #tpu.memory_space<vmem>>, vector<16xi32>,
    %ge3A_482 = arith.constant 504 : i32
    %ge3A_483 = vector.broadcast %ge3A_482 : i32 to vector<16xi32>
    %ge3A_484 = arith.cmpi sge, %get3A_481, %ge3A_483 : vector<16xi32>
    %jit3A_485 = arith.constant 1 : i32
    %jit3A_486 = arith.constant 0 : i32
    %broadcast_in_dim3A_487 = vector.broadcast %jit3A_485 : i32 to vector<16xi32>
    %broadcast_in_dim3A_488 = vector.broadcast %jit3A_486 : i32 to vector<16xi32>
    %select_n3A_489 = arith.select %ge3A_484, %broadcast_in_dim3A_487, %broadcast_in_dim3A_488 : vector<16xi1>, vector<16xi32>
    %shift_left3A_490 = arith.constant 4 : i32
    %shift_left3A_491 = vector.broadcast %shift_left3A_490 : i32 to vector<16xi32>
    %shift_left3A_492 = arith.shli %select_n3A_489, %shift_left3A_491 : vector<16xi32>
    %swap3A_493 = arith.constant 320 : index
    %swap3A_494 = tpu.vector_load %arg8[%swap3A_493] {strides = array<i32>} : memref<512xi32, #tpu.memory_space<vmem>>, vector<16xi32>,
    tpu.vector_store %arg8[%swap3A_493], %shift_left3A_492 {strides = array<i32>} : memref<512xi32, #tpu.memory_space<vmem>>, vector<16xi32>,
    %mul3A_495 = arith.constant 504 : i32
    %mul3A_496 = vector.broadcast %mul3A_495 : i32 to vector<16xi32>
    %mul3A_497 = arith.muli %select_n3A_489, %mul3A_496 : vector<16xi32>
    %sub3A_498 = arith.subi %get3A_481, %mul3A_497 : vector<16xi32>
    %mul3A_499 = arith.constant 128 : i32
    %mul3A_500 = vector.broadcast %mul3A_499 : i32 to vector<16xi32>
    %mul3A_501 = arith.muli %sub3A_498, %mul3A_500 : vector<16xi32>
    %swap3A_502 = arith.constant 320 : index
    %swap3A_503 = tpu.vector_load %arg7[%swap3A_502] {strides = array<i32>} : memref<512xi32, #tpu.memory_space<vmem>>, vector<16xi32>,
    tpu.vector_store %arg7[%swap3A_502], %mul3A_501 {strides = array<i32>} : memref<512xi32, #tpu.memory_space<vmem>>, vector<16xi32>,
    %get3A_504 = arith.constant 336 : index
    %get3A_505 = tpu.vector_load %arg7[%get3A_504] {strides = array<i32>} : memref<512xi32, #tpu.memory_space<vmem>>, vector<16xi32>,
    %ge3A_506 = arith.constant 504 : i32
    %ge3A_507 = vector.broadcast %ge3A_506 : i32 to vector<16xi32>
    %ge3A_508 = arith.cmpi sge, %get3A_505, %ge3A_507 : vector<16xi32>
    %jit3A_509 = arith.constant 1 : i32
    %jit3A_510 = arith.constant 0 : i32
    %broadcast_in_dim3A_511 = vector.broadcast %jit3A_509 : i32 to vector<16xi32>
    %broadcast_in_dim3A_512 = vector.broadcast %jit3A_510 : i32 to vector<16xi32>
    %select_n3A_513 = arith.select %ge3A_508, %broadcast_in_dim3A_511, %broadcast_in_dim3A_512 : vector<16xi1>, vector<16xi32>
    %shift_left3A_514 = arith.constant 4 : i32
    %shift_left3A_515 = vector.broadcast %shift_left3A_514 : i32 to vector<16xi32>
    %shift_left3A_516 = arith.shli %select_n3A_513, %shift_left3A_515 : vector<16xi32>
    %swap3A_517 = arith.constant 336 : index
    %swap3A_518 = tpu.vector_load %arg8[%swap3A_517] {strides = array<i32>} : memref<512xi32, #tpu.memory_space<vmem>>, vector<16xi32>,
    tpu.vector_store %arg8[%swap3A_517], %shift_left3A_516 {strides = array<i32>} : memref<512xi32, #tpu.memory_space<vmem>>, vector<16xi32>,
    %mul3A_519 = arith.constant 504 : i32
    %mul3A_520 = vector.broadcast %mul3A_519 : i32 to vector<16xi32>
    %mul3A_521 = arith.muli %select_n3A_513, %mul3A_520 : vector<16xi32>
    %sub3A_522 = arith.subi %get3A_505, %mul3A_521 : vector<16xi32>
    %mul3A_523 = arith.constant 128 : i32
    %mul3A_524 = vector.broadcast %mul3A_523 : i32 to vector<16xi32>
    %mul3A_525 = arith.muli %sub3A_522, %mul3A_524 : vector<16xi32>
    %swap3A_526 = arith.constant 336 : index
    %swap3A_527 = tpu.vector_load %arg7[%swap3A_526] {strides = array<i32>} : memref<512xi32, #tpu.memory_space<vmem>>, vector<16xi32>,
    tpu.vector_store %arg7[%swap3A_526], %mul3A_525 {strides = array<i32>} : memref<512xi32, #tpu.memory_space<vmem>>, vector<16xi32>,
    %get3A_528 = arith.constant 352 : index
    %get3A_529 = tpu.vector_load %arg7[%get3A_528] {strides = array<i32>} : memref<512xi32, #tpu.memory_space<vmem>>, vector<16xi32>,
    %ge3A_530 = arith.constant 504 : i32
    %ge3A_531 = vector.broadcast %ge3A_530 : i32 to vector<16xi32>
    %ge3A_532 = arith.cmpi sge, %get3A_529, %ge3A_531 : vector<16xi32>
    %jit3A_533 = arith.constant 1 : i32
    %jit3A_534 = arith.constant 0 : i32
    %broadcast_in_dim3A_535 = vector.broadcast %jit3A_533 : i32 to vector<16xi32>
    %broadcast_in_dim3A_536 = vector.broadcast %jit3A_534 : i32 to vector<16xi32>
    %select_n3A_537 = arith.select %ge3A_532, %broadcast_in_dim3A_535, %broadcast_in_dim3A_536 : vector<16xi1>, vector<16xi32>
    %shift_left3A_538 = arith.constant 4 : i32
    %shift_left3A_539 = vector.broadcast %shift_left3A_538 : i32 to vector<16xi32>
    %shift_left3A_540 = arith.shli %select_n3A_537, %shift_left3A_539 : vector<16xi32>
    %swap3A_541 = arith.constant 352 : index
    %swap3A_542 = tpu.vector_load %arg8[%swap3A_541] {strides = array<i32>} : memref<512xi32, #tpu.memory_space<vmem>>, vector<16xi32>,
    tpu.vector_store %arg8[%swap3A_541], %shift_left3A_540 {strides = array<i32>} : memref<512xi32, #tpu.memory_space<vmem>>, vector<16xi32>,
    %mul3A_543 = arith.constant 504 : i32
    %mul3A_544 = vector.broadcast %mul3A_543 : i32 to vector<16xi32>
    %mul3A_545 = arith.muli %select_n3A_537, %mul3A_544 : vector<16xi32>
    %sub3A_546 = arith.subi %get3A_529, %mul3A_545 : vector<16xi32>
    %mul3A_547 = arith.constant 128 : i32
    %mul3A_548 = vector.broadcast %mul3A_547 : i32 to vector<16xi32>
    %mul3A_549 = arith.muli %sub3A_546, %mul3A_548 : vector<16xi32>
    %swap3A_550 = arith.constant 352 : index
    %swap3A_551 = tpu.vector_load %arg7[%swap3A_550] {strides = array<i32>} : memref<512xi32, #tpu.memory_space<vmem>>, vector<16xi32>,
    tpu.vector_store %arg7[%swap3A_550], %mul3A_549 {strides = array<i32>} : memref<512xi32, #tpu.memory_space<vmem>>, vector<16xi32>,
    %get3A_552 = arith.constant 368 : index
    %get3A_553 = tpu.vector_load %arg7[%get3A_552] {strides = array<i32>} : memref<512xi32, #tpu.memory_space<vmem>>, vector<16xi32>,
    %ge3A_554 = arith.constant 504 : i32
    %ge3A_555 = vector.broadcast %ge3A_554 : i32 to vector<16xi32>
    %ge3A_556 = arith.cmpi sge, %get3A_553, %ge3A_555 : vector<16xi32>
    %jit3A_557 = arith.constant 1 : i32
    %jit3A_558 = arith.constant 0 : i32
    %broadcast_in_dim3A_559 = vector.broadcast %jit3A_557 : i32 to vector<16xi32>
    %broadcast_in_dim3A_560 = vector.broadcast %jit3A_558 : i32 to vector<16xi32>
    %select_n3A_561 = arith.select %ge3A_556, %broadcast_in_dim3A_559, %broadcast_in_dim3A_560 : vector<16xi1>, vector<16xi32>
    %shift_left3A_562 = arith.constant 4 : i32
    %shift_left3A_563 = vector.broadcast %shift_left3A_562 : i32 to vector<16xi32>
    %shift_left3A_564 = arith.shli %select_n3A_561, %shift_left3A_563 : vector<16xi32>
    %swap3A_565 = arith.constant 368 : index
    %swap3A_566 = tpu.vector_load %arg8[%swap3A_565] {strides = array<i32>} : memref<512xi32, #tpu.memory_space<vmem>>, vector<16xi32>,
    tpu.vector_store %arg8[%swap3A_565], %shift_left3A_564 {strides = array<i32>} : memref<512xi32, #tpu.memory_space<vmem>>, vector<16xi32>,
    %mul3A_567 = arith.constant 504 : i32
    %mul3A_568 = vector.broadcast %mul3A_567 : i32 to vector<16xi32>
    %mul3A_569 = arith.muli %select_n3A_561, %mul3A_568 : vector<16xi32>
    %sub3A_570 = arith.subi %get3A_553, %mul3A_569 : vector<16xi32>
    %mul3A_571 = arith.constant 128 : i32
    %mul3A_572 = vector.broadcast %mul3A_571 : i32 to vector<16xi32>
    %mul3A_573 = arith.muli %sub3A_570, %mul3A_572 : vector<16xi32>
    %swap3A_574 = arith.constant 368 : index
    %swap3A_575 = tpu.vector_load %arg7[%swap3A_574] {strides = array<i32>} : memref<512xi32, #tpu.memory_space<vmem>>, vector<16xi32>,
    tpu.vector_store %arg7[%swap3A_574], %mul3A_573 {strides = array<i32>} : memref<512xi32, #tpu.memory_space<vmem>>, vector<16xi32>,
    %get3A_576 = arith.constant 384 : index
    %get3A_577 = tpu.vector_load %arg7[%get3A_576] {strides = array<i32>} : memref<512xi32, #tpu.memory_space<vmem>>, vector<16xi32>,
    %ge3A_578 = arith.constant 504 : i32
    %ge3A_579 = vector.broadcast %ge3A_578 : i32 to vector<16xi32>
    %ge3A_580 = arith.cmpi sge, %get3A_577, %ge3A_579 : vector<16xi32>
    %jit3A_581 = arith.constant 1 : i32
    %jit3A_582 = arith.constant 0 : i32
    %broadcast_in_dim3A_583 = vector.broadcast %jit3A_581 : i32 to vector<16xi32>
    %broadcast_in_dim3A_584 = vector.broadcast %jit3A_582 : i32 to vector<16xi32>
    %select_n3A_585 = arith.select %ge3A_580, %broadcast_in_dim3A_583, %broadcast_in_dim3A_584 : vector<16xi1>, vector<16xi32>
    %shift_left3A_586 = arith.constant 4 : i32
    %shift_left3A_587 = vector.broadcast %shift_left3A_586 : i32 to vector<16xi32>
    %shift_left3A_588 = arith.shli %select_n3A_585, %shift_left3A_587 : vector<16xi32>
    %swap3A_589 = arith.constant 384 : index
    %swap3A_590 = tpu.vector_load %arg8[%swap3A_589] {strides = array<i32>} : memref<512xi32, #tpu.memory_space<vmem>>, vector<16xi32>,
    tpu.vector_store %arg8[%swap3A_589], %shift_left3A_588 {strides = array<i32>} : memref<512xi32, #tpu.memory_space<vmem>>, vector<16xi32>,
    %mul3A_591 = arith.constant 504 : i32
    %mul3A_592 = vector.broadcast %mul3A_591 : i32 to vector<16xi32>
    %mul3A_593 = arith.muli %select_n3A_585, %mul3A_592 : vector<16xi32>
    %sub3A_594 = arith.subi %get3A_577, %mul3A_593 : vector<16xi32>
    %mul3A_595 = arith.constant 128 : i32
    %mul3A_596 = vector.broadcast %mul3A_595 : i32 to vector<16xi32>
    %mul3A_597 = arith.muli %sub3A_594, %mul3A_596 : vector<16xi32>
    %swap3A_598 = arith.constant 384 : index
    %swap3A_599 = tpu.vector_load %arg7[%swap3A_598] {strides = array<i32>} : memref<512xi32, #tpu.memory_space<vmem>>, vector<16xi32>,
    tpu.vector_store %arg7[%swap3A_598], %mul3A_597 {strides = array<i32>} : memref<512xi32, #tpu.memory_space<vmem>>, vector<16xi32>,
    %get3A_600 = arith.constant 400 : index
    %get3A_601 = tpu.vector_load %arg7[%get3A_600] {strides = array<i32>} : memref<512xi32, #tpu.memory_space<vmem>>, vector<16xi32>,
    %ge3A_602 = arith.constant 504 : i32
    %ge3A_603 = vector.broadcast %ge3A_602 : i32 to vector<16xi32>
    %ge3A_604 = arith.cmpi sge, %get3A_601, %ge3A_603 : vector<16xi32>
    %jit3A_605 = arith.constant 1 : i32
    %jit3A_606 = arith.constant 0 : i32
    %broadcast_in_dim3A_607 = vector.broadcast %jit3A_605 : i32 to vector<16xi32>
    %broadcast_in_dim3A_608 = vector.broadcast %jit3A_606 : i32 to vector<16xi32>
    %select_n3A_609 = arith.select %ge3A_604, %broadcast_in_dim3A_607, %broadcast_in_dim3A_608 : vector<16xi1>, vector<16xi32>
    %shift_left3A_610 = arith.constant 4 : i32
    %shift_left3A_611 = vector.broadcast %shift_left3A_610 : i32 to vector<16xi32>
    %shift_left3A_612 = arith.shli %select_n3A_609, %shift_left3A_611 : vector<16xi32>
    %swap3A_613 = arith.constant 400 : index
    %swap3A_614 = tpu.vector_load %arg8[%swap3A_613] {strides = array<i32>} : memref<512xi32, #tpu.memory_space<vmem>>, vector<16xi32>,
    tpu.vector_store %arg8[%swap3A_613], %shift_left3A_612 {strides = array<i32>} : memref<512xi32, #tpu.memory_space<vmem>>, vector<16xi32>,
    %mul3A_615 = arith.constant 504 : i32
    %mul3A_616 = vector.broadcast %mul3A_615 : i32 to vector<16xi32>
    %mul3A_617 = arith.muli %select_n3A_609, %mul3A_616 : vector<16xi32>
    %sub3A_618 = arith.subi %get3A_601, %mul3A_617 : vector<16xi32>
    %mul3A_619 = arith.constant 128 : i32
    %mul3A_620 = vector.broadcast %mul3A_619 : i32 to vector<16xi32>
    %mul3A_621 = arith.muli %sub3A_618, %mul3A_620 : vector<16xi32>
    %swap3A_622 = arith.constant 400 : index
    %swap3A_623 = tpu.vector_load %arg7[%swap3A_622] {strides = array<i32>} : memref<512xi32, #tpu.memory_space<vmem>>, vector<16xi32>,
    tpu.vector_store %arg7[%swap3A_622], %mul3A_621 {strides = array<i32>} : memref<512xi32, #tpu.memory_space<vmem>>, vector<16xi32>,
    %get3A_624 = arith.constant 416 : index
    %get3A_625 = tpu.vector_load %arg7[%get3A_624] {strides = array<i32>} : memref<512xi32, #tpu.memory_space<vmem>>, vector<16xi32>,
    %ge3A_626 = arith.constant 504 : i32
    %ge3A_627 = vector.broadcast %ge3A_626 : i32 to vector<16xi32>
    %ge3A_628 = arith.cmpi sge, %get3A_625, %ge3A_627 : vector<16xi32>
    %jit3A_629 = arith.constant 1 : i32
    %jit3A_630 = arith.constant 0 : i32
    %broadcast_in_dim3A_631 = vector.broadcast %jit3A_629 : i32 to vector<16xi32>
    %broadcast_in_dim3A_632 = vector.broadcast %jit3A_630 : i32 to vector<16xi32>
    %select_n3A_633 = arith.select %ge3A_628, %broadcast_in_dim3A_631, %broadcast_in_dim3A_632 : vector<16xi1>, vector<16xi32>
    %shift_left3A_634 = arith.constant 4 : i32
    %shift_left3A_635 = vector.broadcast %shift_left3A_634 : i32 to vector<16xi32>
    %shift_left3A_636 = arith.shli %select_n3A_633, %shift_left3A_635 : vector<16xi32>
    %swap3A_637 = arith.constant 416 : index
    %swap3A_638 = tpu.vector_load %arg8[%swap3A_637] {strides = array<i32>} : memref<512xi32, #tpu.memory_space<vmem>>, vector<16xi32>,
    tpu.vector_store %arg8[%swap3A_637], %shift_left3A_636 {strides = array<i32>} : memref<512xi32, #tpu.memory_space<vmem>>, vector<16xi32>,
    %mul3A_639 = arith.constant 504 : i32
    %mul3A_640 = vector.broadcast %mul3A_639 : i32 to vector<16xi32>
    %mul3A_641 = arith.muli %select_n3A_633, %mul3A_640 : vector<16xi32>
    %sub3A_642 = arith.subi %get3A_625, %mul3A_641 : vector<16xi32>
    %mul3A_643 = arith.constant 128 : i32
    %mul3A_644 = vector.broadcast %mul3A_643 : i32 to vector<16xi32>
    %mul3A_645 = arith.muli %sub3A_642, %mul3A_644 : vector<16xi32>
    %swap3A_646 = arith.constant 416 : index
    %swap3A_647 = tpu.vector_load %arg7[%swap3A_646] {strides = array<i32>} : memref<512xi32, #tpu.memory_space<vmem>>, vector<16xi32>,
    tpu.vector_store %arg7[%swap3A_646], %mul3A_645 {strides = array<i32>} : memref<512xi32, #tpu.memory_space<vmem>>, vector<16xi32>,
    %get3A_648 = arith.constant 432 : index
    %get3A_649 = tpu.vector_load %arg7[%get3A_648] {strides = array<i32>} : memref<512xi32, #tpu.memory_space<vmem>>, vector<16xi32>,
    %ge3A_650 = arith.constant 504 : i32
    %ge3A_651 = vector.broadcast %ge3A_650 : i32 to vector<16xi32>
    %ge3A_652 = arith.cmpi sge, %get3A_649, %ge3A_651 : vector<16xi32>
    %jit3A_653 = arith.constant 1 : i32
    %jit3A_654 = arith.constant 0 : i32
    %broadcast_in_dim3A_655 = vector.broadcast %jit3A_653 : i32 to vector<16xi32>
    %broadcast_in_dim3A_656 = vector.broadcast %jit3A_654 : i32 to vector<16xi32>
    %select_n3A_657 = arith.select %ge3A_652, %broadcast_in_dim3A_655, %broadcast_in_dim3A_656 : vector<16xi1>, vector<16xi32>
    %shift_left3A_658 = arith.constant 4 : i32
    %shift_left3A_659 = vector.broadcast %shift_left3A_658 : i32 to vector<16xi32>
    %shift_left3A_660 = arith.shli %select_n3A_657, %shift_left3A_659 : vector<16xi32>
    %swap3A_661 = arith.constant 432 : index
    %swap3A_662 = tpu.vector_load %arg8[%swap3A_661] {strides = array<i32>} : memref<512xi32, #tpu.memory_space<vmem>>, vector<16xi32>,
    tpu.vector_store %arg8[%swap3A_661], %shift_left3A_660 {strides = array<i32>} : memref<512xi32, #tpu.memory_space<vmem>>, vector<16xi32>,
    %mul3A_663 = arith.constant 504 : i32
    %mul3A_664 = vector.broadcast %mul3A_663 : i32 to vector<16xi32>
    %mul3A_665 = arith.muli %select_n3A_657, %mul3A_664 : vector<16xi32>
    %sub3A_666 = arith.subi %get3A_649, %mul3A_665 : vector<16xi32>
    %mul3A_667 = arith.constant 128 : i32
    %mul3A_668 = vector.broadcast %mul3A_667 : i32 to vector<16xi32>
    %mul3A_669 = arith.muli %sub3A_666, %mul3A_668 : vector<16xi32>
    %swap3A_670 = arith.constant 432 : index
    %swap3A_671 = tpu.vector_load %arg7[%swap3A_670] {strides = array<i32>} : memref<512xi32, #tpu.memory_space<vmem>>, vector<16xi32>,
    tpu.vector_store %arg7[%swap3A_670], %mul3A_669 {strides = array<i32>} : memref<512xi32, #tpu.memory_space<vmem>>, vector<16xi32>,
    %get3A_672 = arith.constant 448 : index
    %get3A_673 = tpu.vector_load %arg7[%get3A_672] {strides = array<i32>} : memref<512xi32, #tpu.memory_space<vmem>>, vector<16xi32>,
    %ge3A_674 = arith.constant 504 : i32
    %ge3A_675 = vector.broadcast %ge3A_674 : i32 to vector<16xi32>
    %ge3A_676 = arith.cmpi sge, %get3A_673, %ge3A_675 : vector<16xi32>
    %jit3A_677 = arith.constant 1 : i32
    %jit3A_678 = arith.constant 0 : i32
    %broadcast_in_dim3A_679 = vector.broadcast %jit3A_677 : i32 to vector<16xi32>
    %broadcast_in_dim3A_680 = vector.broadcast %jit3A_678 : i32 to vector<16xi32>
    %select_n3A_681 = arith.select %ge3A_676, %broadcast_in_dim3A_679, %broadcast_in_dim3A_680 : vector<16xi1>, vector<16xi32>
    %shift_left3A_682 = arith.constant 4 : i32
    %shift_left3A_683 = vector.broadcast %shift_left3A_682 : i32 to vector<16xi32>
    %shift_left3A_684 = arith.shli %select_n3A_681, %shift_left3A_683 : vector<16xi32>
    %swap3A_685 = arith.constant 448 : index
    %swap3A_686 = tpu.vector_load %arg8[%swap3A_685] {strides = array<i32>} : memref<512xi32, #tpu.memory_space<vmem>>, vector<16xi32>,
    tpu.vector_store %arg8[%swap3A_685], %shift_left3A_684 {strides = array<i32>} : memref<512xi32, #tpu.memory_space<vmem>>, vector<16xi32>,
    %mul3A_687 = arith.constant 504 : i32
    %mul3A_688 = vector.broadcast %mul3A_687 : i32 to vector<16xi32>
    %mul3A_689 = arith.muli %select_n3A_681, %mul3A_688 : vector<16xi32>
    %sub3A_690 = arith.subi %get3A_673, %mul3A_689 : vector<16xi32>
    %mul3A_691 = arith.constant 128 : i32
    %mul3A_692 = vector.broadcast %mul3A_691 : i32 to vector<16xi32>
    %mul3A_693 = arith.muli %sub3A_690, %mul3A_692 : vector<16xi32>
    %swap3A_694 = arith.constant 448 : index
    %swap3A_695 = tpu.vector_load %arg7[%swap3A_694] {strides = array<i32>} : memref<512xi32, #tpu.memory_space<vmem>>, vector<16xi32>,
    tpu.vector_store %arg7[%swap3A_694], %mul3A_693 {strides = array<i32>} : memref<512xi32, #tpu.memory_space<vmem>>, vector<16xi32>,
    %get3A_696 = arith.constant 464 : index
    %get3A_697 = tpu.vector_load %arg7[%get3A_696] {strides = array<i32>} : memref<512xi32, #tpu.memory_space<vmem>>, vector<16xi32>,
    %ge3A_698 = arith.constant 504 : i32
    %ge3A_699 = vector.broadcast %ge3A_698 : i32 to vector<16xi32>
    %ge3A_700 = arith.cmpi sge, %get3A_697, %ge3A_699 : vector<16xi32>
    %jit3A_701 = arith.constant 1 : i32
    %jit3A_702 = arith.constant 0 : i32
    %broadcast_in_dim3A_703 = vector.broadcast %jit3A_701 : i32 to vector<16xi32>
    %broadcast_in_dim3A_704 = vector.broadcast %jit3A_702 : i32 to vector<16xi32>
    %select_n3A_705 = arith.select %ge3A_700, %broadcast_in_dim3A_703, %broadcast_in_dim3A_704 : vector<16xi1>, vector<16xi32>
    %shift_left3A_706 = arith.constant 4 : i32
    %shift_left3A_707 = vector.broadcast %shift_left3A_706 : i32 to vector<16xi32>
    %shift_left3A_708 = arith.shli %select_n3A_705, %shift_left3A_707 : vector<16xi32>
    %swap3A_709 = arith.constant 464 : index
    %swap3A_710 = tpu.vector_load %arg8[%swap3A_709] {strides = array<i32>} : memref<512xi32, #tpu.memory_space<vmem>>, vector<16xi32>,
    tpu.vector_store %arg8[%swap3A_709], %shift_left3A_708 {strides = array<i32>} : memref<512xi32, #tpu.memory_space<vmem>>, vector<16xi32>,
    %mul3A_711 = arith.constant 504 : i32
    %mul3A_712 = vector.broadcast %mul3A_711 : i32 to vector<16xi32>
    %mul3A_713 = arith.muli %select_n3A_705, %mul3A_712 : vector<16xi32>
    %sub3A_714 = arith.subi %get3A_697, %mul3A_713 : vector<16xi32>
    %mul3A_715 = arith.constant 128 : i32
    %mul3A_716 = vector.broadcast %mul3A_715 : i32 to vector<16xi32>
    %mul3A_717 = arith.muli %sub3A_714, %mul3A_716 : vector<16xi32>
    %swap3A_718 = arith.constant 464 : index
    %swap3A_719 = tpu.vector_load %arg7[%swap3A_718] {strides = array<i32>} : memref<512xi32, #tpu.memory_space<vmem>>, vector<16xi32>,
    tpu.vector_store %arg7[%swap3A_718], %mul3A_717 {strides = array<i32>} : memref<512xi32, #tpu.memory_space<vmem>>, vector<16xi32>,
    %get3A_720 = arith.constant 480 : index
    %get3A_721 = tpu.vector_load %arg7[%get3A_720] {strides = array<i32>} : memref<512xi32, #tpu.memory_space<vmem>>, vector<16xi32>,
    %ge3A_722 = arith.constant 504 : i32
    %ge3A_723 = vector.broadcast %ge3A_722 : i32 to vector<16xi32>
    %ge3A_724 = arith.cmpi sge, %get3A_721, %ge3A_723 : vector<16xi32>
    %jit3A_725 = arith.constant 1 : i32
    %jit3A_726 = arith.constant 0 : i32
    %broadcast_in_dim3A_727 = vector.broadcast %jit3A_725 : i32 to vector<16xi32>
    %broadcast_in_dim3A_728 = vector.broadcast %jit3A_726 : i32 to vector<16xi32>
    %select_n3A_729 = arith.select %ge3A_724, %broadcast_in_dim3A_727, %broadcast_in_dim3A_728 : vector<16xi1>, vector<16xi32>
    %shift_left3A_730 = arith.constant 4 : i32
    %shift_left3A_731 = vector.broadcast %shift_left3A_730 : i32 to vector<16xi32>
    %shift_left3A_732 = arith.shli %select_n3A_729, %shift_left3A_731 : vector<16xi32>
    %swap3A_733 = arith.constant 480 : index
    %swap3A_734 = tpu.vector_load %arg8[%swap3A_733] {strides = array<i32>} : memref<512xi32, #tpu.memory_space<vmem>>, vector<16xi32>,
    tpu.vector_store %arg8[%swap3A_733], %shift_left3A_732 {strides = array<i32>} : memref<512xi32, #tpu.memory_space<vmem>>, vector<16xi32>,
    %mul3A_735 = arith.constant 504 : i32
    %mul3A_736 = vector.broadcast %mul3A_735 : i32 to vector<16xi32>
    %mul3A_737 = arith.muli %select_n3A_729, %mul3A_736 : vector<16xi32>
    %sub3A_738 = arith.subi %get3A_721, %mul3A_737 : vector<16xi32>
    %mul3A_739 = arith.constant 128 : i32
    %mul3A_740 = vector.broadcast %mul3A_739 : i32 to vector<16xi32>
    %mul3A_741 = arith.muli %sub3A_738, %mul3A_740 : vector<16xi32>
    %swap3A_742 = arith.constant 480 : index
    %swap3A_743 = tpu.vector_load %arg7[%swap3A_742] {strides = array<i32>} : memref<512xi32, #tpu.memory_space<vmem>>, vector<16xi32>,
    tpu.vector_store %arg7[%swap3A_742], %mul3A_741 {strides = array<i32>} : memref<512xi32, #tpu.memory_space<vmem>>, vector<16xi32>,
    %get3A_744 = arith.constant 496 : index
    %get3A_745 = tpu.vector_load %arg7[%get3A_744] {strides = array<i32>} : memref<512xi32, #tpu.memory_space<vmem>>, vector<16xi32>,
    %ge3A_746 = arith.constant 504 : i32
    %ge3A_747 = vector.broadcast %ge3A_746 : i32 to vector<16xi32>
    %ge3A_748 = arith.cmpi sge, %get3A_745, %ge3A_747 : vector<16xi32>
    %jit3A_749 = arith.constant 1 : i32
    %jit3A_750 = arith.constant 0 : i32
    %broadcast_in_dim3A_751 = vector.broadcast %jit3A_749 : i32 to vector<16xi32>
    %broadcast_in_dim3A_752 = vector.broadcast %jit3A_750 : i32 to vector<16xi32>
    %select_n3A_753 = arith.select %ge3A_748, %broadcast_in_dim3A_751, %broadcast_in_dim3A_752 : vector<16xi1>, vector<16xi32>
    %shift_left3A_754 = arith.constant 4 : i32
    %shift_left3A_755 = vector.broadcast %shift_left3A_754 : i32 to vector<16xi32>
    %shift_left3A_756 = arith.shli %select_n3A_753, %shift_left3A_755 : vector<16xi32>
    %swap3A_757 = arith.constant 496 : index
    %swap3A_758 = tpu.vector_load %arg8[%swap3A_757] {strides = array<i32>} : memref<512xi32, #tpu.memory_space<vmem>>, vector<16xi32>,
    tpu.vector_store %arg8[%swap3A_757], %shift_left3A_756 {strides = array<i32>} : memref<512xi32, #tpu.memory_space<vmem>>, vector<16xi32>,
    %mul3A_759 = arith.constant 504 : i32
    %mul3A_760 = vector.broadcast %mul3A_759 : i32 to vector<16xi32>
    %mul3A_761 = arith.muli %select_n3A_753, %mul3A_760 : vector<16xi32>
    %sub3A_762 = arith.subi %get3A_745, %mul3A_761 : vector<16xi32>
    %mul3A_763 = arith.constant 128 : i32
    %mul3A_764 = vector.broadcast %mul3A_763 : i32 to vector<16xi32>
    %mul3A_765 = arith.muli %sub3A_762, %mul3A_764 : vector<16xi32>
    %swap3A_766 = arith.constant 496 : index
    %swap3A_767 = tpu.vector_load %arg7[%swap3A_766] {strides = array<i32>} : memref<512xi32, #tpu.memory_space<vmem>>, vector<16xi32>,
    tpu.vector_store %arg7[%swap3A_766], %mul3A_765 {strides = array<i32>} : memref<512xi32, #tpu.memory_space<vmem>>, vector<16xi32>,
    "tpu.region"() ({
      %run_scoped3A = tpu.sem_alloc : memref<!tpu.dma_semaphore, #tpu.memory_space<semaphore_mem>>
      %dma_start3A_1306 = arith.constant 0 : i32
      %dma_start3A_1307 = tpu.memref_slice %arg9[%dma_start3A_1306] : memref<25600xi32, #tpu.memory_space<vmem>> -> memref<512xi32, #tpu.memory_space<vmem>>
      %dma_start3A_1308 = tpu.memref_slice %arg4[%mul3A_2] : memref<16384xi32, #tpu.memory_space<hbm>> -> memref<512xi32, #tpu.memory_space<hbm>>
      %dma_start3A_1309 = arith.constant 0 : i32
      %dma_start3A_1310 = tpu.memref_slice %arg9[%dma_start3A_1309] : memref<25600xi32, #tpu.memory_space<vmem>> -> memref<512xi32, #tpu.memory_space<vmem>>
      %dma_start3A_1311 = tpu.memref_slice %arg4[%mul3A_2] : memref<16384xi32, #tpu.memory_space<hbm>> -> memref<512xi32, #tpu.memory_space<hbm>>
      tpu.enqueue_dma source(%dma_start3A_1311 : memref<512xi32, #tpu.memory_space<hbm>>) target(%dma_start3A_1310 : memref<512xi32, #tpu.memory_space<vmem>>) target_semaphore(%run_scoped3A : memref<!tpu.dma_semaphore, #tpu.memory_space<semaphore_mem>>)
      %dma_wait3A_1312 = arith.constant 0 : i32
      %dma_wait3A_1313 = tpu.memref_slice %arg9[%dma_wait3A_1312] : memref<25600xi32, #tpu.memory_space<vmem>> -> memref<512xi32, #tpu.memory_space<vmem>>
      %dma_wait3A_1314 = tpu.memref_slice %arg4[%mul3A_2] : memref<16384xi32, #tpu.memory_space<hbm>> -> memref<512xi32, #tpu.memory_space<hbm>>
      %dma_wait3A_1315 = arith.constant 0 : i32
      %dma_wait3A_1316 = tpu.memref_slice %arg9[%dma_wait3A_1315] : memref<25600xi32, #tpu.memory_space<vmem>> -> memref<512xi32, #tpu.memory_space<vmem>>
      %dma_wait3A_1317 = tpu.memref_slice %arg4[%mul3A_2] : memref<16384xi32, #tpu.memory_space<hbm>> -> memref<512xi32, #tpu.memory_space<hbm>>
      tpu.wait_dma2 semaphore(%run_scoped3A : memref<!tpu.dma_semaphore, #tpu.memory_space<semaphore_mem>>) src(%dma_wait3A_1317 : memref<512xi32, #tpu.memory_space<hbm>>) dst(%dma_wait3A_1316 : memref<512xi32, #tpu.memory_space<vmem>>)
      tpu.yield
    }) : () -> ()
    %get3A_768 = arith.constant 0 : index
    %get3A_769 = tpu.vector_load %arg9[%get3A_768] {strides = array<i32>} : memref<25600xi32, #tpu.memory_space<vmem>>, vector<16xi32>,
    %get3A_770 = arith.constant 0 : index
    %get3A_771 = tpu.vector_load %arg7[%get3A_770] {strides = array<i32>} : memref<512xi32, #tpu.memory_space<vmem>>, vector<16xi32>,
    %add3A_772 = arith.addi %get3A_771, %get3A_769 : vector<16xi32>
    %shift_right_arithmetic3A = arith.constant 7 : i32
    %shift_right_arithmetic3A_773 = vector.broadcast %shift_right_arithmetic3A : i32 to vector<16xi32>
    %shift_right_arithmetic3A_774 = arith.shrsi %get3A_769, %shift_right_arithmetic3A_773 : vector<16xi32>
    %mul3A_775 = arith.constant 64384 : i32
    %mul3A_776 = vector.broadcast %mul3A_775 : i32 to vector<16xi32>
    %mul3A_777 = arith.muli %shift_right_arithmetic3A_774, %mul3A_776 : vector<16xi32>
    %add3A_778 = arith.addi %add3A_772, %mul3A_777 : vector<16xi32>
    %swap3A_779 = arith.constant 0 : index
    %swap3A_780 = tpu.vector_load %arg10[%swap3A_779] {strides = array<i32>} : memref<26112xi32, #tpu.memory_space<vmem>>, vector<16xi32>,
    tpu.vector_store %arg10[%swap3A_779], %add3A_778 {strides = array<i32>} : memref<26112xi32, #tpu.memory_space<vmem>>, vector<16xi32>,
    %get3A_781 = arith.constant 16 : index
    %get3A_782 = tpu.vector_load %arg9[%get3A_781] {strides = array<i32>} : memref<25600xi32, #tpu.memory_space<vmem>>, vector<16xi32>,
    %get3A_783 = arith.constant 16 : index
    %get3A_784 = tpu.vector_load %arg7[%get3A_783] {strides = array<i32>} : memref<512xi32, #tpu.memory_space<vmem>>, vector<16xi32>,
    %add3A_785 = arith.addi %get3A_784, %get3A_782 : vector<16xi32>
    %shift_right_arithmetic3A_786 = arith.constant 7 : i32
    %shift_right_arithmetic3A_787 = vector.broadcast %shift_right_arithmetic3A_786 : i32 to vector<16xi32>
    %shift_right_arithmetic3A_788 = arith.shrsi %get3A_782, %shift_right_arithmetic3A_787 : vector<16xi32>
    %mul3A_789 = arith.constant 64384 : i32
    %mul3A_790 = vector.broadcast %mul3A_789 : i32 to vector<16xi32>
    %mul3A_791 = arith.muli %shift_right_arithmetic3A_788, %mul3A_790 : vector<16xi32>
    %add3A_792 = arith.addi %add3A_785, %mul3A_791 : vector<16xi32>
    %swap3A_793 = arith.constant 16 : index
    %swap3A_794 = tpu.vector_load %arg10[%swap3A_793] {strides = array<i32>} : memref<26112xi32, #tpu.memory_space<vmem>>, vector<16xi32>,
    tpu.vector_store %arg10[%swap3A_793], %add3A_792 {strides = array<i32>} : memref<26112xi32, #tpu.memory_space<vmem>>, vector<16xi32>,
    %get3A_795 = arith.constant 32 : index
    %get3A_796 = tpu.vector_load %arg9[%get3A_795] {strides = array<i32>} : memref<25600xi32, #tpu.memory_space<vmem>>, vector<16xi32>,
    %get3A_797 = arith.constant 32 : index
    %get3A_798 = tpu.vector_load %arg7[%get3A_797] {strides = array<i32>} : memref<512xi32, #tpu.memory_space<vmem>>, vector<16xi32>,
    %add3A_799 = arith.addi %get3A_798, %get3A_796 : vector<16xi32>
    %shift_right_arithmetic3A_800 = arith.constant 7 : i32
    %shift_right_arithmetic3A_801 = vector.broadcast %shift_right_arithmetic3A_800 : i32 to vector<16xi32>
    %shift_right_arithmetic3A_802 = arith.shrsi %get3A_796, %shift_right_arithmetic3A_801 : vector<16xi32>
    %mul3A_803 = arith.constant 64384 : i32
    %mul3A_804 = vector.broadcast %mul3A_803 : i32 to vector<16xi32>
    %mul3A_805 = arith.muli %shift_right_arithmetic3A_802, %mul3A_804 : vector<16xi32>
    %add3A_806 = arith.addi %add3A_799, %mul3A_805 : vector<16xi32>
    %swap3A_807 = arith.constant 32 : index
    %swap3A_808 = tpu.vector_load %arg10[%swap3A_807] {strides = array<i32>} : memref<26112xi32, #tpu.memory_space<vmem>>, vector<16xi32>,
    tpu.vector_store %arg10[%swap3A_807], %add3A_806 {strides = array<i32>} : memref<26112xi32, #tpu.memory_space<vmem>>, vector<16xi32>,
    %get3A_809 = arith.constant 48 : index
    %get3A_810 = tpu.vector_load %arg9[%get3A_809] {strides = array<i32>} : memref<25600xi32, #tpu.memory_space<vmem>>, vector<16xi32>,
    %get3A_811 = arith.constant 48 : index
    %get3A_812 = tpu.vector_load %arg7[%get3A_811] {strides = array<i32>} : memref<512xi32, #tpu.memory_space<vmem>>, vector<16xi32>,
    %add3A_813 = arith.addi %get3A_812, %get3A_810 : vector<16xi32>
    %shift_right_arithmetic3A_814 = arith.constant 7 : i32
    %shift_right_arithmetic3A_815 = vector.broadcast %shift_right_arithmetic3A_814 : i32 to vector<16xi32>
    %shift_right_arithmetic3A_816 = arith.shrsi %get3A_810, %shift_right_arithmetic3A_815 : vector<16xi32>
    %mul3A_817 = arith.constant 64384 : i32
    %mul3A_818 = vector.broadcast %mul3A_817 : i32 to vector<16xi32>
    %mul3A_819 = arith.muli %shift_right_arithmetic3A_816, %mul3A_818 : vector<16xi32>
    %add3A_820 = arith.addi %add3A_813, %mul3A_819 : vector<16xi32>
    %swap3A_821 = arith.constant 48 : index
    %swap3A_822 = tpu.vector_load %arg10[%swap3A_821] {strides = array<i32>} : memref<26112xi32, #tpu.memory_space<vmem>>, vector<16xi32>,
    tpu.vector_store %arg10[%swap3A_821], %add3A_820 {strides = array<i32>} : memref<26112xi32, #tpu.memory_space<vmem>>, vector<16xi32>,
    %get3A_823 = arith.constant 64 : index
    %get3A_824 = tpu.vector_load %arg9[%get3A_823] {strides = array<i32>} : memref<25600xi32, #tpu.memory_space<vmem>>, vector<16xi32>,
    %get3A_825 = arith.constant 64 : index
    %get3A_826 = tpu.vector_load %arg7[%get3A_825] {strides = array<i32>} : memref<512xi32, #tpu.memory_space<vmem>>, vector<16xi32>,
    %add3A_827 = arith.addi %get3A_826, %get3A_824 : vector<16xi32>
    %shift_right_arithmetic3A_828 = arith.constant 7 : i32
    %shift_right_arithmetic3A_829 = vector.broadcast %shift_right_arithmetic3A_828 : i32 to vector<16xi32>
    %shift_right_arithmetic3A_830 = arith.shrsi %get3A_824, %shift_right_arithmetic3A_829 : vector<16xi32>
    %mul3A_831 = arith.constant 64384 : i32
    %mul3A_832 = vector.broadcast %mul3A_831 : i32 to vector<16xi32>
    %mul3A_833 = arith.muli %shift_right_arithmetic3A_830, %mul3A_832 : vector<16xi32>
    %add3A_834 = arith.addi %add3A_827, %mul3A_833 : vector<16xi32>
    %swap3A_835 = arith.constant 64 : index
    %swap3A_836 = tpu.vector_load %arg10[%swap3A_835] {strides = array<i32>} : memref<26112xi32, #tpu.memory_space<vmem>>, vector<16xi32>,
    tpu.vector_store %arg10[%swap3A_835], %add3A_834 {strides = array<i32>} : memref<26112xi32, #tpu.memory_space<vmem>>, vector<16xi32>,
    %get3A_837 = arith.constant 80 : index
    %get3A_838 = tpu.vector_load %arg9[%get3A_837] {strides = array<i32>} : memref<25600xi32, #tpu.memory_space<vmem>>, vector<16xi32>,
    %get3A_839 = arith.constant 80 : index
    %get3A_840 = tpu.vector_load %arg7[%get3A_839] {strides = array<i32>} : memref<512xi32, #tpu.memory_space<vmem>>, vector<16xi32>,
    %add3A_841 = arith.addi %get3A_840, %get3A_838 : vector<16xi32>
    %shift_right_arithmetic3A_842 = arith.constant 7 : i32
    %shift_right_arithmetic3A_843 = vector.broadcast %shift_right_arithmetic3A_842 : i32 to vector<16xi32>
    %shift_right_arithmetic3A_844 = arith.shrsi %get3A_838, %shift_right_arithmetic3A_843 : vector<16xi32>
    %mul3A_845 = arith.constant 64384 : i32
    %mul3A_846 = vector.broadcast %mul3A_845 : i32 to vector<16xi32>
    %mul3A_847 = arith.muli %shift_right_arithmetic3A_844, %mul3A_846 : vector<16xi32>
    %add3A_848 = arith.addi %add3A_841, %mul3A_847 : vector<16xi32>
    %swap3A_849 = arith.constant 80 : index
    %swap3A_850 = tpu.vector_load %arg10[%swap3A_849] {strides = array<i32>} : memref<26112xi32, #tpu.memory_space<vmem>>, vector<16xi32>,
    tpu.vector_store %arg10[%swap3A_849], %add3A_848 {strides = array<i32>} : memref<26112xi32, #tpu.memory_space<vmem>>, vector<16xi32>,
    %get3A_851 = arith.constant 96 : index
    %get3A_852 = tpu.vector_load %arg9[%get3A_851] {strides = array<i32>} : memref<25600xi32, #tpu.memory_space<vmem>>, vector<16xi32>,
    %get3A_853 = arith.constant 96 : index
    %get3A_854 = tpu.vector_load %arg7[%get3A_853] {strides = array<i32>} : memref<512xi32, #tpu.memory_space<vmem>>, vector<16xi32>,
    %add3A_855 = arith.addi %get3A_854, %get3A_852 : vector<16xi32>
    %shift_right_arithmetic3A_856 = arith.constant 7 : i32
    %shift_right_arithmetic3A_857 = vector.broadcast %shift_right_arithmetic3A_856 : i32 to vector<16xi32>
    %shift_right_arithmetic3A_858 = arith.shrsi %get3A_852, %shift_right_arithmetic3A_857 : vector<16xi32>
    %mul3A_859 = arith.constant 64384 : i32
    %mul3A_860 = vector.broadcast %mul3A_859 : i32 to vector<16xi32>
    %mul3A_861 = arith.muli %shift_right_arithmetic3A_858, %mul3A_860 : vector<16xi32>
    %add3A_862 = arith.addi %add3A_855, %mul3A_861 : vector<16xi32>
    %swap3A_863 = arith.constant 96 : index
    %swap3A_864 = tpu.vector_load %arg10[%swap3A_863] {strides = array<i32>} : memref<26112xi32, #tpu.memory_space<vmem>>, vector<16xi32>,
    tpu.vector_store %arg10[%swap3A_863], %add3A_862 {strides = array<i32>} : memref<26112xi32, #tpu.memory_space<vmem>>, vector<16xi32>,
    %get3A_865 = arith.constant 112 : index
    %get3A_866 = tpu.vector_load %arg9[%get3A_865] {strides = array<i32>} : memref<25600xi32, #tpu.memory_space<vmem>>, vector<16xi32>,
    %get3A_867 = arith.constant 112 : index
    %get3A_868 = tpu.vector_load %arg7[%get3A_867] {strides = array<i32>} : memref<512xi32, #tpu.memory_space<vmem>>, vector<16xi32>,
    %add3A_869 = arith.addi %get3A_868, %get3A_866 : vector<16xi32>
    %shift_right_arithmetic3A_870 = arith.constant 7 : i32
    %shift_right_arithmetic3A_871 = vector.broadcast %shift_right_arithmetic3A_870 : i32 to vector<16xi32>
    %shift_right_arithmetic3A_872 = arith.shrsi %get3A_866, %shift_right_arithmetic3A_871 : vector<16xi32>
    %mul3A_873 = arith.constant 64384 : i32
    %mul3A_874 = vector.broadcast %mul3A_873 : i32 to vector<16xi32>
    %mul3A_875 = arith.muli %shift_right_arithmetic3A_872, %mul3A_874 : vector<16xi32>
    %add3A_876 = arith.addi %add3A_869, %mul3A_875 : vector<16xi32>
    %swap3A_877 = arith.constant 112 : index
    %swap3A_878 = tpu.vector_load %arg10[%swap3A_877] {strides = array<i32>} : memref<26112xi32, #tpu.memory_space<vmem>>, vector<16xi32>,
    tpu.vector_store %arg10[%swap3A_877], %add3A_876 {strides = array<i32>} : memref<26112xi32, #tpu.memory_space<vmem>>, vector<16xi32>,
    %get3A_879 = arith.constant 128 : index
    %get3A_880 = tpu.vector_load %arg9[%get3A_879] {strides = array<i32>} : memref<25600xi32, #tpu.memory_space<vmem>>, vector<16xi32>,
    %get3A_881 = arith.constant 128 : index
    %get3A_882 = tpu.vector_load %arg7[%get3A_881] {strides = array<i32>} : memref<512xi32, #tpu.memory_space<vmem>>, vector<16xi32>,
    %add3A_883 = arith.addi %get3A_882, %get3A_880 : vector<16xi32>
    %shift_right_arithmetic3A_884 = arith.constant 7 : i32
    %shift_right_arithmetic3A_885 = vector.broadcast %shift_right_arithmetic3A_884 : i32 to vector<16xi32>
    %shift_right_arithmetic3A_886 = arith.shrsi %get3A_880, %shift_right_arithmetic3A_885 : vector<16xi32>
    %mul3A_887 = arith.constant 64384 : i32
    %mul3A_888 = vector.broadcast %mul3A_887 : i32 to vector<16xi32>
    %mul3A_889 = arith.muli %shift_right_arithmetic3A_886, %mul3A_888 : vector<16xi32>
    %add3A_890 = arith.addi %add3A_883, %mul3A_889 : vector<16xi32>
    %swap3A_891 = arith.constant 128 : index
    %swap3A_892 = tpu.vector_load %arg10[%swap3A_891] {strides = array<i32>} : memref<26112xi32, #tpu.memory_space<vmem>>, vector<16xi32>,
    tpu.vector_store %arg10[%swap3A_891], %add3A_890 {strides = array<i32>} : memref<26112xi32, #tpu.memory_space<vmem>>, vector<16xi32>,
    %get3A_893 = arith.constant 144 : index
    %get3A_894 = tpu.vector_load %arg9[%get3A_893] {strides = array<i32>} : memref<25600xi32, #tpu.memory_space<vmem>>, vector<16xi32>,
    %get3A_895 = arith.constant 144 : index
    %get3A_896 = tpu.vector_load %arg7[%get3A_895] {strides = array<i32>} : memref<512xi32, #tpu.memory_space<vmem>>, vector<16xi32>,
    %add3A_897 = arith.addi %get3A_896, %get3A_894 : vector<16xi32>
    %shift_right_arithmetic3A_898 = arith.constant 7 : i32
    %shift_right_arithmetic3A_899 = vector.broadcast %shift_right_arithmetic3A_898 : i32 to vector<16xi32>
    %shift_right_arithmetic3A_900 = arith.shrsi %get3A_894, %shift_right_arithmetic3A_899 : vector<16xi32>
    %mul3A_901 = arith.constant 64384 : i32
    %mul3A_902 = vector.broadcast %mul3A_901 : i32 to vector<16xi32>
    %mul3A_903 = arith.muli %shift_right_arithmetic3A_900, %mul3A_902 : vector<16xi32>
    %add3A_904 = arith.addi %add3A_897, %mul3A_903 : vector<16xi32>
    %swap3A_905 = arith.constant 144 : index
    %swap3A_906 = tpu.vector_load %arg10[%swap3A_905] {strides = array<i32>} : memref<26112xi32, #tpu.memory_space<vmem>>, vector<16xi32>,
    tpu.vector_store %arg10[%swap3A_905], %add3A_904 {strides = array<i32>} : memref<26112xi32, #tpu.memory_space<vmem>>, vector<16xi32>,
    %get3A_907 = arith.constant 160 : index
    %get3A_908 = tpu.vector_load %arg9[%get3A_907] {strides = array<i32>} : memref<25600xi32, #tpu.memory_space<vmem>>, vector<16xi32>,
    %get3A_909 = arith.constant 160 : index
    %get3A_910 = tpu.vector_load %arg7[%get3A_909] {strides = array<i32>} : memref<512xi32, #tpu.memory_space<vmem>>, vector<16xi32>,
    %add3A_911 = arith.addi %get3A_910, %get3A_908 : vector<16xi32>
    %shift_right_arithmetic3A_912 = arith.constant 7 : i32
    %shift_right_arithmetic3A_913 = vector.broadcast %shift_right_arithmetic3A_912 : i32 to vector<16xi32>
    %shift_right_arithmetic3A_914 = arith.shrsi %get3A_908, %shift_right_arithmetic3A_913 : vector<16xi32>
    %mul3A_915 = arith.constant 64384 : i32
    %mul3A_916 = vector.broadcast %mul3A_915 : i32 to vector<16xi32>
    %mul3A_917 = arith.muli %shift_right_arithmetic3A_914, %mul3A_916 : vector<16xi32>
    %add3A_918 = arith.addi %add3A_911, %mul3A_917 : vector<16xi32>
    %swap3A_919 = arith.constant 160 : index
    %swap3A_920 = tpu.vector_load %arg10[%swap3A_919] {strides = array<i32>} : memref<26112xi32, #tpu.memory_space<vmem>>, vector<16xi32>,
    tpu.vector_store %arg10[%swap3A_919], %add3A_918 {strides = array<i32>} : memref<26112xi32, #tpu.memory_space<vmem>>, vector<16xi32>,
    %get3A_921 = arith.constant 176 : index
    %get3A_922 = tpu.vector_load %arg9[%get3A_921] {strides = array<i32>} : memref<25600xi32, #tpu.memory_space<vmem>>, vector<16xi32>,
    %get3A_923 = arith.constant 176 : index
    %get3A_924 = tpu.vector_load %arg7[%get3A_923] {strides = array<i32>} : memref<512xi32, #tpu.memory_space<vmem>>, vector<16xi32>,
    %add3A_925 = arith.addi %get3A_924, %get3A_922 : vector<16xi32>
    %shift_right_arithmetic3A_926 = arith.constant 7 : i32
    %shift_right_arithmetic3A_927 = vector.broadcast %shift_right_arithmetic3A_926 : i32 to vector<16xi32>
    %shift_right_arithmetic3A_928 = arith.shrsi %get3A_922, %shift_right_arithmetic3A_927 : vector<16xi32>
    %mul3A_929 = arith.constant 64384 : i32
    %mul3A_930 = vector.broadcast %mul3A_929 : i32 to vector<16xi32>
    %mul3A_931 = arith.muli %shift_right_arithmetic3A_928, %mul3A_930 : vector<16xi32>
    %add3A_932 = arith.addi %add3A_925, %mul3A_931 : vector<16xi32>
    %swap3A_933 = arith.constant 176 : index
    %swap3A_934 = tpu.vector_load %arg10[%swap3A_933] {strides = array<i32>} : memref<26112xi32, #tpu.memory_space<vmem>>, vector<16xi32>,
    tpu.vector_store %arg10[%swap3A_933], %add3A_932 {strides = array<i32>} : memref<26112xi32, #tpu.memory_space<vmem>>, vector<16xi32>,
    %get3A_935 = arith.constant 192 : index
    %get3A_936 = tpu.vector_load %arg9[%get3A_935] {strides = array<i32>} : memref<25600xi32, #tpu.memory_space<vmem>>, vector<16xi32>,
    %get3A_937 = arith.constant 192 : index
    %get3A_938 = tpu.vector_load %arg7[%get3A_937] {strides = array<i32>} : memref<512xi32, #tpu.memory_space<vmem>>, vector<16xi32>,
    %add3A_939 = arith.addi %get3A_938, %get3A_936 : vector<16xi32>
    %shift_right_arithmetic3A_940 = arith.constant 7 : i32
    %shift_right_arithmetic3A_941 = vector.broadcast %shift_right_arithmetic3A_940 : i32 to vector<16xi32>
    %shift_right_arithmetic3A_942 = arith.shrsi %get3A_936, %shift_right_arithmetic3A_941 : vector<16xi32>
    %mul3A_943 = arith.constant 64384 : i32
    %mul3A_944 = vector.broadcast %mul3A_943 : i32 to vector<16xi32>
    %mul3A_945 = arith.muli %shift_right_arithmetic3A_942, %mul3A_944 : vector<16xi32>
    %add3A_946 = arith.addi %add3A_939, %mul3A_945 : vector<16xi32>
    %swap3A_947 = arith.constant 192 : index
    %swap3A_948 = tpu.vector_load %arg10[%swap3A_947] {strides = array<i32>} : memref<26112xi32, #tpu.memory_space<vmem>>, vector<16xi32>,
    tpu.vector_store %arg10[%swap3A_947], %add3A_946 {strides = array<i32>} : memref<26112xi32, #tpu.memory_space<vmem>>, vector<16xi32>,
    %get3A_949 = arith.constant 208 : index
    %get3A_950 = tpu.vector_load %arg9[%get3A_949] {strides = array<i32>} : memref<25600xi32, #tpu.memory_space<vmem>>, vector<16xi32>,
    %get3A_951 = arith.constant 208 : index
    %get3A_952 = tpu.vector_load %arg7[%get3A_951] {strides = array<i32>} : memref<512xi32, #tpu.memory_space<vmem>>, vector<16xi32>,
    %add3A_953 = arith.addi %get3A_952, %get3A_950 : vector<16xi32>
    %shift_right_arithmetic3A_954 = arith.constant 7 : i32
    %shift_right_arithmetic3A_955 = vector.broadcast %shift_right_arithmetic3A_954 : i32 to vector<16xi32>
    %shift_right_arithmetic3A_956 = arith.shrsi %get3A_950, %shift_right_arithmetic3A_955 : vector<16xi32>
    %mul3A_957 = arith.constant 64384 : i32
    %mul3A_958 = vector.broadcast %mul3A_957 : i32 to vector<16xi32>
    %mul3A_959 = arith.muli %shift_right_arithmetic3A_956, %mul3A_958 : vector<16xi32>
    %add3A_960 = arith.addi %add3A_953, %mul3A_959 : vector<16xi32>
    %swap3A_961 = arith.constant 208 : index
    %swap3A_962 = tpu.vector_load %arg10[%swap3A_961] {strides = array<i32>} : memref<26112xi32, #tpu.memory_space<vmem>>, vector<16xi32>,
    tpu.vector_store %arg10[%swap3A_961], %add3A_960 {strides = array<i32>} : memref<26112xi32, #tpu.memory_space<vmem>>, vector<16xi32>,
    %get3A_963 = arith.constant 224 : index
    %get3A_964 = tpu.vector_load %arg9[%get3A_963] {strides = array<i32>} : memref<25600xi32, #tpu.memory_space<vmem>>, vector<16xi32>,
    %get3A_965 = arith.constant 224 : index
    %get3A_966 = tpu.vector_load %arg7[%get3A_965] {strides = array<i32>} : memref<512xi32, #tpu.memory_space<vmem>>, vector<16xi32>,
    %add3A_967 = arith.addi %get3A_966, %get3A_964 : vector<16xi32>
    %shift_right_arithmetic3A_968 = arith.constant 7 : i32
    %shift_right_arithmetic3A_969 = vector.broadcast %shift_right_arithmetic3A_968 : i32 to vector<16xi32>
    %shift_right_arithmetic3A_970 = arith.shrsi %get3A_964, %shift_right_arithmetic3A_969 : vector<16xi32>
    %mul3A_971 = arith.constant 64384 : i32
    %mul3A_972 = vector.broadcast %mul3A_971 : i32 to vector<16xi32>
    %mul3A_973 = arith.muli %shift_right_arithmetic3A_970, %mul3A_972 : vector<16xi32>
    %add3A_974 = arith.addi %add3A_967, %mul3A_973 : vector<16xi32>
    %swap3A_975 = arith.constant 224 : index
    %swap3A_976 = tpu.vector_load %arg10[%swap3A_975] {strides = array<i32>} : memref<26112xi32, #tpu.memory_space<vmem>>, vector<16xi32>,
    tpu.vector_store %arg10[%swap3A_975], %add3A_974 {strides = array<i32>} : memref<26112xi32, #tpu.memory_space<vmem>>, vector<16xi32>,
    %get3A_977 = arith.constant 240 : index
    %get3A_978 = tpu.vector_load %arg9[%get3A_977] {strides = array<i32>} : memref<25600xi32, #tpu.memory_space<vmem>>, vector<16xi32>,
    %get3A_979 = arith.constant 240 : index
    %get3A_980 = tpu.vector_load %arg7[%get3A_979] {strides = array<i32>} : memref<512xi32, #tpu.memory_space<vmem>>, vector<16xi32>,
    %add3A_981 = arith.addi %get3A_980, %get3A_978 : vector<16xi32>
    %shift_right_arithmetic3A_982 = arith.constant 7 : i32
    %shift_right_arithmetic3A_983 = vector.broadcast %shift_right_arithmetic3A_982 : i32 to vector<16xi32>
    %shift_right_arithmetic3A_984 = arith.shrsi %get3A_978, %shift_right_arithmetic3A_983 : vector<16xi32>
    %mul3A_985 = arith.constant 64384 : i32
    %mul3A_986 = vector.broadcast %mul3A_985 : i32 to vector<16xi32>
    %mul3A_987 = arith.muli %shift_right_arithmetic3A_984, %mul3A_986 : vector<16xi32>
    %add3A_988 = arith.addi %add3A_981, %mul3A_987 : vector<16xi32>
    %swap3A_989 = arith.constant 240 : index
    %swap3A_990 = tpu.vector_load %arg10[%swap3A_989] {strides = array<i32>} : memref<26112xi32, #tpu.memory_space<vmem>>, vector<16xi32>,
    tpu.vector_store %arg10[%swap3A_989], %add3A_988 {strides = array<i32>} : memref<26112xi32, #tpu.memory_space<vmem>>, vector<16xi32>,
    %get3A_991 = arith.constant 256 : index
    %get3A_992 = tpu.vector_load %arg9[%get3A_991] {strides = array<i32>} : memref<25600xi32, #tpu.memory_space<vmem>>, vector<16xi32>,
    %get3A_993 = arith.constant 256 : index
    %get3A_994 = tpu.vector_load %arg7[%get3A_993] {strides = array<i32>} : memref<512xi32, #tpu.memory_space<vmem>>, vector<16xi32>,
    %add3A_995 = arith.addi %get3A_994, %get3A_992 : vector<16xi32>
    %shift_right_arithmetic3A_996 = arith.constant 7 : i32
    %shift_right_arithmetic3A_997 = vector.broadcast %shift_right_arithmetic3A_996 : i32 to vector<16xi32>
    %shift_right_arithmetic3A_998 = arith.shrsi %get3A_992, %shift_right_arithmetic3A_997 : vector<16xi32>
    %mul3A_999 = arith.constant 64384 : i32
    %mul3A_1000 = vector.broadcast %mul3A_999 : i32 to vector<16xi32>
    %mul3A_1001 = arith.muli %shift_right_arithmetic3A_998, %mul3A_1000 : vector<16xi32>
    %add3A_1002 = arith.addi %add3A_995, %mul3A_1001 : vector<16xi32>
    %swap3A_1003 = arith.constant 256 : index
    %swap3A_1004 = tpu.vector_load %arg10[%swap3A_1003] {strides = array<i32>} : memref<26112xi32, #tpu.memory_space<vmem>>, vector<16xi32>,
    tpu.vector_store %arg10[%swap3A_1003], %add3A_1002 {strides = array<i32>} : memref<26112xi32, #tpu.memory_space<vmem>>, vector<16xi32>,
    %get3A_1005 = arith.constant 272 : index
    %get3A_1006 = tpu.vector_load %arg9[%get3A_1005] {strides = array<i32>} : memref<25600xi32, #tpu.memory_space<vmem>>, vector<16xi32>,
    %get3A_1007 = arith.constant 272 : index
    %get3A_1008 = tpu.vector_load %arg7[%get3A_1007] {strides = array<i32>} : memref<512xi32, #tpu.memory_space<vmem>>, vector<16xi32>,
    %add3A_1009 = arith.addi %get3A_1008, %get3A_1006 : vector<16xi32>
    %shift_right_arithmetic3A_1010 = arith.constant 7 : i32
    %shift_right_arithmetic3A_1011 = vector.broadcast %shift_right_arithmetic3A_1010 : i32 to vector<16xi32>
    %shift_right_arithmetic3A_1012 = arith.shrsi %get3A_1006, %shift_right_arithmetic3A_1011 : vector<16xi32>
    %mul3A_1013 = arith.constant 64384 : i32
    %mul3A_1014 = vector.broadcast %mul3A_1013 : i32 to vector<16xi32>
    %mul3A_1015 = arith.muli %shift_right_arithmetic3A_1012, %mul3A_1014 : vector<16xi32>
    %add3A_1016 = arith.addi %add3A_1009, %mul3A_1015 : vector<16xi32>
    %swap3A_1017 = arith.constant 272 : index
    %swap3A_1018 = tpu.vector_load %arg10[%swap3A_1017] {strides = array<i32>} : memref<26112xi32, #tpu.memory_space<vmem>>, vector<16xi32>,
    tpu.vector_store %arg10[%swap3A_1017], %add3A_1016 {strides = array<i32>} : memref<26112xi32, #tpu.memory_space<vmem>>, vector<16xi32>,
    %get3A_1019 = arith.constant 288 : index
    %get3A_1020 = tpu.vector_load %arg9[%get3A_1019] {strides = array<i32>} : memref<25600xi32, #tpu.memory_space<vmem>>, vector<16xi32>,
    %get3A_1021 = arith.constant 288 : index
    %get3A_1022 = tpu.vector_load %arg7[%get3A_1021] {strides = array<i32>} : memref<512xi32, #tpu.memory_space<vmem>>, vector<16xi32>,
    %add3A_1023 = arith.addi %get3A_1022, %get3A_1020 : vector<16xi32>
    %shift_right_arithmetic3A_1024 = arith.constant 7 : i32
    %shift_right_arithmetic3A_1025 = vector.broadcast %shift_right_arithmetic3A_1024 : i32 to vector<16xi32>
    %shift_right_arithmetic3A_1026 = arith.shrsi %get3A_1020, %shift_right_arithmetic3A_1025 : vector<16xi32>
    %mul3A_1027 = arith.constant 64384 : i32
    %mul3A_1028 = vector.broadcast %mul3A_1027 : i32 to vector<16xi32>
    %mul3A_1029 = arith.muli %shift_right_arithmetic3A_1026, %mul3A_1028 : vector<16xi32>
    %add3A_1030 = arith.addi %add3A_1023, %mul3A_1029 : vector<16xi32>
    %swap3A_1031 = arith.constant 288 : index
    %swap3A_1032 = tpu.vector_load %arg10[%swap3A_1031] {strides = array<i32>} : memref<26112xi32, #tpu.memory_space<vmem>>, vector<16xi32>,
    tpu.vector_store %arg10[%swap3A_1031], %add3A_1030 {strides = array<i32>} : memref<26112xi32, #tpu.memory_space<vmem>>, vector<16xi32>,
    %get3A_1033 = arith.constant 304 : index
    %get3A_1034 = tpu.vector_load %arg9[%get3A_1033] {strides = array<i32>} : memref<25600xi32, #tpu.memory_space<vmem>>, vector<16xi32>,
    %get3A_1035 = arith.constant 304 : index
    %get3A_1036 = tpu.vector_load %arg7[%get3A_1035] {strides = array<i32>} : memref<512xi32, #tpu.memory_space<vmem>>, vector<16xi32>,
    %add3A_1037 = arith.addi %get3A_1036, %get3A_1034 : vector<16xi32>
    %shift_right_arithmetic3A_1038 = arith.constant 7 : i32
    %shift_right_arithmetic3A_1039 = vector.broadcast %shift_right_arithmetic3A_1038 : i32 to vector<16xi32>
    %shift_right_arithmetic3A_1040 = arith.shrsi %get3A_1034, %shift_right_arithmetic3A_1039 : vector<16xi32>
    %mul3A_1041 = arith.constant 64384 : i32
    %mul3A_1042 = vector.broadcast %mul3A_1041 : i32 to vector<16xi32>
    %mul3A_1043 = arith.muli %shift_right_arithmetic3A_1040, %mul3A_1042 : vector<16xi32>
    %add3A_1044 = arith.addi %add3A_1037, %mul3A_1043 : vector<16xi32>
    %swap3A_1045 = arith.constant 304 : index
    %swap3A_1046 = tpu.vector_load %arg10[%swap3A_1045] {strides = array<i32>} : memref<26112xi32, #tpu.memory_space<vmem>>, vector<16xi32>,
    tpu.vector_store %arg10[%swap3A_1045], %add3A_1044 {strides = array<i32>} : memref<26112xi32, #tpu.memory_space<vmem>>, vector<16xi32>,
    %get3A_1047 = arith.constant 320 : index
    %get3A_1048 = tpu.vector_load %arg9[%get3A_1047] {strides = array<i32>} : memref<25600xi32, #tpu.memory_space<vmem>>, vector<16xi32>,
    %get3A_1049 = arith.constant 320 : index
    %get3A_1050 = tpu.vector_load %arg7[%get3A_1049] {strides = array<i32>} : memref<512xi32, #tpu.memory_space<vmem>>, vector<16xi32>,
    %add3A_1051 = arith.addi %get3A_1050, %get3A_1048 : vector<16xi32>
    %shift_right_arithmetic3A_1052 = arith.constant 7 : i32
    %shift_right_arithmetic3A_1053 = vector.broadcast %shift_right_arithmetic3A_1052 : i32 to vector<16xi32>
    %shift_right_arithmetic3A_1054 = arith.shrsi %get3A_1048, %shift_right_arithmetic3A_1053 : vector<16xi32>
    %mul3A_1055 = arith.constant 64384 : i32
    %mul3A_1056 = vector.broadcast %mul3A_1055 : i32 to vector<16xi32>
    %mul3A_1057 = arith.muli %shift_right_arithmetic3A_1054, %mul3A_1056 : vector<16xi32>
    %add3A_1058 = arith.addi %add3A_1051, %mul3A_1057 : vector<16xi32>
    %swap3A_1059 = arith.constant 320 : index
    %swap3A_1060 = tpu.vector_load %arg10[%swap3A_1059] {strides = array<i32>} : memref<26112xi32, #tpu.memory_space<vmem>>, vector<16xi32>,
    tpu.vector_store %arg10[%swap3A_1059], %add3A_1058 {strides = array<i32>} : memref<26112xi32, #tpu.memory_space<vmem>>, vector<16xi32>,
    %get3A_1061 = arith.constant 336 : index
    %get3A_1062 = tpu.vector_load %arg9[%get3A_1061] {strides = array<i32>} : memref<25600xi32, #tpu.memory_space<vmem>>, vector<16xi32>,
    %get3A_1063 = arith.constant 336 : index
    %get3A_1064 = tpu.vector_load %arg7[%get3A_1063] {strides = array<i32>} : memref<512xi32, #tpu.memory_space<vmem>>, vector<16xi32>,
    %add3A_1065 = arith.addi %get3A_1064, %get3A_1062 : vector<16xi32>
    %shift_right_arithmetic3A_1066 = arith.constant 7 : i32
    %shift_right_arithmetic3A_1067 = vector.broadcast %shift_right_arithmetic3A_1066 : i32 to vector<16xi32>
    %shift_right_arithmetic3A_1068 = arith.shrsi %get3A_1062, %shift_right_arithmetic3A_1067 : vector<16xi32>
    %mul3A_1069 = arith.constant 64384 : i32
    %mul3A_1070 = vector.broadcast %mul3A_1069 : i32 to vector<16xi32>
    %mul3A_1071 = arith.muli %shift_right_arithmetic3A_1068, %mul3A_1070 : vector<16xi32>
    %add3A_1072 = arith.addi %add3A_1065, %mul3A_1071 : vector<16xi32>
    %swap3A_1073 = arith.constant 336 : index
    %swap3A_1074 = tpu.vector_load %arg10[%swap3A_1073] {strides = array<i32>} : memref<26112xi32, #tpu.memory_space<vmem>>, vector<16xi32>,
    tpu.vector_store %arg10[%swap3A_1073], %add3A_1072 {strides = array<i32>} : memref<26112xi32, #tpu.memory_space<vmem>>, vector<16xi32>,
    %get3A_1075 = arith.constant 352 : index
    %get3A_1076 = tpu.vector_load %arg9[%get3A_1075] {strides = array<i32>} : memref<25600xi32, #tpu.memory_space<vmem>>, vector<16xi32>,
    %get3A_1077 = arith.constant 352 : index
    %get3A_1078 = tpu.vector_load %arg7[%get3A_1077] {strides = array<i32>} : memref<512xi32, #tpu.memory_space<vmem>>, vector<16xi32>,
    %add3A_1079 = arith.addi %get3A_1078, %get3A_1076 : vector<16xi32>
    %shift_right_arithmetic3A_1080 = arith.constant 7 : i32
    %shift_right_arithmetic3A_1081 = vector.broadcast %shift_right_arithmetic3A_1080 : i32 to vector<16xi32>
    %shift_right_arithmetic3A_1082 = arith.shrsi %get3A_1076, %shift_right_arithmetic3A_1081 : vector<16xi32>
    %mul3A_1083 = arith.constant 64384 : i32
    %mul3A_1084 = vector.broadcast %mul3A_1083 : i32 to vector<16xi32>
    %mul3A_1085 = arith.muli %shift_right_arithmetic3A_1082, %mul3A_1084 : vector<16xi32>
    %add3A_1086 = arith.addi %add3A_1079, %mul3A_1085 : vector<16xi32>
    %swap3A_1087 = arith.constant 352 : index
    %swap3A_1088 = tpu.vector_load %arg10[%swap3A_1087] {strides = array<i32>} : memref<26112xi32, #tpu.memory_space<vmem>>, vector<16xi32>,
    tpu.vector_store %arg10[%swap3A_1087], %add3A_1086 {strides = array<i32>} : memref<26112xi32, #tpu.memory_space<vmem>>, vector<16xi32>,
    %get3A_1089 = arith.constant 368 : index
    %get3A_1090 = tpu.vector_load %arg9[%get3A_1089] {strides = array<i32>} : memref<25600xi32, #tpu.memory_space<vmem>>, vector<16xi32>,
    %get3A_1091 = arith.constant 368 : index
    %get3A_1092 = tpu.vector_load %arg7[%get3A_1091] {strides = array<i32>} : memref<512xi32, #tpu.memory_space<vmem>>, vector<16xi32>,
    %add3A_1093 = arith.addi %get3A_1092, %get3A_1090 : vector<16xi32>
    %shift_right_arithmetic3A_1094 = arith.constant 7 : i32
    %shift_right_arithmetic3A_1095 = vector.broadcast %shift_right_arithmetic3A_1094 : i32 to vector<16xi32>
    %shift_right_arithmetic3A_1096 = arith.shrsi %get3A_1090, %shift_right_arithmetic3A_1095 : vector<16xi32>
    %mul3A_1097 = arith.constant 64384 : i32
    %mul3A_1098 = vector.broadcast %mul3A_1097 : i32 to vector<16xi32>
    %mul3A_1099 = arith.muli %shift_right_arithmetic3A_1096, %mul3A_1098 : vector<16xi32>
    %add3A_1100 = arith.addi %add3A_1093, %mul3A_1099 : vector<16xi32>
    %swap3A_1101 = arith.constant 368 : index
    %swap3A_1102 = tpu.vector_load %arg10[%swap3A_1101] {strides = array<i32>} : memref<26112xi32, #tpu.memory_space<vmem>>, vector<16xi32>,
    tpu.vector_store %arg10[%swap3A_1101], %add3A_1100 {strides = array<i32>} : memref<26112xi32, #tpu.memory_space<vmem>>, vector<16xi32>,
    %get3A_1103 = arith.constant 384 : index
    %get3A_1104 = tpu.vector_load %arg9[%get3A_1103] {strides = array<i32>} : memref<25600xi32, #tpu.memory_space<vmem>>, vector<16xi32>,
    %get3A_1105 = arith.constant 384 : index
    %get3A_1106 = tpu.vector_load %arg7[%get3A_1105] {strides = array<i32>} : memref<512xi32, #tpu.memory_space<vmem>>, vector<16xi32>,
    %add3A_1107 = arith.addi %get3A_1106, %get3A_1104 : vector<16xi32>
    %shift_right_arithmetic3A_1108 = arith.constant 7 : i32
    %shift_right_arithmetic3A_1109 = vector.broadcast %shift_right_arithmetic3A_1108 : i32 to vector<16xi32>
    %shift_right_arithmetic3A_1110 = arith.shrsi %get3A_1104, %shift_right_arithmetic3A_1109 : vector<16xi32>
    %mul3A_1111 = arith.constant 64384 : i32
    %mul3A_1112 = vector.broadcast %mul3A_1111 : i32 to vector<16xi32>
    %mul3A_1113 = arith.muli %shift_right_arithmetic3A_1110, %mul3A_1112 : vector<16xi32>
    %add3A_1114 = arith.addi %add3A_1107, %mul3A_1113 : vector<16xi32>
    %swap3A_1115 = arith.constant 384 : index
    %swap3A_1116 = tpu.vector_load %arg10[%swap3A_1115] {strides = array<i32>} : memref<26112xi32, #tpu.memory_space<vmem>>, vector<16xi32>,
    tpu.vector_store %arg10[%swap3A_1115], %add3A_1114 {strides = array<i32>} : memref<26112xi32, #tpu.memory_space<vmem>>, vector<16xi32>,
    %get3A_1117 = arith.constant 400 : index
    %get3A_1118 = tpu.vector_load %arg9[%get3A_1117] {strides = array<i32>} : memref<25600xi32, #tpu.memory_space<vmem>>, vector<16xi32>,
    %get3A_1119 = arith.constant 400 : index
    %get3A_1120 = tpu.vector_load %arg7[%get3A_1119] {strides = array<i32>} : memref<512xi32, #tpu.memory_space<vmem>>, vector<16xi32>,
    %add3A_1121 = arith.addi %get3A_1120, %get3A_1118 : vector<16xi32>
    %shift_right_arithmetic3A_1122 = arith.constant 7 : i32
    %shift_right_arithmetic3A_1123 = vector.broadcast %shift_right_arithmetic3A_1122 : i32 to vector<16xi32>
    %shift_right_arithmetic3A_1124 = arith.shrsi %get3A_1118, %shift_right_arithmetic3A_1123 : vector<16xi32>
    %mul3A_1125 = arith.constant 64384 : i32
    %mul3A_1126 = vector.broadcast %mul3A_1125 : i32 to vector<16xi32>
    %mul3A_1127 = arith.muli %shift_right_arithmetic3A_1124, %mul3A_1126 : vector<16xi32>
    %add3A_1128 = arith.addi %add3A_1121, %mul3A_1127 : vector<16xi32>
    %swap3A_1129 = arith.constant 400 : index
    %swap3A_1130 = tpu.vector_load %arg10[%swap3A_1129] {strides = array<i32>} : memref<26112xi32, #tpu.memory_space<vmem>>, vector<16xi32>,
    tpu.vector_store %arg10[%swap3A_1129], %add3A_1128 {strides = array<i32>} : memref<26112xi32, #tpu.memory_space<vmem>>, vector<16xi32>,
    %get3A_1131 = arith.constant 416 : index
    %get3A_1132 = tpu.vector_load %arg9[%get3A_1131] {strides = array<i32>} : memref<25600xi32, #tpu.memory_space<vmem>>, vector<16xi32>,
    %get3A_1133 = arith.constant 416 : index
    %get3A_1134 = tpu.vector_load %arg7[%get3A_1133] {strides = array<i32>} : memref<512xi32, #tpu.memory_space<vmem>>, vector<16xi32>,
    %add3A_1135 = arith.addi %get3A_1134, %get3A_1132 : vector<16xi32>
    %shift_right_arithmetic3A_1136 = arith.constant 7 : i32
    %shift_right_arithmetic3A_1137 = vector.broadcast %shift_right_arithmetic3A_1136 : i32 to vector<16xi32>
    %shift_right_arithmetic3A_1138 = arith.shrsi %get3A_1132, %shift_right_arithmetic3A_1137 : vector<16xi32>
    %mul3A_1139 = arith.constant 64384 : i32
    %mul3A_1140 = vector.broadcast %mul3A_1139 : i32 to vector<16xi32>
    %mul3A_1141 = arith.muli %shift_right_arithmetic3A_1138, %mul3A_1140 : vector<16xi32>
    %add3A_1142 = arith.addi %add3A_1135, %mul3A_1141 : vector<16xi32>
    %swap3A_1143 = arith.constant 416 : index
    %swap3A_1144 = tpu.vector_load %arg10[%swap3A_1143] {strides = array<i32>} : memref<26112xi32, #tpu.memory_space<vmem>>, vector<16xi32>,
    tpu.vector_store %arg10[%swap3A_1143], %add3A_1142 {strides = array<i32>} : memref<26112xi32, #tpu.memory_space<vmem>>, vector<16xi32>,
    %get3A_1145 = arith.constant 432 : index
    %get3A_1146 = tpu.vector_load %arg9[%get3A_1145] {strides = array<i32>} : memref<25600xi32, #tpu.memory_space<vmem>>, vector<16xi32>,
    %get3A_1147 = arith.constant 432 : index
    %get3A_1148 = tpu.vector_load %arg7[%get3A_1147] {strides = array<i32>} : memref<512xi32, #tpu.memory_space<vmem>>, vector<16xi32>,
    %add3A_1149 = arith.addi %get3A_1148, %get3A_1146 : vector<16xi32>
    %shift_right_arithmetic3A_1150 = arith.constant 7 : i32
    %shift_right_arithmetic3A_1151 = vector.broadcast %shift_right_arithmetic3A_1150 : i32 to vector<16xi32>
    %shift_right_arithmetic3A_1152 = arith.shrsi %get3A_1146, %shift_right_arithmetic3A_1151 : vector<16xi32>
    %mul3A_1153 = arith.constant 64384 : i32
    %mul3A_1154 = vector.broadcast %mul3A_1153 : i32 to vector<16xi32>
    %mul3A_1155 = arith.muli %shift_right_arithmetic3A_1152, %mul3A_1154 : vector<16xi32>
    %add3A_1156 = arith.addi %add3A_1149, %mul3A_1155 : vector<16xi32>
    %swap3A_1157 = arith.constant 432 : index
    %swap3A_1158 = tpu.vector_load %arg10[%swap3A_1157] {strides = array<i32>} : memref<26112xi32, #tpu.memory_space<vmem>>, vector<16xi32>,
    tpu.vector_store %arg10[%swap3A_1157], %add3A_1156 {strides = array<i32>} : memref<26112xi32, #tpu.memory_space<vmem>>, vector<16xi32>,
    %get3A_1159 = arith.constant 448 : index
    %get3A_1160 = tpu.vector_load %arg9[%get3A_1159] {strides = array<i32>} : memref<25600xi32, #tpu.memory_space<vmem>>, vector<16xi32>,
    %get3A_1161 = arith.constant 448 : index
    %get3A_1162 = tpu.vector_load %arg7[%get3A_1161] {strides = array<i32>} : memref<512xi32, #tpu.memory_space<vmem>>, vector<16xi32>,
    %add3A_1163 = arith.addi %get3A_1162, %get3A_1160 : vector<16xi32>
    %shift_right_arithmetic3A_1164 = arith.constant 7 : i32
    %shift_right_arithmetic3A_1165 = vector.broadcast %shift_right_arithmetic3A_1164 : i32 to vector<16xi32>
    %shift_right_arithmetic3A_1166 = arith.shrsi %get3A_1160, %shift_right_arithmetic3A_1165 : vector<16xi32>
    %mul3A_1167 = arith.constant 64384 : i32
    %mul3A_1168 = vector.broadcast %mul3A_1167 : i32 to vector<16xi32>
    %mul3A_1169 = arith.muli %shift_right_arithmetic3A_1166, %mul3A_1168 : vector<16xi32>
    %add3A_1170 = arith.addi %add3A_1163, %mul3A_1169 : vector<16xi32>
    %swap3A_1171 = arith.constant 448 : index
    %swap3A_1172 = tpu.vector_load %arg10[%swap3A_1171] {strides = array<i32>} : memref<26112xi32, #tpu.memory_space<vmem>>, vector<16xi32>,
    tpu.vector_store %arg10[%swap3A_1171], %add3A_1170 {strides = array<i32>} : memref<26112xi32, #tpu.memory_space<vmem>>, vector<16xi32>,
    %get3A_1173 = arith.constant 464 : index
    %get3A_1174 = tpu.vector_load %arg9[%get3A_1173] {strides = array<i32>} : memref<25600xi32, #tpu.memory_space<vmem>>, vector<16xi32>,
    %get3A_1175 = arith.constant 464 : index
    %get3A_1176 = tpu.vector_load %arg7[%get3A_1175] {strides = array<i32>} : memref<512xi32, #tpu.memory_space<vmem>>, vector<16xi32>,
    %add3A_1177 = arith.addi %get3A_1176, %get3A_1174 : vector<16xi32>
    %shift_right_arithmetic3A_1178 = arith.constant 7 : i32
    %shift_right_arithmetic3A_1179 = vector.broadcast %shift_right_arithmetic3A_1178 : i32 to vector<16xi32>
    %shift_right_arithmetic3A_1180 = arith.shrsi %get3A_1174, %shift_right_arithmetic3A_1179 : vector<16xi32>
    %mul3A_1181 = arith.constant 64384 : i32
    %mul3A_1182 = vector.broadcast %mul3A_1181 : i32 to vector<16xi32>
    %mul3A_1183 = arith.muli %shift_right_arithmetic3A_1180, %mul3A_1182 : vector<16xi32>
    %add3A_1184 = arith.addi %add3A_1177, %mul3A_1183 : vector<16xi32>
    %swap3A_1185 = arith.constant 464 : index
    %swap3A_1186 = tpu.vector_load %arg10[%swap3A_1185] {strides = array<i32>} : memref<26112xi32, #tpu.memory_space<vmem>>, vector<16xi32>,
    tpu.vector_store %arg10[%swap3A_1185], %add3A_1184 {strides = array<i32>} : memref<26112xi32, #tpu.memory_space<vmem>>, vector<16xi32>,
    %get3A_1187 = arith.constant 480 : index
    %get3A_1188 = tpu.vector_load %arg9[%get3A_1187] {strides = array<i32>} : memref<25600xi32, #tpu.memory_space<vmem>>, vector<16xi32>,
    %get3A_1189 = arith.constant 480 : index
    %get3A_1190 = tpu.vector_load %arg7[%get3A_1189] {strides = array<i32>} : memref<512xi32, #tpu.memory_space<vmem>>, vector<16xi32>,
    %add3A_1191 = arith.addi %get3A_1190, %get3A_1188 : vector<16xi32>
    %shift_right_arithmetic3A_1192 = arith.constant 7 : i32
    %shift_right_arithmetic3A_1193 = vector.broadcast %shift_right_arithmetic3A_1192 : i32 to vector<16xi32>
    %shift_right_arithmetic3A_1194 = arith.shrsi %get3A_1188, %shift_right_arithmetic3A_1193 : vector<16xi32>
    %mul3A_1195 = arith.constant 64384 : i32
    %mul3A_1196 = vector.broadcast %mul3A_1195 : i32 to vector<16xi32>
    %mul3A_1197 = arith.muli %shift_right_arithmetic3A_1194, %mul3A_1196 : vector<16xi32>
    %add3A_1198 = arith.addi %add3A_1191, %mul3A_1197 : vector<16xi32>
    %swap3A_1199 = arith.constant 480 : index
    %swap3A_1200 = tpu.vector_load %arg10[%swap3A_1199] {strides = array<i32>} : memref<26112xi32, #tpu.memory_space<vmem>>, vector<16xi32>,
    tpu.vector_store %arg10[%swap3A_1199], %add3A_1198 {strides = array<i32>} : memref<26112xi32, #tpu.memory_space<vmem>>, vector<16xi32>,
    %get3A_1201 = arith.constant 496 : index
    %get3A_1202 = tpu.vector_load %arg9[%get3A_1201] {strides = array<i32>} : memref<25600xi32, #tpu.memory_space<vmem>>, vector<16xi32>,
    %get3A_1203 = arith.constant 496 : index
    %get3A_1204 = tpu.vector_load %arg7[%get3A_1203] {strides = array<i32>} : memref<512xi32, #tpu.memory_space<vmem>>, vector<16xi32>,
    %add3A_1205 = arith.addi %get3A_1204, %get3A_1202 : vector<16xi32>
    %shift_right_arithmetic3A_1206 = arith.constant 7 : i32
    %shift_right_arithmetic3A_1207 = vector.broadcast %shift_right_arithmetic3A_1206 : i32 to vector<16xi32>
    %shift_right_arithmetic3A_1208 = arith.shrsi %get3A_1202, %shift_right_arithmetic3A_1207 : vector<16xi32>
    %mul3A_1209 = arith.constant 64384 : i32
    %mul3A_1210 = vector.broadcast %mul3A_1209 : i32 to vector<16xi32>
    %mul3A_1211 = arith.muli %shift_right_arithmetic3A_1208, %mul3A_1210 : vector<16xi32>
    %add3A_1212 = arith.addi %add3A_1205, %mul3A_1211 : vector<16xi32>
    %swap3A_1213 = arith.constant 496 : index
    %swap3A_1214 = tpu.vector_load %arg10[%swap3A_1213] {strides = array<i32>} : memref<26112xi32, #tpu.memory_space<vmem>>, vector<16xi32>,
    tpu.vector_store %arg10[%swap3A_1213], %add3A_1212 {strides = array<i32>} : memref<26112xi32, #tpu.memory_space<vmem>>, vector<16xi32>,
    %mul3A_1215 = arith.constant 50 : i32
    %mul3A_1216 = arith.muli %mul3A_2, %mul3A_1215 : i32
    "tpu.region"() ({
      %run_scoped3A = tpu.sem_alloc : memref<!tpu.dma_semaphore, #tpu.memory_space<semaphore_mem>>
      %dma_start3A_1306 = tpu.memref_slice %arg5[%mul3A_1216] : memref<819200xi32, #tpu.memory_space<hbm>> -> memref<25600xi32, #tpu.memory_space<hbm>>
      %dma_start3A_1307 = tpu.memref_slice %arg5[%mul3A_1216] : memref<819200xi32, #tpu.memory_space<hbm>> -> memref<25600xi32, #tpu.memory_space<hbm>>
      tpu.enqueue_dma source(%dma_start3A_1307 : memref<25600xi32, #tpu.memory_space<hbm>>) target(%arg9 : memref<25600xi32, #tpu.memory_space<vmem>>) target_semaphore(%run_scoped3A : memref<!tpu.dma_semaphore, #tpu.memory_space<semaphore_mem>>)
      %dma_wait3A_1308 = tpu.memref_slice %arg5[%mul3A_1216] : memref<819200xi32, #tpu.memory_space<hbm>> -> memref<25600xi32, #tpu.memory_space<hbm>>
      %dma_wait3A_1309 = tpu.memref_slice %arg5[%mul3A_1216] : memref<819200xi32, #tpu.memory_space<hbm>> -> memref<25600xi32, #tpu.memory_space<hbm>>
      tpu.wait_dma2 semaphore(%run_scoped3A : memref<!tpu.dma_semaphore, #tpu.memory_space<semaphore_mem>>) src(%dma_wait3A_1309 : memref<25600xi32, #tpu.memory_space<hbm>>) dst(%arg9 : memref<25600xi32, #tpu.memory_space<vmem>>)
      tpu.yield
    }) : () -> ()
    %iota3A = tpu.iota {dimensions = array<i32: 0>} : vector<16xi32>
    %mul3A_1217 = arith.constant 50 : i32
    %mul3A_1218 = vector.broadcast %mul3A_1217 : i32 to vector<16xi32>
    %mul3A_1219 = arith.muli %iota3A, %mul3A_1218 : vector<16xi32>
    %parallel_loop3A = arith.constant 4 : i32
    %parallel_loop3A_1220 = arith.constant 104 : i32
    %parallel_loop3A_1221 = arith.constant 1 : i32
    scf.for %parallel_loop3A_1306 = %parallel_loop3A to %parallel_loop3A_1220 step %parallel_loop3A_1221  : i32 {
      %parallel_loop3A_1307 = arith.constant 4 : i32
      %parallel_loop3A_1308 = arith.divsi %parallel_loop3A_1306, %parallel_loop3A_1307 : i32
      %parallel_loop3A_1309 = arith.constant 0 : i32
      %parallel_loop3A_1310 = arith.cmpi sgt, %parallel_loop3A_1306, %parallel_loop3A_1309 : i32
      %parallel_loop3A_1311 = arith.extui %parallel_loop3A_1310 : i1 to i32
      %parallel_loop3A_1312 = arith.constant 0 : i32
      %parallel_loop3A_1313 = arith.cmpi slt, %parallel_loop3A_1306, %parallel_loop3A_1312 : i32
      %parallel_loop3A_1314 = arith.extui %parallel_loop3A_1313 : i1 to i32
      %parallel_loop3A_1315 = arith.subi %parallel_loop3A_1311, %parallel_loop3A_1314 : i32
      %parallel_loop3A_1316 = arith.constant 0 : i32
      %parallel_loop3A_1317 = arith.cmpi sgt, %parallel_loop3A_1307, %parallel_loop3A_1316 : i32
      %parallel_loop3A_1318 = arith.extui %parallel_loop3A_1317 : i1 to i32
      %parallel_loop3A_1319 = arith.constant 0 : i32
      %parallel_loop3A_1320 = arith.cmpi slt, %parallel_loop3A_1307, %parallel_loop3A_1319 : i32
      %parallel_loop3A_1321 = arith.extui %parallel_loop3A_1320 : i1 to i32
      %parallel_loop3A_1322 = arith.subi %parallel_loop3A_1318, %parallel_loop3A_1321 : i32
      %parallel_loop3A_1323 = arith.cmpi ne, %parallel_loop3A_1315, %parallel_loop3A_1322 : i32
      %parallel_loop3A_1324 = arith.remsi %parallel_loop3A_1306, %parallel_loop3A_1307 : i32
      %parallel_loop3A_1325 = arith.constant 0 : i32
      %parallel_loop3A_1326 = arith.cmpi ne, %parallel_loop3A_1324, %parallel_loop3A_1325 : i32
      %parallel_loop3A_1327 = arith.andi %parallel_loop3A_1323, %parallel_loop3A_1326 : i1
      %parallel_loop3A_1328 = arith.constant 1 : i32
      %parallel_loop3A_1329 = arith.subi %parallel_loop3A_1308, %parallel_loop3A_1328 : i32
      %parallel_loop3A_1330 = arith.select %parallel_loop3A_1327, %parallel_loop3A_1329, %parallel_loop3A_1308 : i32
      %parallel_loop3A_1331 = arith.constant 1 : i32
      %parallel_loop3A_1332 = arith.subi %parallel_loop3A_1330, %parallel_loop3A_1331 : i32
      %parallel_loop3A_1333 = arith.constant 4 : i32
      %parallel_loop3A_1334 = arith.constant 0 : i32
      %parallel_loop3A_1335 = arith.cmpi eq, %parallel_loop3A_1333, %parallel_loop3A_1334 : i32
      %parallel_loop3A_1336 = arith.constant 1 : i32
      %parallel_loop3A_1337 = arith.select %parallel_loop3A_1335, %parallel_loop3A_1336, %parallel_loop3A_1333 : i32
      %parallel_loop3A_1338 = arith.remsi %parallel_loop3A_1306, %parallel_loop3A_1337 : i32
      %parallel_loop3A_1339 = arith.constant 0 : i32
      %parallel_loop3A_1340 = arith.cmpi ne, %parallel_loop3A_1338, %parallel_loop3A_1339 : i32
      %parallel_loop3A_1341 = arith.constant 0 : i32
      %parallel_loop3A_1342 = arith.cmpi slt, %parallel_loop3A_1338, %parallel_loop3A_1341 : i32
      %parallel_loop3A_1343 = arith.constant 0 : i32
      %parallel_loop3A_1344 = arith.cmpi slt, %parallel_loop3A_1337, %parallel_loop3A_1343 : i32
      %parallel_loop3A_1345 = arith.xori %parallel_loop3A_1342, %parallel_loop3A_1344 : i1
      %parallel_loop3A_1346 = arith.andi %parallel_loop3A_1345, %parallel_loop3A_1340 : i1
      %parallel_loop3A_1347 = arith.addi %parallel_loop3A_1338, %parallel_loop3A_1337 : i32
      %parallel_loop3A_1348 = arith.select %parallel_loop3A_1346, %parallel_loop3A_1347, %parallel_loop3A_1338 : i32
      %parallel_loop3A_1349 = arith.constant 128 : i32
      %parallel_loop3A_1350 = arith.muli %parallel_loop3A_1348, %parallel_loop3A_1349 : i32
      %parallel_loop3A_1351 = arith.constant 0 : i32
      %parallel_loop3A_1352 = arith.addi %parallel_loop3A_1350, %parallel_loop3A_1351 : i32
      %parallel_loop3A_1353 = arith.constant 50 : i32
      %parallel_loop3A_1354 = arith.muli %parallel_loop3A_1352, %parallel_loop3A_1353 : i32
      %parallel_loop3A_1355 = arith.addi %parallel_loop3A_1354, %parallel_loop3A_1332 : i32
      %parallel_loop3A_1356 = vector.broadcast %parallel_loop3A_1355 : i32 to vector<16xi32>
      %parallel_loop3A_1357 = arith.addi %mul3A_1219, %parallel_loop3A_1356 : vector<16xi32>
      %parallel_loop3A_1358 = tpu.vector_load_idx %arg9[%parallel_loop3A_1357] : memref<25600xi32, #tpu.memory_space<vmem>>[vector<16xi32>], vector<16xi32>,
      %parallel_loop3A_1359 = arith.index_cast %parallel_loop3A_1352 : i32 to index
      %parallel_loop3A_1360 = tpu.vector_load %arg7[%parallel_loop3A_1359] {strides = array<i32>} : memref<512xi32, #tpu.memory_space<vmem>>, vector<16xi32>,
      %parallel_loop3A_1361 = arith.addi %parallel_loop3A_1360, %parallel_loop3A_1358 : vector<16xi32>
      %parallel_loop3A_1362 = arith.constant 7 : i32
      %parallel_loop3A_1363 = vector.broadcast %parallel_loop3A_1362 : i32 to vector<16xi32>
      %parallel_loop3A_1364 = arith.shrsi %parallel_loop3A_1358, %parallel_loop3A_1363 : vector<16xi32>
      %parallel_loop3A_1365 = arith.constant 64384 : i32
      %parallel_loop3A_1366 = vector.broadcast %parallel_loop3A_1365 : i32 to vector<16xi32>
      %parallel_loop3A_1367 = arith.muli %parallel_loop3A_1364, %parallel_loop3A_1366 : vector<16xi32>
      %parallel_loop3A_1368 = arith.addi %parallel_loop3A_1361, %parallel_loop3A_1367 : vector<16xi32>
      %parallel_loop3A_1369 = arith.constant 128 : i32
      %parallel_loop3A_1370 = arith.muli %parallel_loop3A_1306, %parallel_loop3A_1369 : i32
      %parallel_loop3A_1371 = arith.constant 0 : i32
      %parallel_loop3A_1372 = arith.addi %parallel_loop3A_1370, %parallel_loop3A_1371 : i32
      %parallel_loop3A_1373 = arith.index_cast %parallel_loop3A_1372 : i32 to index
      %parallel_loop3A_1374 = tpu.vector_load %arg10[%parallel_loop3A_1373] {strides = array<i32>} : memref<26112xi32, #tpu.memory_space<vmem>>, vector<16xi32>,
      tpu.vector_store %arg10[%parallel_loop3A_1373], %parallel_loop3A_1368 {strides = array<i32>} : memref<26112xi32, #tpu.memory_space<vmem>>, vector<16xi32>,
      %parallel_loop3A_1375 = arith.constant 128 : i32
      %parallel_loop3A_1376 = arith.muli %parallel_loop3A_1348, %parallel_loop3A_1375 : i32
      %parallel_loop3A_1377 = arith.constant 16 : i32
      %parallel_loop3A_1378 = arith.addi %parallel_loop3A_1376, %parallel_loop3A_1377 : i32
      %parallel_loop3A_1379 = arith.constant 50 : i32
      %parallel_loop3A_1380 = arith.muli %parallel_loop3A_1378, %parallel_loop3A_1379 : i32
      %parallel_loop3A_1381 = arith.addi %parallel_loop3A_1380, %parallel_loop3A_1332 : i32
      %parallel_loop3A_1382 = vector.broadcast %parallel_loop3A_1381 : i32 to vector<16xi32>
      %parallel_loop3A_1383 = arith.addi %mul3A_1219, %parallel_loop3A_1382 : vector<16xi32>
      %parallel_loop3A_1384 = tpu.vector_load_idx %arg9[%parallel_loop3A_1383] : memref<25600xi32, #tpu.memory_space<vmem>>[vector<16xi32>], vector<16xi32>,
      %parallel_loop3A_1385 = arith.index_cast %parallel_loop3A_1378 : i32 to index
      %parallel_loop3A_1386 = tpu.vector_load %arg7[%parallel_loop3A_1385] {strides = array<i32>} : memref<512xi32, #tpu.memory_space<vmem>>, vector<16xi32>,
      %parallel_loop3A_1387 = arith.addi %parallel_loop3A_1386, %parallel_loop3A_1384 : vector<16xi32>
      %parallel_loop3A_1388 = arith.constant 7 : i32
      %parallel_loop3A_1389 = vector.broadcast %parallel_loop3A_1388 : i32 to vector<16xi32>
      %parallel_loop3A_1390 = arith.shrsi %parallel_loop3A_1384, %parallel_loop3A_1389 : vector<16xi32>
      %parallel_loop3A_1391 = arith.constant 64384 : i32
      %parallel_loop3A_1392 = vector.broadcast %parallel_loop3A_1391 : i32 to vector<16xi32>
      %parallel_loop3A_1393 = arith.muli %parallel_loop3A_1390, %parallel_loop3A_1392 : vector<16xi32>
      %parallel_loop3A_1394 = arith.addi %parallel_loop3A_1387, %parallel_loop3A_1393 : vector<16xi32>
      %parallel_loop3A_1395 = arith.constant 128 : i32
      %parallel_loop3A_1396 = arith.muli %parallel_loop3A_1306, %parallel_loop3A_1395 : i32
      %parallel_loop3A_1397 = arith.constant 16 : i32
      %parallel_loop3A_1398 = arith.addi %parallel_loop3A_1396, %parallel_loop3A_1397 : i32
      %parallel_loop3A_1399 = arith.index_cast %parallel_loop3A_1398 : i32 to index
      %parallel_loop3A_1400 = tpu.vector_load %arg10[%parallel_loop3A_1399] {strides = array<i32>} : memref<26112xi32, #tpu.memory_space<vmem>>, vector<16xi32>,
      tpu.vector_store %arg10[%parallel_loop3A_1399], %parallel_loop3A_1394 {strides = array<i32>} : memref<26112xi32, #tpu.memory_space<vmem>>, vector<16xi32>,
      %parallel_loop3A_1401 = arith.constant 128 : i32
      %parallel_loop3A_1402 = arith.muli %parallel_loop3A_1348, %parallel_loop3A_1401 : i32
      %parallel_loop3A_1403 = arith.constant 32 : i32
      %parallel_loop3A_1404 = arith.addi %parallel_loop3A_1402, %parallel_loop3A_1403 : i32
      %parallel_loop3A_1405 = arith.constant 50 : i32
      %parallel_loop3A_1406 = arith.muli %parallel_loop3A_1404, %parallel_loop3A_1405 : i32
      %parallel_loop3A_1407 = arith.addi %parallel_loop3A_1406, %parallel_loop3A_1332 : i32
      %parallel_loop3A_1408 = vector.broadcast %parallel_loop3A_1407 : i32 to vector<16xi32>
      %parallel_loop3A_1409 = arith.addi %mul3A_1219, %parallel_loop3A_1408 : vector<16xi32>
      %parallel_loop3A_1410 = tpu.vector_load_idx %arg9[%parallel_loop3A_1409] : memref<25600xi32, #tpu.memory_space<vmem>>[vector<16xi32>], vector<16xi32>,
      %parallel_loop3A_1411 = arith.index_cast %parallel_loop3A_1404 : i32 to index
      %parallel_loop3A_1412 = tpu.vector_load %arg7[%parallel_loop3A_1411] {strides = array<i32>} : memref<512xi32, #tpu.memory_space<vmem>>, vector<16xi32>,
      %parallel_loop3A_1413 = arith.addi %parallel_loop3A_1412, %parallel_loop3A_1410 : vector<16xi32>
      %parallel_loop3A_1414 = arith.constant 7 : i32
      %parallel_loop3A_1415 = vector.broadcast %parallel_loop3A_1414 : i32 to vector<16xi32>
      %parallel_loop3A_1416 = arith.shrsi %parallel_loop3A_1410, %parallel_loop3A_1415 : vector<16xi32>
      %parallel_loop3A_1417 = arith.constant 64384 : i32
      %parallel_loop3A_1418 = vector.broadcast %parallel_loop3A_1417 : i32 to vector<16xi32>
      %parallel_loop3A_1419 = arith.muli %parallel_loop3A_1416, %parallel_loop3A_1418 : vector<16xi32>
      %parallel_loop3A_1420 = arith.addi %parallel_loop3A_1413, %parallel_loop3A_1419 : vector<16xi32>
      %parallel_loop3A_1421 = arith.constant 128 : i32
      %parallel_loop3A_1422 = arith.muli %parallel_loop3A_1306, %parallel_loop3A_1421 : i32
      %parallel_loop3A_1423 = arith.constant 32 : i32
      %parallel_loop3A_1424 = arith.addi %parallel_loop3A_1422, %parallel_loop3A_1423 : i32
      %parallel_loop3A_1425 = arith.index_cast %parallel_loop3A_1424 : i32 to index
      %parallel_loop3A_1426 = tpu.vector_load %arg10[%parallel_loop3A_1425] {strides = array<i32>} : memref<26112xi32, #tpu.memory_space<vmem>>, vector<16xi32>,
      tpu.vector_store %arg10[%parallel_loop3A_1425], %parallel_loop3A_1420 {strides = array<i32>} : memref<26112xi32, #tpu.memory_space<vmem>>, vector<16xi32>,
      %parallel_loop3A_1427 = arith.constant 128 : i32
      %parallel_loop3A_1428 = arith.muli %parallel_loop3A_1348, %parallel_loop3A_1427 : i32
      %parallel_loop3A_1429 = arith.constant 48 : i32
      %parallel_loop3A_1430 = arith.addi %parallel_loop3A_1428, %parallel_loop3A_1429 : i32
      %parallel_loop3A_1431 = arith.constant 50 : i32
      %parallel_loop3A_1432 = arith.muli %parallel_loop3A_1430, %parallel_loop3A_1431 : i32
      %parallel_loop3A_1433 = arith.addi %parallel_loop3A_1432, %parallel_loop3A_1332 : i32
      %parallel_loop3A_1434 = vector.broadcast %parallel_loop3A_1433 : i32 to vector<16xi32>
      %parallel_loop3A_1435 = arith.addi %mul3A_1219, %parallel_loop3A_1434 : vector<16xi32>
      %parallel_loop3A_1436 = tpu.vector_load_idx %arg9[%parallel_loop3A_1435] : memref<25600xi32, #tpu.memory_space<vmem>>[vector<16xi32>], vector<16xi32>,
      %parallel_loop3A_1437 = arith.index_cast %parallel_loop3A_1430 : i32 to index
      %parallel_loop3A_1438 = tpu.vector_load %arg7[%parallel_loop3A_1437] {strides = array<i32>} : memref<512xi32, #tpu.memory_space<vmem>>, vector<16xi32>,
      %parallel_loop3A_1439 = arith.addi %parallel_loop3A_1438, %parallel_loop3A_1436 : vector<16xi32>
      %parallel_loop3A_1440 = arith.constant 7 : i32
      %parallel_loop3A_1441 = vector.broadcast %parallel_loop3A_1440 : i32 to vector<16xi32>
      %parallel_loop3A_1442 = arith.shrsi %parallel_loop3A_1436, %parallel_loop3A_1441 : vector<16xi32>
      %parallel_loop3A_1443 = arith.constant 64384 : i32
      %parallel_loop3A_1444 = vector.broadcast %parallel_loop3A_1443 : i32 to vector<16xi32>
      %parallel_loop3A_1445 = arith.muli %parallel_loop3A_1442, %parallel_loop3A_1444 : vector<16xi32>
      %parallel_loop3A_1446 = arith.addi %parallel_loop3A_1439, %parallel_loop3A_1445 : vector<16xi32>
      %parallel_loop3A_1447 = arith.constant 128 : i32
      %parallel_loop3A_1448 = arith.muli %parallel_loop3A_1306, %parallel_loop3A_1447 : i32
      %parallel_loop3A_1449 = arith.constant 48 : i32
      %parallel_loop3A_1450 = arith.addi %parallel_loop3A_1448, %parallel_loop3A_1449 : i32
      %parallel_loop3A_1451 = arith.index_cast %parallel_loop3A_1450 : i32 to index
      %parallel_loop3A_1452 = tpu.vector_load %arg10[%parallel_loop3A_1451] {strides = array<i32>} : memref<26112xi32, #tpu.memory_space<vmem>>, vector<16xi32>,
      tpu.vector_store %arg10[%parallel_loop3A_1451], %parallel_loop3A_1446 {strides = array<i32>} : memref<26112xi32, #tpu.memory_space<vmem>>, vector<16xi32>,
      %parallel_loop3A_1453 = arith.constant 128 : i32
      %parallel_loop3A_1454 = arith.muli %parallel_loop3A_1348, %parallel_loop3A_1453 : i32
      %parallel_loop3A_1455 = arith.constant 64 : i32
      %parallel_loop3A_1456 = arith.addi %parallel_loop3A_1454, %parallel_loop3A_1455 : i32
      %parallel_loop3A_1457 = arith.constant 50 : i32
      %parallel_loop3A_1458 = arith.muli %parallel_loop3A_1456, %parallel_loop3A_1457 : i32
      %parallel_loop3A_1459 = arith.addi %parallel_loop3A_1458, %parallel_loop3A_1332 : i32
      %parallel_loop3A_1460 = vector.broadcast %parallel_loop3A_1459 : i32 to vector<16xi32>
      %parallel_loop3A_1461 = arith.addi %mul3A_1219, %parallel_loop3A_1460 : vector<16xi32>
      %parallel_loop3A_1462 = tpu.vector_load_idx %arg9[%parallel_loop3A_1461] : memref<25600xi32, #tpu.memory_space<vmem>>[vector<16xi32>], vector<16xi32>,
      %parallel_loop3A_1463 = arith.index_cast %parallel_loop3A_1456 : i32 to index
      %parallel_loop3A_1464 = tpu.vector_load %arg7[%parallel_loop3A_1463] {strides = array<i32>} : memref<512xi32, #tpu.memory_space<vmem>>, vector<16xi32>,
      %parallel_loop3A_1465 = arith.addi %parallel_loop3A_1464, %parallel_loop3A_1462 : vector<16xi32>
      %parallel_loop3A_1466 = arith.constant 7 : i32
      %parallel_loop3A_1467 = vector.broadcast %parallel_loop3A_1466 : i32 to vector<16xi32>
      %parallel_loop3A_1468 = arith.shrsi %parallel_loop3A_1462, %parallel_loop3A_1467 : vector<16xi32>
      %parallel_loop3A_1469 = arith.constant 64384 : i32
      %parallel_loop3A_1470 = vector.broadcast %parallel_loop3A_1469 : i32 to vector<16xi32>
      %parallel_loop3A_1471 = arith.muli %parallel_loop3A_1468, %parallel_loop3A_1470 : vector<16xi32>
      %parallel_loop3A_1472 = arith.addi %parallel_loop3A_1465, %parallel_loop3A_1471 : vector<16xi32>
      %parallel_loop3A_1473 = arith.constant 128 : i32
      %parallel_loop3A_1474 = arith.muli %parallel_loop3A_1306, %parallel_loop3A_1473 : i32
      %parallel_loop3A_1475 = arith.constant 64 : i32
      %parallel_loop3A_1476 = arith.addi %parallel_loop3A_1474, %parallel_loop3A_1475 : i32
      %parallel_loop3A_1477 = arith.index_cast %parallel_loop3A_1476 : i32 to index
      %parallel_loop3A_1478 = tpu.vector_load %arg10[%parallel_loop3A_1477] {strides = array<i32>} : memref<26112xi32, #tpu.memory_space<vmem>>, vector<16xi32>,
      tpu.vector_store %arg10[%parallel_loop3A_1477], %parallel_loop3A_1472 {strides = array<i32>} : memref<26112xi32, #tpu.memory_space<vmem>>, vector<16xi32>,
      %parallel_loop3A_1479 = arith.constant 128 : i32
      %parallel_loop3A_1480 = arith.muli %parallel_loop3A_1348, %parallel_loop3A_1479 : i32
      %parallel_loop3A_1481 = arith.constant 80 : i32
      %parallel_loop3A_1482 = arith.addi %parallel_loop3A_1480, %parallel_loop3A_1481 : i32
      %parallel_loop3A_1483 = arith.constant 50 : i32
      %parallel_loop3A_1484 = arith.muli %parallel_loop3A_1482, %parallel_loop3A_1483 : i32
      %parallel_loop3A_1485 = arith.addi %parallel_loop3A_1484, %parallel_loop3A_1332 : i32
      %parallel_loop3A_1486 = vector.broadcast %parallel_loop3A_1485 : i32 to vector<16xi32>
      %parallel_loop3A_1487 = arith.addi %mul3A_1219, %parallel_loop3A_1486 : vector<16xi32>
      %parallel_loop3A_1488 = tpu.vector_load_idx %arg9[%parallel_loop3A_1487] : memref<25600xi32, #tpu.memory_space<vmem>>[vector<16xi32>], vector<16xi32>,
      %parallel_loop3A_1489 = arith.index_cast %parallel_loop3A_1482 : i32 to index
      %parallel_loop3A_1490 = tpu.vector_load %arg7[%parallel_loop3A_1489] {strides = array<i32>} : memref<512xi32, #tpu.memory_space<vmem>>, vector<16xi32>,
      %parallel_loop3A_1491 = arith.addi %parallel_loop3A_1490, %parallel_loop3A_1488 : vector<16xi32>
      %parallel_loop3A_1492 = arith.constant 7 : i32
      %parallel_loop3A_1493 = vector.broadcast %parallel_loop3A_1492 : i32 to vector<16xi32>
      %parallel_loop3A_1494 = arith.shrsi %parallel_loop3A_1488, %parallel_loop3A_1493 : vector<16xi32>
      %parallel_loop3A_1495 = arith.constant 64384 : i32
      %parallel_loop3A_1496 = vector.broadcast %parallel_loop3A_1495 : i32 to vector<16xi32>
      %parallel_loop3A_1497 = arith.muli %parallel_loop3A_1494, %parallel_loop3A_1496 : vector<16xi32>
      %parallel_loop3A_1498 = arith.addi %parallel_loop3A_1491, %parallel_loop3A_1497 : vector<16xi32>
      %parallel_loop3A_1499 = arith.constant 128 : i32
      %parallel_loop3A_1500 = arith.muli %parallel_loop3A_1306, %parallel_loop3A_1499 : i32
      %parallel_loop3A_1501 = arith.constant 80 : i32
      %parallel_loop3A_1502 = arith.addi %parallel_loop3A_1500, %parallel_loop3A_1501 : i32
      %parallel_loop3A_1503 = arith.index_cast %parallel_loop3A_1502 : i32 to index
      %parallel_loop3A_1504 = tpu.vector_load %arg10[%parallel_loop3A_1503] {strides = array<i32>} : memref<26112xi32, #tpu.memory_space<vmem>>, vector<16xi32>,
      tpu.vector_store %arg10[%parallel_loop3A_1503], %parallel_loop3A_1498 {strides = array<i32>} : memref<26112xi32, #tpu.memory_space<vmem>>, vector<16xi32>,
      %parallel_loop3A_1505 = arith.constant 128 : i32
      %parallel_loop3A_1506 = arith.muli %parallel_loop3A_1348, %parallel_loop3A_1505 : i32
      %parallel_loop3A_1507 = arith.constant 96 : i32
      %parallel_loop3A_1508 = arith.addi %parallel_loop3A_1506, %parallel_loop3A_1507 : i32
      %parallel_loop3A_1509 = arith.constant 50 : i32
      %parallel_loop3A_1510 = arith.muli %parallel_loop3A_1508, %parallel_loop3A_1509 : i32
      %parallel_loop3A_1511 = arith.addi %parallel_loop3A_1510, %parallel_loop3A_1332 : i32
      %parallel_loop3A_1512 = vector.broadcast %parallel_loop3A_1511 : i32 to vector<16xi32>
      %parallel_loop3A_1513 = arith.addi %mul3A_1219, %parallel_loop3A_1512 : vector<16xi32>
      %parallel_loop3A_1514 = tpu.vector_load_idx %arg9[%parallel_loop3A_1513] : memref<25600xi32, #tpu.memory_space<vmem>>[vector<16xi32>], vector<16xi32>,
      %parallel_loop3A_1515 = arith.index_cast %parallel_loop3A_1508 : i32 to index
      %parallel_loop3A_1516 = tpu.vector_load %arg7[%parallel_loop3A_1515] {strides = array<i32>} : memref<512xi32, #tpu.memory_space<vmem>>, vector<16xi32>,
      %parallel_loop3A_1517 = arith.addi %parallel_loop3A_1516, %parallel_loop3A_1514 : vector<16xi32>
      %parallel_loop3A_1518 = arith.constant 7 : i32
      %parallel_loop3A_1519 = vector.broadcast %parallel_loop3A_1518 : i32 to vector<16xi32>
      %parallel_loop3A_1520 = arith.shrsi %parallel_loop3A_1514, %parallel_loop3A_1519 : vector<16xi32>
      %parallel_loop3A_1521 = arith.constant 64384 : i32
      %parallel_loop3A_1522 = vector.broadcast %parallel_loop3A_1521 : i32 to vector<16xi32>
      %parallel_loop3A_1523 = arith.muli %parallel_loop3A_1520, %parallel_loop3A_1522 : vector<16xi32>
      %parallel_loop3A_1524 = arith.addi %parallel_loop3A_1517, %parallel_loop3A_1523 : vector<16xi32>
      %parallel_loop3A_1525 = arith.constant 128 : i32
      %parallel_loop3A_1526 = arith.muli %parallel_loop3A_1306, %parallel_loop3A_1525 : i32
      %parallel_loop3A_1527 = arith.constant 96 : i32
      %parallel_loop3A_1528 = arith.addi %parallel_loop3A_1526, %parallel_loop3A_1527 : i32
      %parallel_loop3A_1529 = arith.index_cast %parallel_loop3A_1528 : i32 to index
      %parallel_loop3A_1530 = tpu.vector_load %arg10[%parallel_loop3A_1529] {strides = array<i32>} : memref<26112xi32, #tpu.memory_space<vmem>>, vector<16xi32>,
      tpu.vector_store %arg10[%parallel_loop3A_1529], %parallel_loop3A_1524 {strides = array<i32>} : memref<26112xi32, #tpu.memory_space<vmem>>, vector<16xi32>,
      %parallel_loop3A_1531 = arith.constant 128 : i32
      %parallel_loop3A_1532 = arith.muli %parallel_loop3A_1348, %parallel_loop3A_1531 : i32
      %parallel_loop3A_1533 = arith.constant 112 : i32
      %parallel_loop3A_1534 = arith.addi %parallel_loop3A_1532, %parallel_loop3A_1533 : i32
      %parallel_loop3A_1535 = arith.constant 50 : i32
      %parallel_loop3A_1536 = arith.muli %parallel_loop3A_1534, %parallel_loop3A_1535 : i32
      %parallel_loop3A_1537 = arith.addi %parallel_loop3A_1536, %parallel_loop3A_1332 : i32
      %parallel_loop3A_1538 = vector.broadcast %parallel_loop3A_1537 : i32 to vector<16xi32>
      %parallel_loop3A_1539 = arith.addi %mul3A_1219, %parallel_loop3A_1538 : vector<16xi32>
      %parallel_loop3A_1540 = tpu.vector_load_idx %arg9[%parallel_loop3A_1539] : memref<25600xi32, #tpu.memory_space<vmem>>[vector<16xi32>], vector<16xi32>,
      %parallel_loop3A_1541 = arith.index_cast %parallel_loop3A_1534 : i32 to index
      %parallel_loop3A_1542 = tpu.vector_load %arg7[%parallel_loop3A_1541] {strides = array<i32>} : memref<512xi32, #tpu.memory_space<vmem>>, vector<16xi32>,
      %parallel_loop3A_1543 = arith.addi %parallel_loop3A_1542, %parallel_loop3A_1540 : vector<16xi32>
      %parallel_loop3A_1544 = arith.constant 7 : i32
      %parallel_loop3A_1545 = vector.broadcast %parallel_loop3A_1544 : i32 to vector<16xi32>
      %parallel_loop3A_1546 = arith.shrsi %parallel_loop3A_1540, %parallel_loop3A_1545 : vector<16xi32>
      %parallel_loop3A_1547 = arith.constant 64384 : i32
      %parallel_loop3A_1548 = vector.broadcast %parallel_loop3A_1547 : i32 to vector<16xi32>
      %parallel_loop3A_1549 = arith.muli %parallel_loop3A_1546, %parallel_loop3A_1548 : vector<16xi32>
      %parallel_loop3A_1550 = arith.addi %parallel_loop3A_1543, %parallel_loop3A_1549 : vector<16xi32>
      %parallel_loop3A_1551 = arith.constant 128 : i32
      %parallel_loop3A_1552 = arith.muli %parallel_loop3A_1306, %parallel_loop3A_1551 : i32
      %parallel_loop3A_1553 = arith.constant 112 : i32
      %parallel_loop3A_1554 = arith.addi %parallel_loop3A_1552, %parallel_loop3A_1553 : i32
      %parallel_loop3A_1555 = arith.index_cast %parallel_loop3A_1554 : i32 to index
      %parallel_loop3A_1556 = tpu.vector_load %arg10[%parallel_loop3A_1555] {strides = array<i32>} : memref<26112xi32, #tpu.memory_space<vmem>>, vector<16xi32>,
      tpu.vector_store %arg10[%parallel_loop3A_1555], %parallel_loop3A_1550 {strides = array<i32>} : memref<26112xi32, #tpu.memory_space<vmem>>, vector<16xi32>,
    } {sc.loop_unroll_factor = 1 : i64, sc.parallel_access}
    %dma_wait3A = tpu.memref_slice %arg12[%mul3A_6] : memref<516096xi32, #tpu.memory_space<vmem_shared>> -> memref<32256xi32, #tpu.memory_space<vmem_shared>>
    %dma_wait3A_1222 = tpu.memref_slice %arg2[%mul3A_4] : memref<516096xi32, #tpu.memory_space<hbm>> -> memref<32256xi32, #tpu.memory_space<hbm>>
    tpu.wait_dma2 semaphore(%arg15 : memref<!tpu.dma_semaphore, #tpu.memory_space<semaphore_mem>>) src(%dma_wait3A_1222 : memref<32256xi32, #tpu.memory_space<hbm>>) dst(%dma_wait3A : memref<32256xi32, #tpu.memory_space<vmem_shared>>)
    %barrier3A = arith.constant 0 : index
    tpu.barrier barrier_id(%barrier3A)
    %dma_start3A_1223 = arith.constant 0 : i32
    %dma_start3A_1224 = tpu.memref_slice %arg11[%dma_start3A_1223] : memref<26112xi32, #tpu.memory_space<vmem>> -> memref<13312xi32, #tpu.memory_space<vmem>>
    %dma_start3A_1225 = arith.constant 0 : i32
    %dma_start3A_1226 = tpu.memref_slice %arg10[%dma_start3A_1225] : memref<26112xi32, #tpu.memory_space<vmem>> -> memref<13312xi32, #tpu.memory_space<vmem>>
    %dma_start3A_1227 = arith.constant 0 : i32
    %dma_start3A_1228 = tpu.memref_slice %arg12[%dma_start3A_1227] : memref<516096xi32, #tpu.memory_space<vmem_shared>> -> memref<516096xi32, #tpu.memory_space<vmem_shared>>
    tpu.enqueue_indirect_dma source(%dma_start3A_1228 : memref<516096xi32, #tpu.memory_space<vmem_shared>>) target(%dma_start3A_1224 : memref<13312xi32, #tpu.memory_space<vmem>>) offsets(%dma_start3A_1226 : memref<13312xi32, #tpu.memory_space<vmem>>) semaphore(%arg13 : memref<!tpu.dma_semaphore, #tpu.memory_space<semaphore_mem>>)
    %parallel_loop3A_1229 = arith.constant 104 : i32
    %parallel_loop3A_1230 = arith.constant 204 : i32
    %parallel_loop3A_1231 = arith.constant 1 : i32
    scf.for %parallel_loop3A_1306 = %parallel_loop3A_1229 to %parallel_loop3A_1230 step %parallel_loop3A_1231  : i32 {
      %parallel_loop3A_1307 = arith.constant 4 : i32
      %parallel_loop3A_1308 = arith.divsi %parallel_loop3A_1306, %parallel_loop3A_1307 : i32
      %parallel_loop3A_1309 = arith.constant 0 : i32
      %parallel_loop3A_1310 = arith.cmpi sgt, %parallel_loop3A_1306, %parallel_loop3A_1309 : i32
      %parallel_loop3A_1311 = arith.extui %parallel_loop3A_1310 : i1 to i32
      %parallel_loop3A_1312 = arith.constant 0 : i32
      %parallel_loop3A_1313 = arith.cmpi slt, %parallel_loop3A_1306, %parallel_loop3A_1312 : i32
      %parallel_loop3A_1314 = arith.extui %parallel_loop3A_1313 : i1 to i32
      %parallel_loop3A_1315 = arith.subi %parallel_loop3A_1311, %parallel_loop3A_1314 : i32
      %parallel_loop3A_1316 = arith.constant 0 : i32
      %parallel_loop3A_1317 = arith.cmpi sgt, %parallel_loop3A_1307, %parallel_loop3A_1316 : i32
      %parallel_loop3A_1318 = arith.extui %parallel_loop3A_1317 : i1 to i32
      %parallel_loop3A_1319 = arith.constant 0 : i32
      %parallel_loop3A_1320 = arith.cmpi slt, %parallel_loop3A_1307, %parallel_loop3A_1319 : i32
      %parallel_loop3A_1321 = arith.extui %parallel_loop3A_1320 : i1 to i32
      %parallel_loop3A_1322 = arith.subi %parallel_loop3A_1318, %parallel_loop3A_1321 : i32
      %parallel_loop3A_1323 = arith.cmpi ne, %parallel_loop3A_1315, %parallel_loop3A_1322 : i32
      %parallel_loop3A_1324 = arith.remsi %parallel_loop3A_1306, %parallel_loop3A_1307 : i32
      %parallel_loop3A_1325 = arith.constant 0 : i32
      %parallel_loop3A_1326 = arith.cmpi ne, %parallel_loop3A_1324, %parallel_loop3A_1325 : i32
      %parallel_loop3A_1327 = arith.andi %parallel_loop3A_1323, %parallel_loop3A_1326 : i1
      %parallel_loop3A_1328 = arith.constant 1 : i32
      %parallel_loop3A_1329 = arith.subi %parallel_loop3A_1308, %parallel_loop3A_1328 : i32
      %parallel_loop3A_1330 = arith.select %parallel_loop3A_1327, %parallel_loop3A_1329, %parallel_loop3A_1308 : i32
      %parallel_loop3A_1331 = arith.constant 1 : i32
      %parallel_loop3A_1332 = arith.subi %parallel_loop3A_1330, %parallel_loop3A_1331 : i32
      %parallel_loop3A_1333 = arith.constant 4 : i32
      %parallel_loop3A_1334 = arith.constant 0 : i32
      %parallel_loop3A_1335 = arith.cmpi eq, %parallel_loop3A_1333, %parallel_loop3A_1334 : i32
      %parallel_loop3A_1336 = arith.constant 1 : i32
      %parallel_loop3A_1337 = arith.select %parallel_loop3A_1335, %parallel_loop3A_1336, %parallel_loop3A_1333 : i32
      %parallel_loop3A_1338 = arith.remsi %parallel_loop3A_1306, %parallel_loop3A_1337 : i32
      %parallel_loop3A_1339 = arith.constant 0 : i32
      %parallel_loop3A_1340 = arith.cmpi ne, %parallel_loop3A_1338, %parallel_loop3A_1339 : i32
      %parallel_loop3A_1341 = arith.constant 0 : i32
      %parallel_loop3A_1342 = arith.cmpi slt, %parallel_loop3A_1338, %parallel_loop3A_1341 : i32
      %parallel_loop3A_1343 = arith.constant 0 : i32
      %parallel_loop3A_1344 = arith.cmpi slt, %parallel_loop3A_1337, %parallel_loop3A_1343 : i32
      %parallel_loop3A_1345 = arith.xori %parallel_loop3A_1342, %parallel_loop3A_1344 : i1
      %parallel_loop3A_1346 = arith.andi %parallel_loop3A_1345, %parallel_loop3A_1340 : i1
      %parallel_loop3A_1347 = arith.addi %parallel_loop3A_1338, %parallel_loop3A_1337 : i32
      %parallel_loop3A_1348 = arith.select %parallel_loop3A_1346, %parallel_loop3A_1347, %parallel_loop3A_1338 : i32
      %parallel_loop3A_1349 = arith.constant 128 : i32
      %parallel_loop3A_1350 = arith.muli %parallel_loop3A_1348, %parallel_loop3A_1349 : i32
      %parallel_loop3A_1351 = arith.constant 0 : i32
      %parallel_loop3A_1352 = arith.addi %parallel_loop3A_1350, %parallel_loop3A_1351 : i32
      %parallel_loop3A_1353 = arith.constant 50 : i32
      %parallel_loop3A_1354 = arith.muli %parallel_loop3A_1352, %parallel_loop3A_1353 : i32
      %parallel_loop3A_1355 = arith.addi %parallel_loop3A_1354, %parallel_loop3A_1332 : i32
      %parallel_loop3A_1356 = vector.broadcast %parallel_loop3A_1355 : i32 to vector<16xi32>
      %parallel_loop3A_1357 = arith.addi %mul3A_1219, %parallel_loop3A_1356 : vector<16xi32>
      %parallel_loop3A_1358 = tpu.vector_load_idx %arg9[%parallel_loop3A_1357] : memref<25600xi32, #tpu.memory_space<vmem>>[vector<16xi32>], vector<16xi32>,
      %parallel_loop3A_1359 = arith.index_cast %parallel_loop3A_1352 : i32 to index
      %parallel_loop3A_1360 = tpu.vector_load %arg7[%parallel_loop3A_1359] {strides = array<i32>} : memref<512xi32, #tpu.memory_space<vmem>>, vector<16xi32>,
      %parallel_loop3A_1361 = arith.addi %parallel_loop3A_1360, %parallel_loop3A_1358 : vector<16xi32>
      %parallel_loop3A_1362 = arith.constant 7 : i32
      %parallel_loop3A_1363 = vector.broadcast %parallel_loop3A_1362 : i32 to vector<16xi32>
      %parallel_loop3A_1364 = arith.shrsi %parallel_loop3A_1358, %parallel_loop3A_1363 : vector<16xi32>
      %parallel_loop3A_1365 = arith.constant 64384 : i32
      %parallel_loop3A_1366 = vector.broadcast %parallel_loop3A_1365 : i32 to vector<16xi32>
      %parallel_loop3A_1367 = arith.muli %parallel_loop3A_1364, %parallel_loop3A_1366 : vector<16xi32>
      %parallel_loop3A_1368 = arith.addi %parallel_loop3A_1361, %parallel_loop3A_1367 : vector<16xi32>
      %parallel_loop3A_1369 = arith.constant 128 : i32
      %parallel_loop3A_1370 = arith.muli %parallel_loop3A_1306, %parallel_loop3A_1369 : i32
      %parallel_loop3A_1371 = arith.constant 0 : i32
      %parallel_loop3A_1372 = arith.addi %parallel_loop3A_1370, %parallel_loop3A_1371 : i32
      %parallel_loop3A_1373 = arith.index_cast %parallel_loop3A_1372 : i32 to index
      %parallel_loop3A_1374 = tpu.vector_load %arg10[%parallel_loop3A_1373] {strides = array<i32>} : memref<26112xi32, #tpu.memory_space<vmem>>, vector<16xi32>,
      tpu.vector_store %arg10[%parallel_loop3A_1373], %parallel_loop3A_1368 {strides = array<i32>} : memref<26112xi32, #tpu.memory_space<vmem>>, vector<16xi32>,
      %parallel_loop3A_1375 = arith.constant 128 : i32
      %parallel_loop3A_1376 = arith.muli %parallel_loop3A_1348, %parallel_loop3A_1375 : i32
      %parallel_loop3A_1377 = arith.constant 16 : i32
      %parallel_loop3A_1378 = arith.addi %parallel_loop3A_1376, %parallel_loop3A_1377 : i32
      %parallel_loop3A_1379 = arith.constant 50 : i32
      %parallel_loop3A_1380 = arith.muli %parallel_loop3A_1378, %parallel_loop3A_1379 : i32
      %parallel_loop3A_1381 = arith.addi %parallel_loop3A_1380, %parallel_loop3A_1332 : i32
      %parallel_loop3A_1382 = vector.broadcast %parallel_loop3A_1381 : i32 to vector<16xi32>
      %parallel_loop3A_1383 = arith.addi %mul3A_1219, %parallel_loop3A_1382 : vector<16xi32>
      %parallel_loop3A_1384 = tpu.vector_load_idx %arg9[%parallel_loop3A_1383] : memref<25600xi32, #tpu.memory_space<vmem>>[vector<16xi32>], vector<16xi32>,
      %parallel_loop3A_1385 = arith.index_cast %parallel_loop3A_1378 : i32 to index
      %parallel_loop3A_1386 = tpu.vector_load %arg7[%parallel_loop3A_1385] {strides = array<i32>} : memref<512xi32, #tpu.memory_space<vmem>>, vector<16xi32>,
      %parallel_loop3A_1387 = arith.addi %parallel_loop3A_1386, %parallel_loop3A_1384 : vector<16xi32>
      %parallel_loop3A_1388 = arith.constant 7 : i32
      %parallel_loop3A_1389 = vector.broadcast %parallel_loop3A_1388 : i32 to vector<16xi32>
      %parallel_loop3A_1390 = arith.shrsi %parallel_loop3A_1384, %parallel_loop3A_1389 : vector<16xi32>
      %parallel_loop3A_1391 = arith.constant 64384 : i32
      %parallel_loop3A_1392 = vector.broadcast %parallel_loop3A_1391 : i32 to vector<16xi32>
      %parallel_loop3A_1393 = arith.muli %parallel_loop3A_1390, %parallel_loop3A_1392 : vector<16xi32>
      %parallel_loop3A_1394 = arith.addi %parallel_loop3A_1387, %parallel_loop3A_1393 : vector<16xi32>
      %parallel_loop3A_1395 = arith.constant 128 : i32
      %parallel_loop3A_1396 = arith.muli %parallel_loop3A_1306, %parallel_loop3A_1395 : i32
      %parallel_loop3A_1397 = arith.constant 16 : i32
      %parallel_loop3A_1398 = arith.addi %parallel_loop3A_1396, %parallel_loop3A_1397 : i32
      %parallel_loop3A_1399 = arith.index_cast %parallel_loop3A_1398 : i32 to index
      %parallel_loop3A_1400 = tpu.vector_load %arg10[%parallel_loop3A_1399] {strides = array<i32>} : memref<26112xi32, #tpu.memory_space<vmem>>, vector<16xi32>,
      tpu.vector_store %arg10[%parallel_loop3A_1399], %parallel_loop3A_1394 {strides = array<i32>} : memref<26112xi32, #tpu.memory_space<vmem>>, vector<16xi32>,
      %parallel_loop3A_1401 = arith.constant 128 : i32
      %parallel_loop3A_1402 = arith.muli %parallel_loop3A_1348, %parallel_loop3A_1401 : i32
      %parallel_loop3A_1403 = arith.constant 32 : i32
      %parallel_loop3A_1404 = arith.addi %parallel_loop3A_1402, %parallel_loop3A_1403 : i32
      %parallel_loop3A_1405 = arith.constant 50 : i32
      %parallel_loop3A_1406 = arith.muli %parallel_loop3A_1404, %parallel_loop3A_1405 : i32
      %parallel_loop3A_1407 = arith.addi %parallel_loop3A_1406, %parallel_loop3A_1332 : i32
      %parallel_loop3A_1408 = vector.broadcast %parallel_loop3A_1407 : i32 to vector<16xi32>
      %parallel_loop3A_1409 = arith.addi %mul3A_1219, %parallel_loop3A_1408 : vector<16xi32>
      %parallel_loop3A_1410 = tpu.vector_load_idx %arg9[%parallel_loop3A_1409] : memref<25600xi32, #tpu.memory_space<vmem>>[vector<16xi32>], vector<16xi32>,
      %parallel_loop3A_1411 = arith.index_cast %parallel_loop3A_1404 : i32 to index
      %parallel_loop3A_1412 = tpu.vector_load %arg7[%parallel_loop3A_1411] {strides = array<i32>} : memref<512xi32, #tpu.memory_space<vmem>>, vector<16xi32>,
      %parallel_loop3A_1413 = arith.addi %parallel_loop3A_1412, %parallel_loop3A_1410 : vector<16xi32>
      %parallel_loop3A_1414 = arith.constant 7 : i32
      %parallel_loop3A_1415 = vector.broadcast %parallel_loop3A_1414 : i32 to vector<16xi32>
      %parallel_loop3A_1416 = arith.shrsi %parallel_loop3A_1410, %parallel_loop3A_1415 : vector<16xi32>
      %parallel_loop3A_1417 = arith.constant 64384 : i32
      %parallel_loop3A_1418 = vector.broadcast %parallel_loop3A_1417 : i32 to vector<16xi32>
      %parallel_loop3A_1419 = arith.muli %parallel_loop3A_1416, %parallel_loop3A_1418 : vector<16xi32>
      %parallel_loop3A_1420 = arith.addi %parallel_loop3A_1413, %parallel_loop3A_1419 : vector<16xi32>
      %parallel_loop3A_1421 = arith.constant 128 : i32
      %parallel_loop3A_1422 = arith.muli %parallel_loop3A_1306, %parallel_loop3A_1421 : i32
      %parallel_loop3A_1423 = arith.constant 32 : i32
      %parallel_loop3A_1424 = arith.addi %parallel_loop3A_1422, %parallel_loop3A_1423 : i32
      %parallel_loop3A_1425 = arith.index_cast %parallel_loop3A_1424 : i32 to index
      %parallel_loop3A_1426 = tpu.vector_load %arg10[%parallel_loop3A_1425] {strides = array<i32>} : memref<26112xi32, #tpu.memory_space<vmem>>, vector<16xi32>,
      tpu.vector_store %arg10[%parallel_loop3A_1425], %parallel_loop3A_1420 {strides = array<i32>} : memref<26112xi32, #tpu.memory_space<vmem>>, vector<16xi32>,
      %parallel_loop3A_1427 = arith.constant 128 : i32
      %parallel_loop3A_1428 = arith.muli %parallel_loop3A_1348, %parallel_loop3A_1427 : i32
      %parallel_loop3A_1429 = arith.constant 48 : i32
      %parallel_loop3A_1430 = arith.addi %parallel_loop3A_1428, %parallel_loop3A_1429 : i32
      %parallel_loop3A_1431 = arith.constant 50 : i32
      %parallel_loop3A_1432 = arith.muli %parallel_loop3A_1430, %parallel_loop3A_1431 : i32
      %parallel_loop3A_1433 = arith.addi %parallel_loop3A_1432, %parallel_loop3A_1332 : i32
      %parallel_loop3A_1434 = vector.broadcast %parallel_loop3A_1433 : i32 to vector<16xi32>
      %parallel_loop3A_1435 = arith.addi %mul3A_1219, %parallel_loop3A_1434 : vector<16xi32>
      %parallel_loop3A_1436 = tpu.vector_load_idx %arg9[%parallel_loop3A_1435] : memref<25600xi32, #tpu.memory_space<vmem>>[vector<16xi32>], vector<16xi32>,
      %parallel_loop3A_1437 = arith.index_cast %parallel_loop3A_1430 : i32 to index
      %parallel_loop3A_1438 = tpu.vector_load %arg7[%parallel_loop3A_1437] {strides = array<i32>} : memref<512xi32, #tpu.memory_space<vmem>>, vector<16xi32>,
      %parallel_loop3A_1439 = arith.addi %parallel_loop3A_1438, %parallel_loop3A_1436 : vector<16xi32>
      %parallel_loop3A_1440 = arith.constant 7 : i32
      %parallel_loop3A_1441 = vector.broadcast %parallel_loop3A_1440 : i32 to vector<16xi32>
      %parallel_loop3A_1442 = arith.shrsi %parallel_loop3A_1436, %parallel_loop3A_1441 : vector<16xi32>
      %parallel_loop3A_1443 = arith.constant 64384 : i32
      %parallel_loop3A_1444 = vector.broadcast %parallel_loop3A_1443 : i32 to vector<16xi32>
      %parallel_loop3A_1445 = arith.muli %parallel_loop3A_1442, %parallel_loop3A_1444 : vector<16xi32>
      %parallel_loop3A_1446 = arith.addi %parallel_loop3A_1439, %parallel_loop3A_1445 : vector<16xi32>
      %parallel_loop3A_1447 = arith.constant 128 : i32
      %parallel_loop3A_1448 = arith.muli %parallel_loop3A_1306, %parallel_loop3A_1447 : i32
      %parallel_loop3A_1449 = arith.constant 48 : i32
      %parallel_loop3A_1450 = arith.addi %parallel_loop3A_1448, %parallel_loop3A_1449 : i32
      %parallel_loop3A_1451 = arith.index_cast %parallel_loop3A_1450 : i32 to index
      %parallel_loop3A_1452 = tpu.vector_load %arg10[%parallel_loop3A_1451] {strides = array<i32>} : memref<26112xi32, #tpu.memory_space<vmem>>, vector<16xi32>,
      tpu.vector_store %arg10[%parallel_loop3A_1451], %parallel_loop3A_1446 {strides = array<i32>} : memref<26112xi32, #tpu.memory_space<vmem>>, vector<16xi32>,
      %parallel_loop3A_1453 = arith.constant 128 : i32
      %parallel_loop3A_1454 = arith.muli %parallel_loop3A_1348, %parallel_loop3A_1453 : i32
      %parallel_loop3A_1455 = arith.constant 64 : i32
      %parallel_loop3A_1456 = arith.addi %parallel_loop3A_1454, %parallel_loop3A_1455 : i32
      %parallel_loop3A_1457 = arith.constant 50 : i32
      %parallel_loop3A_1458 = arith.muli %parallel_loop3A_1456, %parallel_loop3A_1457 : i32
      %parallel_loop3A_1459 = arith.addi %parallel_loop3A_1458, %parallel_loop3A_1332 : i32
      %parallel_loop3A_1460 = vector.broadcast %parallel_loop3A_1459 : i32 to vector<16xi32>
      %parallel_loop3A_1461 = arith.addi %mul3A_1219, %parallel_loop3A_1460 : vector<16xi32>
      %parallel_loop3A_1462 = tpu.vector_load_idx %arg9[%parallel_loop3A_1461] : memref<25600xi32, #tpu.memory_space<vmem>>[vector<16xi32>], vector<16xi32>,
      %parallel_loop3A_1463 = arith.index_cast %parallel_loop3A_1456 : i32 to index
      %parallel_loop3A_1464 = tpu.vector_load %arg7[%parallel_loop3A_1463] {strides = array<i32>} : memref<512xi32, #tpu.memory_space<vmem>>, vector<16xi32>,
      %parallel_loop3A_1465 = arith.addi %parallel_loop3A_1464, %parallel_loop3A_1462 : vector<16xi32>
      %parallel_loop3A_1466 = arith.constant 7 : i32
      %parallel_loop3A_1467 = vector.broadcast %parallel_loop3A_1466 : i32 to vector<16xi32>
      %parallel_loop3A_1468 = arith.shrsi %parallel_loop3A_1462, %parallel_loop3A_1467 : vector<16xi32>
      %parallel_loop3A_1469 = arith.constant 64384 : i32
      %parallel_loop3A_1470 = vector.broadcast %parallel_loop3A_1469 : i32 to vector<16xi32>
      %parallel_loop3A_1471 = arith.muli %parallel_loop3A_1468, %parallel_loop3A_1470 : vector<16xi32>
      %parallel_loop3A_1472 = arith.addi %parallel_loop3A_1465, %parallel_loop3A_1471 : vector<16xi32>
      %parallel_loop3A_1473 = arith.constant 128 : i32
      %parallel_loop3A_1474 = arith.muli %parallel_loop3A_1306, %parallel_loop3A_1473 : i32
      %parallel_loop3A_1475 = arith.constant 64 : i32
      %parallel_loop3A_1476 = arith.addi %parallel_loop3A_1474, %parallel_loop3A_1475 : i32
      %parallel_loop3A_1477 = arith.index_cast %parallel_loop3A_1476 : i32 to index
      %parallel_loop3A_1478 = tpu.vector_load %arg10[%parallel_loop3A_1477] {strides = array<i32>} : memref<26112xi32, #tpu.memory_space<vmem>>, vector<16xi32>,
      tpu.vector_store %arg10[%parallel_loop3A_1477], %parallel_loop3A_1472 {strides = array<i32>} : memref<26112xi32, #tpu.memory_space<vmem>>, vector<16xi32>,
      %parallel_loop3A_1479 = arith.constant 128 : i32
      %parallel_loop3A_1480 = arith.muli %parallel_loop3A_1348, %parallel_loop3A_1479 : i32
      %parallel_loop3A_1481 = arith.constant 80 : i32
      %parallel_loop3A_1482 = arith.addi %parallel_loop3A_1480, %parallel_loop3A_1481 : i32
      %parallel_loop3A_1483 = arith.constant 50 : i32
      %parallel_loop3A_1484 = arith.muli %parallel_loop3A_1482, %parallel_loop3A_1483 : i32
      %parallel_loop3A_1485 = arith.addi %parallel_loop3A_1484, %parallel_loop3A_1332 : i32
      %parallel_loop3A_1486 = vector.broadcast %parallel_loop3A_1485 : i32 to vector<16xi32>
      %parallel_loop3A_1487 = arith.addi %mul3A_1219, %parallel_loop3A_1486 : vector<16xi32>
      %parallel_loop3A_1488 = tpu.vector_load_idx %arg9[%parallel_loop3A_1487] : memref<25600xi32, #tpu.memory_space<vmem>>[vector<16xi32>], vector<16xi32>,
      %parallel_loop3A_1489 = arith.index_cast %parallel_loop3A_1482 : i32 to index
      %parallel_loop3A_1490 = tpu.vector_load %arg7[%parallel_loop3A_1489] {strides = array<i32>} : memref<512xi32, #tpu.memory_space<vmem>>, vector<16xi32>,
      %parallel_loop3A_1491 = arith.addi %parallel_loop3A_1490, %parallel_loop3A_1488 : vector<16xi32>
      %parallel_loop3A_1492 = arith.constant 7 : i32
      %parallel_loop3A_1493 = vector.broadcast %parallel_loop3A_1492 : i32 to vector<16xi32>
      %parallel_loop3A_1494 = arith.shrsi %parallel_loop3A_1488, %parallel_loop3A_1493 : vector<16xi32>
      %parallel_loop3A_1495 = arith.constant 64384 : i32
      %parallel_loop3A_1496 = vector.broadcast %parallel_loop3A_1495 : i32 to vector<16xi32>
      %parallel_loop3A_1497 = arith.muli %parallel_loop3A_1494, %parallel_loop3A_1496 : vector<16xi32>
      %parallel_loop3A_1498 = arith.addi %parallel_loop3A_1491, %parallel_loop3A_1497 : vector<16xi32>
      %parallel_loop3A_1499 = arith.constant 128 : i32
      %parallel_loop3A_1500 = arith.muli %parallel_loop3A_1306, %parallel_loop3A_1499 : i32
      %parallel_loop3A_1501 = arith.constant 80 : i32
      %parallel_loop3A_1502 = arith.addi %parallel_loop3A_1500, %parallel_loop3A_1501 : i32
      %parallel_loop3A_1503 = arith.index_cast %parallel_loop3A_1502 : i32 to index
      %parallel_loop3A_1504 = tpu.vector_load %arg10[%parallel_loop3A_1503] {strides = array<i32>} : memref<26112xi32, #tpu.memory_space<vmem>>, vector<16xi32>,
      tpu.vector_store %arg10[%parallel_loop3A_1503], %parallel_loop3A_1498 {strides = array<i32>} : memref<26112xi32, #tpu.memory_space<vmem>>, vector<16xi32>,
      %parallel_loop3A_1505 = arith.constant 128 : i32
      %parallel_loop3A_1506 = arith.muli %parallel_loop3A_1348, %parallel_loop3A_1505 : i32
      %parallel_loop3A_1507 = arith.constant 96 : i32
      %parallel_loop3A_1508 = arith.addi %parallel_loop3A_1506, %parallel_loop3A_1507 : i32
      %parallel_loop3A_1509 = arith.constant 50 : i32
      %parallel_loop3A_1510 = arith.muli %parallel_loop3A_1508, %parallel_loop3A_1509 : i32
      %parallel_loop3A_1511 = arith.addi %parallel_loop3A_1510, %parallel_loop3A_1332 : i32
      %parallel_loop3A_1512 = vector.broadcast %parallel_loop3A_1511 : i32 to vector<16xi32>
      %parallel_loop3A_1513 = arith.addi %mul3A_1219, %parallel_loop3A_1512 : vector<16xi32>
      %parallel_loop3A_1514 = tpu.vector_load_idx %arg9[%parallel_loop3A_1513] : memref<25600xi32, #tpu.memory_space<vmem>>[vector<16xi32>], vector<16xi32>,
      %parallel_loop3A_1515 = arith.index_cast %parallel_loop3A_1508 : i32 to index
      %parallel_loop3A_1516 = tpu.vector_load %arg7[%parallel_loop3A_1515] {strides = array<i32>} : memref<512xi32, #tpu.memory_space<vmem>>, vector<16xi32>,
      %parallel_loop3A_1517 = arith.addi %parallel_loop3A_1516, %parallel_loop3A_1514 : vector<16xi32>
      %parallel_loop3A_1518 = arith.constant 7 : i32
      %parallel_loop3A_1519 = vector.broadcast %parallel_loop3A_1518 : i32 to vector<16xi32>
      %parallel_loop3A_1520 = arith.shrsi %parallel_loop3A_1514, %parallel_loop3A_1519 : vector<16xi32>
      %parallel_loop3A_1521 = arith.constant 64384 : i32
      %parallel_loop3A_1522 = vector.broadcast %parallel_loop3A_1521 : i32 to vector<16xi32>
      %parallel_loop3A_1523 = arith.muli %parallel_loop3A_1520, %parallel_loop3A_1522 : vector<16xi32>
      %parallel_loop3A_1524 = arith.addi %parallel_loop3A_1517, %parallel_loop3A_1523 : vector<16xi32>
      %parallel_loop3A_1525 = arith.constant 128 : i32
      %parallel_loop3A_1526 = arith.muli %parallel_loop3A_1306, %parallel_loop3A_1525 : i32
      %parallel_loop3A_1527 = arith.constant 96 : i32
      %parallel_loop3A_1528 = arith.addi %parallel_loop3A_1526, %parallel_loop3A_1527 : i32
      %parallel_loop3A_1529 = arith.index_cast %parallel_loop3A_1528 : i32 to index
      %parallel_loop3A_1530 = tpu.vector_load %arg10[%parallel_loop3A_1529] {strides = array<i32>} : memref<26112xi32, #tpu.memory_space<vmem>>, vector<16xi32>,
      tpu.vector_store %arg10[%parallel_loop3A_1529], %parallel_loop3A_1524 {strides = array<i32>} : memref<26112xi32, #tpu.memory_space<vmem>>, vector<16xi32>,
      %parallel_loop3A_1531 = arith.constant 128 : i32
      %parallel_loop3A_1532 = arith.muli %parallel_loop3A_1348, %parallel_loop3A_1531 : i32
      %parallel_loop3A_1533 = arith.constant 112 : i32
      %parallel_loop3A_1534 = arith.addi %parallel_loop3A_1532, %parallel_loop3A_1533 : i32
      %parallel_loop3A_1535 = arith.constant 50 : i32
      %parallel_loop3A_1536 = arith.muli %parallel_loop3A_1534, %parallel_loop3A_1535 : i32
      %parallel_loop3A_1537 = arith.addi %parallel_loop3A_1536, %parallel_loop3A_1332 : i32
      %parallel_loop3A_1538 = vector.broadcast %parallel_loop3A_1537 : i32 to vector<16xi32>
      %parallel_loop3A_1539 = arith.addi %mul3A_1219, %parallel_loop3A_1538 : vector<16xi32>
      %parallel_loop3A_1540 = tpu.vector_load_idx %arg9[%parallel_loop3A_1539] : memref<25600xi32, #tpu.memory_space<vmem>>[vector<16xi32>], vector<16xi32>,
      %parallel_loop3A_1541 = arith.index_cast %parallel_loop3A_1534 : i32 to index
      %parallel_loop3A_1542 = tpu.vector_load %arg7[%parallel_loop3A_1541] {strides = array<i32>} : memref<512xi32, #tpu.memory_space<vmem>>, vector<16xi32>,
      %parallel_loop3A_1543 = arith.addi %parallel_loop3A_1542, %parallel_loop3A_1540 : vector<16xi32>
      %parallel_loop3A_1544 = arith.constant 7 : i32
      %parallel_loop3A_1545 = vector.broadcast %parallel_loop3A_1544 : i32 to vector<16xi32>
      %parallel_loop3A_1546 = arith.shrsi %parallel_loop3A_1540, %parallel_loop3A_1545 : vector<16xi32>
      %parallel_loop3A_1547 = arith.constant 64384 : i32
      %parallel_loop3A_1548 = vector.broadcast %parallel_loop3A_1547 : i32 to vector<16xi32>
      %parallel_loop3A_1549 = arith.muli %parallel_loop3A_1546, %parallel_loop3A_1548 : vector<16xi32>
      %parallel_loop3A_1550 = arith.addi %parallel_loop3A_1543, %parallel_loop3A_1549 : vector<16xi32>
      %parallel_loop3A_1551 = arith.constant 128 : i32
      %parallel_loop3A_1552 = arith.muli %parallel_loop3A_1306, %parallel_loop3A_1551 : i32
      %parallel_loop3A_1553 = arith.constant 112 : i32
      %parallel_loop3A_1554 = arith.addi %parallel_loop3A_1552, %parallel_loop3A_1553 : i32
      %parallel_loop3A_1555 = arith.index_cast %parallel_loop3A_1554 : i32 to index
      %parallel_loop3A_1556 = tpu.vector_load %arg10[%parallel_loop3A_1555] {strides = array<i32>} : memref<26112xi32, #tpu.memory_space<vmem>>, vector<16xi32>,
      tpu.vector_store %arg10[%parallel_loop3A_1555], %parallel_loop3A_1550 {strides = array<i32>} : memref<26112xi32, #tpu.memory_space<vmem>>, vector<16xi32>,
    } {sc.loop_unroll_factor = 1 : i64, sc.parallel_access}
    %dma_start3A_1232 = arith.constant 13312 : i32
    %dma_start3A_1233 = tpu.memref_slice %arg11[%dma_start3A_1232] : memref<26112xi32, #tpu.memory_space<vmem>> -> memref<12800xi32, #tpu.memory_space<vmem>>
    %dma_start3A_1234 = arith.constant 13312 : i32
    %dma_start3A_1235 = tpu.memref_slice %arg10[%dma_start3A_1234] : memref<26112xi32, #tpu.memory_space<vmem>> -> memref<12800xi32, #tpu.memory_space<vmem>>
    %dma_start3A_1236 = arith.constant 0 : i32
    %dma_start3A_1237 = tpu.memref_slice %arg12[%dma_start3A_1236] : memref<516096xi32, #tpu.memory_space<vmem_shared>> -> memref<516096xi32, #tpu.memory_space<vmem_shared>>
    tpu.enqueue_indirect_dma source(%dma_start3A_1237 : memref<516096xi32, #tpu.memory_space<vmem_shared>>) target(%dma_start3A_1233 : memref<12800xi32, #tpu.memory_space<vmem>>) offsets(%dma_start3A_1235 : memref<12800xi32, #tpu.memory_space<vmem>>) semaphore(%arg14 : memref<!tpu.dma_semaphore, #tpu.memory_space<semaphore_mem>>)
    %dma_wait3A_1238 = arith.constant 0 : i32
    %dma_wait3A_1239 = tpu.memref_slice %arg11[%dma_wait3A_1238] : memref<26112xi32, #tpu.memory_space<vmem>> -> memref<13312xi32, #tpu.memory_space<vmem>>
    %dma_wait3A_1240 = arith.constant 0 : i32
    %dma_wait3A_1241 = tpu.memref_slice %arg10[%dma_wait3A_1240] : memref<26112xi32, #tpu.memory_space<vmem>> -> memref<13312xi32, #tpu.memory_space<vmem>>
    %dma_wait3A_1242 = arith.constant 0 : i32
    %dma_wait3A_1243 = tpu.memref_slice %arg12[%dma_wait3A_1242] : memref<516096xi32, #tpu.memory_space<vmem_shared>> -> memref<516096xi32, #tpu.memory_space<vmem_shared>>
    tpu.wait_indirect_dma semaphore(%arg13 : memref<!tpu.dma_semaphore, #tpu.memory_space<semaphore_mem>>) src(%dma_wait3A_1243 : memref<516096xi32, #tpu.memory_space<vmem_shared>>) dst(%dma_wait3A_1239 : memref<13312xi32, #tpu.memory_space<vmem>>)
    %parallel_loop3A_1244 = arith.constant 0 : i32
    %parallel_loop3A_1245 = arith.constant 104 : i32
    %parallel_loop3A_1246 = arith.constant 1 : i32
    scf.for %parallel_loop3A_1306 = %parallel_loop3A_1244 to %parallel_loop3A_1245 step %parallel_loop3A_1246  : i32 {
      %parallel_loop3A_1307 = arith.constant 4 : i32
      %parallel_loop3A_1308 = arith.constant 0 : i32
      %parallel_loop3A_1309 = arith.cmpi eq, %parallel_loop3A_1307, %parallel_loop3A_1308 : i32
      %parallel_loop3A_1310 = arith.constant 1 : i32
      %parallel_loop3A_1311 = arith.select %parallel_loop3A_1309, %parallel_loop3A_1310, %parallel_loop3A_1307 : i32
      %parallel_loop3A_1312 = arith.remsi %parallel_loop3A_1306, %parallel_loop3A_1311 : i32
      %parallel_loop3A_1313 = arith.constant 0 : i32
      %parallel_loop3A_1314 = arith.cmpi ne, %parallel_loop3A_1312, %parallel_loop3A_1313 : i32
      %parallel_loop3A_1315 = arith.constant 0 : i32
      %parallel_loop3A_1316 = arith.cmpi slt, %parallel_loop3A_1312, %parallel_loop3A_1315 : i32
      %parallel_loop3A_1317 = arith.constant 0 : i32
      %parallel_loop3A_1318 = arith.cmpi slt, %parallel_loop3A_1311, %parallel_loop3A_1317 : i32
      %parallel_loop3A_1319 = arith.xori %parallel_loop3A_1316, %parallel_loop3A_1318 : i1
      %parallel_loop3A_1320 = arith.andi %parallel_loop3A_1319, %parallel_loop3A_1314 : i1
      %parallel_loop3A_1321 = arith.addi %parallel_loop3A_1312, %parallel_loop3A_1311 : i32
      %parallel_loop3A_1322 = arith.select %parallel_loop3A_1320, %parallel_loop3A_1321, %parallel_loop3A_1312 : i32
      %parallel_loop3A_1323 = arith.constant 128 : i32
      %parallel_loop3A_1324 = arith.muli %parallel_loop3A_1306, %parallel_loop3A_1323 : i32
      %parallel_loop3A_1325 = arith.constant 0 : i32
      %parallel_loop3A_1326 = arith.addi %parallel_loop3A_1324, %parallel_loop3A_1325 : i32
      %parallel_loop3A_1327 = arith.index_cast %parallel_loop3A_1326 : i32 to index
      %parallel_loop3A_1328 = tpu.vector_load %arg11[%parallel_loop3A_1327] {strides = array<i32>} : memref<26112xi32, #tpu.memory_space<vmem>>, vector<16xi32>,
      %parallel_loop3A_1329 = arith.constant 128 : i32
      %parallel_loop3A_1330 = arith.muli %parallel_loop3A_1322, %parallel_loop3A_1329 : i32
      %parallel_loop3A_1331 = arith.constant 0 : i32
      %parallel_loop3A_1332 = arith.addi %parallel_loop3A_1330, %parallel_loop3A_1331 : i32
      %parallel_loop3A_1333 = arith.index_cast %parallel_loop3A_1332 : i32 to index
      %parallel_loop3A_1334 = tpu.vector_load %arg8[%parallel_loop3A_1333] {strides = array<i32>} : memref<512xi32, #tpu.memory_space<vmem>>, vector<16xi32>,
      %parallel_loop3A_1335 = arith.shrsi %parallel_loop3A_1328, %parallel_loop3A_1334 : vector<16xi32>
      %parallel_loop3A_1336 = arith.constant 16 : i32
      %parallel_loop3A_1337 = vector.broadcast %parallel_loop3A_1336 : i32 to vector<16xi32>
      %parallel_loop3A_1338 = arith.shli %parallel_loop3A_1335, %parallel_loop3A_1337 : vector<16xi32>
      %parallel_loop3A_1339 = arith.index_cast %parallel_loop3A_1326 : i32 to index
      %parallel_loop3A_1340 = tpu.vector_load %arg11[%parallel_loop3A_1339] {strides = array<i32>} : memref<26112xi32, #tpu.memory_space<vmem>>, vector<16xi32>,
      tpu.vector_store %arg11[%parallel_loop3A_1339], %parallel_loop3A_1338 {strides = array<i32>} : memref<26112xi32, #tpu.memory_space<vmem>>, vector<16xi32>,
      %parallel_loop3A_1341 = arith.constant 128 : i32
      %parallel_loop3A_1342 = arith.muli %parallel_loop3A_1306, %parallel_loop3A_1341 : i32
      %parallel_loop3A_1343 = arith.constant 16 : i32
      %parallel_loop3A_1344 = arith.addi %parallel_loop3A_1342, %parallel_loop3A_1343 : i32
      %parallel_loop3A_1345 = arith.index_cast %parallel_loop3A_1344 : i32 to index
      %parallel_loop3A_1346 = tpu.vector_load %arg11[%parallel_loop3A_1345] {strides = array<i32>} : memref<26112xi32, #tpu.memory_space<vmem>>, vector<16xi32>,
      %parallel_loop3A_1347 = arith.constant 128 : i32
      %parallel_loop3A_1348 = arith.muli %parallel_loop3A_1322, %parallel_loop3A_1347 : i32
      %parallel_loop3A_1349 = arith.constant 16 : i32
      %parallel_loop3A_1350 = arith.addi %parallel_loop3A_1348, %parallel_loop3A_1349 : i32
      %parallel_loop3A_1351 = arith.index_cast %parallel_loop3A_1350 : i32 to index
      %parallel_loop3A_1352 = tpu.vector_load %arg8[%parallel_loop3A_1351] {strides = array<i32>} : memref<512xi32, #tpu.memory_space<vmem>>, vector<16xi32>,
      %parallel_loop3A_1353 = arith.shrsi %parallel_loop3A_1346, %parallel_loop3A_1352 : vector<16xi32>
      %parallel_loop3A_1354 = arith.constant 16 : i32
      %parallel_loop3A_1355 = vector.broadcast %parallel_loop3A_1354 : i32 to vector<16xi32>
      %parallel_loop3A_1356 = arith.shli %parallel_loop3A_1353, %parallel_loop3A_1355 : vector<16xi32>
      %parallel_loop3A_1357 = arith.index_cast %parallel_loop3A_1344 : i32 to index
      %parallel_loop3A_1358 = tpu.vector_load %arg11[%parallel_loop3A_1357] {strides = array<i32>} : memref<26112xi32, #tpu.memory_space<vmem>>, vector<16xi32>,
      tpu.vector_store %arg11[%parallel_loop3A_1357], %parallel_loop3A_1356 {strides = array<i32>} : memref<26112xi32, #tpu.memory_space<vmem>>, vector<16xi32>,
      %parallel_loop3A_1359 = arith.constant 128 : i32
      %parallel_loop3A_1360 = arith.muli %parallel_loop3A_1306, %parallel_loop3A_1359 : i32
      %parallel_loop3A_1361 = arith.constant 32 : i32
      %parallel_loop3A_1362 = arith.addi %parallel_loop3A_1360, %parallel_loop3A_1361 : i32
      %parallel_loop3A_1363 = arith.index_cast %parallel_loop3A_1362 : i32 to index
      %parallel_loop3A_1364 = tpu.vector_load %arg11[%parallel_loop3A_1363] {strides = array<i32>} : memref<26112xi32, #tpu.memory_space<vmem>>, vector<16xi32>,
      %parallel_loop3A_1365 = arith.constant 128 : i32
      %parallel_loop3A_1366 = arith.muli %parallel_loop3A_1322, %parallel_loop3A_1365 : i32
      %parallel_loop3A_1367 = arith.constant 32 : i32
      %parallel_loop3A_1368 = arith.addi %parallel_loop3A_1366, %parallel_loop3A_1367 : i32
      %parallel_loop3A_1369 = arith.index_cast %parallel_loop3A_1368 : i32 to index
      %parallel_loop3A_1370 = tpu.vector_load %arg8[%parallel_loop3A_1369] {strides = array<i32>} : memref<512xi32, #tpu.memory_space<vmem>>, vector<16xi32>,
      %parallel_loop3A_1371 = arith.shrsi %parallel_loop3A_1364, %parallel_loop3A_1370 : vector<16xi32>
      %parallel_loop3A_1372 = arith.constant 16 : i32
      %parallel_loop3A_1373 = vector.broadcast %parallel_loop3A_1372 : i32 to vector<16xi32>
      %parallel_loop3A_1374 = arith.shli %parallel_loop3A_1371, %parallel_loop3A_1373 : vector<16xi32>
      %parallel_loop3A_1375 = arith.index_cast %parallel_loop3A_1362 : i32 to index
      %parallel_loop3A_1376 = tpu.vector_load %arg11[%parallel_loop3A_1375] {strides = array<i32>} : memref<26112xi32, #tpu.memory_space<vmem>>, vector<16xi32>,
      tpu.vector_store %arg11[%parallel_loop3A_1375], %parallel_loop3A_1374 {strides = array<i32>} : memref<26112xi32, #tpu.memory_space<vmem>>, vector<16xi32>,
      %parallel_loop3A_1377 = arith.constant 128 : i32
      %parallel_loop3A_1378 = arith.muli %parallel_loop3A_1306, %parallel_loop3A_1377 : i32
      %parallel_loop3A_1379 = arith.constant 48 : i32
      %parallel_loop3A_1380 = arith.addi %parallel_loop3A_1378, %parallel_loop3A_1379 : i32
      %parallel_loop3A_1381 = arith.index_cast %parallel_loop3A_1380 : i32 to index
      %parallel_loop3A_1382 = tpu.vector_load %arg11[%parallel_loop3A_1381] {strides = array<i32>} : memref<26112xi32, #tpu.memory_space<vmem>>, vector<16xi32>,
      %parallel_loop3A_1383 = arith.constant 128 : i32
      %parallel_loop3A_1384 = arith.muli %parallel_loop3A_1322, %parallel_loop3A_1383 : i32
      %parallel_loop3A_1385 = arith.constant 48 : i32
      %parallel_loop3A_1386 = arith.addi %parallel_loop3A_1384, %parallel_loop3A_1385 : i32
      %parallel_loop3A_1387 = arith.index_cast %parallel_loop3A_1386 : i32 to index
      %parallel_loop3A_1388 = tpu.vector_load %arg8[%parallel_loop3A_1387] {strides = array<i32>} : memref<512xi32, #tpu.memory_space<vmem>>, vector<16xi32>,
      %parallel_loop3A_1389 = arith.shrsi %parallel_loop3A_1382, %parallel_loop3A_1388 : vector<16xi32>
      %parallel_loop3A_1390 = arith.constant 16 : i32
      %parallel_loop3A_1391 = vector.broadcast %parallel_loop3A_1390 : i32 to vector<16xi32>
      %parallel_loop3A_1392 = arith.shli %parallel_loop3A_1389, %parallel_loop3A_1391 : vector<16xi32>
      %parallel_loop3A_1393 = arith.index_cast %parallel_loop3A_1380 : i32 to index
      %parallel_loop3A_1394 = tpu.vector_load %arg11[%parallel_loop3A_1393] {strides = array<i32>} : memref<26112xi32, #tpu.memory_space<vmem>>, vector<16xi32>,
      tpu.vector_store %arg11[%parallel_loop3A_1393], %parallel_loop3A_1392 {strides = array<i32>} : memref<26112xi32, #tpu.memory_space<vmem>>, vector<16xi32>,
      %parallel_loop3A_1395 = arith.constant 128 : i32
      %parallel_loop3A_1396 = arith.muli %parallel_loop3A_1306, %parallel_loop3A_1395 : i32
      %parallel_loop3A_1397 = arith.constant 64 : i32
      %parallel_loop3A_1398 = arith.addi %parallel_loop3A_1396, %parallel_loop3A_1397 : i32
      %parallel_loop3A_1399 = arith.index_cast %parallel_loop3A_1398 : i32 to index
      %parallel_loop3A_1400 = tpu.vector_load %arg11[%parallel_loop3A_1399] {strides = array<i32>} : memref<26112xi32, #tpu.memory_space<vmem>>, vector<16xi32>,
      %parallel_loop3A_1401 = arith.constant 128 : i32
      %parallel_loop3A_1402 = arith.muli %parallel_loop3A_1322, %parallel_loop3A_1401 : i32
      %parallel_loop3A_1403 = arith.constant 64 : i32
      %parallel_loop3A_1404 = arith.addi %parallel_loop3A_1402, %parallel_loop3A_1403 : i32
      %parallel_loop3A_1405 = arith.index_cast %parallel_loop3A_1404 : i32 to index
      %parallel_loop3A_1406 = tpu.vector_load %arg8[%parallel_loop3A_1405] {strides = array<i32>} : memref<512xi32, #tpu.memory_space<vmem>>, vector<16xi32>,
      %parallel_loop3A_1407 = arith.shrsi %parallel_loop3A_1400, %parallel_loop3A_1406 : vector<16xi32>
      %parallel_loop3A_1408 = arith.constant 16 : i32
      %parallel_loop3A_1409 = vector.broadcast %parallel_loop3A_1408 : i32 to vector<16xi32>
      %parallel_loop3A_1410 = arith.shli %parallel_loop3A_1407, %parallel_loop3A_1409 : vector<16xi32>
      %parallel_loop3A_1411 = arith.index_cast %parallel_loop3A_1398 : i32 to index
      %parallel_loop3A_1412 = tpu.vector_load %arg11[%parallel_loop3A_1411] {strides = array<i32>} : memref<26112xi32, #tpu.memory_space<vmem>>, vector<16xi32>,
      tpu.vector_store %arg11[%parallel_loop3A_1411], %parallel_loop3A_1410 {strides = array<i32>} : memref<26112xi32, #tpu.memory_space<vmem>>, vector<16xi32>,
      %parallel_loop3A_1413 = arith.constant 128 : i32
      %parallel_loop3A_1414 = arith.muli %parallel_loop3A_1306, %parallel_loop3A_1413 : i32
      %parallel_loop3A_1415 = arith.constant 80 : i32
      %parallel_loop3A_1416 = arith.addi %parallel_loop3A_1414, %parallel_loop3A_1415 : i32
      %parallel_loop3A_1417 = arith.index_cast %parallel_loop3A_1416 : i32 to index
      %parallel_loop3A_1418 = tpu.vector_load %arg11[%parallel_loop3A_1417] {strides = array<i32>} : memref<26112xi32, #tpu.memory_space<vmem>>, vector<16xi32>,
      %parallel_loop3A_1419 = arith.constant 128 : i32
      %parallel_loop3A_1420 = arith.muli %parallel_loop3A_1322, %parallel_loop3A_1419 : i32
      %parallel_loop3A_1421 = arith.constant 80 : i32
      %parallel_loop3A_1422 = arith.addi %parallel_loop3A_1420, %parallel_loop3A_1421 : i32
      %parallel_loop3A_1423 = arith.index_cast %parallel_loop3A_1422 : i32 to index
      %parallel_loop3A_1424 = tpu.vector_load %arg8[%parallel_loop3A_1423] {strides = array<i32>} : memref<512xi32, #tpu.memory_space<vmem>>, vector<16xi32>,
      %parallel_loop3A_1425 = arith.shrsi %parallel_loop3A_1418, %parallel_loop3A_1424 : vector<16xi32>
      %parallel_loop3A_1426 = arith.constant 16 : i32
      %parallel_loop3A_1427 = vector.broadcast %parallel_loop3A_1426 : i32 to vector<16xi32>
      %parallel_loop3A_1428 = arith.shli %parallel_loop3A_1425, %parallel_loop3A_1427 : vector<16xi32>
      %parallel_loop3A_1429 = arith.index_cast %parallel_loop3A_1416 : i32 to index
      %parallel_loop3A_1430 = tpu.vector_load %arg11[%parallel_loop3A_1429] {strides = array<i32>} : memref<26112xi32, #tpu.memory_space<vmem>>, vector<16xi32>,
      tpu.vector_store %arg11[%parallel_loop3A_1429], %parallel_loop3A_1428 {strides = array<i32>} : memref<26112xi32, #tpu.memory_space<vmem>>, vector<16xi32>,
      %parallel_loop3A_1431 = arith.constant 128 : i32
      %parallel_loop3A_1432 = arith.muli %parallel_loop3A_1306, %parallel_loop3A_1431 : i32
      %parallel_loop3A_1433 = arith.constant 96 : i32
      %parallel_loop3A_1434 = arith.addi %parallel_loop3A_1432, %parallel_loop3A_1433 : i32
      %parallel_loop3A_1435 = arith.index_cast %parallel_loop3A_1434 : i32 to index
      %parallel_loop3A_1436 = tpu.vector_load %arg11[%parallel_loop3A_1435] {strides = array<i32>} : memref<26112xi32, #tpu.memory_space<vmem>>, vector<16xi32>,
      %parallel_loop3A_1437 = arith.constant 128 : i32
      %parallel_loop3A_1438 = arith.muli %parallel_loop3A_1322, %parallel_loop3A_1437 : i32
      %parallel_loop3A_1439 = arith.constant 96 : i32
      %parallel_loop3A_1440 = arith.addi %parallel_loop3A_1438, %parallel_loop3A_1439 : i32
      %parallel_loop3A_1441 = arith.index_cast %parallel_loop3A_1440 : i32 to index
      %parallel_loop3A_1442 = tpu.vector_load %arg8[%parallel_loop3A_1441] {strides = array<i32>} : memref<512xi32, #tpu.memory_space<vmem>>, vector<16xi32>,
      %parallel_loop3A_1443 = arith.shrsi %parallel_loop3A_1436, %parallel_loop3A_1442 : vector<16xi32>
      %parallel_loop3A_1444 = arith.constant 16 : i32
      %parallel_loop3A_1445 = vector.broadcast %parallel_loop3A_1444 : i32 to vector<16xi32>
      %parallel_loop3A_1446 = arith.shli %parallel_loop3A_1443, %parallel_loop3A_1445 : vector<16xi32>
      %parallel_loop3A_1447 = arith.index_cast %parallel_loop3A_1434 : i32 to index
      %parallel_loop3A_1448 = tpu.vector_load %arg11[%parallel_loop3A_1447] {strides = array<i32>} : memref<26112xi32, #tpu.memory_space<vmem>>, vector<16xi32>,
      tpu.vector_store %arg11[%parallel_loop3A_1447], %parallel_loop3A_1446 {strides = array<i32>} : memref<26112xi32, #tpu.memory_space<vmem>>, vector<16xi32>,
      %parallel_loop3A_1449 = arith.constant 128 : i32
      %parallel_loop3A_1450 = arith.muli %parallel_loop3A_1306, %parallel_loop3A_1449 : i32
      %parallel_loop3A_1451 = arith.constant 112 : i32
      %parallel_loop3A_1452 = arith.addi %parallel_loop3A_1450, %parallel_loop3A_1451 : i32
      %parallel_loop3A_1453 = arith.index_cast %parallel_loop3A_1452 : i32 to index
      %parallel_loop3A_1454 = tpu.vector_load %arg11[%parallel_loop3A_1453] {strides = array<i32>} : memref<26112xi32, #tpu.memory_space<vmem>>, vector<16xi32>,
      %parallel_loop3A_1455 = arith.constant 128 : i32
      %parallel_loop3A_1456 = arith.muli %parallel_loop3A_1322, %parallel_loop3A_1455 : i32
      %parallel_loop3A_1457 = arith.constant 112 : i32
      %parallel_loop3A_1458 = arith.addi %parallel_loop3A_1456, %parallel_loop3A_1457 : i32
      %parallel_loop3A_1459 = arith.index_cast %parallel_loop3A_1458 : i32 to index
      %parallel_loop3A_1460 = tpu.vector_load %arg8[%parallel_loop3A_1459] {strides = array<i32>} : memref<512xi32, #tpu.memory_space<vmem>>, vector<16xi32>,
      %parallel_loop3A_1461 = arith.shrsi %parallel_loop3A_1454, %parallel_loop3A_1460 : vector<16xi32>
      %parallel_loop3A_1462 = arith.constant 16 : i32
      %parallel_loop3A_1463 = vector.broadcast %parallel_loop3A_1462 : i32 to vector<16xi32>
      %parallel_loop3A_1464 = arith.shli %parallel_loop3A_1461, %parallel_loop3A_1463 : vector<16xi32>
      %parallel_loop3A_1465 = arith.index_cast %parallel_loop3A_1452 : i32 to index
      %parallel_loop3A_1466 = tpu.vector_load %arg11[%parallel_loop3A_1465] {strides = array<i32>} : memref<26112xi32, #tpu.memory_space<vmem>>, vector<16xi32>,
      tpu.vector_store %arg11[%parallel_loop3A_1465], %parallel_loop3A_1464 {strides = array<i32>} : memref<26112xi32, #tpu.memory_space<vmem>>, vector<16xi32>,
    } {sc.loop_unroll_factor = 1 : i64, sc.parallel_access}
    %mul3A_1247 = arith.constant 512 : i32
    %mul3A_1248 = arith.muli %add3A, %mul3A_1247 : i32
    %multiple_of3A = tpu.assume_multiple %mul3A_1248, 512 : i32
    %dma_start3A_1249 = arith.constant 0 : i32
    %dma_start3A_1250 = tpu.memref_slice %arg11[%dma_start3A_1249] : memref<26112xi32, #tpu.memory_space<vmem>> -> memref<512xi32, #tpu.memory_space<vmem>>
    %dma_start3A_1251 = tpu.memref_slice %arg6[%multiple_of3A] : memref<835584xi32, #tpu.memory_space<hbm>> -> memref<512xi32, #tpu.memory_space<hbm>>
    %dma_start3A_1252 = tpu.memref_slice %arg6[%multiple_of3A] : memref<835584xi32, #tpu.memory_space<hbm>> -> memref<512xi32, #tpu.memory_space<hbm>>
    %dma_start3A_1253 = arith.constant 0 : i32
    %dma_start3A_1254 = tpu.memref_slice %arg11[%dma_start3A_1253] : memref<26112xi32, #tpu.memory_space<vmem>> -> memref<512xi32, #tpu.memory_space<vmem>>
    tpu.enqueue_dma source(%dma_start3A_1254 : memref<512xi32, #tpu.memory_space<vmem>>) target(%dma_start3A_1252 : memref<512xi32, #tpu.memory_space<hbm>>) target_semaphore(%arg16 : memref<!tpu.dma_semaphore, #tpu.memory_space<semaphore_mem>>)
    %mul3A_1255 = arith.constant 25600 : i32
    %mul3A_1256 = arith.muli %add3A, %mul3A_1255 : i32
    %add3A_1257 = arith.constant 16384 : i32
    %add3A_1258 = arith.addi %add3A_1257, %mul3A_1256 : i32
    %multiple_of3A_1259 = tpu.assume_multiple %add3A_1258, 512 : i32
    %dma_start3A_1260 = arith.constant 512 : i32
    %dma_start3A_1261 = tpu.memref_slice %arg11[%dma_start3A_1260] : memref<26112xi32, #tpu.memory_space<vmem>> -> memref<12800xi32, #tpu.memory_space<vmem>>
    %dma_start3A_1262 = tpu.memref_slice %arg6[%multiple_of3A_1259] : memref<835584xi32, #tpu.memory_space<hbm>> -> memref<12800xi32, #tpu.memory_space<hbm>>
    %dma_start3A_1263 = tpu.memref_slice %arg6[%multiple_of3A_1259] : memref<835584xi32, #tpu.memory_space<hbm>> -> memref<12800xi32, #tpu.memory_space<hbm>>
    %dma_start3A_1264 = arith.constant 512 : i32
    %dma_start3A_1265 = tpu.memref_slice %arg11[%dma_start3A_1264] : memref<26112xi32, #tpu.memory_space<vmem>> -> memref<12800xi32, #tpu.memory_space<vmem>>
    tpu.enqueue_dma source(%dma_start3A_1265 : memref<12800xi32, #tpu.memory_space<vmem>>) target(%dma_start3A_1263 : memref<12800xi32, #tpu.memory_space<hbm>>) target_semaphore(%arg16 : memref<!tpu.dma_semaphore, #tpu.memory_space<semaphore_mem>>)
    %dma_wait3A_1266 = arith.constant 13312 : i32
    %dma_wait3A_1267 = tpu.memref_slice %arg11[%dma_wait3A_1266] : memref<26112xi32, #tpu.memory_space<vmem>> -> memref<12800xi32, #tpu.memory_space<vmem>>
    %dma_wait3A_1268 = arith.constant 13312 : i32
    %dma_wait3A_1269 = tpu.memref_slice %arg10[%dma_wait3A_1268] : memref<26112xi32, #tpu.memory_space<vmem>> -> memref<12800xi32, #tpu.memory_space<vmem>>
    %dma_wait3A_1270 = arith.constant 0 : i32
    %dma_wait3A_1271 = tpu.memref_slice %arg12[%dma_wait3A_1270] : memref<516096xi32, #tpu.memory_space<vmem_shared>> -> memref<516096xi32, #tpu.memory_space<vmem_shared>>
    tpu.wait_indirect_dma semaphore(%arg14 : memref<!tpu.dma_semaphore, #tpu.memory_space<semaphore_mem>>) src(%dma_wait3A_1271 : memref<516096xi32, #tpu.memory_space<vmem_shared>>) dst(%dma_wait3A_1267 : memref<12800xi32, #tpu.memory_space<vmem>>)
    %parallel_loop3A_1272 = arith.constant 104 : i32
    %parallel_loop3A_1273 = arith.constant 204 : i32
    %parallel_loop3A_1274 = arith.constant 1 : i32
    scf.for %parallel_loop3A_1306 = %parallel_loop3A_1272 to %parallel_loop3A_1273 step %parallel_loop3A_1274  : i32 {
      %parallel_loop3A_1307 = arith.constant 4 : i32
      %parallel_loop3A_1308 = arith.constant 0 : i32
      %parallel_loop3A_1309 = arith.cmpi eq, %parallel_loop3A_1307, %parallel_loop3A_1308 : i32
      %parallel_loop3A_1310 = arith.constant 1 : i32
      %parallel_loop3A_1311 = arith.select %parallel_loop3A_1309, %parallel_loop3A_1310, %parallel_loop3A_1307 : i32
      %parallel_loop3A_1312 = arith.remsi %parallel_loop3A_1306, %parallel_loop3A_1311 : i32
      %parallel_loop3A_1313 = arith.constant 0 : i32
      %parallel_loop3A_1314 = arith.cmpi ne, %parallel_loop3A_1312, %parallel_loop3A_1313 : i32
      %parallel_loop3A_1315 = arith.constant 0 : i32
      %parallel_loop3A_1316 = arith.cmpi slt, %parallel_loop3A_1312, %parallel_loop3A_1315 : i32
      %parallel_loop3A_1317 = arith.constant 0 : i32
      %parallel_loop3A_1318 = arith.cmpi slt, %parallel_loop3A_1311, %parallel_loop3A_1317 : i32
      %parallel_loop3A_1319 = arith.xori %parallel_loop3A_1316, %parallel_loop3A_1318 : i1
      %parallel_loop3A_1320 = arith.andi %parallel_loop3A_1319, %parallel_loop3A_1314 : i1
      %parallel_loop3A_1321 = arith.addi %parallel_loop3A_1312, %parallel_loop3A_1311 : i32
      %parallel_loop3A_1322 = arith.select %parallel_loop3A_1320, %parallel_loop3A_1321, %parallel_loop3A_1312 : i32
      %parallel_loop3A_1323 = arith.constant 128 : i32
      %parallel_loop3A_1324 = arith.muli %parallel_loop3A_1306, %parallel_loop3A_1323 : i32
      %parallel_loop3A_1325 = arith.constant 0 : i32
      %parallel_loop3A_1326 = arith.addi %parallel_loop3A_1324, %parallel_loop3A_1325 : i32
      %parallel_loop3A_1327 = arith.index_cast %parallel_loop3A_1326 : i32 to index
      %parallel_loop3A_1328 = tpu.vector_load %arg11[%parallel_loop3A_1327] {strides = array<i32>} : memref<26112xi32, #tpu.memory_space<vmem>>, vector<16xi32>,
      %parallel_loop3A_1329 = arith.constant 128 : i32
      %parallel_loop3A_1330 = arith.muli %parallel_loop3A_1322, %parallel_loop3A_1329 : i32
      %parallel_loop3A_1331 = arith.constant 0 : i32
      %parallel_loop3A_1332 = arith.addi %parallel_loop3A_1330, %parallel_loop3A_1331 : i32
      %parallel_loop3A_1333 = arith.index_cast %parallel_loop3A_1332 : i32 to index
      %parallel_loop3A_1334 = tpu.vector_load %arg8[%parallel_loop3A_1333] {strides = array<i32>} : memref<512xi32, #tpu.memory_space<vmem>>, vector<16xi32>,
      %parallel_loop3A_1335 = arith.shrsi %parallel_loop3A_1328, %parallel_loop3A_1334 : vector<16xi32>
      %parallel_loop3A_1336 = arith.constant 16 : i32
      %parallel_loop3A_1337 = vector.broadcast %parallel_loop3A_1336 : i32 to vector<16xi32>
      %parallel_loop3A_1338 = arith.shli %parallel_loop3A_1335, %parallel_loop3A_1337 : vector<16xi32>
      %parallel_loop3A_1339 = arith.index_cast %parallel_loop3A_1326 : i32 to index
      %parallel_loop3A_1340 = tpu.vector_load %arg11[%parallel_loop3A_1339] {strides = array<i32>} : memref<26112xi32, #tpu.memory_space<vmem>>, vector<16xi32>,
      tpu.vector_store %arg11[%parallel_loop3A_1339], %parallel_loop3A_1338 {strides = array<i32>} : memref<26112xi32, #tpu.memory_space<vmem>>, vector<16xi32>,
      %parallel_loop3A_1341 = arith.constant 128 : i32
      %parallel_loop3A_1342 = arith.muli %parallel_loop3A_1306, %parallel_loop3A_1341 : i32
      %parallel_loop3A_1343 = arith.constant 16 : i32
      %parallel_loop3A_1344 = arith.addi %parallel_loop3A_1342, %parallel_loop3A_1343 : i32
      %parallel_loop3A_1345 = arith.index_cast %parallel_loop3A_1344 : i32 to index
      %parallel_loop3A_1346 = tpu.vector_load %arg11[%parallel_loop3A_1345] {strides = array<i32>} : memref<26112xi32, #tpu.memory_space<vmem>>, vector<16xi32>,
      %parallel_loop3A_1347 = arith.constant 128 : i32
      %parallel_loop3A_1348 = arith.muli %parallel_loop3A_1322, %parallel_loop3A_1347 : i32
      %parallel_loop3A_1349 = arith.constant 16 : i32
      %parallel_loop3A_1350 = arith.addi %parallel_loop3A_1348, %parallel_loop3A_1349 : i32
      %parallel_loop3A_1351 = arith.index_cast %parallel_loop3A_1350 : i32 to index
      %parallel_loop3A_1352 = tpu.vector_load %arg8[%parallel_loop3A_1351] {strides = array<i32>} : memref<512xi32, #tpu.memory_space<vmem>>, vector<16xi32>,
      %parallel_loop3A_1353 = arith.shrsi %parallel_loop3A_1346, %parallel_loop3A_1352 : vector<16xi32>
      %parallel_loop3A_1354 = arith.constant 16 : i32
      %parallel_loop3A_1355 = vector.broadcast %parallel_loop3A_1354 : i32 to vector<16xi32>
      %parallel_loop3A_1356 = arith.shli %parallel_loop3A_1353, %parallel_loop3A_1355 : vector<16xi32>
      %parallel_loop3A_1357 = arith.index_cast %parallel_loop3A_1344 : i32 to index
      %parallel_loop3A_1358 = tpu.vector_load %arg11[%parallel_loop3A_1357] {strides = array<i32>} : memref<26112xi32, #tpu.memory_space<vmem>>, vector<16xi32>,
      tpu.vector_store %arg11[%parallel_loop3A_1357], %parallel_loop3A_1356 {strides = array<i32>} : memref<26112xi32, #tpu.memory_space<vmem>>, vector<16xi32>,
      %parallel_loop3A_1359 = arith.constant 128 : i32
      %parallel_loop3A_1360 = arith.muli %parallel_loop3A_1306, %parallel_loop3A_1359 : i32
      %parallel_loop3A_1361 = arith.constant 32 : i32
      %parallel_loop3A_1362 = arith.addi %parallel_loop3A_1360, %parallel_loop3A_1361 : i32
      %parallel_loop3A_1363 = arith.index_cast %parallel_loop3A_1362 : i32 to index
      %parallel_loop3A_1364 = tpu.vector_load %arg11[%parallel_loop3A_1363] {strides = array<i32>} : memref<26112xi32, #tpu.memory_space<vmem>>, vector<16xi32>,
      %parallel_loop3A_1365 = arith.constant 128 : i32
      %parallel_loop3A_1366 = arith.muli %parallel_loop3A_1322, %parallel_loop3A_1365 : i32
      %parallel_loop3A_1367 = arith.constant 32 : i32
      %parallel_loop3A_1368 = arith.addi %parallel_loop3A_1366, %parallel_loop3A_1367 : i32
      %parallel_loop3A_1369 = arith.index_cast %parallel_loop3A_1368 : i32 to index
      %parallel_loop3A_1370 = tpu.vector_load %arg8[%parallel_loop3A_1369] {strides = array<i32>} : memref<512xi32, #tpu.memory_space<vmem>>, vector<16xi32>,
      %parallel_loop3A_1371 = arith.shrsi %parallel_loop3A_1364, %parallel_loop3A_1370 : vector<16xi32>
      %parallel_loop3A_1372 = arith.constant 16 : i32
      %parallel_loop3A_1373 = vector.broadcast %parallel_loop3A_1372 : i32 to vector<16xi32>
      %parallel_loop3A_1374 = arith.shli %parallel_loop3A_1371, %parallel_loop3A_1373 : vector<16xi32>
      %parallel_loop3A_1375 = arith.index_cast %parallel_loop3A_1362 : i32 to index
      %parallel_loop3A_1376 = tpu.vector_load %arg11[%parallel_loop3A_1375] {strides = array<i32>} : memref<26112xi32, #tpu.memory_space<vmem>>, vector<16xi32>,
      tpu.vector_store %arg11[%parallel_loop3A_1375], %parallel_loop3A_1374 {strides = array<i32>} : memref<26112xi32, #tpu.memory_space<vmem>>, vector<16xi32>,
      %parallel_loop3A_1377 = arith.constant 128 : i32
      %parallel_loop3A_1378 = arith.muli %parallel_loop3A_1306, %parallel_loop3A_1377 : i32
      %parallel_loop3A_1379 = arith.constant 48 : i32
      %parallel_loop3A_1380 = arith.addi %parallel_loop3A_1378, %parallel_loop3A_1379 : i32
      %parallel_loop3A_1381 = arith.index_cast %parallel_loop3A_1380 : i32 to index
      %parallel_loop3A_1382 = tpu.vector_load %arg11[%parallel_loop3A_1381] {strides = array<i32>} : memref<26112xi32, #tpu.memory_space<vmem>>, vector<16xi32>,
      %parallel_loop3A_1383 = arith.constant 128 : i32
      %parallel_loop3A_1384 = arith.muli %parallel_loop3A_1322, %parallel_loop3A_1383 : i32
      %parallel_loop3A_1385 = arith.constant 48 : i32
      %parallel_loop3A_1386 = arith.addi %parallel_loop3A_1384, %parallel_loop3A_1385 : i32
      %parallel_loop3A_1387 = arith.index_cast %parallel_loop3A_1386 : i32 to index
      %parallel_loop3A_1388 = tpu.vector_load %arg8[%parallel_loop3A_1387] {strides = array<i32>} : memref<512xi32, #tpu.memory_space<vmem>>, vector<16xi32>,
      %parallel_loop3A_1389 = arith.shrsi %parallel_loop3A_1382, %parallel_loop3A_1388 : vector<16xi32>
      %parallel_loop3A_1390 = arith.constant 16 : i32
      %parallel_loop3A_1391 = vector.broadcast %parallel_loop3A_1390 : i32 to vector<16xi32>
      %parallel_loop3A_1392 = arith.shli %parallel_loop3A_1389, %parallel_loop3A_1391 : vector<16xi32>
      %parallel_loop3A_1393 = arith.index_cast %parallel_loop3A_1380 : i32 to index
      %parallel_loop3A_1394 = tpu.vector_load %arg11[%parallel_loop3A_1393] {strides = array<i32>} : memref<26112xi32, #tpu.memory_space<vmem>>, vector<16xi32>,
      tpu.vector_store %arg11[%parallel_loop3A_1393], %parallel_loop3A_1392 {strides = array<i32>} : memref<26112xi32, #tpu.memory_space<vmem>>, vector<16xi32>,
      %parallel_loop3A_1395 = arith.constant 128 : i32
      %parallel_loop3A_1396 = arith.muli %parallel_loop3A_1306, %parallel_loop3A_1395 : i32
      %parallel_loop3A_1397 = arith.constant 64 : i32
      %parallel_loop3A_1398 = arith.addi %parallel_loop3A_1396, %parallel_loop3A_1397 : i32
      %parallel_loop3A_1399 = arith.index_cast %parallel_loop3A_1398 : i32 to index
      %parallel_loop3A_1400 = tpu.vector_load %arg11[%parallel_loop3A_1399] {strides = array<i32>} : memref<26112xi32, #tpu.memory_space<vmem>>, vector<16xi32>,
      %parallel_loop3A_1401 = arith.constant 128 : i32
      %parallel_loop3A_1402 = arith.muli %parallel_loop3A_1322, %parallel_loop3A_1401 : i32
      %parallel_loop3A_1403 = arith.constant 64 : i32
      %parallel_loop3A_1404 = arith.addi %parallel_loop3A_1402, %parallel_loop3A_1403 : i32
      %parallel_loop3A_1405 = arith.index_cast %parallel_loop3A_1404 : i32 to index
      %parallel_loop3A_1406 = tpu.vector_load %arg8[%parallel_loop3A_1405] {strides = array<i32>} : memref<512xi32, #tpu.memory_space<vmem>>, vector<16xi32>,
      %parallel_loop3A_1407 = arith.shrsi %parallel_loop3A_1400, %parallel_loop3A_1406 : vector<16xi32>
      %parallel_loop3A_1408 = arith.constant 16 : i32
      %parallel_loop3A_1409 = vector.broadcast %parallel_loop3A_1408 : i32 to vector<16xi32>
      %parallel_loop3A_1410 = arith.shli %parallel_loop3A_1407, %parallel_loop3A_1409 : vector<16xi32>
      %parallel_loop3A_1411 = arith.index_cast %parallel_loop3A_1398 : i32 to index
      %parallel_loop3A_1412 = tpu.vector_load %arg11[%parallel_loop3A_1411] {strides = array<i32>} : memref<26112xi32, #tpu.memory_space<vmem>>, vector<16xi32>,
      tpu.vector_store %arg11[%parallel_loop3A_1411], %parallel_loop3A_1410 {strides = array<i32>} : memref<26112xi32, #tpu.memory_space<vmem>>, vector<16xi32>,
      %parallel_loop3A_1413 = arith.constant 128 : i32
      %parallel_loop3A_1414 = arith.muli %parallel_loop3A_1306, %parallel_loop3A_1413 : i32
      %parallel_loop3A_1415 = arith.constant 80 : i32
      %parallel_loop3A_1416 = arith.addi %parallel_loop3A_1414, %parallel_loop3A_1415 : i32
      %parallel_loop3A_1417 = arith.index_cast %parallel_loop3A_1416 : i32 to index
      %parallel_loop3A_1418 = tpu.vector_load %arg11[%parallel_loop3A_1417] {strides = array<i32>} : memref<26112xi32, #tpu.memory_space<vmem>>, vector<16xi32>,
      %parallel_loop3A_1419 = arith.constant 128 : i32
      %parallel_loop3A_1420 = arith.muli %parallel_loop3A_1322, %parallel_loop3A_1419 : i32
      %parallel_loop3A_1421 = arith.constant 80 : i32
      %parallel_loop3A_1422 = arith.addi %parallel_loop3A_1420, %parallel_loop3A_1421 : i32
      %parallel_loop3A_1423 = arith.index_cast %parallel_loop3A_1422 : i32 to index
      %parallel_loop3A_1424 = tpu.vector_load %arg8[%parallel_loop3A_1423] {strides = array<i32>} : memref<512xi32, #tpu.memory_space<vmem>>, vector<16xi32>,
      %parallel_loop3A_1425 = arith.shrsi %parallel_loop3A_1418, %parallel_loop3A_1424 : vector<16xi32>
      %parallel_loop3A_1426 = arith.constant 16 : i32
      %parallel_loop3A_1427 = vector.broadcast %parallel_loop3A_1426 : i32 to vector<16xi32>
      %parallel_loop3A_1428 = arith.shli %parallel_loop3A_1425, %parallel_loop3A_1427 : vector<16xi32>
      %parallel_loop3A_1429 = arith.index_cast %parallel_loop3A_1416 : i32 to index
      %parallel_loop3A_1430 = tpu.vector_load %arg11[%parallel_loop3A_1429] {strides = array<i32>} : memref<26112xi32, #tpu.memory_space<vmem>>, vector<16xi32>,
      tpu.vector_store %arg11[%parallel_loop3A_1429], %parallel_loop3A_1428 {strides = array<i32>} : memref<26112xi32, #tpu.memory_space<vmem>>, vector<16xi32>,
      %parallel_loop3A_1431 = arith.constant 128 : i32
      %parallel_loop3A_1432 = arith.muli %parallel_loop3A_1306, %parallel_loop3A_1431 : i32
      %parallel_loop3A_1433 = arith.constant 96 : i32
      %parallel_loop3A_1434 = arith.addi %parallel_loop3A_1432, %parallel_loop3A_1433 : i32
      %parallel_loop3A_1435 = arith.index_cast %parallel_loop3A_1434 : i32 to index
      %parallel_loop3A_1436 = tpu.vector_load %arg11[%parallel_loop3A_1435] {strides = array<i32>} : memref<26112xi32, #tpu.memory_space<vmem>>, vector<16xi32>,
      %parallel_loop3A_1437 = arith.constant 128 : i32
      %parallel_loop3A_1438 = arith.muli %parallel_loop3A_1322, %parallel_loop3A_1437 : i32
      %parallel_loop3A_1439 = arith.constant 96 : i32
      %parallel_loop3A_1440 = arith.addi %parallel_loop3A_1438, %parallel_loop3A_1439 : i32
      %parallel_loop3A_1441 = arith.index_cast %parallel_loop3A_1440 : i32 to index
      %parallel_loop3A_1442 = tpu.vector_load %arg8[%parallel_loop3A_1441] {strides = array<i32>} : memref<512xi32, #tpu.memory_space<vmem>>, vector<16xi32>,
      %parallel_loop3A_1443 = arith.shrsi %parallel_loop3A_1436, %parallel_loop3A_1442 : vector<16xi32>
      %parallel_loop3A_1444 = arith.constant 16 : i32
      %parallel_loop3A_1445 = vector.broadcast %parallel_loop3A_1444 : i32 to vector<16xi32>
      %parallel_loop3A_1446 = arith.shli %parallel_loop3A_1443, %parallel_loop3A_1445 : vector<16xi32>
      %parallel_loop3A_1447 = arith.index_cast %parallel_loop3A_1434 : i32 to index
      %parallel_loop3A_1448 = tpu.vector_load %arg11[%parallel_loop3A_1447] {strides = array<i32>} : memref<26112xi32, #tpu.memory_space<vmem>>, vector<16xi32>,
      tpu.vector_store %arg11[%parallel_loop3A_1447], %parallel_loop3A_1446 {strides = array<i32>} : memref<26112xi32, #tpu.memory_space<vmem>>, vector<16xi32>,
      %parallel_loop3A_1449 = arith.constant 128 : i32
      %parallel_loop3A_1450 = arith.muli %parallel_loop3A_1306, %parallel_loop3A_1449 : i32
      %parallel_loop3A_1451 = arith.constant 112 : i32
      %parallel_loop3A_1452 = arith.addi %parallel_loop3A_1450, %parallel_loop3A_1451 : i32
      %parallel_loop3A_1453 = arith.index_cast %parallel_loop3A_1452 : i32 to index
      %parallel_loop3A_1454 = tpu.vector_load %arg11[%parallel_loop3A_1453] {strides = array<i32>} : memref<26112xi32, #tpu.memory_space<vmem>>, vector<16xi32>,
      %parallel_loop3A_1455 = arith.constant 128 : i32
      %parallel_loop3A_1456 = arith.muli %parallel_loop3A_1322, %parallel_loop3A_1455 : i32
      %parallel_loop3A_1457 = arith.constant 112 : i32
      %parallel_loop3A_1458 = arith.addi %parallel_loop3A_1456, %parallel_loop3A_1457 : i32
      %parallel_loop3A_1459 = arith.index_cast %parallel_loop3A_1458 : i32 to index
      %parallel_loop3A_1460 = tpu.vector_load %arg8[%parallel_loop3A_1459] {strides = array<i32>} : memref<512xi32, #tpu.memory_space<vmem>>, vector<16xi32>,
      %parallel_loop3A_1461 = arith.shrsi %parallel_loop3A_1454, %parallel_loop3A_1460 : vector<16xi32>
      %parallel_loop3A_1462 = arith.constant 16 : i32
      %parallel_loop3A_1463 = vector.broadcast %parallel_loop3A_1462 : i32 to vector<16xi32>
      %parallel_loop3A_1464 = arith.shli %parallel_loop3A_1461, %parallel_loop3A_1463 : vector<16xi32>
      %parallel_loop3A_1465 = arith.index_cast %parallel_loop3A_1452 : i32 to index
      %parallel_loop3A_1466 = tpu.vector_load %arg11[%parallel_loop3A_1465] {strides = array<i32>} : memref<26112xi32, #tpu.memory_space<vmem>>, vector<16xi32>,
      tpu.vector_store %arg11[%parallel_loop3A_1465], %parallel_loop3A_1464 {strides = array<i32>} : memref<26112xi32, #tpu.memory_space<vmem>>, vector<16xi32>,
    } {sc.loop_unroll_factor = 1 : i64, sc.parallel_access}
    %mul3A_1275 = arith.constant 25600 : i32
    %mul3A_1276 = arith.muli %add3A, %mul3A_1275 : i32
    %add3A_1277 = arith.constant 16384 : i32
    %add3A_1278 = arith.addi %add3A_1277, %mul3A_1276 : i32
    %add3A_1279 = arith.constant 12800 : i32
    %add3A_1280 = arith.addi %add3A_1278, %add3A_1279 : i32
    %multiple_of3A_1281 = tpu.assume_multiple %add3A_1280, 512 : i32
    %dma_start3A_1282 = arith.constant 13312 : i32
    %dma_start3A_1283 = tpu.memref_slice %arg11[%dma_start3A_1282] : memref<26112xi32, #tpu.memory_space<vmem>> -> memref<12800xi32, #tpu.memory_space<vmem>>
    %dma_start3A_1284 = tpu.memref_slice %arg6[%multiple_of3A_1281] : memref<835584xi32, #tpu.memory_space<hbm>> -> memref<12800xi32, #tpu.memory_space<hbm>>
    %dma_start3A_1285 = tpu.memref_slice %arg6[%multiple_of3A_1281] : memref<835584xi32, #tpu.memory_space<hbm>> -> memref<12800xi32, #tpu.memory_space<hbm>>
    %dma_start3A_1286 = arith.constant 13312 : i32
    %dma_start3A_1287 = tpu.memref_slice %arg11[%dma_start3A_1286] : memref<26112xi32, #tpu.memory_space<vmem>> -> memref<12800xi32, #tpu.memory_space<vmem>>
    tpu.enqueue_dma source(%dma_start3A_1287 : memref<12800xi32, #tpu.memory_space<vmem>>) target(%dma_start3A_1285 : memref<12800xi32, #tpu.memory_space<hbm>>) target_semaphore(%arg16 : memref<!tpu.dma_semaphore, #tpu.memory_space<semaphore_mem>>)
    %dma_wait3A_1288 = arith.constant 0 : i32
    %dma_wait3A_1289 = tpu.memref_slice %arg11[%dma_wait3A_1288] : memref<26112xi32, #tpu.memory_space<vmem>> -> memref<512xi32, #tpu.memory_space<vmem>>
    %dma_wait3A_1290 = tpu.memref_slice %arg6[%multiple_of3A] : memref<835584xi32, #tpu.memory_space<hbm>> -> memref<512xi32, #tpu.memory_space<hbm>>
    %dma_wait3A_1291 = tpu.memref_slice %arg6[%multiple_of3A] : memref<835584xi32, #tpu.memory_space<hbm>> -> memref<512xi32, #tpu.memory_space<hbm>>
    %dma_wait3A_1292 = arith.constant 0 : i32
    %dma_wait3A_1293 = tpu.memref_slice %arg11[%dma_wait3A_1292] : memref<26112xi32, #tpu.memory_space<vmem>> -> memref<512xi32, #tpu.memory_space<vmem>>
    tpu.wait_dma2 semaphore(%arg16 : memref<!tpu.dma_semaphore, #tpu.memory_space<semaphore_mem>>) src(%dma_wait3A_1293 : memref<512xi32, #tpu.memory_space<vmem>>) dst(%dma_wait3A_1291 : memref<512xi32, #tpu.memory_space<hbm>>)
    %dma_wait3A_1294 = arith.constant 512 : i32
    %dma_wait3A_1295 = tpu.memref_slice %arg11[%dma_wait3A_1294] : memref<26112xi32, #tpu.memory_space<vmem>> -> memref<12800xi32, #tpu.memory_space<vmem>>
    %dma_wait3A_1296 = tpu.memref_slice %arg6[%multiple_of3A_1259] : memref<835584xi32, #tpu.memory_space<hbm>> -> memref<12800xi32, #tpu.memory_space<hbm>>
    %dma_wait3A_1297 = tpu.memref_slice %arg6[%multiple_of3A_1259] : memref<835584xi32, #tpu.memory_space<hbm>> -> memref<12800xi32, #tpu.memory_space<hbm>>
    %dma_wait3A_1298 = arith.constant 512 : i32
    %dma_wait3A_1299 = tpu.memref_slice %arg11[%dma_wait3A_1298] : memref<26112xi32, #tpu.memory_space<vmem>> -> memref<12800xi32, #tpu.memory_space<vmem>>
    tpu.wait_dma2 semaphore(%arg16 : memref<!tpu.dma_semaphore, #tpu.memory_space<semaphore_mem>>) src(%dma_wait3A_1299 : memref<12800xi32, #tpu.memory_space<vmem>>) dst(%dma_wait3A_1297 : memref<12800xi32, #tpu.memory_space<hbm>>)
    %dma_wait3A_1300 = arith.constant 13312 : i32
    %dma_wait3A_1301 = tpu.memref_slice %arg11[%dma_wait3A_1300] : memref<26112xi32, #tpu.memory_space<vmem>> -> memref<12800xi32, #tpu.memory_space<vmem>>
    %dma_wait3A_1302 = tpu.memref_slice %arg6[%multiple_of3A_1281] : memref<835584xi32, #tpu.memory_space<hbm>> -> memref<12800xi32, #tpu.memory_space<hbm>>
    %dma_wait3A_1303 = tpu.memref_slice %arg6[%multiple_of3A_1281] : memref<835584xi32, #tpu.memory_space<hbm>> -> memref<12800xi32, #tpu.memory_space<hbm>>
    %dma_wait3A_1304 = arith.constant 13312 : i32
    %dma_wait3A_1305 = tpu.memref_slice %arg11[%dma_wait3A_1304] : memref<26112xi32, #tpu.memory_space<vmem>> -> memref<12800xi32, #tpu.memory_space<vmem>>
    tpu.wait_dma2 semaphore(%arg16 : memref<!tpu.dma_semaphore, #tpu.memory_space<semaphore_mem>>) src(%dma_wait3A_1305 : memref<12800xi32, #tpu.memory_space<vmem>>) dst(%dma_wait3A_1303 : memref<12800xi32, #tpu.memory_space<hbm>>)
    return
  }
}

module attributes {stable_mosaic.version = 14 : i64} {
  func.func @_loss_body(%arg0: memref<835584xi32, #tpu.memory_space<vmem>>, %arg1: memref<1x1xf32, #tpu.memory_space<smem>>) attributes {dimension_semantics = [], scalar_prefetch = 0 : i64, scratch_operands = 0 : i64, tpu.core_type = #tpu.core_type<tc>} {
    %get3A = arith.constant 0 : index
    %get3A_0 = vector.load %arg0[%get3A] : memref<835584xi32, #tpu.memory_space<vmem>>, vector<835584xi32>
    %reshape3A = vector.shape_cast %get3A_0 : vector<835584xi32> to vector<6528x128xi32>
    %bitcast_convert_type3A = tpu.bitcast %reshape3A : vector<6528x128xi32> -> vector<6528x128xf32>
    %iota3A = tpu.iota {dimensions = array<i32: 0>} : vector<6528x128xi32>
    %lt3A = arith.constant 128 : i32
    %lt3A_1 = vector.broadcast %lt3A : i32 to vector<6528x128xi32>
    %lt3A_2 = arith.cmpi slt, %iota3A, %lt3A_1 : vector<6528x128xi32>
    %neg3A = arith.constant 0.000000e+00 : f32
    %neg3A_3 = vector.broadcast %neg3A : f32 to vector<6528x128xf32>
    %neg3A_4 = arith.subf %neg3A_3, %bitcast_convert_type3A : vector<6528x128xf32>
    %select_n3A = arith.select %lt3A_2, %neg3A_4, %bitcast_convert_type3A : vector<6528x128xi1>, vector<6528x128xf32>
    %max3A = arith.constant 0.000000e+00 : f32
    %max3A_5 = vector.broadcast %max3A : f32 to vector<6528x128xf32>
    %max3A_6 = arith.maximumf %select_n3A, %max3A_5 : vector<6528x128xf32>
    %abs3A = math.absf %select_n3A : vector<6528x128xf32>
    %neg3A_7 = arith.constant 0.000000e+00 : f32
    %neg3A_8 = vector.broadcast %neg3A_7 : f32 to vector<6528x128xf32>
    %neg3A_9 = arith.subf %neg3A_8, %abs3A : vector<6528x128xf32>
    %exp3A = math.exp %neg3A_9 : vector<6528x128xf32>
    %log1p3A = math.log1p %exp3A : vector<6528x128xf32>
    %add3A = arith.addf %max3A_6, %log1p3A : vector<6528x128xf32>
    %reduce_sum3A = vector.shape_cast %add3A : vector<6528x128xf32> to vector<1x6528x128xf32>
    %reduce_sum3A_10 = arith.constant dense<0.000000e+00> : vector<1xf32>
    %reduce_sum3A_11 = vector.multi_reduction <add>, %reduce_sum3A, %reduce_sum3A_10 [1, 2] : vector<1x6528x128xf32> to vector<1xf32>
    %reduce_sum3A_12 = vector.shape_cast %reduce_sum3A_11 : vector<1xf32> to vector<1x1x1xf32>
    %reduce_sum3A_13 = vector.extract %reduce_sum3A_12[0, 0, 0] : f32 from vector<1x1x1xf32>
    %mul3A = arith.constant 6.10351563E-5 : f32
    %mul3A_14 = arith.mulf %reduce_sum3A_13, %mul3A : f32
    %swap3A = arith.constant 0 : index
    %swap3A_15 = arith.constant 0 : index
    %swap3A_16 = memref.load %arg1[%swap3A, %swap3A_15] : memref<1x1xf32, #tpu.memory_space<smem>>
    memref.store %mul3A_14, %arg1[%swap3A, %swap3A_15] : memref<1x1xf32, #tpu.memory_space<smem>>
    return
  }
}

module attributes {stable_mosaic.version = 14 : i64} {
  func.func @_matmul_body(%arg0: i32, %arg1: memref<1008x128xf32, #tpu.memory_space<vmem>>, %arg2: memref<128x128xf32, #tpu.memory_space<vmem>>, %arg3: memref<64512xi32, #tpu.memory_space<vmem>>) attributes {dimension_semantics = [#tpu.dimension_semantics<arbitrary>], iteration_bounds = array<i64: 8>, scalar_prefetch = 0 : i64, scratch_operands = 0 : i64, tpu.core_type = #tpu.core_type<tc>, window_params = [{pipeline_mode = #tpu.pipeline_mode<synchronous>, transform_indices = @transform_0, window_bounds = array<i64: 1008, 128>}, {transform_indices = @transform_1, window_bounds = array<i64: 128, 128>}, {transform_indices = @transform_2, window_bounds = array<i64: 64512>}]} {
    %get3A = arith.constant 0 : index
    %get3A_0 = arith.constant 0 : index
    %get3A_1 = vector.load %arg1[%get3A, %get3A_0] : memref<1008x128xf32, #tpu.memory_space<vmem>>, vector<1008x128xf32>
    %slice3A = vector.extract_strided_slice %get3A_1 {offsets = [0, 0], sizes = [504, 128], strides = [1, 1]} : vector<1008x128xf32> to vector<504x128xf32>
    %slice3A_2 = vector.extract_strided_slice %get3A_1 {offsets = [504, 0], sizes = [504, 128], strides = [1, 1]} : vector<1008x128xf32> to vector<504x128xf32>
    %get3A_3 = arith.constant 0 : index
    %get3A_4 = arith.constant 0 : index
    %get3A_5 = vector.load %arg2[%get3A_3, %get3A_4] : memref<128x128xf32, #tpu.memory_space<vmem>>, vector<128x128xf32>
    %dot_general3A = arith.constant dense<0.000000e+00> : vector<504x128xf32>
    %dot_general3A_6 = tpu.matmul %slice3A, %get3A_5, %dot_general3A {dimension_numbers = #tpu.dot_dimension_numbers<[1], [1], [0], [0], [0, 0, 1, 0], [], []>, transpose_lhs_hint = false} : vector<504x128xf32>, vector<128x128xf32>, vector<504x128xf32> -> vector<504x128xf32>
    %get3A_7 = arith.constant 0 : index
    %get3A_8 = arith.constant 0 : index
    %get3A_9 = vector.load %arg2[%get3A_7, %get3A_8] : memref<128x128xf32, #tpu.memory_space<vmem>>, vector<128x128xf32>
    %dot_general3A_10 = arith.constant dense<0.000000e+00> : vector<504x128xf32>
    %dot_general3A_11 = tpu.matmul %slice3A_2, %get3A_9, %dot_general3A_10 {dimension_numbers = #tpu.dot_dimension_numbers<[1], [1], [0], [0], [0, 0, 1, 0], [], []>, transpose_lhs_hint = false} : vector<504x128xf32>, vector<128x128xf32>, vector<504x128xf32> -> vector<504x128xf32>
    %convert_element_type3A = arith.truncf %dot_general3A_6 : vector<504x128xf32> to vector<504x128xbf16>
    %bitcast_convert_type3A = tpu.bitcast %convert_element_type3A : vector<504x128xbf16> -> vector<504x128xi16>
    %convert_element_type3A_12 = arith.truncf %dot_general3A_11 : vector<504x128xf32> to vector<504x128xbf16>
    %bitcast_convert_type3A_13 = tpu.bitcast %convert_element_type3A_12 : vector<504x128xbf16> -> vector<504x128xi16>
    %convert_element_type3A_14 = arith.extui %bitcast_convert_type3A : vector<504x128xi16> to vector<504x128xi32>
    %convert_element_type3A_15 = arith.extui %bitcast_convert_type3A_13 : vector<504x128xi16> to vector<504x128xi32>
    %shift_left3A = arith.constant 16 : i32
    %shift_left3A_16 = vector.broadcast %shift_left3A : i32 to vector<504x128xi32>
    %shift_left3A_17 = arith.shli %convert_element_type3A_15, %shift_left3A_16 : vector<504x128xi32>
    %or3A = arith.ori %convert_element_type3A_14, %shift_left3A_17 : vector<504x128xi32>
    %reshape3A = vector.shape_cast %or3A : vector<504x128xi32> to vector<64512xi32>
    %swap3A = arith.constant 0 : index
    %swap3A_18 = vector.load %arg3[%swap3A] : memref<64512xi32, #tpu.memory_space<vmem>>, vector<64512xi32>
    tpu.vector_store %arg3[%swap3A], %reshape3A {strides = array<i32>} : memref<64512xi32, #tpu.memory_space<vmem>>, vector<64512xi32>,
    return
  }
  func.func @transform_0(%arg0: i32) -> (i32, i32) {
    %c0_i32 = arith.constant 0 : i32
    %c0_i32_0 = arith.constant 0 : i32
    %c0_i32_1 = arith.constant 0 : i32
    return %c0_i32, %c0_i32_0 : i32, i32
  }
  func.func @transform_1(%arg0: i32) -> (i32, i32) {
    %c0_i32 = arith.constant 0 : i32
    %c0_i32_0 = arith.constant 0 : i32
    return %arg0, %c0_i32 : i32, i32
  }
  func.func @transform_2(%arg0: i32) -> i32 {
    %c0_i32 = arith.constant 0 : i32
    return %arg0 : i32
  }
}

</mosaic_0001>

<sc_bundles>
// kernel: kernel.5.cloned.1.call-start
scs
__scs_entry_jumppad:
0x0: {  	(pc) =	sbr.rel $0x88, $3  }
0x1: {  	(tag) =	ssettag $0x0;
	lr =	simm.s32 $0x1  }
0x2: {  	[smem:$0x3F9C] =	sst lr;
	_ =	strace $0xD0000000  }
0x3: {  	_ = 	snop  }
0x4: {  	_ = 	snop  }
0x5: {  	_ = 	snop  }
0x6: {  	_ = 	snop  }
0x7: {  	_ = 	snop  }
__scs_overlays_trampoline_lowered:
0x8: {  	[smem:$0x3FAB] =	sst s0  }
0x9: {  	[smem:$0x3FAC] =	sst s1  }
0xa: {  	[smem:$0x3FAD] =	sst s2  }
0xb: {  	[smem:$0x3FAE] =	sst s3  }
0xc: {  	[smem:$0x3FAF] =	sst s4  }
0xd: {  	[smem:$0x3FB0] =	sst s5  }
0xe: {  	[smem:$0x3FB1] =	sst s6  }
0xf: {  	[smem:$0x3FB2] =	sst s7  }
0x10: {  	[smem:$0x3FB3] =	sst s8  }
0x11: {  	[smem:$0x3FB4] =	sst s9;
	s0 =	simm.s32 @!p0 $0x0  }
0x12: {  	s1 =	sld [smem:$0x3F9A];
	s0 =	simm.s32 @p0 $0x1  }
0x13: {  	[smem:$0x3FB5] =	sst s0;
	s0 =	simm.s32 @!p1 $0x0  }
0x14: {  	s2 =	sld [smem:$0x3F99];
	s0 =	simm.s32 @p1 $0x1  }
0x15: {  	[smem:$0x3FB6] =	sst s0;
	s0 =	simm.s32 @!p2 $0x0  }
0x16: {  	s3 =	sld [smem:$0x3FDB];
	s0 =	simm.s32 @p2 $0x1  }
0x17: {  	s4 =	simm.s32 $0x1BF5;
	[smem:$0x3FB8] =	sst s0  }
0x18: {  	s0 =	sld [smem:$0x3F9B];
	_ =	swait.ge [sflag:s4], $0x0  }
0x19: {  	s7 =	sld [smem:$0x3F9C]  }
0x1a: {  	s8 =	sadd.s32 $0xFFFFE003, lr  }
0x1b: {  	s9 =	sadd.s32 $0xFFFFFEF7, lr;
	s5 =	simm.s32 $0xFFFFFFFF;
	p2 =	slt.u32 s8, $0xFFFFF086  }
0x1c: {  	p1 =	slt.u32 s9, $0xF7A;
	s5 =	simm.s32 @!p2 $0x0  }
0x1d: {  	s5 =	simm.s32 @p1 $0x1;
	p0 =	seq.s32 s7, s2  }
0x1e: {  	s7 =	smul.u32 @!p0 $0xF7A, s2;
	p2 =	seq.s32 @!p0 s5, $0x0  }
0x1f: {  	s9 =	smul.u32 $0xF7A, s1;
	s8 =	simm.s32 @!p0 $0x1BF5;
	p2 =	por !p2, p0  }
0x20: {  	[sflag:s8] =	ssyncset.s32 @!p0 $0xFFFFF086;
	s6 =	sadd.s32 @!p0 s3, s7;
	s7 =	simm.s32 @!p0 $0x108  }
0x21: {  	s3 =	sadd.s32 s3, s9;
	s6 =	sadd.s32 @!p0 $0x88, s6;
	s7 =	simm.s32 @p2 $0x1082  }
0x22: {  	[simem:s7], [sflag:s8] =	dma.local @!p0 [hbm:s6], $0xF7A  }
0x23: {  	s9 =	sor.u32 $0xD0000000, s2;
	s6 =	simm.s32 $0x108;
	_ =	swait.ge @!p0 [sflag:s8], $0x0  }
0x24: {  	s3 =	sadd.s32 $0x88, s3;
	s6 =	simm.s32 @!p1 $0x1082;
	[sflag:s4] =	ssyncset.s32 $0xFFFFF086  }
0x25: {  	[simem:s6], [sflag:s4] =	dma.local [hbm:s3], $0xF7A  }
0x26: {  	[smem:$0x3F9C] =	sst s1;
	(tag) =	ssettag s2;
	_ =	strace s9  }
0x27: {  	s1 =	sld [smem:$0x3FAC]  }
0x28: {  	s2 =	sld [smem:$0x3FAD]  }
0x29: {  	s4 =	sld [smem:$0x3FAF]  }
0x2a: {  	p0 =	seq.s32 s5, $0x0;
	s5 =	sld [smem:$0x3FB0]  }
0x2b: {  	s6 =	sld [smem:$0x3FB1]  }
0x2c: {  	s7 =	sld [smem:$0x3FB2]  }
0x2d: {  	s3 =	simm.s32 $0x108;
	s8 =	sld [smem:$0x3FB3]  }
0x2e: {  	s3 =	simm.s32 @!p0 $0x1082;
	s9 =	sld [smem:$0x3FB4]  }
0x2f: {  	lr =	sadd.s32 s0, s3;
	s0 =	sld [smem:$0x3FAB]  }
0x30: {  	s3 =	sld [smem:$0x3FAE]  }
0x31: {  	[smem:$0x3FB7] =	sst s10  }
0x32: {  	s10 =	sld [smem:$0x3FB5];
	_ =	sdelay $0x3  }
0x33: {  	p0 =	seq.s32 s10, $0x1;
	s10 =	sld [smem:$0x3FB7];
	_ =	sdelay $0x3  }
0x34: {  	[smem:$0x3FB7] =	sst s10  }
0x35: {  	s10 =	sld [smem:$0x3FB6];
	_ =	sdelay $0x3  }
0x36: {  	p1 =	seq.s32 s10, $0x1;
	s10 =	sld [smem:$0x3FB7];
	_ =	sdelay $0x3  }
0x37: {  	[smem:$0x3FB7] =	sst s10  }
0x38: {  	s10 =	sld [smem:$0x3FB8]  }
0x39: {  	_ = 	snop;
	(pc) =	sbr.ind lr, $3  }
0x3a: {  	_ = 	snop  }
0x3b: {  	_ = 	snop  }
0x3c: {  	p2 =	seq.s32 s10, $0x1;
	s10 =	sld [smem:$0x3FB7]  }
0x3d: {  	_ =	shalt  }
0x3e: {  	_ =	shalt  }
0x3f: {  	_ =	shalt  }
0x40: {  	_ =	shalt  }
0x41: {  	_ =	shalt  }
0x42: {  	_ =	shalt  }
0x43: {  	_ =	shalt  }
0x44: {  	_ =	shalt  }
0x45: {  	_ =	shalt  }
0x46: {  	_ =	shalt  }
0x47: {  	_ =	shalt  }
0x48: {  	_ =	shalt  }
0x49: {  	_ =	shalt  }
0x4a: {  	_ =	shalt  }
0x4b: {  	_ =	shalt  }
0x4c: {  	_ =	shalt  }
0x4d: {  	_ =	shalt  }
0x4e: {  	_ =	shalt  }
0x4f: {  	_ =	shalt  }
0x50: {  	_ =	shalt  }
0x51: {  	_ =	shalt  }
0x52: {  	_ =	shalt  }
0x53: {  	_ =	shalt  }
0x54: {  	_ =	shalt  }
0x55: {  	_ =	shalt  }
0x56: {  	_ =	shalt  }
0x57: {  	_ =	shalt  }
0x58: {  	_ =	shalt  }
0x59: {  	_ =	shalt  }
0x5a: {  	_ =	shalt  }
0x5b: {  	_ =	shalt  }
0x5c: {  	_ =	shalt  }
0x5d: {  	_ =	shalt  }
0x5e: {  	_ =	shalt  }
0x5f: {  	_ =	shalt  }
0x60: {  	_ =	shalt  }
0x61: {  	_ =	shalt  }
0x62: {  	_ =	shalt  }
0x63: {  	_ =	shalt  }
0x64: {  	_ =	shalt  }
0x65: {  	_ =	shalt  }
0x66: {  	_ =	shalt  }
0x67: {  	_ =	shalt  }
0x68: {  	_ =	shalt  }
0x69: {  	_ =	shalt  }
0x6a: {  	_ =	shalt  }
0x6b: {  	_ =	shalt  }
0x6c: {  	_ =	shalt  }
0x6d: {  	_ =	shalt  }
0x6e: {  	_ =	shalt  }
0x6f: {  	_ =	shalt  }
0x70: {  	_ =	shalt  }
0x71: {  	_ =	shalt  }
0x72: {  	_ =	shalt  }
0x73: {  	_ =	shalt  }
0x74: {  	_ =	shalt  }
0x75: {  	_ =	shalt  }
0x76: {  	_ =	shalt  }
0x77: {  	_ =	shalt  }
0x78: {  	_ =	shalt  }
0x79: {  	_ =	shalt  }
0x7a: {  	_ =	shalt  }
0x7b: {  	_ =	shalt  }
0x7c: {  	_ =	shalt  }
0x7d: {  	_ =	shalt  }
0x7e: {  	_ =	shalt  }
0x7f: {  	_ =	shalt  }
0x80: {  	_ =	shalt  }
0x81: {  	_ =	shalt  }
0x82: {  	_ =	shalt  }
0x83: {  	_ =	shalt  }
0x84: {  	_ =	shalt  }
0x85: {  	_ =	shalt  }
0x86: {  	_ =	shalt  }
0x87: {  	_ =	shalt  }
.Lfunc_end0:
.L_simem_size_0:
called_computation_lowered:
.L_overlay_start_0:
0x88: {  	s2 =	sld [smem:$0x3FD9]  }
0x89: {  	s3 =	sld [smem:$0x3FFE];
	_ =	sdelay $0x1  }
0x8a: {  	s1 =	srdreg.scid  }
0x8b: {  	s0 =	sand.u32 $0x1, s1  }
0x8c: {  	s17 =	sshll.u32 s0, $0xA;
	s2 =	sadd.s32 s3, s2  }
0x8d: {  	s2 =	sadd.s32 s2, s17  }
0x8e: {  	[smem:$0x3FC3] =	sst s2  }
0x8f: {  	_ = 	snop  }
0x90: {  	s2 =	sld [smem:$0x3FC9]  }
0x91: {  	s18 =	sld [smem:$0x3FC8];
	(tm) =	ssettm $0x1  }
0x92: {  	s4 =	sld [smem:$0x3FFB];
	_ =	sdelay $0x3  }
0x93: {  	_ =	strace s4  }
0x94: {  	s4 =	sld [smem:$0x3FFC];
	_ =	sdelay $0x3  }
0x95: {  	_ =	strace s4  }
0x96: {  	s4 =	sld [smem:$0x3FFD];
	_ =	sdelay $0x3  }
0x97: {  	_ =	strace s4  }
0x98: {  	_ =	strace $0x8FFFFFFF  }
0x99: {  	s19 =	sld [smem:$0x3FDB];
	_ =	sdelay $0x1  }
0x9a: {  	s5 =	simm.s32 $_scs_section_size  }
0x9b: {  	s6 =	simm.s32 $_size__tile_overlayer_lowered;
	s7 =	simm.s32 $_tile_overlayer_lowered  }
0x9c: {  	s22 =	simm.s32 $0x1BFF;
	s21 =	sshll.u32 s7, $0x1;
	s4 =	sadd.s32 s5, s19  }
0x9d: {  	s8 =	simm.s32 $0x0;
	s20 =	sshll.u32 s6, $0x1;
	s6 =	sadd.s32 s21, s4  }
0x9e: {  	[timem:s8], [sflag:s22] =	dma.local [hbm:s6], s20  }
0x9f: {  	_ =	swait.ge [sflag:s22], s20  }
0xa0: {  	s5 =	ssub.s32 $0x0, s20;
	[sflag:s22] =	ssyncset.done $0x0  }
0xa1: {  	[sflag:s22] =	ssyncadd.s32 s5;
	_ =	sdelay $0x1  }
0xa2: {  	s23 =	simm.s32 $0x1B8B  }
0xa3: {  	_ =	swait.ge [sflag:s23], $0x1  }
0xa4: {  	[sflag:s23] =	ssyncset.done $0x0  }
0xa5: {  	s25 =	simm.s32 $0x1B8E;
	s24 =	sld [smem:$0x3FFE];
	[sflag:s23] =	ssyncadd.s32 $0xFFFFFFFF  }
0xa6: {  	s26 =	simm.s32 $execute0_lowered;
	[smem:$0x3FD2] =	sst s25  }
0xa7: {  	s6 =	sshll.u32 s26, $0x1;
	_ =	strace $0x80000046;
	[dreg:$0x1] =	wrdreg $0xFFFFFFFF  }
0xa8: {  	s28 =	simm.s32 $_size_execute0_lowered;
	s4 =	sadd.s32 s4, s6;
	[dreg:$0x0] =	wrdreg $0x0  }
0xa9: {  	s6 =	sshll.u32 s28, $0x1;
	[dreg:$0x2] =	wrdreg s4  }
0xaa: {  	[dreg:$0x3] =	wrdreg s6  }
0xab: {  	[dreg:$0x4] =	wrdreg $0xC0  }
0xac: {  	_ =	task [dreg:s8], $0x5FFFF  }
0xad: {  	[dreg:$0x1] =	wrdreg $0xFFFFFFFF  }
0xae: {  	[dreg:$0x0] =	wrdreg $0x60  }
0xaf: {  	[dreg:$0x2] =	wrdreg s24  }
0xb0: {  	[dreg:$0x3] =	wrdreg s2  }
0xb1: {  	[dreg:$0x4] =	wrdreg s18  }
0xb2: {  	[dreg:$0x5] =	wrdreg $0x134000  }
0xb3: {  	[dreg:$0x6] =	wrdreg $0x9  }
0xb4: {  	_ =	task.clear_ibuf [dreg:s8], $0x7FFFF;
	_ =	strace $0x90000046  }
0xb5: {  	s29 =	simm.s32 $0x9;
	_ =	strace $0x80000048  }
0xb6: {  	_ =	swait.ge [sflag:s29], $0x1  }
0xb7: {  	[sflag:s29] =	ssyncadd.s32 $0xFFFFFFFF  }
0xb8: {  	_ =	strace $0x90000048  }
0xb9: {  	_ =	sfence  }
0xba: {  	s30 =	sld [smem:$0x0];
	_ =	sdelay $0x2  }
0xbb: {  	s31 =	sshll.u32 s1, $0xD;
	s1 =	sshrl.u32 s1, $0x2  }
0xbc: {  	s3 =	sand.u32 $0x4000, s31;
	s1 =	sadd.s32 s1, s30  }
0xbd: {  	s0 =	sor.u32 s3, s0;
	s1 =	sshll.u32 s1, $0x11  }
0xbe: {  	s0 =	sor.u32 s1, s0  }
0xbf: {  	s0 =	sadd.s32 $0x8F2B, s0  }
0xc0: {  	[sflag:s0] =	ssyncadd.remote.s32 $0x1  }
0xc1: {  	_ =	sfence.sel $0xFFFF  }
0xc2: {  	[dreg:$0x0] =	wrdreg $0xFFFFFFFF;
	(pc) =	sbr.abs _section_cstart, $3  }
0xc3: {  	[dreg:$0x1] =	wrdreg $0xFFFFFFFF  }
0xc4: {  	_ =	task.clear_ibuf [dreg:s8], $0x2FFFF;
	_ =	strace $0x9FFFFFFF  }
0xc5: {  	(tm) =	ssettm $0x7FFFFFFF  }
tec
execute0_lowered:
.L_overlay_start_1:
0x0: {  	(tag) =	ssettag $0x1  }
0x1: {  	s0 =	rddreg [dreg:$0x0]  }
0x2: {  	s1 =	rddreg [dreg:$0x1]  }
0x3: {  	s2 =	rddreg [dreg:$0x2]  }
0x4: {  	s12 =	rddreg [dreg:$0x3]  }
0x5: {  	s11 =	stileid.u32;
	s3 =	srdreg.scid;
	s14 =	simm.s32 $0x5  }
0x6: {  	s15 =	simm.s32 $0x400;
	s16 =	simm.s32 $0x3;
	s23 =	simm.s32 $0x1  }
0x7: {  	s28 =	simm.s32 $0x0;
	s4 =	sand.u32 $0x1, s3;
	s5 =	sshll.u32 s11, $0x1  }
0x8: {  	s3 =	simm.s32 $0x0;
	s6 =	smul.u32 $0x7E00, s11;
	s24 =	sshll.u32 s11, $0x6  }
0x9: {  	s5 =	sor.u32 s4, s5;
	[smem:$0x7FF] =	sst s3;
	s4 =	ssub.s32 $0x2, s4  }
0xa: {  	s7 =	smul.u32 $0x6400, s5;
	_ =	strace $0x80000047;
	s5 =	sshll.u32 s5, $0x6  }
0xb: {  	s8 =	sshrl.u32 s6, $0x3;
	s10 =	sshrl.u32 s4, $0x1;
	s1 =	sadd.s32 s1, s5  }
0xc: {  	s8 =	sadd.s32 s8, s0;
	s25 =	sadd.s32 s2, s5;
	[dreg:$0x7] =	wrdreg s1  }
0xd: {  	s4 =	ssub.s32 s4, s10;
	s8 =	sadd.s32 $0x19C00, s8;
	[dreg:$0x8] =	wrdreg s25  }
0xe: {  	s7 =	sshrl.u32 s7, $0x3;
	s31 =	smax.u32 s4, $0x1;
	[dreg:$0x5] =	wrdreg s8  }
0xf: {  	s9 =	sadd.s32 s7, s0;
	s8 =	sor.u32 $0x1C03, s24;
	[dreg:$0xd] =	wrdreg s31  }
0x10: {  	s0 =	sadd.s32 $0x29800, s0;
	[dreg:$0x6] =	wrdreg s8;
	s26 =	sadd.s32 $0xC00, s9  }
0x11: {  	s29 =	sadd.s32 s0, s5;
	s0 =	sadd.s32 s0, s7;
	[dreg:$0x9] =	wrdreg s26  }
0x12: {  	v1 =	vlaneseq.u32;
	s6 =	sadd.s32 s6, s12;
	[dreg:$0xa] =	wrdreg s29;
	s30 =	sadd.s32 $0x800, s0  }
0x13: {  	v1 =	vmul.u32 $0x32, v1;
	s13 =	sshrl.u32 s6, $0x3;
	s0 =	sadd.s32 $0xE40, s0;
	[dreg:$0xb] =	wrdreg s30  }
0x14: {  	v0 =	vimm.s32 $0x0;
	s25 =	simm.s32 $0x2;
	s26 =	simm.s32 $0x4;
	[dreg:$0xc] =	wrdreg s0  }
.LBB2_1:
0x15: {  	s0 =	rddreg [dreg:$0x5]  }
0x16: {  	s1 =	rddreg [dreg:$0x6]  }
0x17: {  	[spmem:s13], [sflag:s1] =	dma.local [hbm:s0], $0xFC0  }
0x18: {  	s0 =	rddreg [dreg:$0x7]  }
0x19: {  	[tilespmem:s3], [sflag:$0x5] =	stream.linear.gather [hbm4b:s0+s3], $0x200, $0x38;
	[tilespmem:$0x1B200] =	vst v63  }
0x1a: {  	_ =	swait.ge [sflag:s14], $0x200  }
0x1b: {  	[sflag:s14] =	ssyncset.done $0x0  }
0x1c: {  	[sflag:s14] =	ssyncadd.s32 $0xFFFFFE00  }
0x1d: {  	v2 =	vld [tilespmem:$0x0];
	_ =	sdelay $0x1  }
0x1e: {  	v3 =	vld [tilespmem:$0x10];
	_ =	sdelay $0x1  }
0x1f: {  	v4 =	vld [tilespmem:$0x20]  }
0x20: {  	vm0 =	vgt.s32 v2, $0x1F7  }
0x21: {  	v6 =	vld [tilespmem:$0x30];
	v5 =	vsel vm0, $0x1FFFE08, v0  }
0x22: {  	vm9 =	vgt.s32 v3, $0x1F7;
	v7 =	vsel vm0, $0x10, v0;
	v2 =	vadd.s32 v2, v5  }
0x23: {  	[tilespmem:$0x200] =	vst v7;
	v5 =	vsel vm9, $0x1FFFE08, v0;
	v7 =	vld [tilespmem:$0x40];
	v2 =	vshll.u32 v2, $0x7  }
0x24: {  	vm10 =	vgt.s32 v4, $0x1F7;
	v3 =	vadd.s32 v3, v5;
	[tilespmem:$0x0] =	vst v2;
	v2 =	vsel vm9, $0x10, v0  }
0x25: {  	v5 =	vld [tilespmem:$0x50];
	[tilespmem:$0x210] =	vst v2;
	v2 =	vshll.u32 v3, $0x7;
	v3 =	vsel vm10, $0x1FFFE08, v0  }
0x26: {  	vm11 =	vgt.s32 v6, $0x1F7;
	[tilespmem:$0x10] =	vst v2;
	v2 =	vsel vm10, $0x10, v0;
	v3 =	vadd.s32 v4, v3  }
0x27: {  	v4 =	vld [tilespmem:$0x60];
	[tilespmem:$0x220] =	vst v2;
	v2 =	vshll.u32 v3, $0x7;
	v3 =	vsel vm11, $0x1FFFE08, v0  }
0x28: {  	vm12 =	vgt.s32 v7, $0x1F7;
	[tilespmem:$0x20] =	vst v2;
	v2 =	vsel vm11, $0x10, v0;
	v3 =	vadd.s32 v6, v3  }
0x29: {  	v6 =	vld [tilespmem:$0x70];
	[tilespmem:$0x230] =	vst v2;
	v2 =	vshll.u32 v3, $0x7;
	v3 =	vsel vm12, $0x1FFFE08, v0  }
0x2a: {  	vm13 =	vgt.s32 v5, $0x1F7;
	[tilespmem:$0x30] =	vst v2;
	v2 =	vsel vm12, $0x10, v0;
	v3 =	vadd.s32 v7, v3  }
0x2b: {  	v7 =	vld [tilespmem:$0x80];
	[tilespmem:$0x240] =	vst v2;
	v2 =	vshll.u32 v3, $0x7;
	v3 =	vsel vm13, $0x1FFFE08, v0  }
0x2c: {  	vm14 =	vgt.s32 v4, $0x1F7;
	[tilespmem:$0x40] =	vst v2;
	v2 =	vsel vm13, $0x10, v0;
	v3 =	vadd.s32 v5, v3  }
0x2d: {  	v5 =	vld [tilespmem:$0x90];
	[tilespmem:$0x250] =	vst v2;
	v2 =	vshll.u32 v3, $0x7;
	v3 =	vsel vm14, $0x1FFFE08, v0  }
0x2e: {  	vm15 =	vgt.s32 v6, $0x1F7;
	[tilespmem:$0x50] =	vst v2;
	v2 =	vsel vm14, $0x10, v0;
	v3 =	vadd.s32 v4, v3  }
0x2f: {  	v4 =	vld [tilespmem:$0xA0];
	[tilespmem:$0x260] =	vst v2;
	v2 =	vshll.u32 v3, $0x7;
	v3 =	vsel vm15, $0x1FFFE08, v0  }
0x30: {  	vm4 =	vgt.s32 v7, $0x1F7;
	[tilespmem:$0x60] =	vst v2;
	v2 =	vsel vm15, $0x10, v0;
	v3 =	vadd.s32 v6, v3  }
0x31: {  	v6 =	vld [tilespmem:$0xB0];
	[tilespmem:$0x270] =	vst v2;
	v2 =	vshll.u32 v3, $0x7;
	v3 =	vsel vm4, $0x1FFFE08, v0  }
0x32: {  	vm5 =	vgt.s32 v5, $0x1F7;
	[tilespmem:$0x70] =	vst v2;
	v2 =	vsel vm4, $0x10, v0;
	v3 =	vadd.s32 v7, v3  }
0x33: {  	v7 =	vld [tilespmem:$0xC0];
	[tilespmem:$0x280] =	vst v2;
	v2 =	vshll.u32 v3, $0x7;
	v3 =	vsel vm5, $0x1FFFE08, v0  }
0x34: {  	vm6 =	vgt.s32 v4, $0x1F7;
	[tilespmem:$0x80] =	vst v2;
	v2 =	vsel vm5, $0x10, v0;
	v3 =	vadd.s32 v5, v3  }
0x35: {  	v5 =	vld [tilespmem:$0xD0];
	[tilespmem:$0x290] =	vst v2;
	v2 =	vshll.u32 v3, $0x7;
	v3 =	vsel vm6, $0x1FFFE08, v0  }
0x36: {  	vm7 =	vgt.s32 v6, $0x1F7;
	[tilespmem:$0x90] =	vst v2;
	v2 =	vsel vm6, $0x10, v0;
	v3 =	vadd.s32 v4, v3  }
0x37: {  	v4 =	vld [tilespmem:$0xE0];
	[tilespmem:$0x2A0] =	vst v2;
	v2 =	vshll.u32 v3, $0x7;
	v3 =	vsel vm7, $0x1FFFE08, v0  }
0x38: {  	vm8 =	vgt.s32 v7, $0x1F7;
	[tilespmem:$0xA0] =	vst v2;
	v2 =	vsel vm7, $0x10, v0;
	v3 =	vadd.s32 v6, v3  }
0x39: {  	v6 =	vld [tilespmem:$0xF0];
	[tilespmem:$0x2B0] =	vst v2;
	v2 =	vshll.u32 v3, $0x7;
	v3 =	vsel vm8, $0x1FFFE08, v0  }
0x3a: {  	vm9 =	vgt.s32 v5, $0x1F7;
	[tilespmem:$0xB0] =	vst v2;
	v2 =	vsel vm8, $0x10, v0;
	v3 =	vadd.s32 v7, v3  }
0x3b: {  	v7 =	vld [tilespmem:$0x100];
	[tilespmem:$0x2C0] =	vst v2;
	v2 =	vshll.u32 v3, $0x7;
	v3 =	vsel vm9, $0x1FFFE08, v0  }
0x3c: {  	vm10 =	vgt.s32 v4, $0x1F7;
	[tilespmem:$0xC0] =	vst v2;
	v2 =	vsel vm9, $0x10, v0;
	v3 =	vadd.s32 v5, v3  }
0x3d: {  	v5 =	vld [tilespmem:$0x110];
	[tilespmem:$0x2D0] =	vst v2;
	v2 =	vshll.u32 v3, $0x7;
	v3 =	vsel vm10, $0x1FFFE08, v0  }
0x3e: {  	vm11 =	vgt.s32 v6, $0x1F7;
	[tilespmem:$0xD0] =	vst v2;
	v2 =	vsel vm10, $0x10, v0;
	v3 =	vadd.s32 v4, v3  }
0x3f: {  	v4 =	vld [tilespmem:$0x120];
	[tilespmem:$0x2E0] =	vst v2;
	v2 =	vshll.u32 v3, $0x7;
	v3 =	vsel vm11, $0x1FFFE08, v0  }
0x40: {  	vm12 =	vgt.s32 v7, $0x1F7;
	[tilespmem:$0xE0] =	vst v2;
	v2 =	vsel vm11, $0x10, v0;
	v3 =	vadd.s32 v6, v3  }
0x41: {  	v6 =	vld [tilespmem:$0x130];
	[tilespmem:$0x2F0] =	vst v2;
	v2 =	vshll.u32 v3, $0x7;
	v3 =	vsel vm12, $0x1FFFE08, v0  }
0x42: {  	vm13 =	vgt.s32 v5, $0x1F7;
	[tilespmem:$0xF0] =	vst v2;
	v2 =	vsel vm12, $0x10, v0;
	v3 =	vadd.s32 v7, v3  }
0x43: {  	v7 =	vld [tilespmem:$0x140];
	[tilespmem:$0x300] =	vst v2;
	v2 =	vshll.u32 v3, $0x7;
	v3 =	vsel vm13, $0x1FFFE08, v0  }
0x44: {  	vm14 =	vgt.s32 v4, $0x1F7;
	[tilespmem:$0x100] =	vst v2;
	v2 =	vsel vm13, $0x10, v0;
	v3 =	vadd.s32 v5, v3  }
0x45: {  	v5 =	vld [tilespmem:$0x150];
	[tilespmem:$0x310] =	vst v2;
	v2 =	vshll.u32 v3, $0x7;
	v3 =	vsel vm14, $0x1FFFE08, v0  }
0x46: {  	vm15 =	vgt.s32 v6, $0x1F7;
	[tilespmem:$0x110] =	vst v2;
	v2 =	vsel vm14, $0x10, v0;
	v3 =	vadd.s32 v4, v3  }
0x47: {  	v4 =	vld [tilespmem:$0x160];
	[tilespmem:$0x320] =	vst v2;
	v2 =	vshll.u32 v3, $0x7;
	v3 =	vsel vm15, $0x1FFFE08, v0  }
0x48: {  	vm4 =	vgt.s32 v7, $0x1F7;
	[tilespmem:$0x120] =	vst v2;
	v2 =	vsel vm15, $0x10, v0;
	v3 =	vadd.s32 v6, v3  }
0x49: {  	v6 =	vld [tilespmem:$0x170];
	[tilespmem:$0x330] =	vst v2;
	v2 =	vshll.u32 v3, $0x7;
	v3 =	vsel vm4, $0x1FFFE08, v0  }
0x4a: {  	vm5 =	vgt.s32 v5, $0x1F7;
	[tilespmem:$0x130] =	vst v2;
	v2 =	vsel vm4, $0x10, v0;
	v3 =	vadd.s32 v7, v3  }
0x4b: {  	v7 =	vld [tilespmem:$0x180];
	[tilespmem:$0x340] =	vst v2;
	v2 =	vshll.u32 v3, $0x7;
	v3 =	vsel vm5, $0x1FFFE08, v0  }
0x4c: {  	vm6 =	vgt.s32 v4, $0x1F7;
	[tilespmem:$0x140] =	vst v2;
	v2 =	vsel vm5, $0x10, v0;
	v3 =	vadd.s32 v5, v3  }
0x4d: {  	v5 =	vld [tilespmem:$0x190];
	[tilespmem:$0x350] =	vst v2;
	v2 =	vshll.u32 v3, $0x7;
	v3 =	vsel vm6, $0x1FFFE08, v0  }
0x4e: {  	vm7 =	vgt.s32 v6, $0x1F7;
	[tilespmem:$0x150] =	vst v2;
	v2 =	vsel vm6, $0x10, v0;
	v3 =	vadd.s32 v4, v3  }
0x4f: {  	v4 =	vld [tilespmem:$0x1A0];
	[tilespmem:$0x360] =	vst v2;
	v2 =	vshll.u32 v3, $0x7;
	v3 =	vsel vm7, $0x1FFFE08, v0  }
0x50: {  	vm8 =	vgt.s32 v7, $0x1F7;
	[tilespmem:$0x160] =	vst v2;
	v2 =	vsel vm7, $0x10, v0;
	v3 =	vadd.s32 v6, v3  }
0x51: {  	v6 =	vld [tilespmem:$0x1B0];
	[tilespmem:$0x370] =	vst v2;
	v2 =	vshll.u32 v3, $0x7;
	v3 =	vsel vm8, $0x1FFFE08, v0  }
0x52: {  	vm9 =	vgt.s32 v5, $0x1F7;
	[tilespmem:$0x170] =	vst v2;
	v2 =	vsel vm8, $0x10, v0;
	v3 =	vadd.s32 v7, v3  }
0x53: {  	v7 =	vld [tilespmem:$0x1C0];
	[tilespmem:$0x380] =	vst v2;
	v2 =	vshll.u32 v3, $0x7;
	v3 =	vsel vm9, $0x1FFFE08, v0  }
0x54: {  	vm10 =	vgt.s32 v4, $0x1F7;
	[tilespmem:$0x180] =	vst v2;
	v2 =	vsel vm9, $0x10, v0;
	v3 =	vadd.s32 v5, v3  }
0x55: {  	v5 =	vld [tilespmem:$0x1D0];
	[tilespmem:$0x390] =	vst v2;
	v2 =	vshll.u32 v3, $0x7;
	v3 =	vsel vm10, $0x1FFFE08, v0  }
0x56: {  	vm11 =	vgt.s32 v6, $0x1F7;
	[tilespmem:$0x190] =	vst v2;
	v2 =	vsel vm10, $0x10, v0;
	v3 =	vadd.s32 v4, v3  }
0x57: {  	v4 =	vld [tilespmem:$0x1E0];
	[tilespmem:$0x3A0] =	vst v2;
	v2 =	vshll.u32 v3, $0x7;
	v3 =	vsel vm11, $0x1FFFE08, v0  }
0x58: {  	vm12 =	vgt.s32 v7, $0x1F7;
	[tilespmem:$0x1A0] =	vst v2;
	v2 =	vsel vm11, $0x10, v0;
	v3 =	vadd.s32 v6, v3  }
0x59: {  	v6 =	vld [tilespmem:$0x1F0];
	[tilespmem:$0x3B0] =	vst v2;
	v2 =	vshll.u32 v3, $0x7;
	v3 =	vsel vm12, $0x1FFFE08, v0  }
0x5a: {  	vm13 =	vgt.s32 v5, $0x1F7;
	[tilespmem:$0x1B0] =	vst v2;
	v2 =	vsel vm12, $0x10, v0;
	v3 =	vadd.s32 v7, v3  }
0x5b: {  	[tilespmem:$0x3C0] =	vst v2;
	v2 =	vshll.u32 v3, $0x7;
	v3 =	vsel vm13, $0x1FFFE08, v0  }
0x5c: {  	vm14 =	vgt.s32 v4, $0x1F7;
	[tilespmem:$0x1C0] =	vst v2;
	v2 =	vsel vm13, $0x10, v0;
	v3 =	vadd.s32 v5, v3  }
0x5d: {  	[tilespmem:$0x3D0] =	vst v2;
	v2 =	vshll.u32 v3, $0x7;
	v3 =	vsel vm14, $0x1FFFE08, v0  }
0x5e: {  	vm15 =	vgt.s32 v6, $0x1F7;
	[tilespmem:$0x1D0] =	vst v2;
	v2 =	vsel vm14, $0x10, v0;
	v3 =	vadd.s32 v4, v3  }
0x5f: {  	[tilespmem:$0x3E0] =	vst v2;
	v2 =	vshll.u32 v3, $0x7;
	v3 =	vsel vm15, $0x1FFFE08, v0  }
0x60: {  	[tilespmem:$0x1E0] =	vst v2;
	v2 =	vsel vm15, $0x10, v0;
	v3 =	vadd.s32 v6, v3  }
0x61: {  	[tilespmem:$0x3F0] =	vst v2;
	v2 =	vshll.u32 v3, $0x7  }
0x62: {  	s8 =	rddreg [dreg:$0x8];
	[tilespmem:$0x1F0] =	vst v2  }
0x63: {  	[tilespmem:s15], [sflag:$0x5] =	stream.linear.gather [hbm4b:s8+s3], $0x200, $0x38;
	[tilespmem:$0x1B200] =	vst v63  }
0x64: {  	_ =	swait.ge [sflag:s14], $0x200  }
0x65: {  	[sflag:s14] =	ssyncset.done $0x0  }
0x66: {  	[sflag:s14] =	ssyncadd.s32 $0xFFFFFE00  }
0x67: {  	v2 =	vld [tilespmem:$0x400]  }
0x68: {  	v3 =	vld [tilespmem:$0x0]  }
0x69: {  	v4 =	vld [tilespmem:$0x410]  }
0x6a: {  	v5 =	vld [tilespmem:$0x10]  }
0x6b: {  	v6 =	vld [tilespmem:$0x420]  }
0x6c: {  	v7 =	vld [tilespmem:$0x20]  }
0x6d: {  	v8 =	vld [tilespmem:$0x430]  }
0x6e: {  	v9 =	vld [tilespmem:$0x30]  }
0x6f: {  	v10 =	vld [tilespmem:$0x440]  }
0x70: {  	v11 =	vld [tilespmem:$0x40]  }
0x71: {  	v12 =	vld [tilespmem:$0x450]  }
0x72: {  	v13 =	vld [tilespmem:$0x50]  }
0x73: {  	v14 =	vld [tilespmem:$0x460]  }
0x74: {  	v15 =	vld [tilespmem:$0x60]  }
0x75: {  	v16 =	vld [tilespmem:$0x470]  }
0x76: {  	v17 =	vld [tilespmem:$0x70]  }
0x77: {  	v18 =	vld [tilespmem:$0x480]  }
0x78: {  	v19 =	vld [tilespmem:$0x80]  }
0x79: {  	v20 =	vld [tilespmem:$0x490]  }
0x7a: {  	v21 =	vld [tilespmem:$0x90]  }
0x7b: {  	v22 =	vld [tilespmem:$0x4A0]  }
0x7c: {  	v23 =	vld [tilespmem:$0xA0]  }
0x7d: {  	v24 =	vld [tilespmem:$0x4B0]  }
0x7e: {  	v25 =	vld [tilespmem:$0xB0]  }
0x7f: {  	v26 =	vld [tilespmem:$0x4C0]  }
0x80: {  	v28 =	vld [tilespmem:$0xC0]  }
0x81: {  	v30 =	vld [tilespmem:$0x4D0];
	v27 =	vshrl.u32 v2, $0x7;
	v29 =	vshrl.u32 v4, $0x7;
	v2 =	vadd.s32 v2, v3  }
0x82: {  	v40 =	vld [tilespmem:$0xD0];
	v4 =	vadd.s32 v4, v5;
	v5 =	vshrl.u32 v6, $0x7;
	v3 =	vmul.u32 $0xFB80, v29  }
0x83: {  	v41 =	vld [tilespmem:$0x4E0];
	v6 =	vadd.s32 v6, v7;
	v7 =	vshrl.u32 v10, $0x7;
	v27 =	vmul.u32 $0xFB80, v27  }
0x84: {  	v31 =	vld [tilespmem:$0xE0];
	v3 =	vadd.s32 v3, v4;
	v4 =	vmul.u32 $0xFB80, v5;
	v5 =	vshrl.u32 v8, $0x7  }
0x85: {  	v32 =	vld [tilespmem:$0x4F0];
	v44 =	vshrl.u32 v22, $0x7;
	v7 =	vmul.u32 $0xFB80, v7;
	v5 =	vmul.u32 $0xFB80, v5  }
0x86: {  	v33 =	vld [tilespmem:$0x510];
	v2 =	vadd.s32 v27, v2;
	v4 =	vadd.s32 v4, v6;
	v6 =	vadd.s32 v8, v9  }
0x87: {  	v42 =	vld [tilespmem:$0x520];
	v9 =	vshrl.u32 v12, $0x7;
	v5 =	vadd.s32 v5, v6;
	v6 =	vadd.s32 v10, v11  }
0x88: {  	v43 =	vld [tilespmem:$0x120];
	v6 =	vadd.s32 v7, v6;
	v7 =	vmul.u32 $0xFB80, v9;
	v9 =	vshrl.u32 v14, $0x7  }
0x89: {  	v34 =	vld [tilespmem:$0x530];
	v12 =	vadd.s32 v12, v13;
	v13 =	vshrl.u32 v16, $0x7;
	v9 =	vmul.u32 $0xFB80, v9  }
0x8a: {  	v46 =	vld [tilespmem:$0x130];
	v13 =	vmul.u32 $0xFB80, v13;
	v7 =	vadd.s32 v7, v12;
	v12 =	vadd.s32 v14, v15  }
0x8b: {  	v47 =	vld [tilespmem:$0x540];
	v15 =	vshrl.u32 v18, $0x7;
	v9 =	vadd.s32 v9, v12;
	v12 =	vadd.s32 v16, v17  }
0x8c: {  	v48 =	vld [tilespmem:$0x140];
	v12 =	vadd.s32 v13, v12;
	v13 =	vmul.u32 $0xFB80, v15;
	v15 =	vshrl.u32 v20, $0x7  }
0x8d: {  	v50 =	vld [tilespmem:$0x550];
	v49 =	vshrl.u32 v30, $0x7;
	[tilespmem:$0x6800] =	vst v2;
	v18 =	vadd.s32 v18, v19;
	v15 =	vmul.u32 $0xFB80, v15  }
0x8e: {  	v45 =	vmul.u32 $0xFB80, v44;
	[tilespmem:$0x6810] =	vst v3;
	v8 =	vld [tilespmem:$0xF0];
	v2 =	vadd.s32 v13, v18;
	v13 =	vadd.s32 v20, v21  }
0x8f: {  	v51 =	vld [tilespmem:$0x150];
	[tilespmem:$0x6820] =	vst v4;
	v3 =	vadd.s32 v15, v13;
	v13 =	vadd.s32 v22, v23;
	v15 =	vshrl.u32 v24, $0x7  }
0x90: {  	v10 =	vld [tilespmem:$0x500];
	[tilespmem:$0x6830] =	vst v5;
	v4 =	vadd.s32 v45, v13;
	v13 =	vmul.u32 $0xFB80, v15;
	v15 =	vshrl.u32 v26, $0x7  }
0x91: {  	v5 =	vadd.s32 v24, v25;
	[tilespmem:$0x6840] =	vst v6;
	v6 =	vadd.s32 v26, v28;
	v14 =	vld [tilespmem:$0x110];
	v15 =	vmul.u32 $0xFB80, v15  }
0x92: {  	v11 =	vld [tilespmem:$0x100];
	[tilespmem:$0x6850] =	vst v7;
	v7 =	vadd.s32 v30, v40;
	v5 =	vadd.s32 v13, v5;
	v13 =	vmul.u32 $0xFB80, v49  }
0x93: {  	v52 =	vld [tilespmem:$0x560];
	v8 =	vadd.s32 v32, v8;
	[tilespmem:$0x6860] =	vst v9;
	v6 =	vadd.s32 v15, v6;
	v15 =	vshrl.u32 v41, $0x7  }
0x94: {  	v54 =	vld [tilespmem:$0x570];
	[tilespmem:$0x6870] =	vst v12;
	v7 =	vadd.s32 v13, v7;
	v9 =	vmul.u32 $0xFB80, v15;
	v13 =	vshrl.u32 v32, $0x7  }
0x95: {  	v55 =	vld [tilespmem:$0x5A0];
	v53 =	vshrl.u32 v10, $0x7;
	v12 =	vadd.s32 v41, v31;
	[tilespmem:$0x6880] =	vst v2;
	v13 =	vmul.u32 $0xFB80, v13  }
0x96: {  	v57 =	vld [tilespmem:$0x5B0];
	[tilespmem:$0x68B0] =	vst v5;
	v5 =	vadd.s32 v33, v14;
	v2 =	vadd.s32 v9, v12;
	v9 =	vmul.u32 $0xFB80, v53  }
0x97: {  	v58 =	vld [tilespmem:$0x1B0];
	[tilespmem:$0x6890] =	vst v3;
	v3 =	vadd.s32 v13, v8;
	v8 =	vadd.s32 v10, v11;
	v10 =	vshrl.u32 v33, $0x7  }
0x98: {  	[tilespmem:$0x68A0] =	vst v4;
	v14 =	vld [tilespmem:$0x590];
	v4 =	vadd.s32 v9, v8;
	v8 =	vmul.u32 $0xFB80, v10;
	v9 =	vshrl.u32 v42, $0x7  }
0x99: {  	v56 =	vshrl.u32 v52, $0x7;
	v15 =	vld [tilespmem:$0x160];
	[tilespmem:$0x68C0] =	vst v6;
	v13 =	vshrl.u32 v34, $0x7;
	v9 =	vmul.u32 $0xFB80, v9  }
0x9a: {  	v6 =	vadd.s32 v42, v43;
	[tilespmem:$0x68D0] =	vst v7;
	v12 =	vld [tilespmem:$0x170];
	v5 =	vadd.s32 v8, v5;
	v8 =	vmul.u32 $0xFB80, v13  }
0x9b: {  	v7 =	vadd.s32 v34, v46;
	v11 =	vld [tilespmem:$0x580];
	[tilespmem:$0x68E0] =	vst v2;
	v6 =	vadd.s32 v9, v6;
	v9 =	vshrl.u32 v47, $0x7  }
0x9c: {  	v10 =	vld [tilespmem:$0x180];
	[tilespmem:$0x68F0] =	vst v3;
	v2 =	vadd.s32 v8, v7;
	v7 =	vmul.u32 $0xFB80, v9;
	v8 =	vshrl.u32 v50, $0x7  }
0x9d: {  	v59 =	vld [tilespmem:$0x5D0];
	v3 =	vadd.s32 v47, v48;
	[tilespmem:$0x6900] =	vst v4;
	v4 =	vadd.s32 v50, v51;
	v8 =	vmul.u32 $0xFB80, v8  }
0x9e: {  	v13 =	vld [tilespmem:$0x190];
	[tilespmem:$0x6910] =	vst v5;
	v5 =	vadd.s32 v52, v15;
	v3 =	vadd.s32 v7, v3;
	v7 =	vmul.u32 $0xFB80, v56  }
0x9f: {  	v15 =	vld [tilespmem:$0x5C0];
	[tilespmem:$0x6930] =	vst v2;
	v2 =	vadd.s32 v54, v12;
	v4 =	vadd.s32 v8, v4;
	v8 =	vshrl.u32 v54, $0x7  }
0xa0: {  	v9 =	vld [tilespmem:$0x1A0];
	[tilespmem:$0x6920] =	vst v6;
	v5 =	vadd.s32 v7, v5;
	v6 =	vmul.u32 $0xFB80, v8;
	v7 =	vshrl.u32 v11, $0x7  }
0xa1: {  	v12 =	vshrl.u32 v14, $0x7;
	[tilespmem:$0x6940] =	vst v3;
	v3 =	vadd.s32 v11, v10;
	v10 =	vld [tilespmem:$0x1D0];
	v7 =	vmul.u32 $0xFB80, v7  }
0xa2: {  	v8 =	vld [tilespmem:$0x1C0];
	v2 =	vadd.s32 v6, v2;
	v6 =	vmul.u32 $0xFB80, v12  }
0xa3: {  	[tilespmem:$0x6950] =	vst v4;
	v4 =	vadd.s32 v14, v13;
	v11 =	vld [tilespmem:$0x5E0];
	v3 =	vadd.s32 v7, v3;
	v7 =	vshrl.u32 v55, $0x7  }
0xa4: {  	[tilespmem:$0x6960] =	vst v5;
	v4 =	vadd.s32 v6, v4;
	v5 =	vmul.u32 $0xFB80, v7;
	v6 =	vshrl.u32 v57, $0x7;
	v7 =	vld [tilespmem:$0x5F0]  }
0xa5: {  	v12 =	vld [tilespmem:$0x1E0];
	[tilespmem:$0x6970] =	vst v2;
	v2 =	vadd.s32 v55, v9;
	v9 =	vshrl.u32 v15, $0x7;
	v6 =	vmul.u32 $0xFB80, v6  }
0xa6: {  	[tilespmem:$0x6980] =	vst v3;
	v3 =	vadd.s32 v57, v58;
	v2 =	vadd.s32 v5, v2;
	v5 =	vmul.u32 $0xFB80, v9;
	v9 =	vld [tilespmem:$0x1F0]  }
0xa7: {  	[tilespmem:$0x6990] =	vst v4;
	v4 =	vadd.s32 v15, v8;
	v3 =	vadd.s32 v6, v3;
	v6 =	vshrl.u32 v59, $0x7  }
0xa8: {  	s9 =	sand.u32 $0x3, s26;
	[tilespmem:$0x69A0] =	vst v2;
	v2 =	vadd.s32 v5, v4;
	v4 =	vmul.u32 $0xFB80, v6;
	v5 =	vshrl.u32 v11, $0x7  }
0xa9: {  	s10 =	smul.u32 $0x1900, s9;
	[tilespmem:$0x69B0] =	vst v3;
	v3 =	vadd.s32 v59, v10;
	v5 =	vmul.u32 $0xFB80, v5;
	v6 =	vshrl.u32 v7, $0x7  }
0xaa: {  	[tilespmem:$0x69C0] =	vst v2;
	v2 =	vadd.s32 v4, v3;
	v3 =	vadd.s32 v11, v12;
	v4 =	vmul.u32 $0xFB80, v6  }
0xab: {  	s2 =	sadd.s32 $0x1, s10;
	[tilespmem:$0x69D0] =	vst v2;
	v2 =	vadd.s32 v5, v3;
	v3 =	vadd.s32 v7, v9  }
0xac: {  	s1 =	sadd.s32 $0xFFFFFFFF, s2;
	[tilespmem:$0x69E0] =	vst v2;
	v2 =	vadd.s32 v4, v3  }
0xad: {  	s11 =	rddreg [dreg:$0x9];
	[tilespmem:$0x69F0] =	vst v2;
	v2 =	vadd.s32 s1, v1  }
0xae: {  	[tilespmem:s15], [sflag:$0x5] =	stream.linear.gather [hbm4b:s11+s3], $0x6400, $0x38;
	[tilespmem:$0x1B200] =	vst v63  }
0xaf: {  	_ =	swait.ge [sflag:s14], $0x6400  }
0xb0: {  	[sflag:s14] =	ssyncset.done $0x0  }
0xb1: {  	[sflag:s14] =	ssyncadd.s32 $0xFFFF9C00  }
0xb2: {  	v2 =	vld.idx.msk [tilespmem:v2+s15+$0x0], $0xffff  }
0xb3: {  	s4 =	sshll.u32 s9, $0x7  }
0xb4: {  	v3 =	vld [tilespmem:s4+$0x0];
	_ =	sdelay $0x1  }
0xb5: {  	s12 =	simm.s32 $0x5;
	s17 =	sadd.s32 $0x31F, s2  }
0xb6: {  	s0 =	sand.u32 $0x3, s12;
	v5 =	vadd.s32 s17, v1;
	v4 =	vshrl.u32 v2, $0x7  }
0xb7: {  	s18 =	smul.u32 $0x1900, s0;
	v4 =	vmul.u32 $0xFB80, v4  }
0xb8: {  	v2 =	vadd.s32 v2, v3  }
0xb9: {  	s29 =	simm.s32 $0x6A70;
	s6 =	sadd.s32 $0x1, s18;
	v2 =	vadd.s32 v4, v2  }
0xba: {  	s1 =	sadd.s32 $0xFFFFFFFF, s6;
	[tilespmem:s29+$0xFFFFFF90] =	vst v2  }
0xbb: {  	v2 =	vadd.s32 s1, v1;
	v3 =	vld.idx.msk [tilespmem:v5+s15+$0x0], $0xffff;
	_ =	sdelay $0x1  }
0xbc: {  	v4 =	vld [tilespmem:s4+$0x10];
	_ =	sdelay $0x1  }
0xbd: {  	s19 =	sadd.s32 $0x63F, s2  }
0xbe: {  	v6 =	vadd.s32 s19, v1;
	v2 =	vld.idx.msk [tilespmem:v2+s15+$0x0], $0xffff;
	v5 =	vshrl.u32 v3, $0x7  }
0xbf: {  	s21 =	sshll.u32 s0, $0x7;
	v5 =	vmul.u32 $0xFB80, v5  }
0xc0: {  	v7 =	vld [tilespmem:s21+$0x0];
	v3 =	vadd.s32 v3, v4  }
0xc1: {  	s20 =	simm.s32 $0x6;
	v3 =	vadd.s32 v5, v3  }
0xc2: {  	s0 =	sand.u32 $0x3, s20;
	s22 =	sadd.s32 $0x31F, s6;
	[tilespmem:s29+$0xFFFFFFA0] =	vst v3  }
0xc3: {  	s5 =	smul.u32 $0x1900, s0;
	v4 =	vadd.s32 s22, v1;
	v3 =	vshrl.u32 v2, $0x7;
	v5 =	vld.idx.msk [tilespmem:v6+s15+$0x0], $0xffff  }
0xc4: {  	v3 =	vmul.u32 $0xFB80, v3  }
0xc5: {  	s1 =	sadd.s32 $0x1, s5;
	v2 =	vadd.s32 v2, v7;
	v6 =	vld [tilespmem:s4+$0x20]  }
0xc6: {  	s30 =	simm.s32 $0x6AF0;
	s5 =	sadd.s32 $0xFFFFFFFF, s1;
	v2 =	vadd.s32 v3, v2  }
0xc7: {  	s24 =	sadd.s32 $0x95F, s2;
	v3 =	vadd.s32 s5, v1;
	[tilespmem:s30+$0xFFFFFF90] =	vst v2  }
0xc8: {  	v7 =	vadd.s32 s24, v1;
	v2 =	vld.idx.msk [tilespmem:v4+s15+$0x0], $0xffff;
	v4 =	vshrl.u32 v5, $0x7  }
0xc9: {  	v4 =	vmul.u32 $0xFB80, v4  }
0xca: {  	v8 =	vld [tilespmem:s21+$0x10];
	v5 =	vadd.s32 v5, v6  }
0xcb: {  	v4 =	vadd.s32 v4, v5  }
0xcc: {  	s7 =	sadd.s32 $0x63F, s6;
	v3 =	vld.idx.msk [tilespmem:v3+s15+$0x0], $0xffff;
	[tilespmem:s29+$0xFFFFFFB0] =	vst v4  }
0xcd: {  	s0 =	sshll.u32 s0, $0x7;
	v5 =	vadd.s32 s7, v1;
	v4 =	vshrl.u32 v2, $0x7;
	v6 =	vld.idx.msk [tilespmem:v7+s15+$0x0], $0xffff  }
0xce: {  	v4 =	vmul.u32 $0xFB80, v4;
	v7 =	vld [tilespmem:s0+$0x0]  }
0xcf: {  	v2 =	vadd.s32 v2, v8  }
0xd0: {  	s8 =	simm.s32 $0x7;
	s7 =	sadd.s32 $0x31F, s1;
	v8 =	vld [tilespmem:s4+$0x30];
	v2 =	vadd.s32 v4, v2  }
0xd1: {  	s5 =	sand.u32 $0x3, s8;
	v4 =	vadd.s32 s7, v1;
	[tilespmem:s30+$0xFFFFFFA0] =	vst v2;
	v2 =	vshrl.u32 v3, $0x7  }
0xd2: {  	s9 =	sadd.s32 $0xC7F, s2;
	s8 =	smul.u32 $0x1900, s5;
	v5 =	vld.idx.msk [tilespmem:v5+s15+$0x0], $0xffff;
	v2 =	vmul.u32 $0xFB80, v2  }
0xd3: {  	v10 =	vadd.s32 s9, v1;
	v9 =	vshrl.u32 v6, $0x7;
	v3 =	vadd.s32 v3, v7  }
0xd4: {  	s31 =	simm.s32 $0x6B70;
	s18 =	sadd.s32 $0x1, s8;
	v7 =	vmul.u32 $0xFB80, v9;
	v2 =	vadd.s32 v2, v3;
	v3 =	vld [tilespmem:s21+$0x20]  }
0xd5: {  	s10 =	sadd.s32 $0xFFFFFFFF, s18;
	v6 =	vadd.s32 v6, v8;
	[tilespmem:s31+$0xFFFFFF90] =	vst v2  }
0xd6: {  	s11 =	sadd.s32 $0x95F, s6;
	v2 =	vadd.s32 v7, v6;
	v6 =	vadd.s32 s10, v1;
	v4 =	vld.idx.msk [tilespmem:v4+s15+$0x0], $0xffff  }
0xd7: {  	v7 =	vadd.s32 s11, v1;
	v9 =	vld [tilespmem:s0+$0x10];
	[tilespmem:s29+$0xFFFFFFC0] =	vst v2;
	v2 =	vshrl.u32 v5, $0x7  }
0xd8: {  	v8 =	vld.idx.msk [tilespmem:v10+s15+$0x0], $0xffff;
	v2 =	vmul.u32 $0xFB80, v2  }
0xd9: {  	v3 =	vadd.s32 v5, v3  }
0xda: {  	s12 =	sadd.s32 $0x63F, s1;
	v5 =	vld [tilespmem:s4+$0x40];
	v2 =	vadd.s32 v2, v3  }
0xdb: {  	v3 =	vld.idx.msk [tilespmem:v6+s15+$0x0], $0xffff;
	[tilespmem:s30+$0xFFFFFFB0] =	vst v2;
	v2 =	vshrl.u32 v4, $0x7;
	v6 =	vadd.s32 s12, v1  }
0xdc: {  	s17 =	sadd.s32 $0xF9F, s2;
	s20 =	sshll.u32 s5, $0x7;
	v7 =	vld.idx.msk [tilespmem:v7+s15+$0x0], $0xffff;
	v2 =	vmul.u32 $0xFB80, v2  }
0xdd: {  	v12 =	vld [tilespmem:s20+$0x0];
	v10 =	vadd.s32 s17, v1;
	v4 =	vadd.s32 v4, v9;
	v11 =	vshrl.u32 v8, $0x7  }
0xde: {  	v9 =	vmul.u32 $0xFB80, v11;
	v2 =	vadd.s32 v2, v4;
	v4 =	vld [tilespmem:s21+$0x30]  }
0xdf: {  	s19 =	simm.s32 $0x8;
	s22 =	sadd.s32 $0x31F, s18;
	v5 =	vadd.s32 v8, v5;
	[tilespmem:s31+$0xFFFFFFA0] =	vst v2  }
0xe0: {  	s9 =	sadd.s32 $0xC7F, s6;
	s5 =	sand.u32 $0x3, s19;
	v8 =	vadd.s32 s22, v1;
	v2 =	vadd.s32 v9, v5;
	v5 =	vshrl.u32 v3, $0x7;
	v6 =	vld.idx.msk [tilespmem:v6+s15+$0x0], $0xffff  }
0xe1: {  	s24 =	smul.u32 $0x1900, s5;
	v9 =	vadd.s32 s9, v1;
	v11 =	vld [tilespmem:s0+$0x20];
	[tilespmem:s29+$0xFFFFFFD0] =	vst v2;
	v2 =	vmul.u32 $0xFB80, v5;
	v5 =	vshrl.u32 v7, $0x7  }
0xe2: {  	v3 =	vadd.s32 v3, v12;
	v10 =	vld.idx.msk [tilespmem:v10+s15+$0x0], $0xffff;
	v5 =	vmul.u32 $0xFB80, v5  }
0xe3: {  	s24 =	sadd.s32 $0x2, s24;
	s17 =	simm.s32 $0x6BF0;
	v2 =	vadd.s32 v2, v3;
	v3 =	vadd.s32 v7, v4  }
0xe4: {  	s10 =	sadd.s32 $0xFFFFFFFF, s24;
	v4 =	vld [tilespmem:s4+$0x50];
	[tilespmem:s17+$0xFFFFFF90] =	vst v2;
	v2 =	vadd.s32 v5, v3  }
0xe5: {  	s11 =	sadd.s32 $0x95F, s1;
	v7 =	vadd.s32 s10, v1;
	v3 =	vld.idx.msk [tilespmem:v8+s15+$0x0], $0xffff;
	[tilespmem:s30+$0xFFFFFFC0] =	vst v2;
	v2 =	vshrl.u32 v6, $0x7  }
0xe6: {  	s19 =	simm.s32 $0x9;
	s12 =	sadd.s32 $0x12BF, s2;
	v5 =	vadd.s32 s11, v1;
	v8 =	vld.idx.msk [tilespmem:v9+s15+$0x0], $0xffff;
	v2 =	vmul.u32 $0xFB80, v2  }
0xe7: {  	s8 =	sand.u32 $0x3, s19;
	v12 =	vadd.s32 s12, v1;
	v13 =	vld [tilespmem:s20+$0x10];
	v6 =	vadd.s32 v6, v11;
	v9 =	vshrl.u32 v10, $0x7  }
0xe8: {  	s19 =	sshll.u32 s5, $0x7;
	s22 =	smul.u32 $0x1900, s8;
	v9 =	vmul.u32 $0xFB80, v9;
	v2 =	vadd.s32 v2, v6;
	v6 =	vld [tilespmem:s21+$0x40]  }
0xe9: {  	v14 =	vld [tilespmem:s19+$0x0];
	s9 =	sadd.s32 $0x63F, s18;
	v4 =	vadd.s32 v10, v4  }
0xea: {  	s22 =	sadd.s32 $0x2, s22;
	s10 =	sadd.s32 $0xF9F, s6;
	v7 =	vld.idx.msk [tilespmem:v7+s15+$0x0], $0xffff;
	[tilespmem:s31+$0xFFFFFFB0] =	vst v2;
	v2 =	vadd.s32 v9, v4;
	v4 =	vshrl.u32 v3, $0x7;
	v9 =	vadd.s32 s9, v1  }
0xeb: {  	s11 =	sadd.s32 $0xFFFFFFFF, s22;
	v5 =	vld.idx.msk [tilespmem:v5+s15+$0x0], $0xffff;
	[tilespmem:s29+$0xFFFFFFE0] =	vst v2;
	v2 =	vadd.s32 s10, v1;
	v4 =	vmul.u32 $0xFB80, v4;
	v10 =	vshrl.u32 v8, $0x7  }
0xec: {  	v3 =	vadd.s32 v3, v13;
	v11 =	vld.idx.msk [tilespmem:v12+s15+$0x0], $0xffff;
	v12 =	vadd.s32 s11, v1;
	v10 =	vmul.u32 $0xFB80, v10  }
0xed: {  	v3 =	vadd.s32 v4, v3;
	v4 =	vld [tilespmem:s0+$0x30];
	v6 =	vadd.s32 v8, v6  }
0xee: {  	s5 =	sadd.s32 $0xC7F, s1;
	s12 =	sadd.s32 $0x31F, s24;
	[tilespmem:s17+$0xFFFFFFA0] =	vst v3;
	v3 =	vadd.s32 v10, v6;
	v6 =	vld [tilespmem:s4+$0x60]  }
0xef: {  	v60 =	vadd.s32 s5, v1;
	s2 =	sadd.s32 $0x15DF, s2;
	v13 =	vadd.s32 s12, v1;
	v10 =	vshrl.u32 v7, $0x7;
	v9 =	vld.idx.msk [tilespmem:v9+s15+$0x0], $0xffff;
	[tilespmem:s30+$0xFFFFFFD0] =	vst v3  }
0xf0: {  	v8 =	vadd.s32 s2, v1;
	v10 =	vmul.u32 $0xFB80, v10;
	v15 =	vshrl.u32 v5, $0x7;
	v2 =	vld.idx.msk [tilespmem:v2+s15+$0x0], $0xffff  }
0xf1: {  	v7 =	vadd.s32 v7, v14;
	v3 =	vld.idx.msk [tilespmem:v12+s15+$0x0], $0xffff;
	v12 =	vmul.u32 $0xFB80, v15;
	v14 =	vshrl.u32 v11, $0x7  }
0xf2: {  	s2 =	simm.s32 $0x6C70;
	v7 =	vadd.s32 v10, v7;
	v10 =	vld [tilespmem:s20+$0x20];
	v4 =	vadd.s32 v5, v4;
	v5 =	vmul.u32 $0xFB80, v14  }
0xf3: {  	[tilespmem:s2+$0xFFFFFF90] =	vst v7;
	v7 =	vld [tilespmem:s21+$0x50];
	v4 =	vadd.s32 v12, v4;
	v6 =	vadd.s32 v11, v6  }
0xf4: {  	s7 =	sadd.s32 $0x95F, s18;
	v13 =	vld.idx.msk [tilespmem:v13+s15+$0x0], $0xffff;
	[tilespmem:s31+$0xFFFFFFC0] =	vst v4;
	v4 =	vadd.s32 v5, v6  }
0xf5: {  	s9 =	simm.s32 $0xA;
	s10 =	sadd.s32 $0x12BF, s6;
	v5 =	vshrl.u32 v9, $0x7;
	v6 =	vadd.s32 s7, v1;
	v14 =	vld.idx.msk [tilespmem:v60+s15+$0x0], $0xffff;
	[tilespmem:s29+$0xFFFFFFF0] =	vst v4  }
0xf6: {  	v12 =	vadd.s32 s10, v1;
	s7 =	sand.u32 $0x3, s9;
	v4 =	vmul.u32 $0xFB80, v5;
	v5 =	vshrl.u32 v2, $0x7;
	v15 =	vld.idx.msk [tilespmem:v8+s15+$0x0], $0xffff  }
0xf7: {  	s11 =	smul.u32 $0x1900, s7;
	v8 =	vld [tilespmem:s19+$0x10];
	v9 =	vadd.s32 v9, v10;
	v5 =	vmul.u32 $0xFB80, v5  }
0xf8: {  	v10 =	vld [tilespmem:s0+$0x40];
	v4 =	vadd.s32 v4, v9;
	v2 =	vadd.s32 v2, v7  }
0xf9: {  	s12 =	sadd.s32 $0x63F, s24;
	s10 =	sadd.s32 $0xF9F, s1;
	v61 =	vld [tilespmem:s4+$0x70];
	s5 =	sadd.s32 $0x2, s11;
	[tilespmem:s17+$0xFFFFFFB0] =	vst v4;
	v2 =	vadd.s32 v5, v2  }
0xfa: {  	v62 =	vadd.s32 s12, v1;
	v7 =	vadd.s32 s10, v1;
	s11 =	sadd.s32 $0xFFFFFFFF, s5;
	v4 =	vshrl.u32 v13, $0x7;
	v6 =	vld.idx.msk [tilespmem:v6+s15+$0x0], $0xffff;
	[tilespmem:s30+$0xFFFFFFE0] =	vst v2  }
0xfb: {  	s4 =	sshll.u32 s8, $0x7;
	v11 =	vadd.s32 s11, v1;
	v2 =	vmul.u32 $0xFB80, v4;
	v5 =	vshrl.u32 v14, $0x7;
	v4 =	vld.idx.msk [tilespmem:v12+s15+$0x0], $0xffff  }
0xfc: {  	v12 =	vld [tilespmem:s4+$0x0];
	v8 =	vadd.s32 v13, v8;
	v5 =	vmul.u32 $0xFB80, v5;
	v13 =	vshrl.u32 v15, $0x7  }
0xfd: {  	v9 =	vld [tilespmem:s20+$0x30];
	v2 =	vadd.s32 v2, v8;
	v8 =	vadd.s32 v14, v10;
	v63 =	vmul.u32 $0xFB80, v13  }
0xfe: {  	s6 =	sadd.s32 $0x15DF, s6;
	s12 =	sadd.s32 $0x31F, s22;
	v15 =	vadd.s32 v15, v61;
	v14 =	vshrl.u32 v3, $0x7;
	[tilespmem:s2+$0xFFFFFFA0] =	vst v2;
	v2 =	vadd.s32 v5, v8;
	v8 =	vld [tilespmem:s21+$0x60]  }
0xff: {  	s9 =	sadd.s32 $0xC7F, s18;
	v13 =	vadd.s32 s12, v1;
	v5 =	vadd.s32 s6, v1;
	s6 =	simm.s32 $0xB;
	v10 =	vld.idx.msk [tilespmem:v62+s15+$0x0], $0xffff;
	[tilespmem:s31+$0xFFFFFFD0] =	vst v2;
	v2 =	vadd.s32 v63, v15  }
.LBB2_2:
0x100: {  	p0 =	sne.s32 s6, $0x67;
	v14 =	vmul.u32 $0xFB80, v14;
	v15 =	vshrl.u32 v6, $0x7;
	v16 =	vadd.s32 s9, v1;
	v7 =	vld.idx.msk [tilespmem:v7+s15+$0x0], $0xffff;
	[tilespmem:s29+$0x0] =	vst v2;
	s29 =	smov.u32 s30;
	s30 =	smov.u32 s31  }
0x101: {  	s31 =	smov.u32 s17;
	s17 =	smov.u32 s2;
	v2 =	vadd.s32 v3, v12;
	v3 =	vld.idx.msk [tilespmem:v11+s15+$0x0], $0xffff;
	v11 =	vmul.u32 $0xFB80, v15;
	v12 =	vshrl.u32 v4, $0x7  }
0x102: {  	s2 =	sadd.s32 $0x80, s2;
	v2 =	vadd.s32 v14, v2;
	v14 =	vld [tilespmem:s19+$0x20];
	v6 =	vadd.s32 v6, v9;
	v9 =	vmul.u32 $0xFB80, v12  }
0x103: {  	[tilespmem:s2+$0xFFFFFF90] =	vst v2;
	v2 =	vadd.s32 v11, v6;
	v6 =	vld [tilespmem:s0+$0x50];
	v4 =	vadd.s32 v4, v8  }
0x104: {  	s8 =	sadd.s32 $0x95F, s24;
	v8 =	vld.idx.msk [tilespmem:v13+s15+$0x0], $0xffff;
	[tilespmem:s31+$0xFFFFFFC0] =	vst v2;
	v2 =	vadd.s32 v9, v4  }
0x105: {  	v4 =	vshrl.u32 v10, $0x7;
	v9 =	vadd.s32 s8, v1;
	s8 =	sadd.s32 $0x12BF, s1;
	v13 =	vld.idx.msk [tilespmem:v16+s15+$0x0], $0xffff;
	[tilespmem:s29+$0xFFFFFFF0] =	vst v2  }
0x106: {  	s9 =	sand.u32 $0x3, s6;
	v2 =	vmul.u32 $0xFB80, v4;
	v4 =	vshrl.u32 v7, $0x7;
	v12 =	vadd.s32 s8, v1;
	v15 =	vld.idx.msk [tilespmem:v5+s15+$0x0], $0xffff  }
0x107: {  	s8 =	smul.u32 $0x1900, s9;
	v4 =	vmul.u32 $0xFB80, v4;
	v5 =	vld [tilespmem:s4+$0x10];
	v10 =	vadd.s32 v10, v14  }
0x108: {  	s10 =	sshrl.u32 s6, $0x2;
	v2 =	vadd.s32 v2, v10;
	v10 =	vld [tilespmem:s20+$0x40];
	v6 =	vadd.s32 v7, v6  }
0x109: {  	s11 =	sadd.s32 $0xF9F, s18;
	s8 =	sadd.s32 s8, s10;
	s10 =	sadd.s32 $0x63F, s22;
	[tilespmem:s17+$0xFFFFFFB0] =	vst v2;
	v2 =	vadd.s32 v4, v6;
	v14 =	vld [tilespmem:s21+$0x70]  }
0x10a: {  	s12 =	sadd.s32 $0xFFFFFFFF, s8;
	v16 =	vadd.s32 s10, v1;
	v7 =	vadd.s32 s11, v1;
	v4 =	vshrl.u32 v8, $0x7;
	s21 =	smov.u32 s0;
	s0 =	smov.u32 s20;
	v6 =	vld.idx.msk [tilespmem:v9+s15+$0x0], $0xffff;
	[tilespmem:s30+$0xFFFFFFE0] =	vst v2  }
.Ltmp0:
0x10b: {  	s10 =	sshll.u32 s7, $0x7;
	s7 =	smov.u32 s9;
	v11 =	vadd.s32 s12, v1;
	v2 =	vmul.u32 $0xFB80, v4;
	v9 =	vshrl.u32 v13, $0x7;
	v4 =	vld.idx.msk [tilespmem:v12+s15+$0x0], $0xffff;
	(pc) =	sbr.rel @p0 .LBB2_2-.Ltmp0, $4  }
0x10c: {  	s20 =	smov.u32 s19;
	s19 =	smov.u32 s4;
	s4 =	smov.u32 s10;
	v17 =	vshrl.u32 v15, $0x7;
	v12 =	vld [tilespmem:s10+$0x0];
	v5 =	vadd.s32 v8, v5;
	v8 =	vmul.u32 $0xFB80, v9  }
0x10d: {  	s9 =	sadd.s32 $0x15DF, s1;
	s1 =	smov.u32 s18;
	s18 =	smov.u32 s24;
	v17 =	vmul.u32 $0xFB80, v17;
	v2 =	vadd.s32 v2, v5;
	v9 =	vld [tilespmem:s20+$0x30];
	v5 =	vadd.s32 v13, v10  }
0x10e: {  	s24 =	smov.u32 s22;
	s22 =	smov.u32 s5;
	s10 =	sadd.s32 $0x31F, s5;
	[tilespmem:s2+$0xFFFFFFA0] =	vst v2;
	v2 =	vadd.s32 v8, v5;
	v8 =	vld [tilespmem:s21+$0x60];
	v5 =	vadd.s32 s9, v1;
	v15 =	vadd.s32 v15, v14  }
0x10f: {  	s6 =	sadd.s32 $0x1, s6;
	s5 =	smov.u32 s8;
	v13 =	vadd.s32 s10, v1;
	v14 =	vshrl.u32 v3, $0x7;
	s9 =	sadd.s32 $0xC7F, s18;
	v10 =	vld.idx.msk [tilespmem:v16+s15+$0x0], $0xffff;
	[tilespmem:s31+$0xFFFFFFD0] =	vst v2;
	v2 =	vadd.s32 v17, v15  }
0x110: {  	_ =	sdelay $0x3  }
0x111: {  	v11 =	vld.idx.msk [tilespmem:v11+s15+$0x0], $0xffff  }
0x112: {  	s8 =	sshll.u32 s7, $0x7  }
0x113: {  	v15 =	vld [tilespmem:s8+$0x0];
	_ =	sdelay $0x1  }
0x114: {  	s6 =	sadd.s32 $0x31F, s5  }
0x115: {  	v14 =	vmul.u32 $0xFB80, v14;
	v17 =	vadd.s32 s6, v1;
	v16 =	vshrl.u32 v11, $0x7  }
0x116: {  	v3 =	vadd.s32 v3, v12;
	v12 =	vmul.u32 $0xFB80, v16  }
0x117: {  	s6 =	sadd.s32 $0x80, s2;
	v3 =	vadd.s32 v14, v3;
	v11 =	vadd.s32 v11, v15  }
0x118: {  	s7 =	sadd.s32 $0x80, s6;
	[tilespmem:s6+$0xFFFFFF90] =	vst v3;
	v3 =	vadd.s32 v12, v11  }
0x119: {  	v11 =	vld.idx.msk [tilespmem:v13+s15+$0x0], $0xffff;
	[tilespmem:s7+$0xFFFFFF90] =	vst v3  }
0x11a: {  	v3 =	vld.idx.msk [tilespmem:v17+s15+$0x0], $0xffff  }
0x11b: {  	v12 =	vld [tilespmem:s4+$0x10]  }
0x11c: {  	v13 =	vld [tilespmem:s8+$0x10]  }
0x11d: {  	s10 =	sadd.s32 $0x63F, s22  }
0x11e: {  	s11 =	sadd.s32 $0x63F, s5;
	v15 =	vadd.s32 s10, v1;
	v14 =	vshrl.u32 v11, $0x7  }
0x11f: {  	v45 =	vadd.s32 s11, v1;
	v14 =	vmul.u32 $0xFB80, v14;
	v44 =	vshrl.u32 v3, $0x7  }
0x120: {  	v11 =	vadd.s32 v11, v12;
	v12 =	vmul.u32 $0xFB80, v44  }
0x121: {  	v3 =	vadd.s32 v3, v13;
	v11 =	vadd.s32 v14, v11  }
0x122: {  	v13 =	vld [tilespmem:s19+$0x20];
	[tilespmem:s6+$0xFFFFFFA0] =	vst v11;
	v3 =	vadd.s32 v12, v3  }
0x123: {  	v11 =	vld.idx.msk [tilespmem:v15+s15+$0x0], $0xffff;
	[tilespmem:s7+$0xFFFFFFA0] =	vst v3  }
0x124: {  	s12 =	sadd.s32 $0x95F, s24;
	v3 =	vld.idx.msk [tilespmem:v45+s15+$0x0], $0xffff  }
0x125: {  	v14 =	vadd.s32 s12, v1;
	v12 =	vshrl.u32 v10, $0x7;
	v15 =	vld [tilespmem:s4+$0x20]  }
0x126: {  	v12 =	vmul.u32 $0xFB80, v12;
	v46 =	vld [tilespmem:s8+$0x20]  }
0x127: {  	s11 =	sadd.s32 $0x95F, s22;
	v10 =	vadd.s32 v10, v13  }
0x128: {  	s12 =	sadd.s32 $0x95F, s5;
	v13 =	vadd.s32 s11, v1;
	v10 =	vadd.s32 v12, v10;
	v12 =	vshrl.u32 v11, $0x7  }
0x129: {  	v47 =	vadd.s32 s12, v1;
	[tilespmem:s2+$0xFFFFFFB0] =	vst v10;
	v10 =	vmul.u32 $0xFB80, v12;
	v12 =	vshrl.u32 v3, $0x7  }
0x12a: {  	v14 =	vld.idx.msk [tilespmem:v14+s15+$0x0], $0xffff;
	v11 =	vadd.s32 v11, v15;
	v12 =	vmul.u32 $0xFB80, v12  }
0x12b: {  	v3 =	vadd.s32 v3, v46;
	v10 =	vadd.s32 v10, v11  }
0x12c: {  	v11 =	vld [tilespmem:s19+$0x30];
	[tilespmem:s6+$0xFFFFFFB0] =	vst v10;
	v3 =	vadd.s32 v12, v3  }
0x12d: {  	v10 =	vld.idx.msk [tilespmem:v13+s15+$0x0], $0xffff;
	[tilespmem:s7+$0xFFFFFFB0] =	vst v3  }
0x12e: {  	s10 =	sadd.s32 $0xC7F, s24;
	v12 =	vadd.s32 s9, v1;
	v3 =	vshrl.u32 v6, $0x7;
	v13 =	vld.idx.msk [tilespmem:v47+s15+$0x0], $0xffff  }
0x12f: {  	v48 =	vadd.s32 s10, v1;
	v15 =	vshrl.u32 v14, $0x7;
	v49 =	vld [tilespmem:s4+$0x30];
	v3 =	vmul.u32 $0xFB80, v3  }
0x130: {  	v6 =	vadd.s32 v6, v9;
	v9 =	vmul.u32 $0xFB80, v15;
	v15 =	vld [tilespmem:s8+$0x30]  }
0x131: {  	v7 =	vld.idx.msk [tilespmem:v7+s15+$0x0], $0xffff;
	s11 =	sadd.s32 $0xC7F, s22;
	v3 =	vadd.s32 v3, v6;
	v6 =	vadd.s32 v14, v11  }
0x132: {  	s12 =	sadd.s32 $0xC7F, s5;
	v11 =	vld [tilespmem:s0+$0x50];
	[tilespmem:s17+$0xFFFFFFC0] =	vst v3;
	v3 =	vadd.s32 v9, v6;
	v6 =	vshrl.u32 v10, $0x7;
	v9 =	vadd.s32 s11, v1  }
0x133: {  	v14 =	vadd.s32 s12, v1;
	v12 =	vld.idx.msk [tilespmem:v12+s15+$0x0], $0xffff;
	[tilespmem:s2+$0xFFFFFFC0] =	vst v3;
	v3 =	vmul.u32 $0xFB80, v6;
	v6 =	vshrl.u32 v13, $0x7  }
0x134: {  	v10 =	vadd.s32 v10, v49;
	v16 =	vld.idx.msk [tilespmem:v48+s15+$0x0], $0xffff;
	v6 =	vmul.u32 $0xFB80, v6  }
0x135: {  	v50 =	vshrl.u32 v4, $0x7;
	v13 =	vadd.s32 v13, v15;
	v3 =	vadd.s32 v3, v10;
	v10 =	vld [tilespmem:s20+$0x40]  }
0x136: {  	v15 =	vmul.u32 $0xFB80, v50;
	v51 =	vld [tilespmem:s19+$0x40];
	[tilespmem:s6+$0xFFFFFFC0] =	vst v3;
	v3 =	vadd.s32 v6, v13  }
0x137: {  	v4 =	vadd.s32 v4, v8;
	s10 =	sadd.s32 $0xF9F, s18;
	v6 =	vld.idx.msk [tilespmem:v9+s15+$0x0], $0xffff;
	[tilespmem:s7+$0xFFFFFFC0] =	vst v3  }
0x138: {  	s11 =	sadd.s32 $0xF9F, s24;
	v3 =	vadd.s32 v15, v4;
	v4 =	vadd.s32 s10, v1;
	v8 =	vshrl.u32 v12, $0x7;
	v9 =	vld.idx.msk [tilespmem:v14+s15+$0x0], $0xffff  }
0x139: {  	v13 =	vadd.s32 s11, v1;
	v15 =	vld [tilespmem:s4+$0x40];
	v8 =	vmul.u32 $0xFB80, v8;
	v14 =	vshrl.u32 v16, $0x7  }
0x13a: {  	[tilespmem:s30+$0xFFFFFFF0] =	vst v3;
	v3 =	vadd.s32 v12, v10;
	v10 =	vmul.u32 $0xFB80, v14;
	v12 =	vld [tilespmem:s8+$0x40]  }
0x13b: {  	s12 =	sadd.s32 $0xF9F, s22;
	v5 =	vld.idx.msk [tilespmem:v5+s15+$0x0], $0xffff;
	v3 =	vadd.s32 v8, v3;
	v8 =	vadd.s32 v16, v51  }
0x13c: {  	s10 =	sadd.s32 $0xF9F, s5;
	v14 =	vld [tilespmem:s21+$0x70];
	[tilespmem:s17+$0xFFFFFFD0] =	vst v3;
	v3 =	vadd.s32 v10, v8;
	v8 =	vadd.s32 s12, v1;
	v10 =	vshrl.u32 v6, $0x7  }
0x13d: {  	v4 =	vld.idx.msk [tilespmem:v4+s15+$0x0], $0xffff;
	[tilespmem:s2+$0xFFFFFFD0] =	vst v3;
	v3 =	vmul.u32 $0xFB80, v10;
	v10 =	vadd.s32 s10, v1;
	v52 =	vshrl.u32 v9, $0x7  }
0x13e: {  	v6 =	vadd.s32 v6, v15;
	v13 =	vld.idx.msk [tilespmem:v13+s15+$0x0], $0xffff;
	v15 =	vmul.u32 $0xFB80, v52  }
0x13f: {  	v53 =	vshrl.u32 v7, $0x7;
	s11 =	sadd.s32 $0x12BF, s1;
	v54 =	vld [tilespmem:s20+$0x50];
	v3 =	vadd.s32 v3, v6;
	v6 =	vadd.s32 v9, v12  }
0x140: {  	v55 =	vld [tilespmem:s19+$0x50];
	v9 =	vadd.s32 s11, v1;
	v12 =	vmul.u32 $0xFB80, v53;
	[tilespmem:s6+$0xFFFFFFD0] =	vst v3;
	v3 =	vadd.s32 v15, v6  }
0x141: {  	s12 =	sadd.s32 $0x12BF, s18;
	v6 =	vadd.s32 v7, v11;
	v7 =	vld.idx.msk [tilespmem:v8+s15+$0x0], $0xffff;
	[tilespmem:s7+$0xFFFFFFD0] =	vst v3  }
0x142: {  	s21 =	sadd.s32 $0x12BF, s24;
	v8 =	vadd.s32 s12, v1;
	v3 =	vadd.s32 v12, v6;
	v6 =	vshrl.u32 v4, $0x7;
	v10 =	vld.idx.msk [tilespmem:v10+s15+$0x0], $0xffff  }
0x143: {  	v15 =	vld [tilespmem:s4+$0x50];
	v12 =	vadd.s32 s21, v1;
	v6 =	vmul.u32 $0xFB80, v6;
	v11 =	vshrl.u32 v13, $0x7  }
0x144: {  	[tilespmem:s31+$0xFFFFFFE0] =	vst v3;
	v3 =	vadd.s32 v4, v54;
	v4 =	vmul.u32 $0xFB80, v11;
	v11 =	vld [tilespmem:s8+$0x50]  }
0x145: {  	s10 =	sadd.s32 $0x12BF, s22;
	v9 =	vld.idx.msk [tilespmem:v9+s15+$0x0], $0xffff;
	v3 =	vadd.s32 v6, v3;
	v6 =	vadd.s32 v13, v55  }
0x146: {  	s11 =	sadd.s32 $0x12BF, s5;
	v13 =	vld [tilespmem:s0+$0x60];
	[tilespmem:s17+$0xFFFFFFE0] =	vst v3;
	v3 =	vadd.s32 v4, v6;
	v4 =	vshrl.u32 v7, $0x7;
	v6 =	vadd.s32 s10, v1  }
0x147: {  	v56 =	vadd.s32 s11, v1;
	v8 =	vld.idx.msk [tilespmem:v8+s15+$0x0], $0xffff;
	[tilespmem:s2+$0xFFFFFFE0] =	vst v3;
	v3 =	vmul.u32 $0xFB80, v4;
	v4 =	vshrl.u32 v10, $0x7  }
0x148: {  	v7 =	vadd.s32 v7, v15;
	v12 =	vld.idx.msk [tilespmem:v12+s15+$0x0], $0xffff;
	v4 =	vmul.u32 $0xFB80, v4  }
0x149: {  	s12 =	sadd.s32 $0x15DF, s1;
	v15 =	vld [tilespmem:s20+$0x60];
	v3 =	vadd.s32 v3, v7;
	v7 =	vadd.s32 v10, v11  }
0x14a: {  	v57 =	vld [tilespmem:s19+$0x60];
	v10 =	vadd.s32 s12, v1;
	v11 =	vshrl.u32 v9, $0x7;
	[tilespmem:s6+$0xFFFFFFE0] =	vst v3;
	v3 =	vadd.s32 v4, v7  }
0x14b: {  	s18 =	sadd.s32 $0x15DF, s18;
	v4 =	vmul.u32 $0xFB80, v11;
	v6 =	vld.idx.msk [tilespmem:v6+s15+$0x0], $0xffff;
	[tilespmem:s7+$0xFFFFFFE0] =	vst v3  }
0x14c: {  	v7 =	vadd.s32 s18, v1;
	v3 =	vadd.s32 v9, v13;
	v9 =	vshrl.u32 v8, $0x7;
	v11 =	vld.idx.msk [tilespmem:v56+s15+$0x0], $0xffff  }
0x14d: {  	s21 =	sadd.s32 $0x15DF, s24;
	v13 =	vld [tilespmem:s4+$0x60];
	v3 =	vadd.s32 v4, v3;
	v4 =	vmul.u32 $0xFB80, v9;
	v9 =	vshrl.u32 v12, $0x7  }
0x14e: {  	[tilespmem:s31+$0xFFFFFFF0] =	vst v3;
	v3 =	vadd.s32 v8, v15;
	v8 =	vadd.s32 s21, v1;
	v9 =	vmul.u32 $0xFB80, v9;
	v15 =	vld [tilespmem:s8+$0x60]  }
0x14f: {  	s24 =	sadd.s32 $0x15DF, s22;
	v10 =	vld.idx.msk [tilespmem:v10+s15+$0x0], $0xffff;
	v3 =	vadd.s32 v4, v3;
	v4 =	vadd.s32 v12, v57  }
0x150: {  	s9 =	sadd.s32 $0x15DF, s5;
	v12 =	vld [tilespmem:s0+$0x70];
	[tilespmem:s17+$0xFFFFFFF0] =	vst v3;
	v3 =	vadd.s32 v9, v4;
	v4 =	vadd.s32 s24, v1;
	v9 =	vshrl.u32 v6, $0x7  }
0x151: {  	v58 =	vadd.s32 s9, v1;
	v7 =	vld.idx.msk [tilespmem:v7+s15+$0x0], $0xffff;
	v9 =	vmul.u32 $0xFB80, v9;
	v59 =	vshrl.u32 v11, $0x7  }
0x152: {  	[tilespmem:s2+$0xFFFFFFF0] =	vst v3;
	v3 =	vadd.s32 v6, v13;
	v6 =	vld [tilespmem:s20+$0x70];
	v13 =	vmul.u32 $0xFB80, v59  }
0x153: {  	v8 =	vld.idx.msk [tilespmem:v8+s15+$0x0], $0xffff;
	v3 =	vadd.s32 v9, v3;
	v9 =	vadd.s32 v11, v15  }
0x154: {  	v11 =	vld [tilespmem:s19+$0x70];
	[tilespmem:s6+$0xFFFFFFF0] =	vst v3;
	v3 =	vadd.s32 v13, v9  }
0x155: {  	v9 =	vshrl.u32 v5, $0x7;
	v4 =	vld.idx.msk [tilespmem:v4+s15+$0x0], $0xffff;
	[tilespmem:s7+$0xFFFFFFF0] =	vst v3  }
0x156: {  	v3 =	vmul.u32 $0xFB80, v9;
	v9 =	vshrl.u32 v10, $0x7;
	v13 =	vld.idx.msk [tilespmem:v58+s15+$0x0], $0xffff  }
0x157: {  	v5 =	vadd.s32 v5, v14;
	v15 =	vld [tilespmem:s4+$0x70];
	v14 =	vshrl.u32 v7, $0x7;
	v9 =	vmul.u32 $0xFB80, v9  }
0x158: {  	v3 =	vadd.s32 v3, v5;
	v5 =	vadd.s32 v10, v12;
	v10 =	vmul.u32 $0xFB80, v14;
	v12 =	vld [tilespmem:s8+$0x70]  }
0x159: {  	[tilespmem:s29+$0x0] =	vst v2;
	v2 =	vadd.s32 v9, v5;
	v5 =	vadd.s32 v7, v6;
	v6 =	vshrl.u32 v8, $0x7  }
0x15a: {  	[tilespmem:s30+$0x0] =	vst v3;
	v3 =	vadd.s32 v10, v5;
	v5 =	vmul.u32 $0xFB80, v6;
	v6 =	vshrl.u32 v4, $0x7  }
0x15b: {  	s10 =	simm.s32 $0x68;
	[tilespmem:s31+$0x0] =	vst v2;
	v2 =	vadd.s32 v8, v11;
	v6 =	vmul.u32 $0xFB80, v6;
	v7 =	vshrl.u32 v13, $0x7  }
0x15c: {  	s0 =	sand.u32 $0x3, s10;
	[tilespmem:s17+$0x0] =	vst v3;
	v3 =	vadd.s32 v4, v15;
	v2 =	vadd.s32 v5, v2;
	v4 =	vmul.u32 $0xFB80, v7  }
0x15d: {  	s11 =	smul.u32 $0x1900, s0;
	[tilespmem:s2+$0x0] =	vst v2;
	v2 =	vadd.s32 v6, v3;
	v3 =	vadd.s32 v13, v12  }
0x15e: {  	[tilespmem:s6+$0x0] =	vst v2;
	v2 =	vadd.s32 v4, v3  }
0x15f: {  	s2 =	sadd.s32 $0x1A, s11;
	[tilespmem:s7+$0x0] =	vst v2  }
0x160: {  	s1 =	sadd.s32 $0xFFFFFFFF, s2;
	_ =	swait.ge [sflag:s16], $0xFC0  }
0x161: {  	v2 =	vadd.s32 s1, v1;
	[sflag:s16] =	ssyncset.done $0x0  }
0x162: {  	[sflag:s16] =	ssyncadd.s32 $0xFFFFF040  }
0x163: {  	s18 =	simm.s32 $0x6800;
	[bflag:$0x0] =	sbarrier.arrive $0xFFFF  }
0x164: {  	s19 =	simm.s32 $0xCE00;
	s17 =	simm.s32 $0x3400;
	s12 =	rddreg [dreg:$0x3]  }
0x165: {  	[tilespmem:s19], [sflag:$0x1] =	stream.indirect.gather [spmem:s12], $0x1, s18, s17, $0xb8;
	[tilespmem:$0x1B200] =	vst v63  }
0x166: {  	v2 =	vld.idx.msk [tilespmem:v2+s15+$0x0], $0xffff  }
0x167: {  	s4 =	sshll.u32 s0, $0x7  }
0x168: {  	v3 =	vld [tilespmem:s4+$0x0];
	_ =	sdelay $0x1  }
0x169: {  	s20 =	simm.s32 $0x69;
	s21 =	sadd.s32 $0x31F, s2  }
0x16a: {  	s0 =	sand.u32 $0x3, s20;
	v5 =	vadd.s32 s21, v1;
	v4 =	vshrl.u32 v2, $0x7  }
0x16b: {  	s22 =	smul.u32 $0x1900, s0;
	v4 =	vmul.u32 $0xFB80, v4  }
0x16c: {  	v2 =	vadd.s32 v2, v3  }
0x16d: {  	s29 =	simm.s32 $0x9C70;
	s6 =	sadd.s32 $0x1A, s22;
	v2 =	vadd.s32 v4, v2  }
0x16e: {  	s1 =	sadd.s32 $0xFFFFFFFF, s6;
	[tilespmem:s29+$0xFFFFFF90] =	vst v2  }
0x16f: {  	v2 =	vadd.s32 s1, v1;
	v3 =	vld.idx.msk [tilespmem:v5+s15+$0x0], $0xffff;
	_ =	sdelay $0x1  }
0x170: {  	v4 =	vld [tilespmem:s4+$0x10];
	_ =	sdelay $0x1  }
0x171: {  	s24 =	sadd.s32 $0x63F, s2  }
0x172: {  	v6 =	vadd.s32 s24, v1;
	v2 =	vld.idx.msk [tilespmem:v2+s15+$0x0], $0xffff;
	v5 =	vshrl.u32 v3, $0x7  }
0x173: {  	s21 =	sshll.u32 s0, $0x7;
	v5 =	vmul.u32 $0xFB80, v5  }
0x174: {  	v7 =	vld [tilespmem:s21+$0x0];
	v3 =	vadd.s32 v3, v4  }
0x175: {  	s5 =	simm.s32 $0x6A;
	v3 =	vadd.s32 v5, v3  }
0x176: {  	s0 =	sand.u32 $0x3, s5;
	s7 =	sadd.s32 $0x31F, s6;
	[tilespmem:s29+$0xFFFFFFA0] =	vst v3  }
0x177: {  	s8 =	smul.u32 $0x1900, s0;
	v4 =	vadd.s32 s7, v1;
	v3 =	vshrl.u32 v2, $0x7;
	v5 =	vld.idx.msk [tilespmem:v6+s15+$0x0], $0xffff  }
0x178: {  	v3 =	vmul.u32 $0xFB80, v3  }
0x179: {  	s1 =	sadd.s32 $0x1A, s8;
	v2 =	vadd.s32 v2, v7;
	v6 =	vld [tilespmem:s4+$0x20]  }
0x17a: {  	s30 =	simm.s32 $0x9CF0;
	s5 =	sadd.s32 $0xFFFFFFFF, s1;
	v2 =	vadd.s32 v3, v2  }
0x17b: {  	s9 =	sadd.s32 $0x95F, s2;
	v3 =	vadd.s32 s5, v1;
	[tilespmem:s30+$0xFFFFFF90] =	vst v2  }
0x17c: {  	v7 =	vadd.s32 s9, v1;
	v2 =	vld.idx.msk [tilespmem:v4+s15+$0x0], $0xffff;
	v4 =	vshrl.u32 v5, $0x7  }
0x17d: {  	v4 =	vmul.u32 $0xFB80, v4  }
0x17e: {  	v8 =	vld [tilespmem:s21+$0x10];
	v5 =	vadd.s32 v5, v6  }
0x17f: {  	v4 =	vadd.s32 v4, v5  }
0x180: {  	s10 =	sadd.s32 $0x63F, s6;
	v3 =	vld.idx.msk [tilespmem:v3+s15+$0x0], $0xffff;
	[tilespmem:s29+$0xFFFFFFB0] =	vst v4  }
0x181: {  	s0 =	sshll.u32 s0, $0x7;
	v5 =	vadd.s32 s10, v1;
	v4 =	vshrl.u32 v2, $0x7;
	v6 =	vld.idx.msk [tilespmem:v7+s15+$0x0], $0xffff  }
0x182: {  	v4 =	vmul.u32 $0xFB80, v4;
	v7 =	vld [tilespmem:s0+$0x0]  }
0x183: {  	v2 =	vadd.s32 v2, v8  }
0x184: {  	s11 =	simm.s32 $0x6B;
	s12 =	sadd.s32 $0x31F, s1;
	v8 =	vld [tilespmem:s4+$0x30];
	v2 =	vadd.s32 v4, v2  }
0x185: {  	s5 =	sand.u32 $0x3, s11;
	v4 =	vadd.s32 s12, v1;
	[tilespmem:s30+$0xFFFFFFA0] =	vst v2;
	v2 =	vshrl.u32 v3, $0x7  }
0x186: {  	s17 =	sadd.s32 $0xC7F, s2;
	s18 =	smul.u32 $0x1900, s5;
	v5 =	vld.idx.msk [tilespmem:v5+s15+$0x0], $0xffff;
	v2 =	vmul.u32 $0xFB80, v2  }
0x187: {  	v10 =	vadd.s32 s17, v1;
	v9 =	vshrl.u32 v6, $0x7;
	v3 =	vadd.s32 v3, v7  }
0x188: {  	s31 =	simm.s32 $0x9D70;
	s18 =	sadd.s32 $0x1A, s18;
	v7 =	vmul.u32 $0xFB80, v9;
	v2 =	vadd.s32 v2, v3;
	v3 =	vld [tilespmem:s21+$0x20]  }
0x189: {  	s19 =	sadd.s32 $0xFFFFFFFF, s18;
	v6 =	vadd.s32 v6, v8;
	[tilespmem:s31+$0xFFFFFF90] =	vst v2  }
0x18a: {  	s20 =	sadd.s32 $0x95F, s6;
	v2 =	vadd.s32 v7, v6;
	v6 =	vadd.s32 s19, v1;
	v4 =	vld.idx.msk [tilespmem:v4+s15+$0x0], $0xffff  }
0x18b: {  	v7 =	vadd.s32 s20, v1;
	v9 =	vld [tilespmem:s0+$0x10];
	[tilespmem:s29+$0xFFFFFFC0] =	vst v2;
	v2 =	vshrl.u32 v5, $0x7  }
0x18c: {  	v8 =	vld.idx.msk [tilespmem:v10+s15+$0x0], $0xffff;
	v2 =	vmul.u32 $0xFB80, v2  }
0x18d: {  	v3 =	vadd.s32 v5, v3  }
0x18e: {  	s22 =	sadd.s32 $0x63F, s1;
	v5 =	vld [tilespmem:s4+$0x40];
	v2 =	vadd.s32 v2, v3  }
0x18f: {  	v3 =	vld.idx.msk [tilespmem:v6+s15+$0x0], $0xffff;
	[tilespmem:s30+$0xFFFFFFB0] =	vst v2;
	v2 =	vshrl.u32 v4, $0x7;
	v6 =	vadd.s32 s22, v1  }
0x190: {  	s24 =	sadd.s32 $0xF9F, s2;
	s20 =	sshll.u32 s5, $0x7;
	v7 =	vld.idx.msk [tilespmem:v7+s15+$0x0], $0xffff;
	v2 =	vmul.u32 $0xFB80, v2  }
0x191: {  	v12 =	vld [tilespmem:s20+$0x0];
	v10 =	vadd.s32 s24, v1;
	v4 =	vadd.s32 v4, v9;
	v11 =	vshrl.u32 v8, $0x7  }
0x192: {  	v9 =	vmul.u32 $0xFB80, v11;
	v2 =	vadd.s32 v2, v4;
	v4 =	vld [tilespmem:s21+$0x30]  }
0x193: {  	s7 =	simm.s32 $0x6C;
	s8 =	sadd.s32 $0x31F, s18;
	v5 =	vadd.s32 v8, v5;
	[tilespmem:s31+$0xFFFFFFA0] =	vst v2  }
0x194: {  	s10 =	sadd.s32 $0xC7F, s6;
	s5 =	sand.u32 $0x3, s7;
	v8 =	vadd.s32 s8, v1;
	v2 =	vadd.s32 v9, v5;
	v5 =	vshrl.u32 v3, $0x7;
	v6 =	vld.idx.msk [tilespmem:v6+s15+$0x0], $0xffff  }
0x195: {  	s9 =	smul.u32 $0x1900, s5;
	v9 =	vadd.s32 s10, v1;
	v11 =	vld [tilespmem:s0+$0x20];
	[tilespmem:s29+$0xFFFFFFD0] =	vst v2;
	v2 =	vmul.u32 $0xFB80, v5;
	v5 =	vshrl.u32 v7, $0x7  }
0x196: {  	v3 =	vadd.s32 v3, v12;
	v10 =	vld.idx.msk [tilespmem:v10+s15+$0x0], $0xffff;
	v5 =	vmul.u32 $0xFB80, v5  }
0x197: {  	s17 =	simm.s32 $0x9DF0;
	s24 =	sadd.s32 $0x1B, s9;
	v2 =	vadd.s32 v2, v3;
	v3 =	vadd.s32 v7, v4  }
0x198: {  	s11 =	sadd.s32 $0xFFFFFFFF, s24;
	v4 =	vld [tilespmem:s4+$0x50];
	[tilespmem:s17+$0xFFFFFF90] =	vst v2;
	v2 =	vadd.s32 v5, v3  }
0x199: {  	s12 =	sadd.s32 $0x95F, s1;
	v7 =	vadd.s32 s11, v1;
	v3 =	vld.idx.msk [tilespmem:v8+s15+$0x0], $0xffff;
	[tilespmem:s30+$0xFFFFFFC0] =	vst v2;
	v2 =	vshrl.u32 v6, $0x7  }
0x19a: {  	s19 =	sadd.s32 $0x12BF, s2;
	s22 =	simm.s32 $0x6D;
	v5 =	vadd.s32 s12, v1;
	v8 =	vld.idx.msk [tilespmem:v9+s15+$0x0], $0xffff;
	v2 =	vmul.u32 $0xFB80, v2  }
0x19b: {  	s8 =	sand.u32 $0x3, s22;
	v12 =	vadd.s32 s19, v1;
	v13 =	vld [tilespmem:s20+$0x10];
	v6 =	vadd.s32 v6, v11;
	v9 =	vshrl.u32 v10, $0x7  }
0x19c: {  	s9 =	smul.u32 $0x1900, s8;
	s19 =	sshll.u32 s5, $0x7;
	v9 =	vmul.u32 $0xFB80, v9;
	v2 =	vadd.s32 v2, v6;
	v6 =	vld [tilespmem:s21+$0x40]  }
0x19d: {  	s10 =	sadd.s32 $0x63F, s18;
	v14 =	vld [tilespmem:s19+$0x0];
	v4 =	vadd.s32 v10, v4  }
0x19e: {  	s22 =	sadd.s32 $0x1B, s9;
	s11 =	sadd.s32 $0xF9F, s6;
	v7 =	vld.idx.msk [tilespmem:v7+s15+$0x0], $0xffff;
	[tilespmem:s31+$0xFFFFFFB0] =	vst v2;
	v2 =	vadd.s32 v9, v4;
	v4 =	vshrl.u32 v3, $0x7;
	v9 =	vadd.s32 s10, v1  }
0x19f: {  	s12 =	sadd.s32 $0xFFFFFFFF, s22;
	v5 =	vld.idx.msk [tilespmem:v5+s15+$0x0], $0xffff;
	[tilespmem:s29+$0xFFFFFFE0] =	vst v2;
	v2 =	vadd.s32 s11, v1;
	v4 =	vmul.u32 $0xFB80, v4;
	v10 =	vshrl.u32 v8, $0x7  }
0x1a0: {  	v3 =	vadd.s32 v3, v13;
	v11 =	vld.idx.msk [tilespmem:v12+s15+$0x0], $0xffff;
	v12 =	vadd.s32 s12, v1;
	v10 =	vmul.u32 $0xFB80, v10  }
0x1a1: {  	v3 =	vadd.s32 v4, v3;
	v4 =	vld [tilespmem:s0+$0x30];
	v6 =	vadd.s32 v8, v6  }
0x1a2: {  	s7 =	sadd.s32 $0x31F, s24;
	[tilespmem:s17+$0xFFFFFFA0] =	vst v3;
	v3 =	vadd.s32 v10, v6;
	v6 =	vld [tilespmem:s4+$0x60]  }
0x1a3: {  	s9 =	sadd.s32 $0xC7F, s1;
	v13 =	vadd.s32 s7, v1;
	v10 =	vshrl.u32 v7, $0x7;
	v9 =	vld.idx.msk [tilespmem:v9+s15+$0x0], $0xffff;
	[tilespmem:s30+$0xFFFFFFD0] =	vst v3  }
0x1a4: {  	s2 =	sadd.s32 $0x15DF, s2;
	v60 =	vadd.s32 s9, v1;
	v10 =	vmul.u32 $0xFB80, v10;
	v2 =	vld.idx.msk [tilespmem:v2+s15+$0x0], $0xffff  }
0x1a5: {  	v8 =	vadd.s32 s2, v1;
	v7 =	vadd.s32 v7, v14;
	v15 =	vshrl.u32 v5, $0x7;
	v3 =	vld.idx.msk [tilespmem:v12+s15+$0x0], $0xffff  }
0x1a6: {  	s2 =	simm.s32 $0x9E70;
	v12 =	vmul.u32 $0xFB80, v15;
	v14 =	vshrl.u32 v11, $0x7;
	v7 =	vadd.s32 v10, v7;
	v10 =	vld [tilespmem:s20+$0x20]  }
0x1a7: {  	v4 =	vadd.s32 v5, v4;
	v5 =	vmul.u32 $0xFB80, v14;
	[tilespmem:s2+$0xFFFFFF90] =	vst v7;
	v7 =	vld [tilespmem:s21+$0x50]  }
0x1a8: {  	s10 =	sadd.s32 $0x95F, s18;
	s11 =	simm.s32 $0x6E;
	v4 =	vadd.s32 v12, v4;
	v6 =	vadd.s32 v11, v6;
	v13 =	vld.idx.msk [tilespmem:v13+s15+$0x0], $0xffff  }
0x1a9: {  	s12 =	sadd.s32 $0x12BF, s6;
	s7 =	sand.u32 $0x3, s11;
	v61 =	vld [tilespmem:s19+$0x10];
	[tilespmem:s31+$0xFFFFFFC0] =	vst v4;
	v4 =	vadd.s32 v5, v6;
	v5 =	vshrl.u32 v9, $0x7;
	v6 =	vadd.s32 s10, v1  }
0x1aa: {  	s9 =	smul.u32 $0x1900, s7;
	v12 =	vadd.s32 s12, v1;
	v14 =	vld.idx.msk [tilespmem:v60+s15+$0x0], $0xffff;
	[tilespmem:s29+$0xFFFFFFF0] =	vst v4;
	v4 =	vmul.u32 $0xFB80, v5;
	v5 =	vshrl.u32 v2, $0x7  }
0x1ab: {  	v15 =	vld.idx.msk [tilespmem:v8+s15+$0x0], $0xffff;
	v8 =	vadd.s32 v9, v10;
	v5 =	vmul.u32 $0xFB80, v5  }
0x1ac: {  	s5 =	sadd.s32 $0x1B, s9;
	v10 =	vld [tilespmem:s0+$0x40];
	v4 =	vadd.s32 v4, v8;
	v2 =	vadd.s32 v2, v7  }
0x1ad: {  	s11 =	sadd.s32 $0xFFFFFFFF, s5;
	s10 =	sadd.s32 $0x63F, s24;
	v62 =	vld [tilespmem:s4+$0x70];
	[tilespmem:s17+$0xFFFFFFB0] =	vst v4;
	v2 =	vadd.s32 v5, v2  }
0x1ae: {  	s12 =	sadd.s32 $0xF9F, s1;
	v11 =	vadd.s32 s11, v1;
	v18 =	vadd.s32 s10, v1;
	v4 =	vshrl.u32 v13, $0x7;
	v6 =	vld.idx.msk [tilespmem:v6+s15+$0x0], $0xffff;
	[tilespmem:s30+$0xFFFFFFE0] =	vst v2  }
0x1af: {  	s4 =	sshll.u32 s8, $0x7;
	v8 =	vadd.s32 s12, v1;
	v2 =	vmul.u32 $0xFB80, v4;
	v5 =	vshrl.u32 v14, $0x7;
	v4 =	vld.idx.msk [tilespmem:v12+s15+$0x0], $0xffff  }
0x1b0: {  	v7 =	vadd.s32 v13, v61;
	v12 =	vld [tilespmem:s4+$0x0];
	v5 =	vmul.u32 $0xFB80, v5;
	v13 =	vshrl.u32 v15, $0x7  }
0x1b1: {  	v9 =	vld [tilespmem:s20+$0x30];
	v2 =	vadd.s32 v2, v7;
	v7 =	vadd.s32 v14, v10;
	v63 =	vmul.u32 $0xFB80, v13  }
0x1b2: {  	s6 =	sadd.s32 $0x15DF, s6;
	s12 =	sadd.s32 $0x31F, s22;
	v15 =	vadd.s32 v15, v62;
	v14 =	vshrl.u32 v3, $0x7;
	[tilespmem:s2+$0xFFFFFFA0] =	vst v2;
	v2 =	vadd.s32 v5, v7;
	v7 =	vld [tilespmem:s21+$0x60]  }
0x1b3: {  	s9 =	sadd.s32 $0xC7F, s18;
	v13 =	vadd.s32 s12, v1;
	v5 =	vadd.s32 s6, v1;
	s6 =	simm.s32 $0x6F;
	v10 =	vld.idx.msk [tilespmem:v18+s15+$0x0], $0xffff;
	[tilespmem:s31+$0xFFFFFFD0] =	vst v2;
	v2 =	vadd.s32 v63, v15  }
.LBB2_4:
0x1b4: {  	p0 =	sne.s32 s6, $0xCB;
	v14 =	vmul.u32 $0xFB80, v14;
	v15 =	vshrl.u32 v6, $0x7;
	v16 =	vadd.s32 s9, v1;
	v8 =	vld.idx.msk [tilespmem:v8+s15+$0x0], $0xffff;
	[tilespmem:s29+$0x0] =	vst v2;
	s29 =	smov.u32 s30;
	s30 =	smov.u32 s31  }
0x1b5: {  	s31 =	smov.u32 s17;
	s17 =	smov.u32 s2;
	v2 =	vadd.s32 v3, v12;
	v3 =	vld.idx.msk [tilespmem:v11+s15+$0x0], $0xffff;
	v11 =	vmul.u32 $0xFB80, v15;
	v12 =	vshrl.u32 v4, $0x7  }
0x1b6: {  	s2 =	sadd.s32 $0x80, s2;
	v2 =	vadd.s32 v14, v2;
	v14 =	vld [tilespmem:s19+$0x20];
	v6 =	vadd.s32 v6, v9;
	v9 =	vmul.u32 $0xFB80, v12  }
0x1b7: {  	[tilespmem:s2+$0xFFFFFF90] =	vst v2;
	v2 =	vadd.s32 v11, v6;
	v6 =	vld [tilespmem:s0+$0x50];
	v4 =	vadd.s32 v4, v7  }
0x1b8: {  	s8 =	sadd.s32 $0x95F, s24;
	v7 =	vld.idx.msk [tilespmem:v13+s15+$0x0], $0xffff;
	[tilespmem:s31+$0xFFFFFFC0] =	vst v2;
	v2 =	vadd.s32 v9, v4  }
0x1b9: {  	v4 =	vshrl.u32 v10, $0x7;
	v9 =	vadd.s32 s8, v1;
	s8 =	sadd.s32 $0x12BF, s1;
	v13 =	vld.idx.msk [tilespmem:v16+s15+$0x0], $0xffff;
	[tilespmem:s29+$0xFFFFFFF0] =	vst v2  }
0x1ba: {  	s9 =	sand.u32 $0x3, s6;
	v2 =	vmul.u32 $0xFB80, v4;
	v4 =	vshrl.u32 v8, $0x7;
	v12 =	vadd.s32 s8, v1;
	v15 =	vld.idx.msk [tilespmem:v5+s15+$0x0], $0xffff  }
0x1bb: {  	s8 =	smul.u32 $0x1900, s9;
	v4 =	vmul.u32 $0xFB80, v4;
	v5 =	vld [tilespmem:s4+$0x10];
	v10 =	vadd.s32 v10, v14  }
0x1bc: {  	s10 =	sshrl.u32 s6, $0x2;
	v2 =	vadd.s32 v2, v10;
	v10 =	vld [tilespmem:s20+$0x40];
	v6 =	vadd.s32 v8, v6  }
0x1bd: {  	s11 =	sadd.s32 $0xF9F, s18;
	s8 =	sadd.s32 s8, s10;
	s10 =	sadd.s32 $0x63F, s22;
	[tilespmem:s17+$0xFFFFFFB0] =	vst v2;
	v2 =	vadd.s32 v4, v6;
	v14 =	vld [tilespmem:s21+$0x70]  }
0x1be: {  	s12 =	sadd.s32 $0xFFFFFFFF, s8;
	v16 =	vadd.s32 s10, v1;
	v8 =	vadd.s32 s11, v1;
	v4 =	vshrl.u32 v7, $0x7;
	s21 =	smov.u32 s0;
	s0 =	smov.u32 s20;
	v6 =	vld.idx.msk [tilespmem:v9+s15+$0x0], $0xffff;
	[tilespmem:s30+$0xFFFFFFE0] =	vst v2  }
.Ltmp1:
0x1bf: {  	s10 =	sshll.u32 s7, $0x7;
	s7 =	smov.u32 s9;
	v11 =	vadd.s32 s12, v1;
	v2 =	vmul.u32 $0xFB80, v4;
	v9 =	vshrl.u32 v13, $0x7;
	v4 =	vld.idx.msk [tilespmem:v12+s15+$0x0], $0xffff;
	(pc) =	sbr.rel @p0 .LBB2_4-.Ltmp1, $4  }
0x1c0: {  	s20 =	smov.u32 s19;
	s19 =	smov.u32 s4;
	s4 =	smov.u32 s10;
	v17 =	vshrl.u32 v15, $0x7;
	v12 =	vld [tilespmem:s10+$0x0];
	v5 =	vadd.s32 v7, v5;
	v7 =	vmul.u32 $0xFB80, v9  }
0x1c1: {  	s9 =	sadd.s32 $0x15DF, s1;
	s1 =	smov.u32 s18;
	s18 =	smov.u32 s24;
	v17 =	vmul.u32 $0xFB80, v17;
	v2 =	vadd.s32 v2, v5;
	v9 =	vld [tilespmem:s20+$0x30];
	v5 =	vadd.s32 v13, v10  }
0x1c2: {  	s24 =	smov.u32 s22;
	s22 =	smov.u32 s5;
	s10 =	sadd.s32 $0x31F, s5;
	[tilespmem:s2+$0xFFFFFFA0] =	vst v2;
	v2 =	vadd.s32 v7, v5;
	v7 =	vld [tilespmem:s21+$0x60];
	v5 =	vadd.s32 s9, v1;
	v15 =	vadd.s32 v15, v14  }
0x1c3: {  	s6 =	sadd.s32 $0x1, s6;
	s5 =	smov.u32 s8;
	v13 =	vadd.s32 s10, v1;
	v14 =	vshrl.u32 v3, $0x7;
	s9 =	sadd.s32 $0xC7F, s18;
	v10 =	vld.idx.msk [tilespmem:v16+s15+$0x0], $0xffff;
	[tilespmem:s31+$0xFFFFFFD0] =	vst v2;
	v2 =	vadd.s32 v17, v15  }
0x1c4: {  	_ =	sdelay $0x3  }
0x1c5: {  	v11 =	vld.idx.msk [tilespmem:v11+s15+$0x0], $0xffff  }
0x1c6: {  	s8 =	sshll.u32 s7, $0x7  }
0x1c7: {  	v15 =	vld [tilespmem:s8+$0x0];
	_ =	sdelay $0x1  }
0x1c8: {  	s6 =	sadd.s32 $0x31F, s5  }
0x1c9: {  	v14 =	vmul.u32 $0xFB80, v14;
	v17 =	vadd.s32 s6, v1;
	v16 =	vshrl.u32 v11, $0x7  }
0x1ca: {  	v3 =	vadd.s32 v3, v12;
	v55 =	vmul.u32 $0xFB80, v16  }
0x1cb: {  	s6 =	sadd.s32 $0x80, s2;
	v3 =	vadd.s32 v14, v3;
	v11 =	vadd.s32 v11, v15  }
0x1cc: {  	s7 =	sadd.s32 $0x80, s6;
	[tilespmem:s6+$0xFFFFFF90] =	vst v3;
	v3 =	vadd.s32 v55, v11  }
0x1cd: {  	v11 =	vld.idx.msk [tilespmem:v13+s15+$0x0], $0xffff;
	[tilespmem:s7+$0xFFFFFF90] =	vst v3  }
0x1ce: {  	v3 =	vld.idx.msk [tilespmem:v17+s15+$0x0], $0xffff  }
0x1cf: {  	v56 =	vld [tilespmem:s4+$0x10]  }
0x1d0: {  	v57 =	vld [tilespmem:s8+$0x10]  }
0x1d1: {  	s10 =	sadd.s32 $0x63F, s22  }
0x1d2: {  	s12 =	sadd.s32 $0x63F, s5;
	v59 =	vadd.s32 s10, v1;
	v58 =	vshrl.u32 v11, $0x7  }
0x1d3: {  	v61 =	vadd.s32 s12, v1;
	v14 =	vmul.u32 $0xFB80, v58;
	v60 =	vshrl.u32 v3, $0x7  }
0x1d4: {  	v11 =	vadd.s32 v11, v56;
	v62 =	vmul.u32 $0xFB80, v60  }
0x1d5: {  	v3 =	vadd.s32 v3, v57;
	v11 =	vadd.s32 v14, v11  }
0x1d6: {  	v63 =	vld [tilespmem:s19+$0x20];
	[tilespmem:s6+$0xFFFFFFA0] =	vst v11;
	v3 =	vadd.s32 v62, v3  }
0x1d7: {  	v11 =	vld.idx.msk [tilespmem:v59+s15+$0x0], $0xffff;
	[tilespmem:s7+$0xFFFFFFA0] =	vst v3  }
0x1d8: {  	s11 =	sadd.s32 $0x95F, s24;
	v3 =	vld.idx.msk [tilespmem:v61+s15+$0x0], $0xffff  }
0x1d9: {  	v21 =	vadd.s32 s11, v1;
	v20 =	vshrl.u32 v10, $0x7;
	v22 =	vld [tilespmem:s4+$0x20]  }
0x1da: {  	v12 =	vmul.u32 $0xFB80, v20;
	v23 =	vld [tilespmem:s8+$0x20]  }
0x1db: {  	s12 =	sadd.s32 $0x95F, s22;
	v10 =	vadd.s32 v10, v63  }
0x1dc: {  	s11 =	sadd.s32 $0x95F, s5;
	v25 =	vadd.s32 s12, v1;
	v10 =	vadd.s32 v12, v10;
	v24 =	vshrl.u32 v11, $0x7  }
0x1dd: {  	v26 =	vadd.s32 s11, v1;
	[tilespmem:s2+$0xFFFFFFB0] =	vst v10;
	v10 =	vmul.u32 $0xFB80, v24;
	v27 =	vshrl.u32 v3, $0x7  }
0x1de: {  	v14 =	vld.idx.msk [tilespmem:v21+s15+$0x0], $0xffff;
	v11 =	vadd.s32 v11, v22;
	v12 =	vmul.u32 $0xFB80, v27  }
0x1df: {  	v3 =	vadd.s32 v3, v23;
	v10 =	vadd.s32 v10, v11  }
0x1e0: {  	v11 =	vld [tilespmem:s19+$0x30];
	[tilespmem:s6+$0xFFFFFFB0] =	vst v10;
	v3 =	vadd.s32 v12, v3  }
0x1e1: {  	v10 =	vld.idx.msk [tilespmem:v25+s15+$0x0], $0xffff;
	[tilespmem:s7+$0xFFFFFFB0] =	vst v3  }
0x1e2: {  	v28 =	vadd.s32 s9, v1;
	s12 =	sadd.s32 $0xC7F, s24;
	v3 =	vshrl.u32 v6, $0x7;
	v29 =	vld.idx.msk [tilespmem:v26+s15+$0x0], $0xffff  }
0x1e3: {  	v31 =	vadd.s32 s12, v1;
	v30 =	vshrl.u32 v14, $0x7;
	v32 =	vld [tilespmem:s4+$0x30];
	v3 =	vmul.u32 $0xFB80, v3  }
0x1e4: {  	v6 =	vadd.s32 v6, v9;
	v9 =	vmul.u32 $0xFB80, v30;
	v33 =	vld [tilespmem:s8+$0x30]  }
0x1e5: {  	v8 =	vld.idx.msk [tilespmem:v8+s15+$0x0], $0xffff;
	s10 =	sadd.s32 $0xC7F, s22;
	v3 =	vadd.s32 v3, v6;
	v6 =	vadd.s32 v14, v11  }
0x1e6: {  	s11 =	sadd.s32 $0xC7F, s5;
	v11 =	vld [tilespmem:s0+$0x50];
	[tilespmem:s17+$0xFFFFFFC0] =	vst v3;
	v3 =	vadd.s32 v9, v6;
	v6 =	vshrl.u32 v10, $0x7;
	v9 =	vadd.s32 s10, v1  }
0x1e7: {  	v34 =	vadd.s32 s11, v1;
	v12 =	vld.idx.msk [tilespmem:v28+s15+$0x0], $0xffff;
	[tilespmem:s2+$0xFFFFFFC0] =	vst v3;
	v3 =	vmul.u32 $0xFB80, v6;
	v6 =	vshrl.u32 v29, $0x7  }
0x1e8: {  	v10 =	vadd.s32 v10, v32;
	v16 =	vld.idx.msk [tilespmem:v31+s15+$0x0], $0xffff;
	v6 =	vmul.u32 $0xFB80, v6  }
0x1e9: {  	v35 =	vld [tilespmem:s20+$0x40];
	v3 =	vadd.s32 v3, v10;
	v10 =	vadd.s32 v29, v33  }
0x1ea: {  	v36 =	vshrl.u32 v4, $0x7;
	v37 =	vld [tilespmem:s19+$0x40];
	[tilespmem:s6+$0xFFFFFFC0] =	vst v3;
	v3 =	vadd.s32 v6, v10  }
0x1eb: {  	s12 =	sadd.s32 $0xF9F, s18;
	v4 =	vadd.s32 v4, v7;
	s10 =	sadd.s32 $0xF9F, s24;
	v6 =	vmul.u32 $0xFB80, v36;
	v9 =	vld.idx.msk [tilespmem:v9+s15+$0x0], $0xffff;
	[tilespmem:s7+$0xFFFFFFC0] =	vst v3  }
0x1ec: {  	v10 =	vadd.s32 s12, v1;
	v3 =	vadd.s32 s10, v1;
	v7 =	vshrl.u32 v12, $0x7;
	v38 =	vld.idx.msk [tilespmem:v34+s15+$0x0], $0xffff  }
0x1ed: {  	v39 =	vld [tilespmem:s4+$0x40];
	v4 =	vadd.s32 v6, v4;
	v6 =	vmul.u32 $0xFB80, v7;
	v7 =	vshrl.u32 v16, $0x7  }
0x1ee: {  	v40 =	vld [tilespmem:s8+$0x40];
	[tilespmem:s30+$0xFFFFFFF0] =	vst v4;
	v4 =	vadd.s32 v12, v35;
	v7 =	vmul.u32 $0xFB80, v7  }
0x1ef: {  	s11 =	sadd.s32 $0xF9F, s22;
	v41 =	vld [tilespmem:s21+$0x70];
	v4 =	vadd.s32 v6, v4;
	v6 =	vadd.s32 v16, v37  }
0x1f0: {  	s12 =	sadd.s32 $0xF9F, s5;
	v5 =	vld.idx.msk [tilespmem:v5+s15+$0x0], $0xffff;
	[tilespmem:s17+$0xFFFFFFD0] =	vst v4;
	v4 =	vadd.s32 v7, v6;
	v6 =	vadd.s32 s11, v1;
	v7 =	vshrl.u32 v9, $0x7  }
0x1f1: {  	v10 =	vld.idx.msk [tilespmem:v10+s15+$0x0], $0xffff;
	[tilespmem:s2+$0xFFFFFFD0] =	vst v4;
	v4 =	vmul.u32 $0xFB80, v7;
	v7 =	vadd.s32 s12, v1;
	v42 =	vshrl.u32 v38, $0x7  }
0x1f2: {  	v9 =	vadd.s32 v9, v39;
	v3 =	vld.idx.msk [tilespmem:v3+s15+$0x0], $0xffff;
	v43 =	vmul.u32 $0xFB80, v42  }
0x1f3: {  	v44 =	vshrl.u32 v8, $0x7;
	s21 =	sadd.s32 $0x12BF, s1;
	v45 =	vld [tilespmem:s20+$0x50];
	v4 =	vadd.s32 v4, v9;
	v9 =	vadd.s32 v38, v40  }
0x1f4: {  	v47 =	vmul.u32 $0xFB80, v44;
	v46 =	vadd.s32 s21, v1;
	v48 =	vld [tilespmem:s19+$0x50];
	[tilespmem:s6+$0xFFFFFFD0] =	vst v4;
	v4 =	vadd.s32 v43, v9  }
0x1f5: {  	v8 =	vadd.s32 v8, v11;
	s10 =	sadd.s32 $0x12BF, s18;
	v6 =	vld.idx.msk [tilespmem:v6+s15+$0x0], $0xffff;
	[tilespmem:s7+$0xFFFFFFD0] =	vst v4  }
0x1f6: {  	s11 =	sadd.s32 $0x12BF, s24;
	v9 =	vadd.s32 s10, v1;
	v4 =	vadd.s32 v47, v8;
	v8 =	vshrl.u32 v10, $0x7;
	v7 =	vld.idx.msk [tilespmem:v7+s15+$0x0], $0xffff  }
0x1f7: {  	v49 =	vadd.s32 s11, v1;
	v50 =	vld [tilespmem:s4+$0x50];
	v8 =	vmul.u32 $0xFB80, v8;
	v11 =	vshrl.u32 v3, $0x7  }
0x1f8: {  	[tilespmem:s31+$0xFFFFFFE0] =	vst v4;
	v4 =	vadd.s32 v10, v45;
	v10 =	vmul.u32 $0xFB80, v11;
	v11 =	vld [tilespmem:s8+$0x50]  }
0x1f9: {  	s12 =	sadd.s32 $0x12BF, s22;
	v3 =	vadd.s32 v3, v48;
	v12 =	vld.idx.msk [tilespmem:v46+s15+$0x0], $0xffff;
	v4 =	vadd.s32 v8, v4  }
0x1fa: {  	s21 =	sadd.s32 $0x12BF, s5;
	v8 =	vld [tilespmem:s0+$0x60];
	[tilespmem:s17+$0xFFFFFFE0] =	vst v4;
	v3 =	vadd.s32 v10, v3;
	v4 =	vshrl.u32 v6, $0x7;
	v10 =	vadd.s32 s12, v1  }
0x1fb: {  	v51 =	vadd.s32 s21, v1;
	v9 =	vld.idx.msk [tilespmem:v9+s15+$0x0], $0xffff;
	[tilespmem:s2+$0xFFFFFFE0] =	vst v3;
	v3 =	vmul.u32 $0xFB80, v4;
	v4 =	vshrl.u32 v7, $0x7  }
0x1fc: {  	v6 =	vadd.s32 v6, v50;
	v13 =	vld.idx.msk [tilespmem:v49+s15+$0x0], $0xffff;
	v4 =	vmul.u32 $0xFB80, v4  }
0x1fd: {  	s9 =	sadd.s32 $0x15DF, s1;
	v52 =	vld [tilespmem:s20+$0x60];
	v3 =	vadd.s32 v3, v6;
	v6 =	vadd.s32 v7, v11  }
0x1fe: {  	v53 =	vld [tilespmem:s19+$0x60];
	v7 =	vadd.s32 s9, v1;
	v11 =	vshrl.u32 v12, $0x7;
	[tilespmem:s6+$0xFFFFFFE0] =	vst v3;
	v3 =	vadd.s32 v4, v6  }
0x1ff: {  	s10 =	sadd.s32 $0x15DF, s18;
	v4 =	vmul.u32 $0xFB80, v11;
	v6 =	vld.idx.msk [tilespmem:v10+s15+$0x0], $0xffff;
	[tilespmem:s7+$0xFFFFFFE0] =	vst v3  }
0x200: {  	v3 =	vadd.s32 v12, v8;
	v8 =	vadd.s32 s10, v1;
	v10 =	vshrl.u32 v9, $0x7;
	v11 =	vld.idx.msk [tilespmem:v51+s15+$0x0], $0xffff  }
0x201: {  	s11 =	sadd.s32 $0x15DF, s24;
	v54 =	vld [tilespmem:s4+$0x60];
	v3 =	vadd.s32 v4, v3;
	v4 =	vmul.u32 $0xFB80, v10;
	v10 =	vshrl.u32 v13, $0x7  }
0x202: {  	v55 =	vld [tilespmem:s8+$0x60];
	[tilespmem:s31+$0xFFFFFFF0] =	vst v3;
	v3 =	vadd.s32 v9, v52;
	v9 =	vadd.s32 s11, v1;
	v10 =	vmul.u32 $0xFB80, v10  }
0x203: {  	s12 =	sadd.s32 $0x15DF, s22;
	v7 =	vld.idx.msk [tilespmem:v7+s15+$0x0], $0xffff;
	v3 =	vadd.s32 v4, v3;
	v4 =	vadd.s32 v13, v53  }
0x204: {  	s18 =	sadd.s32 $0x15DF, s5;
	v56 =	vld [tilespmem:s0+$0x70];
	[tilespmem:s17+$0xFFFFFFF0] =	vst v3;
	v3 =	vadd.s32 v10, v4;
	v4 =	vadd.s32 s12, v1;
	v10 =	vshrl.u32 v6, $0x7  }
0x205: {  	v57 =	vadd.s32 s18, v1;
	v8 =	vld.idx.msk [tilespmem:v8+s15+$0x0], $0xffff;
	v10 =	vmul.u32 $0xFB80, v10;
	v58 =	vshrl.u32 v11, $0x7  }
0x206: {  	[tilespmem:s2+$0xFFFFFFF0] =	vst v3;
	v3 =	vadd.s32 v6, v54;
	v6 =	vld [tilespmem:s20+$0x70];
	v59 =	vmul.u32 $0xFB80, v58  }
0x207: {  	v9 =	vld.idx.msk [tilespmem:v9+s15+$0x0], $0xffff;
	v3 =	vadd.s32 v10, v3;
	v10 =	vadd.s32 v11, v55  }
0x208: {  	v11 =	vld [tilespmem:s19+$0x70];
	[tilespmem:s6+$0xFFFFFFF0] =	vst v3;
	v3 =	vadd.s32 v59, v10  }
0x209: {  	v10 =	vshrl.u32 v5, $0x7;
	v4 =	vld.idx.msk [tilespmem:v4+s15+$0x0], $0xffff;
	[tilespmem:s7+$0xFFFFFFF0] =	vst v3  }
0x20a: {  	v3 =	vmul.u32 $0xFB80, v10;
	v10 =	vshrl.u32 v7, $0x7;
	v60 =	vld.idx.msk [tilespmem:v57+s15+$0x0], $0xffff  }
0x20b: {  	v5 =	vadd.s32 v5, v41;
	v62 =	vld [tilespmem:s4+$0x70];
	v61 =	vshrl.u32 v8, $0x7;
	v10 =	vmul.u32 $0xFB80, v10  }
0x20c: {  	v63 =	vld [tilespmem:s8+$0x70];
	v3 =	vadd.s32 v3, v5;
	v5 =	vadd.s32 v7, v56;
	v7 =	vmul.u32 $0xFB80, v61  }
0x20d: {  	[tilespmem:s29+$0x0] =	vst v2;
	v2 =	vadd.s32 v10, v5;
	v5 =	vadd.s32 v8, v6;
	v6 =	vshrl.u32 v9, $0x7  }
0x20e: {  	[tilespmem:s30+$0x0] =	vst v3;
	v3 =	vadd.s32 v7, v5;
	v5 =	vmul.u32 $0xFB80, v6;
	v6 =	vshrl.u32 v4, $0x7  }
0x20f: {  	[tilespmem:s31+$0x0] =	vst v2;
	v2 =	vadd.s32 v9, v11;
	v6 =	vmul.u32 $0xFB80, v6;
	v7 =	vshrl.u32 v60, $0x7  }
0x210: {  	[tilespmem:s17+$0x0] =	vst v3;
	v3 =	vadd.s32 v4, v62;
	v2 =	vadd.s32 v5, v2;
	v4 =	vmul.u32 $0xFB80, v7  }
0x211: {  	[tilespmem:s2+$0x0] =	vst v2;
	v2 =	vadd.s32 v6, v3;
	v3 =	vadd.s32 v60, v63  }
0x212: {  	s21 =	simm.s32 $0x3200;
	[tilespmem:s6+$0x0] =	vst v2;
	v2 =	vadd.s32 v4, v3  }
0x213: {  	s22 =	simm.s32 $0x9C00;
	s10 =	simm.s32 $0x10200;
	s20 =	rddreg [dreg:$0x3];
	[tilespmem:s7+$0x0] =	vst v2  }
0x214: {  	[tilespmem:s10], [sflag:$0x2] =	stream.indirect.gather [spmem:s20], $0x1, s22, s21, $0xb8;
	[tilespmem:$0x1B200] =	vst v63  }
0x215: {  	_ =	swait.ge [sflag:s23], $0x3400  }
0x216: {  	[sflag:s23] =	ssyncset.done $0x0  }
0x217: {  	s24 =	simm.s32 $0x0;
	s0 =	simm.s32 $0xCE40;
	[sflag:s23] =	ssyncadd.s32 $0xFFFFCC00  }
0x218: {  	s2 =	sand.u32 $0x180, s24;
	v2 =	vld [tilespmem:s0+$0xFFFFFFC0]  }
0x219: {  	v3 =	vld [tilespmem:s2+$0x200];
	_ =	sdelay $0x4  }
0x21a: {  	v2 =	vshra.s32 v2, v3  }
0x21b: {  	v2 =	vshll.u32 v2, $0x10  }
0x21c: {  	[tilespmem:s0+$0xFFFFFFC0] =	vst v2;
	v2 =	vld [tilespmem:s0+$0xFFFFFFD0]  }
0x21d: {  	v3 =	vld [tilespmem:s2+$0x210];
	_ =	sdelay $0x2  }
0x21e: {  	s29 =	simm.s32 $0x80  }
0x21f: {  	s5 =	sand.u32 $0x180, s29  }
0x220: {  	s1 =	simm.s32 $0xCEC0;
	v5 =	vld [tilespmem:s5+$0x200];
	v2 =	vshra.s32 v2, v3  }
0x221: {  	v3 =	vld [tilespmem:s1+$0xFFFFFFC0];
	v2 =	vshll.u32 v2, $0x10  }
0x222: {  	v4 =	vld [tilespmem:s0+$0xFFFFFFE0];
	[tilespmem:s0+$0xFFFFFFD0] =	vst v2  }
0x223: {  	v2 =	vld [tilespmem:s2+$0x220];
	_ =	sdelay $0x2  }
0x224: {  	v3 =	vshra.s32 v3, v5  }
0x225: {  	v3 =	vshll.u32 v3, $0x10  }
0x226: {  	[tilespmem:s1+$0xFFFFFFC0] =	vst v3;
	v3 =	vld [tilespmem:s1+$0xFFFFFFD0];
	v2 =	vshra.s32 v4, v2  }
0x227: {  	v4 =	vld [tilespmem:s0+$0xFFFFFFF0];
	v2 =	vshll.u32 v2, $0x10  }
0x228: {  	v5 =	vld [tilespmem:s5+$0x210];
	[tilespmem:s0+$0xFFFFFFE0] =	vst v2  }
0x229: {  	v2 =	vld [tilespmem:s2+$0x230];
	_ =	sdelay $0x2  }
0x22a: {  	v6 =	vld [tilespmem:s1+$0xFFFFFFE0]  }
0x22b: {  	s4 =	simm.s32 $0xCF40;
	s30 =	simm.s32 $0x100;
	v7 =	vld [tilespmem:s0+$0x0];
	v3 =	vshra.s32 v3, v5  }
0x22c: {  	s6 =	sand.u32 $0x180, s30;
	v5 =	vld [tilespmem:s4+$0xFFFFFFC0];
	v3 =	vshll.u32 v3, $0x10;
	v2 =	vshra.s32 v4, v2  }
0x22d: {  	[tilespmem:s1+$0xFFFFFFD0] =	vst v3;
	v4 =	vld [tilespmem:s6+$0x200];
	v2 =	vshll.u32 v2, $0x10  }
0x22e: {  	[tilespmem:s0+$0xFFFFFFF0] =	vst v2;
	v2 =	vld [tilespmem:s5+$0x220]  }
0x22f: {  	v3 =	vld [tilespmem:s2+$0x240];
	_ =	sdelay $0x2  }
0x230: {  	v4 =	vshra.s32 v5, v4;
	v5 =	vld [tilespmem:s0+$0x10]  }
0x231: {  	v4 =	vshll.u32 v4, $0x10;
	v2 =	vshra.s32 v6, v2;
	v6 =	vld [tilespmem:s1+$0xFFFFFFF0]  }
0x232: {  	[tilespmem:s4+$0xFFFFFFC0] =	vst v4;
	v4 =	vld [tilespmem:s4+$0xFFFFFFD0];
	v2 =	vshll.u32 v2, $0x10;
	v3 =	vshra.s32 v7, v3  }
0x233: {  	v7 =	vld [tilespmem:s6+$0x210];
	[tilespmem:s1+$0xFFFFFFE0] =	vst v2;
	v2 =	vshll.u32 v3, $0x10  }
0x234: {  	v8 =	vld [tilespmem:s5+$0x230];
	[tilespmem:s0+$0x0] =	vst v2  }
0x235: {  	v9 =	vld [tilespmem:s2+$0x250]  }
0x236: {  	v3 =	vld [tilespmem:s1+$0x0]  }
0x237: {  	v2 =	vld [tilespmem:s0+$0x20]  }
0x238: {  	s31 =	simm.s32 $0x180;
	s7 =	simm.s32 $0xCFC0;
	v7 =	vshra.s32 v4, v7;
	v4 =	vld [tilespmem:s4+$0xFFFFFFE0]  }
0x239: {  	s8 =	sand.u32 $0x180, s31;
	v7 =	vshll.u32 v7, $0x10;
	v8 =	vshra.s32 v6, v8;
	v6 =	vld [tilespmem:s7+$0xFFFFFFC0]  }
0x23a: {  	[tilespmem:s4+$0xFFFFFFD0] =	vst v7;
	v7 =	vshll.u32 v8, $0x10;
	v5 =	vshra.s32 v5, v9;
	v8 =	vld [tilespmem:s8+$0x200]  }
0x23b: {  	[tilespmem:s1+$0xFFFFFFF0] =	vst v7;
	v5 =	vshll.u32 v5, $0x10;
	v7 =	vld [tilespmem:s6+$0x220]  }
0x23c: {  	s9 =	simm.s32 $0x200;
	[tilespmem:s0+$0x10] =	vst v5;
	v5 =	vld [tilespmem:s5+$0x240]  }
.LBB2_6:
0x23d: {  	p0 =	sne.s32 s9, $0x3380;
	v9 =	vld [tilespmem:s2+$0x260];
	s17 =	smov.u32 s4;
	s4 =	smov.u32 s7  }
0x23e: {  	v10 =	vld [tilespmem:s0+$0x30]  }
0x23f: {  	v6 =	vshra.s32 v6, v8;
	v8 =	vld [tilespmem:s1+$0x10]  }
0x240: {  	v6 =	vshll.u32 v6, $0x10;
	v4 =	vshra.s32 v4, v7;
	v7 =	vld [tilespmem:s17+$0xFFFFFFF0]  }
0x241: {  	[tilespmem:s7+$0xFFFFFFC0] =	vst v6;
	v6 =	vld [tilespmem:s7+$0xFFFFFFD0];
	v4 =	vshll.u32 v4, $0x10;
	v3 =	vshra.s32 v3, v5  }
0x242: {  	v5 =	vld [tilespmem:s8+$0x210];
	[tilespmem:s17+$0xFFFFFFE0] =	vst v4;
	v3 =	vshll.u32 v3, $0x10;
	v2 =	vshra.s32 v2, v9  }
0x243: {  	v9 =	vld [tilespmem:s6+$0x230];
	[tilespmem:s1+$0x0] =	vst v3;
	v2 =	vshll.u32 v2, $0x10  }
0x244: {  	v11 =	vld [tilespmem:s5+$0x250];
	[tilespmem:s0+$0x20] =	vst v2  }
0x245: {  	v12 =	vld [tilespmem:s2+$0x270];
	s2 =	smov.u32 s5;
	s5 =	smov.u32 s6;
	s6 =	smov.u32 s8  }
0x246: {  	v2 =	vld [tilespmem:s1+$0x20]  }
0x247: {  	v4 =	vshra.s32 v6, v5;
	v3 =	vld [tilespmem:s17+$0x0]  }
.Ltmp2:
0x248: {  	s7 =	sadd.s32 $0x80, s7;
	v5 =	vshll.u32 v4, $0x10;
	v4 =	vld [tilespmem:s4+$0xFFFFFFE0];
	v7 =	vshra.s32 v7, v9;
	(pc) =	sbr.rel @p0 .LBB2_6-.Ltmp2, $4  }
0x249: {  	s8 =	sand.u32 $0x180, s9;
	v6 =	vld [tilespmem:s7+$0xFFFFFFC0];
	[tilespmem:s4+$0xFFFFFFD0] =	vst v5;
	v5 =	vshll.u32 v7, $0x10;
	v7 =	vshra.s32 v8, v11  }
0x24a: {  	v8 =	vld [tilespmem:s8+$0x200];
	[tilespmem:s17+$0xFFFFFFF0] =	vst v5;
	v5 =	vshll.u32 v7, $0x10;
	v9 =	vshra.s32 v10, v12  }
0x24b: {  	v7 =	vld [tilespmem:s6+$0x220];
	[tilespmem:s1+$0x10] =	vst v5;
	v9 =	vshll.u32 v9, $0x10  }
0x24c: {  	s9 =	sadd.s32 $0x80, s9;
	v5 =	vld [tilespmem:s5+$0x240];
	[tilespmem:s0+$0x30] =	vst v9;
	s0 =	smov.u32 s1;
	s1 =	smov.u32 s17  }
0x24d: {  	_ =	sdelay $0x1  }
0x24e: {  	v6 =	vshra.s32 v6, v8  }
0x24f: {  	v6 =	vshll.u32 v6, $0x10  }
0x250: {  	[tilespmem:s7+$0xFFFFFFC0] =	vst v6;
	v6 =	vld [tilespmem:s7+$0xFFFFFFD0]  }
0x251: {  	v8 =	vld [tilespmem:s8+$0x210];
	_ =	sdelay $0x4  }
0x252: {  	v6 =	vshra.s32 v6, v8  }
0x253: {  	v6 =	vshll.u32 v6, $0x10  }
0x254: {  	v8 =	vld [tilespmem:s7+$0xFFFFFFE0];
	[tilespmem:s7+$0xFFFFFFD0] =	vst v6  }
0x255: {  	v6 =	vld [tilespmem:s8+$0x220];
	_ =	sdelay $0x3  }
0x256: {  	v4 =	vshra.s32 v4, v7  }
0x257: {  	v7 =	vld [tilespmem:s4+$0xFFFFFFF0];
	v4 =	vshll.u32 v4, $0x10;
	v6 =	vshra.s32 v8, v6  }
0x258: {  	[tilespmem:s4+$0xFFFFFFE0] =	vst v4;
	v4 =	vld [tilespmem:s7+$0xFFFFFFF0];
	v6 =	vshll.u32 v6, $0x10  }
0x259: {  	v8 =	vld [tilespmem:s6+$0x230];
	[tilespmem:s7+$0xFFFFFFE0] =	vst v6  }
0x25a: {  	v6 =	vld [tilespmem:s8+$0x230];
	_ =	sdelay $0x3  }
0x25b: {  	v7 =	vshra.s32 v7, v8  }
0x25c: {  	v8 =	vld [tilespmem:s4+$0x0];
	v7 =	vshll.u32 v7, $0x10;
	v4 =	vshra.s32 v4, v6  }
0x25d: {  	[tilespmem:s4+$0xFFFFFFF0] =	vst v7;
	v6 =	vld [tilespmem:s7+$0x0];
	v4 =	vshll.u32 v4, $0x10  }
0x25e: {  	v7 =	vld [tilespmem:s6+$0x240];
	[tilespmem:s7+$0xFFFFFFF0] =	vst v4  }
0x25f: {  	v4 =	vld [tilespmem:s8+$0x240]  }
0x260: {  	v3 =	vshra.s32 v3, v5  }
0x261: {  	v3 =	vshll.u32 v3, $0x10  }
0x262: {  	v5 =	vld [tilespmem:s1+$0x10];
	[tilespmem:s1+$0x0] =	vst v3  }
0x263: {  	v3 =	vld [tilespmem:s5+$0x250];
	v7 =	vshra.s32 v8, v7  }
0x264: {  	v8 =	vld [tilespmem:s4+$0x10];
	v7 =	vshll.u32 v7, $0x10;
	v4 =	vshra.s32 v6, v4  }
0x265: {  	[tilespmem:s4+$0x0] =	vst v7;
	v6 =	vld [tilespmem:s7+$0x10];
	v4 =	vshll.u32 v4, $0x10  }
0x266: {  	v7 =	vld [tilespmem:s6+$0x250];
	[tilespmem:s7+$0x0] =	vst v4  }
0x267: {  	v4 =	vld [tilespmem:s8+$0x250]  }
0x268: {  	v3 =	vshra.s32 v5, v3  }
0x269: {  	v9 =	vld [tilespmem:s2+$0x260];
	v3 =	vshll.u32 v3, $0x10  }
0x26a: {  	v5 =	vld [tilespmem:s1+$0x20];
	[tilespmem:s1+$0x10] =	vst v3  }
0x26b: {  	v3 =	vld [tilespmem:s5+$0x260];
	v7 =	vshra.s32 v8, v7  }
0x26c: {  	v8 =	vld [tilespmem:s4+$0x20];
	v7 =	vshll.u32 v7, $0x10;
	v4 =	vshra.s32 v6, v4  }
0x26d: {  	[tilespmem:s4+$0x10] =	vst v7;
	v6 =	vld [tilespmem:s7+$0x20];
	v4 =	vshll.u32 v4, $0x10  }
0x26e: {  	v7 =	vld [tilespmem:s6+$0x260];
	[tilespmem:s7+$0x10] =	vst v4  }
0x26f: {  	v2 =	vshra.s32 v2, v9;
	v4 =	vld [tilespmem:s8+$0x260]  }
0x270: {  	v9 =	vld [tilespmem:s0+$0x30];
	v2 =	vshll.u32 v2, $0x10;
	v3 =	vshra.s32 v5, v3  }
0x271: {  	[tilespmem:s0+$0x20] =	vst v2;
	v2 =	vld [tilespmem:s1+$0x30];
	v3 =	vshll.u32 v3, $0x10  }
0x272: {  	v5 =	vld [tilespmem:s2+$0x270];
	[tilespmem:s1+$0x20] =	vst v3  }
0x273: {  	v3 =	vld [tilespmem:s5+$0x270];
	v7 =	vshra.s32 v8, v7  }
0x274: {  	v8 =	vld [tilespmem:s4+$0x30];
	v7 =	vshll.u32 v7, $0x10;
	v4 =	vshra.s32 v6, v4  }
0x275: {  	[tilespmem:s4+$0x20] =	vst v7;
	v6 =	vld [tilespmem:s7+$0x30];
	v4 =	vshll.u32 v4, $0x10  }
0x276: {  	v7 =	vld [tilespmem:s6+$0x270];
	[tilespmem:s7+$0x20] =	vst v4  }
0x277: {  	v4 =	vld [tilespmem:s8+$0x270];
	_ =	sdelay $0x1  }
0x278: {  	v5 =	vshra.s32 v9, v5  }
0x279: {  	v5 =	vshll.u32 v5, $0x10;
	v2 =	vshra.s32 v2, v3  }
0x27a: {  	[tilespmem:s0+$0x30] =	vst v5;
	v2 =	vshll.u32 v2, $0x10;
	v3 =	vshra.s32 v8, v7  }
0x27b: {  	[tilespmem:s1+$0x30] =	vst v2;
	v2 =	vshll.u32 v3, $0x10;
	v3 =	vshra.s32 v6, v4  }
0x27c: {  	[tilespmem:s4+$0x30] =	vst v2;
	v2 =	vshll.u32 v3, $0x10  }
0x27d: {  	[tilespmem:s7+$0x30] =	vst v2  }
0x27e: {  	s20 =	simm.s32 $0xCE00;
	s0 =	rddreg [dreg:$0xa]  }
0x27f: {  	[hbm4b:s0+s3] =	stream.linear.scatter [tilespmem:s20], [sflag:$0x4], $0x200, $0x38;
	[tilespmem:$0x1B200] =	vst v63  }
0x280: {  	s22 =	simm.s32 $0xD000;
	s21 =	rddreg [dreg:$0xb]  }
0x281: {  	[hbm4b:s21+s3] =	stream.linear.scatter [tilespmem:s22], [sflag:$0x4], $0x3200, $0x38;
	[tilespmem:$0x1B200] =	vst v63  }
0x282: {  	_ =	swait.ge [sflag:s25], $0x3200  }
0x283: {  	[sflag:s25] =	ssyncset.done $0x0  }
0x284: {  	s24 =	simm.s32 $0x3400;
	s0 =	simm.s32 $0x10270;
	[sflag:s25] =	ssyncadd.s32 $0xFFFFCE00  }
0x285: {  	s2 =	sand.u32 $0x180, s24;
	v2 =	vld [tilespmem:s0+$0xFFFFFF90]  }
0x286: {  	v3 =	vld [tilespmem:s2+$0x200];
	_ =	sdelay $0x4  }
0x287: {  	v2 =	vshra.s32 v2, v3  }
0x288: {  	v2 =	vshll.u32 v2, $0x10  }
0x289: {  	[tilespmem:s0+$0xFFFFFF90] =	vst v2;
	v2 =	vld [tilespmem:s0+$0xFFFFFFA0]  }
0x28a: {  	v3 =	vld [tilespmem:s2+$0x210];
	_ =	sdelay $0x2  }
0x28b: {  	s29 =	simm.s32 $0x3480  }
0x28c: {  	s5 =	sand.u32 $0x180, s29  }
0x28d: {  	s1 =	simm.s32 $0x102F0;
	v5 =	vld [tilespmem:s5+$0x200];
	v2 =	vshra.s32 v2, v3  }
0x28e: {  	v3 =	vld [tilespmem:s1+$0xFFFFFF90];
	v2 =	vshll.u32 v2, $0x10  }
0x28f: {  	v4 =	vld [tilespmem:s0+$0xFFFFFFB0];
	[tilespmem:s0+$0xFFFFFFA0] =	vst v2  }
0x290: {  	v2 =	vld [tilespmem:s2+$0x220];
	_ =	sdelay $0x2  }
0x291: {  	v3 =	vshra.s32 v3, v5  }
0x292: {  	v3 =	vshll.u32 v3, $0x10  }
0x293: {  	[tilespmem:s1+$0xFFFFFF90] =	vst v3;
	v3 =	vld [tilespmem:s1+$0xFFFFFFA0];
	v2 =	vshra.s32 v4, v2  }
0x294: {  	v4 =	vld [tilespmem:s0+$0xFFFFFFC0];
	v2 =	vshll.u32 v2, $0x10  }
0x295: {  	v5 =	vld [tilespmem:s5+$0x210];
	[tilespmem:s0+$0xFFFFFFB0] =	vst v2  }
0x296: {  	v2 =	vld [tilespmem:s2+$0x230];
	_ =	sdelay $0x2  }
0x297: {  	v6 =	vld [tilespmem:s1+$0xFFFFFFB0]  }
0x298: {  	s30 =	simm.s32 $0x3500;
	s4 =	simm.s32 $0x10370;
	v7 =	vld [tilespmem:s0+$0xFFFFFFD0];
	v3 =	vshra.s32 v3, v5  }
0x299: {  	s6 =	sand.u32 $0x180, s30;
	v5 =	vld [tilespmem:s4+$0xFFFFFF90];
	v3 =	vshll.u32 v3, $0x10;
	v2 =	vshra.s32 v4, v2  }
0x29a: {  	[tilespmem:s1+$0xFFFFFFA0] =	vst v3;
	v4 =	vld [tilespmem:s6+$0x200];
	v2 =	vshll.u32 v2, $0x10  }
0x29b: {  	[tilespmem:s0+$0xFFFFFFC0] =	vst v2;
	v2 =	vld [tilespmem:s5+$0x220]  }
0x29c: {  	v3 =	vld [tilespmem:s2+$0x240];
	_ =	sdelay $0x2  }
0x29d: {  	v4 =	vshra.s32 v5, v4;
	v5 =	vld [tilespmem:s0+$0xFFFFFFE0]  }
0x29e: {  	v4 =	vshll.u32 v4, $0x10;
	v2 =	vshra.s32 v6, v2;
	v6 =	vld [tilespmem:s1+$0xFFFFFFC0]  }
0x29f: {  	[tilespmem:s4+$0xFFFFFF90] =	vst v4;
	v4 =	vld [tilespmem:s4+$0xFFFFFFA0];
	v2 =	vshll.u32 v2, $0x10;
	v3 =	vshra.s32 v7, v3  }
0x2a0: {  	v7 =	vld [tilespmem:s6+$0x210];
	[tilespmem:s1+$0xFFFFFFB0] =	vst v2;
	v2 =	vshll.u32 v3, $0x10  }
0x2a1: {  	v8 =	vld [tilespmem:s5+$0x230];
	[tilespmem:s0+$0xFFFFFFD0] =	vst v2  }
0x2a2: {  	v9 =	vld [tilespmem:s2+$0x250]  }
0x2a3: {  	v3 =	vld [tilespmem:s1+$0xFFFFFFD0]  }
0x2a4: {  	v2 =	vld [tilespmem:s0+$0xFFFFFFF0]  }
0x2a5: {  	s31 =	simm.s32 $0x3580;
	s7 =	simm.s32 $0x103F0;
	v7 =	vshra.s32 v4, v7;
	v4 =	vld [tilespmem:s4+$0xFFFFFFB0]  }
0x2a6: {  	s8 =	sand.u32 $0x180, s31;
	v7 =	vshll.u32 v7, $0x10;
	v8 =	vshra.s32 v6, v8;
	v6 =	vld [tilespmem:s7+$0xFFFFFF90]  }
0x2a7: {  	[tilespmem:s4+$0xFFFFFFA0] =	vst v7;
	v7 =	vshll.u32 v8, $0x10;
	v5 =	vshra.s32 v5, v9;
	v8 =	vld [tilespmem:s8+$0x200]  }
0x2a8: {  	[tilespmem:s1+$0xFFFFFFC0] =	vst v7;
	v5 =	vshll.u32 v5, $0x10;
	v7 =	vld [tilespmem:s6+$0x220]  }
0x2a9: {  	s9 =	simm.s32 $0x3600;
	[tilespmem:s0+$0xFFFFFFE0] =	vst v5;
	v5 =	vld [tilespmem:s5+$0x240]  }
.LBB2_8:
0x2aa: {  	p0 =	sne.s32 s9, $0x6580;
	v9 =	vld [tilespmem:s2+$0x260];
	s17 =	smov.u32 s4;
	s4 =	smov.u32 s7  }
0x2ab: {  	v10 =	vld [tilespmem:s0+$0x0]  }
0x2ac: {  	v6 =	vshra.s32 v6, v8;
	v8 =	vld [tilespmem:s1+$0xFFFFFFE0]  }
0x2ad: {  	v6 =	vshll.u32 v6, $0x10;
	v4 =	vshra.s32 v4, v7;
	v7 =	vld [tilespmem:s17+$0xFFFFFFC0]  }
0x2ae: {  	[tilespmem:s7+$0xFFFFFF90] =	vst v6;
	v6 =	vld [tilespmem:s7+$0xFFFFFFA0];
	v4 =	vshll.u32 v4, $0x10;
	v3 =	vshra.s32 v3, v5  }
0x2af: {  	v5 =	vld [tilespmem:s8+$0x210];
	[tilespmem:s17+$0xFFFFFFB0] =	vst v4;
	v3 =	vshll.u32 v3, $0x10;
	v2 =	vshra.s32 v2, v9  }
0x2b0: {  	v9 =	vld [tilespmem:s6+$0x230];
	[tilespmem:s1+$0xFFFFFFD0] =	vst v3;
	v2 =	vshll.u32 v2, $0x10  }
0x2b1: {  	v11 =	vld [tilespmem:s5+$0x250];
	[tilespmem:s0+$0xFFFFFFF0] =	vst v2  }
0x2b2: {  	v12 =	vld [tilespmem:s2+$0x270];
	s2 =	smov.u32 s5;
	s5 =	smov.u32 s6;
	s6 =	smov.u32 s8  }
0x2b3: {  	v2 =	vld [tilespmem:s1+$0xFFFFFFF0]  }
0x2b4: {  	v4 =	vshra.s32 v6, v5;
	v3 =	vld [tilespmem:s17+$0xFFFFFFD0]  }
.Ltmp3:
0x2b5: {  	s7 =	sadd.s32 $0x80, s7;
	v5 =	vshll.u32 v4, $0x10;
	v4 =	vld [tilespmem:s4+$0xFFFFFFB0];
	v7 =	vshra.s32 v7, v9;
	(pc) =	sbr.rel @p0 .LBB2_8-.Ltmp3, $4  }
0x2b6: {  	s8 =	sand.u32 $0x180, s9;
	v6 =	vld [tilespmem:s7+$0xFFFFFF90];
	[tilespmem:s4+$0xFFFFFFA0] =	vst v5;
	v5 =	vshll.u32 v7, $0x10;
	v7 =	vshra.s32 v8, v11  }
0x2b7: {  	v8 =	vld [tilespmem:s8+$0x200];
	[tilespmem:s17+$0xFFFFFFC0] =	vst v5;
	v5 =	vshll.u32 v7, $0x10;
	v9 =	vshra.s32 v10, v12  }
0x2b8: {  	v7 =	vld [tilespmem:s6+$0x220];
	[tilespmem:s1+$0xFFFFFFE0] =	vst v5;
	v9 =	vshll.u32 v9, $0x10  }
0x2b9: {  	s9 =	sadd.s32 $0x80, s9;
	v5 =	vld [tilespmem:s5+$0x240];
	[tilespmem:s0+$0x0] =	vst v9;
	s0 =	smov.u32 s1;
	s1 =	smov.u32 s17  }
0x2ba: {  	_ =	sdelay $0x1  }
0x2bb: {  	v6 =	vshra.s32 v6, v8  }
0x2bc: {  	v6 =	vshll.u32 v6, $0x10  }
0x2bd: {  	v46 =	vld [tilespmem:s7+$0xFFFFFFA0];
	[tilespmem:s7+$0xFFFFFF90] =	vst v6  }
0x2be: {  	v47 =	vld [tilespmem:s8+$0x210];
	_ =	sdelay $0x4  }
0x2bf: {  	v6 =	vshra.s32 v46, v47  }
0x2c0: {  	v6 =	vshll.u32 v6, $0x10  }
0x2c1: {  	v48 =	vld [tilespmem:s7+$0xFFFFFFB0];
	[tilespmem:s7+$0xFFFFFFA0] =	vst v6  }
0x2c2: {  	v6 =	vld [tilespmem:s8+$0x220];
	_ =	sdelay $0x3  }
0x2c3: {  	v4 =	vshra.s32 v4, v7  }
0x2c4: {  	v49 =	vld [tilespmem:s4+$0xFFFFFFC0];
	v4 =	vshll.u32 v4, $0x10;
	v6 =	vshra.s32 v48, v6  }
0x2c5: {  	v50 =	vld [tilespmem:s7+$0xFFFFFFC0];
	[tilespmem:s4+$0xFFFFFFB0] =	vst v4;
	v6 =	vshll.u32 v6, $0x10  }
0x2c6: {  	v51 =	vld [tilespmem:s6+$0x230];
	[tilespmem:s7+$0xFFFFFFB0] =	vst v6  }
0x2c7: {  	v6 =	vld [tilespmem:s8+$0x230];
	_ =	sdelay $0x3  }
0x2c8: {  	v7 =	vshra.s32 v49, v51  }
0x2c9: {  	v52 =	vld [tilespmem:s4+$0xFFFFFFD0];
	v7 =	vshll.u32 v7, $0x10;
	v4 =	vshra.s32 v50, v6  }
0x2ca: {  	v53 =	vld [tilespmem:s7+$0xFFFFFFD0];
	[tilespmem:s4+$0xFFFFFFC0] =	vst v7;
	v4 =	vshll.u32 v4, $0x10  }
0x2cb: {  	v7 =	vld [tilespmem:s6+$0x240];
	[tilespmem:s7+$0xFFFFFFC0] =	vst v4  }
0x2cc: {  	v4 =	vld [tilespmem:s8+$0x240];
	_ =	sdelay $0x2  }
0x2cd: {  	v54 =	vld [tilespmem:s1+$0xFFFFFFE0];
	v3 =	vshra.s32 v3, v5  }
0x2ce: {  	v55 =	vld [tilespmem:s4+$0xFFFFFFE0];
	v3 =	vshll.u32 v3, $0x10;
	v7 =	vshra.s32 v52, v7  }
0x2cf: {  	v56 =	vld [tilespmem:s7+$0xFFFFFFE0];
	[tilespmem:s1+$0xFFFFFFD0] =	vst v3;
	v7 =	vshll.u32 v7, $0x10;
	v4 =	vshra.s32 v53, v4  }
0x2d0: {  	v3 =	vld [tilespmem:s5+$0x250];
	[tilespmem:s4+$0xFFFFFFD0] =	vst v7;
	v4 =	vshll.u32 v4, $0x10  }
0x2d1: {  	v7 =	vld [tilespmem:s6+$0x250];
	[tilespmem:s7+$0xFFFFFFD0] =	vst v4  }
0x2d2: {  	v4 =	vld [tilespmem:s8+$0x250];
	_ =	sdelay $0x1  }
0x2d3: {  	v57 =	vld [tilespmem:s1+$0xFFFFFFF0]  }
0x2d4: {  	v9 =	vld [tilespmem:s2+$0x260];
	v3 =	vshra.s32 v54, v3  }
0x2d5: {  	v58 =	vld [tilespmem:s4+$0xFFFFFFF0];
	v3 =	vshll.u32 v3, $0x10;
	v7 =	vshra.s32 v55, v7  }
0x2d6: {  	v59 =	vld [tilespmem:s7+$0xFFFFFFF0];
	[tilespmem:s1+$0xFFFFFFE0] =	vst v3;
	v7 =	vshll.u32 v7, $0x10;
	v4 =	vshra.s32 v56, v4  }
0x2d7: {  	v3 =	vld [tilespmem:s5+$0x260];
	[tilespmem:s4+$0xFFFFFFE0] =	vst v7;
	v4 =	vshll.u32 v4, $0x10  }
0x2d8: {  	v7 =	vld [tilespmem:s6+$0x260];
	[tilespmem:s7+$0xFFFFFFE0] =	vst v4  }
0x2d9: {  	v4 =	vld [tilespmem:s8+$0x260]  }
0x2da: {  	v60 =	vld [tilespmem:s0+$0x0]  }
0x2db: {  	v62 =	vld [tilespmem:s4+$0x0];
	v2 =	vshra.s32 v2, v9  }
0x2dc: {  	v63 =	vld [tilespmem:s7+$0x0];
	v2 =	vshll.u32 v2, $0x10;
	v3 =	vshra.s32 v57, v3  }
0x2dd: {  	[tilespmem:s0+$0xFFFFFFF0] =	vst v2;
	v2 =	vld [tilespmem:s1+$0x0];
	v3 =	vshll.u32 v3, $0x10;
	v7 =	vshra.s32 v58, v7  }
0x2de: {  	v61 =	vld [tilespmem:s2+$0x270];
	[tilespmem:s1+$0xFFFFFFF0] =	vst v3;
	v7 =	vshll.u32 v7, $0x10;
	v4 =	vshra.s32 v59, v4  }
0x2df: {  	v3 =	vld [tilespmem:s5+$0x270];
	[tilespmem:s4+$0xFFFFFFF0] =	vst v7;
	v4 =	vshll.u32 v4, $0x10  }
0x2e0: {  	v7 =	vld [tilespmem:s6+$0x270];
	[tilespmem:s7+$0xFFFFFFF0] =	vst v4  }
0x2e1: {  	v4 =	vld [tilespmem:s8+$0x270];
	_ =	sdelay $0x1  }
0x2e2: {  	v5 =	vshra.s32 v60, v61  }
0x2e3: {  	v5 =	vshll.u32 v5, $0x10;
	v2 =	vshra.s32 v2, v3  }
0x2e4: {  	[tilespmem:s0+$0x0] =	vst v5;
	v2 =	vshll.u32 v2, $0x10;
	v3 =	vshra.s32 v62, v7  }
0x2e5: {  	[tilespmem:s1+$0x0] =	vst v2;
	v2 =	vshll.u32 v3, $0x10;
	v3 =	vshra.s32 v63, v4  }
0x2e6: {  	[tilespmem:s4+$0x0] =	vst v2;
	v2 =	vshll.u32 v3, $0x10  }
0x2e7: {  	[tilespmem:s7+$0x0] =	vst v2  }
0x2e8: {  	s0 =	rddreg [dreg:$0xc]  }
0x2e9: {  	[hbm4b:s0+s3] =	stream.linear.scatter [tilespmem:s10], [sflag:$0x4], $0x3200, $0x38;
	[tilespmem:$0x1B200] =	vst v63  }
0x2ea: {  	_ =	swait.ge [sflag:s26], $0x200  }
0x2eb: {  	[sflag:s26] =	ssyncset.done $0x0  }
0x2ec: {  	[sflag:s26] =	ssyncadd.s32 $0xFFFFFE00  }
0x2ed: {  	_ =	swait.ge [sflag:s26], $0x3200  }
0x2ee: {  	[sflag:s26] =	ssyncset.done $0x0  }
0x2ef: {  	[sflag:s26] =	ssyncadd.s32 $0xFFFFCE00  }
0x2f0: {  	_ =	swait.ge [sflag:s26], $0x3200  }
0x2f1: {  	s28 =	sadd.s32 $0x1, s28;
	s31 =	rddreg [dreg:$0xd]  }
0x2f2: {  	p0 =	sne.s32 s28, s31  }
.Ltmp4:
0x2f3: {  	_ = 	snop;
	(pc) =	sbr.rel @p0 .LBB2_1-.Ltmp4, $3  }
0x2f4: {  	_ =	sdelay $0x1  }
0x2f5: {  	[sflag:s26] =	ssyncset.done $0x0  }
0x2f6: {  	[sflag:s26] =	ssyncadd.s32 $0xFFFFCE00  }
0x2f7: {  	_ =	sfence.sel $0x180000  }
0x2f8: {  	[bflag:$0x0] =	sbarrier.arrive $0xFFFF  }
0x2f9: {  	_ =	strace $0x90000047  }
0x2fa: {  	s0 =	stileid.u32;
	[bflag:$0x2] =	sbarrier.arrive $0xFFFF  }
0x2fb: {  	p0 =	sne.s32 s0, $0x0;
	s0 =	rddreg [dreg:$0x4]  }
0x2fc: {  	s0 =	sadd.s32 @!p0 $0x100000, s0  }
0x2fd: {  	[sflag:s0] =	ssyncadd.tile.s32 @!p0 $0x1;
	_ =	shalt  }
.Lfunc_end2:
_tile_overlayer_lowered:
.L_overlay_start_2:
0x2fe: {  	(tag) =	ssettag $0x2  }
0x2ff: {  	s0 =	rddreg [dreg:$0x0];
	s2 =	stileid.u32  }
0x300: {  	s1 =	rddreg [dreg:$0x1];
	p0 =	sne.s32 s2, $0x0  }
0x301: {  	s3 =	rddreg [dreg:$0x2];
	[bflag:$0x3] =	sbarrier.arrive $0xFFFF;
	s2 =	simm.s32 @!p0 $0x1C05  }
0x302: {  	[timem:s3], [sflag:s2] =	dma.local @!p0 [hbm:s0], s1  }
0x303: {  	s0 =	simm.s32 @!p0 $0x5  }
0x304: {  	_ =	swait.ge @!p0 [sflag:s0], s1  }
0x305: {  	s1 =	ssub.s32 @!p0 $0x0, s1;
	[sflag:s0] =	ssyncset.done @!p0 $0x0  }
0x306: {  	[sflag:s0] =	ssyncadd.s32 @!p0 s1  }
0x307: {  	[bflag:$0x3] =	sbarrier.arrive $0xFFFF  }
0x308: {  	_ =	shalt  }

</sc_bundles>
